<compile_context>
chip_gen: v7x
topology: tpu7x:2x2x1
jax: 0.10.2.dev20260603
libtpu: 0.0.44.dev20260713+nightly
codegen_flags: <defaults>
</compile_context>

<pallas_src>
import functools

import jax
import jax.numpy as jnp
from jax import lax
from jax.experimental import pallas as pl
from jax.experimental.pallas import tpu as pltpu
from jax.experimental.pallas import tpu_sc as plsc

CODE_DIM = 512
NB_CODE = 8192
WIDTH = 512
IN_DIM = 159
OUT_DIM = 159
TEMP = 0.1
BATCH = 1024
T_IN = 16
T_ENC = 4

_PREC = jax.lax.Precision.DEFAULT


def _mm(a, b, prec=_PREC):
    return jax.lax.dot_general(a, b, (((1,), (0,)), ((), ())),
                               preferred_element_type=jnp.float32,
                               precision=prec)


def _mm_t(a, b, prec=_PREC):
    return jax.lax.dot_general(a, b, (((1,), (1,)), ((), ())),
                               preferred_element_type=jnp.float32,
                               precision=prec)


def _conv_time(xs, w_ref, b_ref, k, stride=1, pad=0, relu_out=False):
    t_in = len(xs)
    t_out = (t_in + 2 * pad - k) // stride + 1
    outs = []
    bias = b_ref[:]
    for t in range(t_out):
        acc = None
        for j in range(k):
            ti = t * stride - pad + j
            if 0 <= ti < t_in:
                p = _mm(xs[ti], w_ref[j])
                acc = p if acc is None else acc + p
        acc = acc + bias
        if relu_out:
            acc = jnp.maximum(acc, 0.0)
        outs.append(acc)
    return outs



def _encoder_body(x_ref, wi_ref, bi_ref,
                  wd1_ref, bd1_ref, w11_ref, b11_ref, w12_ref, b12_ref,
                  wd2_ref, bd2_ref, w21_ref, b21_ref, w22_ref, b22_ref,
                  wo_ref, bo_ref, out_ref):
    xs = [x_ref[:, t, :] for t in range(T_IN)]
    h = _conv_time(xs, wi_ref, bi_ref, k=3, pad=1, relu_out=True)
    for (wd, bd, w1, b1, w2, b2) in (
            (wd1_ref, bd1_ref, w11_ref, b11_ref, w12_ref, b12_ref),
            (wd2_ref, bd2_ref, w21_ref, b21_ref, w22_ref, b22_ref)):
        hd = _conv_time(h, wd, bd, k=4, stride=2, pad=1)
        r = [jnp.maximum(a, 0.0) for a in hd]
        r = _conv_time(r, w1, b1, k=3, pad=1, relu_out=True)
        r = _conv_time(r, w2, b2, k=1)
        h = [a + b for a, b in zip(hd, r)]
    h = _conv_time(h, wo_ref, bo_ref, k=3, pad=1)
    for t in range(T_ENC):
        out_ref[t] = h[t]


def _run_encoder(gesture, enc_params, bblk):
    (w_in, b_in), blocks, (w_out, b_out) = enc_params
    wlist = []
    for w, b in ((w_in, b_in),
                 *[lw for blk in blocks for lw in blk],
                 (w_out, b_out)):
        wlist.append(jnp.transpose(w, (2, 1, 0)))
        wlist.append(b.reshape(1, -1))
    grid = (BATCH // bblk,)
    in_specs = [pl.BlockSpec((bblk, T_IN, IN_DIM), lambda i: (i, 0, 0))]
    for w in wlist:
        in_specs.append(pl.BlockSpec(w.shape, lambda i, n=w.ndim: (0,) * n))
    out_spec = pl.BlockSpec((T_ENC, bblk, CODE_DIM), lambda i: (0, i, 0))
    return pl.pallas_call(
        _encoder_body,
        grid=grid,
        in_specs=in_specs,
        out_specs=out_spec,
        out_shape=jax.ShapeDtypeStruct((T_ENC, BATCH, CODE_DIM), jnp.float32),
    )(gesture, *wlist)



def _quant_body(xf_ref, cb_ref, idx_ref, *, tblk, cblk):
    xf = xf_ref[:]
    ones_row = jnp.ones((1, CODE_DIM), jnp.float32)
    best = jnp.full((tblk, 1), jnp.inf, jnp.float32)
    barg = jnp.zeros((tblk, 1), jnp.int32)
    iota = jax.lax.broadcasted_iota(jnp.int32, (tblk, cblk), 1)
    for c in range(NB_CODE // cblk):
        cb = cb_ref[c * cblk:(c + 1) * cblk, :]
        c2 = _mm_t(ones_row, cb * cb)
        dist = c2 - 2.0 * _mm_t(xf, cb)
        lmin = jnp.min(dist, axis=1, keepdims=True)
        cand = jnp.where(dist == lmin, iota, cblk)
        larg = jnp.min(cand, axis=1, keepdims=True) + c * cblk
        better = lmin < best
        best = jnp.where(better, lmin, best)
        barg = jnp.where(better, larg, barg)
    idx_ref[:] = barg


def _run_quantizer(xf, codebook, tblk, cblk):
    ntok = xf.shape[0]
    grid = (ntok // tblk,)
    body = functools.partial(_quant_body, tblk=tblk, cblk=cblk)
    return pl.pallas_call(
        body,
        grid=grid,
        in_specs=[pl.BlockSpec((tblk, CODE_DIM), lambda i: (i, 0)),
                  pl.BlockSpec((NB_CODE, CODE_DIM), lambda i: (0, 0))],
        out_specs=pl.BlockSpec((tblk, 1), lambda i: (i, 0)),
        out_shape=jax.ShapeDtypeStruct((ntok, 1), jnp.int32),
    )(xf, codebook)



_SC_NC = 2
_SC_NS = 16


def _sc_gather(codebook, idx):
    ntok = idx.shape[0]
    nw = _SC_NC * _SC_NS
    bpw = ntok // nw
    mesh = plsc.VectorSubcoreMesh(core_axis_name="c", subcore_axis_name="s")

    @functools.partial(
        pl.kernel, mesh=mesh,
        out_type=jax.ShapeDtypeStruct((ntok, CODE_DIM), jnp.float32),
        scratch_types=[
            pltpu.VMEM((bpw,), jnp.int32),
            pltpu.VMEM((bpw, CODE_DIM), jnp.float32),
            pltpu.SemaphoreType.DMA,
        ],
    )
    def k(table_hbm, idx_hbm, out_hbm, idx_v, rows_v, sem):
        wid = lax.axis_index("s") * _SC_NC + lax.axis_index("c")
        base = wid * bpw
        pltpu.sync_copy(idx_hbm.at[pl.ds(base, bpw)], idx_v)
        pltpu.async_copy(table_hbm.at[idx_v], rows_v, sem).wait()
        pltpu.sync_copy(rows_v, out_hbm.at[pl.ds(base, bpw)])

    return k(codebook, idx)


def _upconv_time(h, wu_ref, bu_ref):
    t_in = len(h)
    bias = bu_ref[:]
    w0 = wu_ref[0]
    w2 = wu_ref[2]
    w12 = wu_ref[1] + w2
    w01 = w0 + wu_ref[1]
    outs = []
    for i in range(t_in):
        e = _mm(h[i], w12)
        if i > 0:
            e = e + _mm(h[i - 1], w0)
        outs.append(e + bias)
        o = _mm(h[i], w01)
        if i + 1 < t_in:
            o = o + _mm(h[i + 1], w2)
        outs.append(o + bias)
    return outs



def _decoder_body(x_ref, wi_ref, bi_ref,
                  w11_ref, b11_ref, w12_ref, b12_ref, wu1_ref, bu1_ref,
                  w21_ref, b21_ref, w22_ref, b22_ref, wu2_ref, bu2_ref,
                  wm_ref, bm_ref, wo_ref, bo_ref, out_ref):
    xs = [x_ref[t] for t in range(T_ENC)]
    h = _conv_time(xs, wi_ref, bi_ref, k=3, pad=1, relu_out=True)
    for (w1, b1, w2, b2, wu, bu) in (
            (w11_ref, b11_ref, w12_ref, b12_ref, wu1_ref, bu1_ref),
            (w21_ref, b21_ref, w22_ref, b22_ref, wu2_ref, bu2_ref)):
        r = [jnp.maximum(a, 0.0) for a in h]
        r = _conv_time(r, w1, b1, k=3, pad=1, relu_out=True)
        r = _conv_time(r, w2, b2, k=1)
        h = [a + b for a, b in zip(h, r)]
        h = _upconv_time(h, wu, bu)
    h = _conv_time(h, wm_ref, bm_ref, k=3, pad=1, relu_out=True)
    h = _conv_time(h, wo_ref, bo_ref, k=3, pad=1)
    for t in range(T_IN):
        out_ref[:, t, :] = h[t]


def _run_decoder(xq_tbc, dec_params, bblk):
    (w_in, b_in), blocks, (w_mid, b_mid), (w_out, b_out) = dec_params
    wlist = []
    for w, b in ((w_in, b_in),
                 *[lw for blk in blocks for lw in blk],
                 (w_mid, b_mid), (w_out, b_out)):
        wlist.append(jnp.transpose(w, (2, 1, 0)))
        wlist.append(b.reshape(1, -1))
    grid = (BATCH // bblk,)
    in_specs = [pl.BlockSpec((T_ENC, bblk, CODE_DIM), lambda i: (0, i, 0))]
    for w in wlist:
        in_specs.append(pl.BlockSpec(w.shape, lambda i, n=w.ndim: (0,) * n))
    out_spec = pl.BlockSpec((bblk, T_IN, OUT_DIM), lambda i: (i, 0, 0))
    return pl.pallas_call(
        _decoder_body,
        grid=grid,
        in_specs=in_specs,
        out_specs=out_spec,
        out_shape=jax.ShapeDtypeStruct((BATCH, T_IN, OUT_DIM), jnp.float32),
    )(xq_tbc, *wlist)



def _norm_rows(z):
    return z / (jnp.sqrt(jnp.sum(z * z, axis=1, keepdims=True)) + 1e-12)


def _sim_loss(zi_n, zj_n, mask):
    sim = _mm_t(zj_n, zi_n) / TEMP
    e = jnp.exp(sim)
    sp = jnp.sum(e * mask, axis=1, keepdims=True)
    sn = jnp.sum(e * (1.0 - mask), axis=1, keepdims=True)
    lp = jnp.log(sp / sn)
    rc = jnp.sum(mask, axis=1, keepdims=True)
    return -jnp.mean(rc * lp)


def _losses_body(te_ref, tw_ref, tb_ref, au_ref, g_ref, vc_ref, vr_ref,
                 o1_ref, o2_ref, o3_ref):
    b = te_ref.shape[0]
    text = _mm_t(te_ref[:], tw_ref[:]) + tb_ref[:]
    tn = _norm_rows(text)
    an = _norm_rows(au_ref[:])
    g1n = _norm_rows(g_ref[0])
    g2n = _norm_rows(g_ref[1])
    g3n = _norm_rows(g_ref[2])
    g4n = _norm_rows(g_ref[3])
    eye = (jax.lax.broadcasted_iota(jnp.int32, (b, b), 0)
           == jax.lax.broadcasted_iota(jnp.int32, (b, b), 1)).astype(jnp.float32)
    style = (vc_ref[:] == vr_ref[:]).astype(jnp.float32)
    o1_ref[:] = jnp.reshape(_sim_loss(tn, g1n, eye), (1, 1))
    o2_ref[:] = jnp.reshape(_sim_loss(an, g2n, eye), (1, 1))
    o3_ref[:] = jnp.reshape(_sim_loss(g3n, g4n, style), (1, 1))


def _run_losses(text_emb, text_W, text_b, audio, x_enc_tbc, vid):
    vid_i = vid.astype(jnp.int32)
    vc = vid_i.reshape(BATCH, 1)
    vr = vid_i.reshape(1, BATCH)
    scal = jax.ShapeDtypeStruct((1, 1), jnp.float32)
    return pl.pallas_call(
        _losses_body,
        out_shape=[scal, scal, scal],
    )(text_emb, text_W, text_b.reshape(1, -1), audio, x_enc_tbc, vc, vr)



def _stats_body(xf_ref, xq_ref, idx_ref, commit_ref, perp_ref, *, cblk):
    ntok = xf_ref.shape[0]
    d = xf_ref[:] - xq_ref[:]
    commit_ref[:] = jnp.reshape(jnp.sum(d * d) / (ntok * CODE_DIM), (1, 1))
    idx = idx_ref[:]
    ent = jnp.zeros((), jnp.float32)
    iota = jax.lax.broadcasted_iota(jnp.int32, (ntok, cblk), 1)
    inv = 1.0 / ntok
    for c in range(NB_CODE // cblk):
        eq = (idx == (iota + c * cblk)).astype(jnp.float32)
        cnt = jnp.sum(eq, axis=0)
        p = cnt * inv
        ent = ent + jnp.sum(p * jnp.log(p + 1e-10))
    perp_ref[:] = jnp.reshape(jnp.exp(-ent), (1, 1))


def _run_stats(xf, xq, idx, cblk=1024):
    scal = jax.ShapeDtypeStruct((1, 1), jnp.float32)
    body = functools.partial(_stats_body, cblk=cblk)
    return pl.pallas_call(body, out_shape=[scal, scal])(xf, xq, idx)



def kernel(gesture, audio_embeddings, text_embeddings, vid_indices, codebook,
           enc_params, dec_params, text_W, text_b):
    x_enc = _run_encoder(gesture.astype(jnp.float32), enc_params, bblk=256)

    ntok = T_ENC * BATCH
    xf = x_enc.reshape(ntok, CODE_DIM)
    idx = _run_quantizer(xf, codebook, tblk=512, cblk=1024)

    xq = _sc_gather(codebook, idx.reshape(ntok))

    commit, perp = _run_stats(xf, xq, idx)

    gt_loss, ga_loss, gs_loss = _run_losses(
        text_embeddings, text_W, text_b, audio_embeddings, x_enc, vid_indices)

    xq_tbc = xq.reshape(T_ENC, BATCH, CODE_DIM)
    x_out = _run_decoder(xq_tbc, dec_params, bblk=256)

    return (x_out, commit[0, 0], perp[0, 0],
            gt_loss[0, 0], ga_loss[0, 0], gs_loss[0, 0])

# --- scband reference (transcript-rebuilt; emitter-appended) ---
"""Pipeline reference for scband-vqvae-model-57415122813520 (READ-ONLY COPY).

The authoritative reference and input builder live on the scoring server;
editing this copy changes nothing except your own understanding.
"""

import jax, jax.numpy as jnp
import numpy as np

CODE_DIM = 512
NB_CODE = 8192
WIDTH = 512
IN_DIM = 159
OUT_DIM = 159
STRIDE_T = 2
TEMP = 0.1
B = 1024
T = 16


def conv1d(x, w, b, stride=1, padding=0, dilation=1):
    out = jax.lax.conv_general_dilated(x, w, window_strides=(stride,), padding=[(padding, padding)], rhs_dilation=(dilation,), dimension_numbers=('NCH', 'OIH', 'NCH'))
    return out + b[None, :, None]


def _cw(key, cout, cin, k):
    return jax.random.normal(key, (cout, cin, k), dtype=jnp.float32) * 0.02


def _zb(c):
    return jnp.zeros((c,), dtype=jnp.float32)


def encoder_fwd(x, p):
    (w_in, b_in), blocks, (w_out, b_out) = p
    h = jax.nn.relu(conv1d(x, w_in, b_in, padding=1))
    for (wd, bd), (w1, b1), (w2, b2) in blocks:
        h = conv1d(h, wd, bd, stride=STRIDE_T, padding=1)
        r = jax.nn.relu(h)
        r = conv1d(r, w1, b1, padding=1, dilation=1)
        r = jax.nn.relu(r)
        r = conv1d(r, w2, b2)
        h = h + r
    return conv1d(h, w_out, b_out, padding=1)


def decoder_fwd(x, p):
    (w_in, b_in), blocks, (w_mid, b_mid), (w_out, b_out) = p
    h = jax.nn.relu(conv1d(x, w_in, b_in, padding=1))
    for (w1, b1), (w2, b2), (wu, bu) in blocks:
        r = jax.nn.relu(h)
        r = conv1d(r, w1, b1, padding=1, dilation=1)
        r = jax.nn.relu(r)
        r = conv1d(r, w2, b2)
        h = h + r
        h = jnp.repeat(h, STRIDE_T, axis=2)
        h = conv1d(h, wu, bu, padding=1)
    h = jax.nn.relu(conv1d(h, w_mid, b_mid, padding=1))
    return conv1d(h, w_out, b_out, padding=1)


def quantizer_fwd(x_enc, codebook):
    bs, d, tt = x_enc.shape
    xf = jnp.transpose(x_enc, (0, 2, 1)).reshape(-1, d)
    dist = jnp.sum(xf * xf, axis=1, keepdims=True) - 2.0 * (xf @ codebook.T) + jnp.sum(codebook * codebook, axis=1)[None, :]
    idx = jnp.argmin(dist, axis=1)
    xq = jnp.take(codebook, idx, axis=0)
    commit = jnp.mean((xf - jax.lax.stop_gradient(xq)) ** 2)
    xst = xf + jax.lax.stop_gradient(xq - xf)
    probs = jnp.bincount(idx, length=NB_CODE).astype(jnp.float32) / xf.shape[0]
    perp = jnp.exp(-jnp.sum(probs * jnp.log(probs + 1e-10)))
    xq3 = jnp.transpose(xst.reshape(bs, tt, d), (0, 2, 1))
    return xq3, commit, perp


def get_similarity(z_i, z_j, mask, temperature):
    zi = z_i / (jnp.linalg.norm(z_i, axis=1, keepdims=True) + 1e-12)
    zj = z_j / (jnp.linalg.norm(z_j, axis=1, keepdims=True) + 1e-12)
    sim = (zj @ zi.T) / temperature
    e = jnp.exp(sim)
    sp = jnp.sum(e * mask, axis=1, keepdims=True)
    sn = jnp.sum(e * (1.0 - mask), axis=1, keepdims=True)
    lp = jnp.log(sp / sn)
    return jnp.mean(-jnp.sum(mask * lp, axis=1))


def _make_params(ks):
    enc_params = (
        (_cw(ks[4], WIDTH, IN_DIM, 3), _zb(WIDTH)),
        (
            ((_cw(ks[5], WIDTH, WIDTH, 4), _zb(WIDTH)), (_cw(ks[6], WIDTH, WIDTH, 3), _zb(WIDTH)), (_cw(ks[7], WIDTH, WIDTH, 1), _zb(WIDTH))),
            ((_cw(ks[8], WIDTH, WIDTH, 4), _zb(WIDTH)), (_cw(ks[9], WIDTH, WIDTH, 3), _zb(WIDTH)), (_cw(ks[10], WIDTH, WIDTH, 1), _zb(WIDTH))),
        ),
        (_cw(ks[11], CODE_DIM, WIDTH, 3), _zb(CODE_DIM)),
    )
    dec_params = (
        (_cw(ks[12], WIDTH, CODE_DIM, 3), _zb(WIDTH)),
        (
            ((_cw(ks[13], WIDTH, WIDTH, 3), _zb(WIDTH)), (_cw(ks[14], WIDTH, WIDTH, 1), _zb(WIDTH)), (_cw(ks[15], WIDTH, WIDTH, 3), _zb(WIDTH))),
            ((_cw(ks[16], WIDTH, WIDTH, 3), _zb(WIDTH)), (_cw(ks[17], WIDTH, WIDTH, 1), _zb(WIDTH)), (_cw(ks[18], WIDTH, WIDTH, 3), _zb(WIDTH))),
        ),
        (_cw(ks[19], WIDTH, WIDTH, 3), _zb(WIDTH)),
        (_cw(ks[20], OUT_DIM, WIDTH, 3), _zb(OUT_DIM)),
    )
    codebook = jax.random.normal(ks[21], (NB_CODE, CODE_DIM), dtype=jnp.float32) * 0.02
    text_W = jax.random.normal(ks[22], (512, 768), dtype=jnp.float32) * 0.02
    text_b = _zb(512)
    return enc_params, dec_params, codebook, text_W, text_b


def setup_inputs(seed: int = 0):
    key = jax.random.key(seed)
    ks = jax.random.split(key, 32)
    gesture = jax.random.normal(ks[0], (B, T, IN_DIM), dtype=jnp.float32)
    audio_embeddings = jax.random.normal(ks[1], (B, 512), dtype=jnp.float32)
    text_embeddings = jax.random.normal(ks[2], (B, 768), dtype=jnp.float32)
    vid_indices = jax.random.randint(ks[3], (B,), 0, 25)
    enc_params, dec_params, codebook, text_W, text_b = _make_params(ks)
    return {'gesture': gesture, 'audio_embeddings': audio_embeddings, 'text_embeddings': text_embeddings, 'vid_indices': vid_indices, 'codebook': codebook, 'enc_params': enc_params, 'dec_params': dec_params, 'text_W': text_W, 'text_b': text_b}


def reference(gesture, audio_embeddings, text_embeddings, vid_indices, codebook, enc_params, dec_params, text_W, text_b):
    audio = audio_embeddings.reshape(-1, 512)
    text = (text_embeddings @ text_W.T + text_b[None, :]).reshape(-1, 512)
    x = jnp.transpose(gesture, (0, 2, 1)).astype(jnp.float32)
    x_enc = encoder_fwd(x, enc_params)
    g1 = x_enc[:, :, 0]
    g2 = x_enc[:, :, 1]
    g3 = x_enc[:, :, 2]
    g4 = x_enc[:, :, 3]
    pos_mask = jnp.eye(text.shape[0], dtype=jnp.float32)
    gesture_text_loss = get_similarity(text, g1, pos_mask, TEMP)
    gesture_audio_loss = get_similarity(audio, g2, pos_mask, TEMP)
    style_mask = (vid_indices[:, None] == vid_indices[None, :]).astype(jnp.float32)
    gesture_style_loss = get_similarity(g3, g4, style_mask, TEMP)
    x_q, commit_loss, perplexity = quantizer_fwd(x_enc, codebook)
    x_dec = decoder_fwd(x_q, dec_params)
    x_out = jnp.transpose(x_dec, (0, 2, 1))
    return x_out, commit_loss, perplexity, gesture_text_loss, gesture_audio_loss, gesture_style_loss

if __name__ == "__main__":
    import jax
    _d = setup_inputs()
    print(jax.jit(kernel)(*tuple(_d.values())))

</pallas_src>

<mosaic_0001>
#map = affine_map<(d0, d1) -> (0, 0)>
#map1 = affine_map<(d0, d1) -> (0)>
module attributes {stable_mosaic.version = 14 : i64} {
  func.func @k(%arg0: i32, %arg1: i32, %arg2: memref<8192x512xf32, #tpu.memory_space<hbm>>, %arg3: memref<4096xi32, #tpu.memory_space<hbm>>, %arg4: memref<4096x512xf32, #tpu.memory_space<hbm>>, %arg5: memref<128xi32, #tpu.memory_space<vmem>>, %arg6: memref<128x512xf32, #tpu.memory_space<vmem>>, %arg7: memref<!tpu.dma_semaphore, #tpu.memory_space<semaphore_mem>>) attributes {dimension_semantics = [#tpu.dimension_semantics<core_parallel>, #tpu.dimension_semantics<subcore_parallel>], iteration_bounds = array<i64: 2, 16>, scalar_prefetch = 0 : i64, scratch_operands = 3 : i64, tpu.core_type = #tpu.core_type<sc_vector_subcore>, window_params = [{transform_indices = #map}, {transform_indices = #map1}, {transform_indices = #map}]} {
    %mul3A = arith.constant 2 : i32
    %mul3A_0 = arith.muli %arg1, %mul3A : i32
    %add3A = arith.addi %mul3A_0, %arg0 : i32
    %mul3A_1 = arith.constant 128 : i32
    %mul3A_2 = arith.muli %add3A, %mul3A_1 : i32
    "tpu.region"() ({
      %run_scoped3A = tpu.sem_alloc : memref<!tpu.dma_semaphore, #tpu.memory_space<semaphore_mem>>
      %dma_start3A_7 = tpu.memref_slice %arg3[%mul3A_2] : memref<4096xi32, #tpu.memory_space<hbm>> -> memref<128xi32, #tpu.memory_space<hbm>>
      %dma_start3A_8 = tpu.memref_slice %arg3[%mul3A_2] : memref<4096xi32, #tpu.memory_space<hbm>> -> memref<128xi32, #tpu.memory_space<hbm>>
      tpu.enqueue_dma source(%dma_start3A_8 : memref<128xi32, #tpu.memory_space<hbm>>) target(%arg5 : memref<128xi32, #tpu.memory_space<vmem>>) target_semaphore(%run_scoped3A : memref<!tpu.dma_semaphore, #tpu.memory_space<semaphore_mem>>)
      %dma_wait3A_9 = tpu.memref_slice %arg3[%mul3A_2] : memref<4096xi32, #tpu.memory_space<hbm>> -> memref<128xi32, #tpu.memory_space<hbm>>
      %dma_wait3A_10 = tpu.memref_slice %arg3[%mul3A_2] : memref<4096xi32, #tpu.memory_space<hbm>> -> memref<128xi32, #tpu.memory_space<hbm>>
      tpu.wait_dma2 semaphore(%run_scoped3A : memref<!tpu.dma_semaphore, #tpu.memory_space<semaphore_mem>>) src(%dma_wait3A_10 : memref<128xi32, #tpu.memory_space<hbm>>) dst(%arg5 : memref<128xi32, #tpu.memory_space<vmem>>)
      tpu.yield
    }) : () -> ()
    %dma_start3A = arith.constant 0 : i32
    %dma_start3A_3 = arith.constant 0 : i32
    %dma_start3A_4 = tpu.memref_slice %arg2[%dma_start3A, %dma_start3A_3] : memref<8192x512xf32, #tpu.memory_space<hbm>> -> memref<8192x512xf32, #tpu.memory_space<hbm>>
    tpu.enqueue_indirect_dma source(%dma_start3A_4 : memref<8192x512xf32, #tpu.memory_space<hbm>>) target(%arg6 : memref<128x512xf32, #tpu.memory_space<vmem>>) offsets(%arg5 : memref<128xi32, #tpu.memory_space<vmem>>) semaphore(%arg7 : memref<!tpu.dma_semaphore, #tpu.memory_space<semaphore_mem>>)
    %dma_wait3A = arith.constant 0 : i32
    %dma_wait3A_5 = arith.constant 0 : i32
    %dma_wait3A_6 = tpu.memref_slice %arg2[%dma_wait3A, %dma_wait3A_5] : memref<8192x512xf32, #tpu.memory_space<hbm>> -> memref<8192x512xf32, #tpu.memory_space<hbm>>
    tpu.wait_indirect_dma semaphore(%arg7 : memref<!tpu.dma_semaphore, #tpu.memory_space<semaphore_mem>>) src(%dma_wait3A_6 : memref<8192x512xf32, #tpu.memory_space<hbm>>) dst(%arg6 : memref<128x512xf32, #tpu.memory_space<vmem>>)
    "tpu.region"() ({
      %run_scoped3A = tpu.sem_alloc : memref<!tpu.dma_semaphore, #tpu.memory_space<semaphore_mem>>
      %dma_start3A_7 = arith.constant 0 : i32
      %dma_start3A_8 = tpu.memref_slice %arg4[%mul3A_2, %dma_start3A_7] : memref<4096x512xf32, #tpu.memory_space<hbm>> -> memref<128x512xf32, #tpu.memory_space<hbm>>
      %dma_start3A_9 = arith.constant 0 : i32
      %dma_start3A_10 = tpu.memref_slice %arg4[%mul3A_2, %dma_start3A_9] : memref<4096x512xf32, #tpu.memory_space<hbm>> -> memref<128x512xf32, #tpu.memory_space<hbm>>
      tpu.enqueue_dma source(%arg6 : memref<128x512xf32, #tpu.memory_space<vmem>>) target(%dma_start3A_10 : memref<128x512xf32, #tpu.memory_space<hbm>>) target_semaphore(%run_scoped3A : memref<!tpu.dma_semaphore, #tpu.memory_space<semaphore_mem>>)
      %dma_wait3A_11 = arith.constant 0 : i32
      %dma_wait3A_12 = tpu.memref_slice %arg4[%mul3A_2, %dma_wait3A_11] : memref<4096x512xf32, #tpu.memory_space<hbm>> -> memref<128x512xf32, #tpu.memory_space<hbm>>
      %dma_wait3A_13 = arith.constant 0 : i32
      %dma_wait3A_14 = tpu.memref_slice %arg4[%mul3A_2, %dma_wait3A_13] : memref<4096x512xf32, #tpu.memory_space<hbm>> -> memref<128x512xf32, #tpu.memory_space<hbm>>
      tpu.wait_dma2 semaphore(%run_scoped3A : memref<!tpu.dma_semaphore, #tpu.memory_space<semaphore_mem>>) src(%arg6 : memref<128x512xf32, #tpu.memory_space<vmem>>) dst(%dma_wait3A_14 : memref<128x512xf32, #tpu.memory_space<hbm>>)
      tpu.yield
    }) : () -> ()
    return
  }
}

module attributes {stable_mosaic.version = 14 : i64} {
  func.func @_encoder_body(%arg0: i32, %arg1: memref<256x16x159xf32, #tpu.memory_space<vmem>>, %arg2: memref<3x159x512xf32, #tpu.memory_space<vmem>>, %arg3: memref<1x512xf32, #tpu.memory_space<vmem>>, %arg4: memref<4x512x512xf32, #tpu.memory_space<vmem>>, %arg5: memref<1x512xf32, #tpu.memory_space<vmem>>, %arg6: memref<3x512x512xf32, #tpu.memory_space<vmem>>, %arg7: memref<1x512xf32, #tpu.memory_space<vmem>>, %arg8: memref<1x512x512xf32, #tpu.memory_space<vmem>>, %arg9: memref<1x512xf32, #tpu.memory_space<vmem>>, %arg10: memref<4x512x512xf32, #tpu.memory_space<vmem>>, %arg11: memref<1x512xf32, #tpu.memory_space<vmem>>, %arg12: memref<3x512x512xf32, #tpu.memory_space<vmem>>, %arg13: memref<1x512xf32, #tpu.memory_space<vmem>>, %arg14: memref<1x512x512xf32, #tpu.memory_space<vmem>>, %arg15: memref<1x512xf32, #tpu.memory_space<vmem>>, %arg16: memref<3x512x512xf32, #tpu.memory_space<vmem>>, %arg17: memref<1x512xf32, #tpu.memory_space<vmem>>, %arg18: memref<4x256x512xf32, #tpu.memory_space<vmem>>) attributes {dimension_semantics = [#tpu.dimension_semantics<arbitrary>], iteration_bounds = array<i64: 4>, scalar_prefetch = 0 : i64, scratch_operands = 0 : i64, tpu.core_type = #tpu.core_type<tc>, window_params = [{transform_indices = @transform_0, window_bounds = array<i64: 256, 16, 159>}, {pipeline_mode = #tpu.pipeline_mode<synchronous>, transform_indices = @transform_1, window_bounds = array<i64: 3, 159, 512>}, {pipeline_mode = #tpu.pipeline_mode<synchronous>, transform_indices = @transform_2, window_bounds = array<i64: 1, 512>}, {pipeline_mode = #tpu.pipeline_mode<synchronous>, transform_indices = @transform_3, window_bounds = array<i64: 4, 512, 512>}, {pipeline_mode = #tpu.pipeline_mode<synchronous>, transform_indices = @transform_4, window_bounds = array<i64: 1, 512>}, {pipeline_mode = #tpu.pipeline_mode<synchronous>, transform_indices = @transform_5, window_bounds = array<i64: 3, 512, 512>}, {pipeline_mode = #tpu.pipeline_mode<synchronous>, transform_indices = @transform_6, window_bounds = array<i64: 1, 512>}, {pipeline_mode = #tpu.pipeline_mode<synchronous>, transform_indices = @transform_7, window_bounds = array<i64: 1, 512, 512>}, {pipeline_mode = #tpu.pipeline_mode<synchronous>, transform_indices = @transform_8, window_bounds = array<i64: 1, 512>}, {pipeline_mode = #tpu.pipeline_mode<synchronous>, transform_indices = @transform_9, window_bounds = array<i64: 4, 512, 512>}, {pipeline_mode = #tpu.pipeline_mode<synchronous>, transform_indices = @transform_10, window_bounds = array<i64: 1, 512>}, {pipeline_mode = #tpu.pipeline_mode<synchronous>, transform_indices = @transform_11, window_bounds = array<i64: 3, 512, 512>}, {pipeline_mode = #tpu.pipeline_mode<synchronous>, transform_indices = @transform_12, window_bounds = array<i64: 1, 512>}, {pipeline_mode = #tpu.pipeline_mode<synchronous>, transform_indices = @transform_13, window_bounds = array<i64: 1, 512, 512>}, {pipeline_mode = #tpu.pipeline_mode<synchronous>, transform_indices = @transform_14, window_bounds = array<i64: 1, 512>}, {pipeline_mode = #tpu.pipeline_mode<synchronous>, transform_indices = @transform_15, window_bounds = array<i64: 3, 512, 512>}, {pipeline_mode = #tpu.pipeline_mode<synchronous>, transform_indices = @transform_16, window_bounds = array<i64: 1, 512>}, {transform_indices = @transform_17, window_bounds = array<i64: 4, 256, 512>}]} {
    %get3A = arith.constant 0 : index
    %get3A_0 = arith.constant 0 : index
    %get3A_1 = arith.constant 0 : index
    %get3A_2 = vector.load %arg1[%get3A, %get3A_0, %get3A_1] : memref<256x16x159xf32, #tpu.memory_space<vmem>>, vector<256x1x159xf32>
    %get3A_3 = vector.shape_cast %get3A_2 : vector<256x1x159xf32> to vector<256x159xf32>
    %get3A_4 = arith.constant 0 : index
    %get3A_5 = arith.constant 1 : index
    %get3A_6 = arith.constant 0 : index
    %get3A_7 = vector.load %arg1[%get3A_4, %get3A_5, %get3A_6] : memref<256x16x159xf32, #tpu.memory_space<vmem>>, vector<256x1x159xf32>
    %get3A_8 = vector.shape_cast %get3A_7 : vector<256x1x159xf32> to vector<256x159xf32>
    %get3A_9 = arith.constant 0 : index
    %get3A_10 = arith.constant 2 : index
    %get3A_11 = arith.constant 0 : index
    %get3A_12 = vector.load %arg1[%get3A_9, %get3A_10, %get3A_11] : memref<256x16x159xf32, #tpu.memory_space<vmem>>, vector<256x1x159xf32>
    %get3A_13 = vector.shape_cast %get3A_12 : vector<256x1x159xf32> to vector<256x159xf32>
    %get3A_14 = arith.constant 0 : index
    %get3A_15 = arith.constant 3 : index
    %get3A_16 = arith.constant 0 : index
    %get3A_17 = vector.load %arg1[%get3A_14, %get3A_15, %get3A_16] : memref<256x16x159xf32, #tpu.memory_space<vmem>>, vector<256x1x159xf32>
    %get3A_18 = vector.shape_cast %get3A_17 : vector<256x1x159xf32> to vector<256x159xf32>
    %get3A_19 = arith.constant 0 : index
    %get3A_20 = arith.constant 4 : index
    %get3A_21 = arith.constant 0 : index
    %get3A_22 = vector.load %arg1[%get3A_19, %get3A_20, %get3A_21] : memref<256x16x159xf32, #tpu.memory_space<vmem>>, vector<256x1x159xf32>
    %get3A_23 = vector.shape_cast %get3A_22 : vector<256x1x159xf32> to vector<256x159xf32>
    %get3A_24 = arith.constant 0 : index
    %get3A_25 = arith.constant 5 : index
    %get3A_26 = arith.constant 0 : index
    %get3A_27 = vector.load %arg1[%get3A_24, %get3A_25, %get3A_26] : memref<256x16x159xf32, #tpu.memory_space<vmem>>, vector<256x1x159xf32>
    %get3A_28 = vector.shape_cast %get3A_27 : vector<256x1x159xf32> to vector<256x159xf32>
    %get3A_29 = arith.constant 0 : index
    %get3A_30 = arith.constant 6 : index
    %get3A_31 = arith.constant 0 : index
    %get3A_32 = vector.load %arg1[%get3A_29, %get3A_30, %get3A_31] : memref<256x16x159xf32, #tpu.memory_space<vmem>>, vector<256x1x159xf32>
    %get3A_33 = vector.shape_cast %get3A_32 : vector<256x1x159xf32> to vector<256x159xf32>
    %get3A_34 = arith.constant 0 : index
    %get3A_35 = arith.constant 7 : index
    %get3A_36 = arith.constant 0 : index
    %get3A_37 = vector.load %arg1[%get3A_34, %get3A_35, %get3A_36] : memref<256x16x159xf32, #tpu.memory_space<vmem>>, vector<256x1x159xf32>
    %get3A_38 = vector.shape_cast %get3A_37 : vector<256x1x159xf32> to vector<256x159xf32>
    %get3A_39 = arith.constant 0 : index
    %get3A_40 = arith.constant 8 : index
    %get3A_41 = arith.constant 0 : index
    %get3A_42 = vector.load %arg1[%get3A_39, %get3A_40, %get3A_41] : memref<256x16x159xf32, #tpu.memory_space<vmem>>, vector<256x1x159xf32>
    %get3A_43 = vector.shape_cast %get3A_42 : vector<256x1x159xf32> to vector<256x159xf32>
    %get3A_44 = arith.constant 0 : index
    %get3A_45 = arith.constant 9 : index
    %get3A_46 = arith.constant 0 : index
    %get3A_47 = vector.load %arg1[%get3A_44, %get3A_45, %get3A_46] : memref<256x16x159xf32, #tpu.memory_space<vmem>>, vector<256x1x159xf32>
    %get3A_48 = vector.shape_cast %get3A_47 : vector<256x1x159xf32> to vector<256x159xf32>
    %get3A_49 = arith.constant 0 : index
    %get3A_50 = arith.constant 10 : index
    %get3A_51 = arith.constant 0 : index
    %get3A_52 = vector.load %arg1[%get3A_49, %get3A_50, %get3A_51] : memref<256x16x159xf32, #tpu.memory_space<vmem>>, vector<256x1x159xf32>
    %get3A_53 = vector.shape_cast %get3A_52 : vector<256x1x159xf32> to vector<256x159xf32>
    %get3A_54 = arith.constant 0 : index
    %get3A_55 = arith.constant 11 : index
    %get3A_56 = arith.constant 0 : index
    %get3A_57 = vector.load %arg1[%get3A_54, %get3A_55, %get3A_56] : memref<256x16x159xf32, #tpu.memory_space<vmem>>, vector<256x1x159xf32>
    %get3A_58 = vector.shape_cast %get3A_57 : vector<256x1x159xf32> to vector<256x159xf32>
    %get3A_59 = arith.constant 0 : index
    %get3A_60 = arith.constant 12 : index
    %get3A_61 = arith.constant 0 : index
    %get3A_62 = vector.load %arg1[%get3A_59, %get3A_60, %get3A_61] : memref<256x16x159xf32, #tpu.memory_space<vmem>>, vector<256x1x159xf32>
    %get3A_63 = vector.shape_cast %get3A_62 : vector<256x1x159xf32> to vector<256x159xf32>
    %get3A_64 = arith.constant 0 : index
    %get3A_65 = arith.constant 13 : index
    %get3A_66 = arith.constant 0 : index
    %get3A_67 = vector.load %arg1[%get3A_64, %get3A_65, %get3A_66] : memref<256x16x159xf32, #tpu.memory_space<vmem>>, vector<256x1x159xf32>
    %get3A_68 = vector.shape_cast %get3A_67 : vector<256x1x159xf32> to vector<256x159xf32>
    %get3A_69 = arith.constant 0 : index
    %get3A_70 = arith.constant 14 : index
    %get3A_71 = arith.constant 0 : index
    %get3A_72 = vector.load %arg1[%get3A_69, %get3A_70, %get3A_71] : memref<256x16x159xf32, #tpu.memory_space<vmem>>, vector<256x1x159xf32>
    %get3A_73 = vector.shape_cast %get3A_72 : vector<256x1x159xf32> to vector<256x159xf32>
    %get3A_74 = arith.constant 0 : index
    %get3A_75 = arith.constant 15 : index
    %get3A_76 = arith.constant 0 : index
    %get3A_77 = vector.load %arg1[%get3A_74, %get3A_75, %get3A_76] : memref<256x16x159xf32, #tpu.memory_space<vmem>>, vector<256x1x159xf32>
    %get3A_78 = vector.shape_cast %get3A_77 : vector<256x1x159xf32> to vector<256x159xf32>
    %get3A_79 = arith.constant 0 : index
    %get3A_80 = arith.constant 0 : index
    %get3A_81 = vector.load %arg3[%get3A_79, %get3A_80] : memref<1x512xf32, #tpu.memory_space<vmem>>, vector<1x512xf32>
    %get3A_82 = arith.constant 1 : index
    %get3A_83 = arith.constant 0 : index
    %get3A_84 = arith.constant 0 : index
    %get3A_85 = vector.load %arg2[%get3A_82, %get3A_83, %get3A_84] : memref<3x159x512xf32, #tpu.memory_space<vmem>>, vector<1x159x512xf32>
    %get3A_86 = vector.shape_cast %get3A_85 : vector<1x159x512xf32> to vector<159x512xf32>
    %dot_general3A = arith.constant dense<0.000000e+00> : vector<256x512xf32>
    %dot_general3A_87 = tpu.matmul %get3A_3, %get3A_86, %dot_general3A {dimension_numbers = #tpu.dot_dimension_numbers<[1], [0], [0], [1], [0, 0, 1, 1], [], []>, transpose_lhs_hint = false} : vector<256x159xf32>, vector<159x512xf32>, vector<256x512xf32> -> vector<256x512xf32>
    %get3A_88 = arith.constant 2 : index
    %get3A_89 = arith.constant 0 : index
    %get3A_90 = arith.constant 0 : index
    %get3A_91 = vector.load %arg2[%get3A_88, %get3A_89, %get3A_90] : memref<3x159x512xf32, #tpu.memory_space<vmem>>, vector<1x159x512xf32>
    %get3A_92 = vector.shape_cast %get3A_91 : vector<1x159x512xf32> to vector<159x512xf32>
    %dot_general3A_93 = arith.constant dense<0.000000e+00> : vector<256x512xf32>
    %dot_general3A_94 = tpu.matmul %get3A_8, %get3A_92, %dot_general3A_93 {dimension_numbers = #tpu.dot_dimension_numbers<[1], [0], [0], [1], [0, 0, 1, 1], [], []>, transpose_lhs_hint = false} : vector<256x159xf32>, vector<159x512xf32>, vector<256x512xf32> -> vector<256x512xf32>
    %add3A = arith.addf %dot_general3A_87, %dot_general3A_94 : vector<256x512xf32>
    %add3A_95 = vector.broadcast %get3A_81 : vector<1x512xf32> to vector<256x512xf32>
    %add3A_96 = arith.addf %add3A, %add3A_95 : vector<256x512xf32>
    %max3A = arith.constant 0.000000e+00 : f32
    %max3A_97 = vector.broadcast %max3A : f32 to vector<256x512xf32>
    %max3A_98 = arith.maximumf %add3A_96, %max3A_97 : vector<256x512xf32>
    %get3A_99 = arith.constant 0 : index
    %get3A_100 = arith.constant 0 : index
    %get3A_101 = arith.constant 0 : index
    %get3A_102 = vector.load %arg2[%get3A_99, %get3A_100, %get3A_101] : memref<3x159x512xf32, #tpu.memory_space<vmem>>, vector<1x159x512xf32>
    %get3A_103 = vector.shape_cast %get3A_102 : vector<1x159x512xf32> to vector<159x512xf32>
    %dot_general3A_104 = arith.constant dense<0.000000e+00> : vector<256x512xf32>
    %dot_general3A_105 = tpu.matmul %get3A_3, %get3A_103, %dot_general3A_104 {dimension_numbers = #tpu.dot_dimension_numbers<[1], [0], [0], [1], [0, 0, 1, 1], [], []>, transpose_lhs_hint = false} : vector<256x159xf32>, vector<159x512xf32>, vector<256x512xf32> -> vector<256x512xf32>
    %get3A_106 = arith.constant 1 : index
    %get3A_107 = arith.constant 0 : index
    %get3A_108 = arith.constant 0 : index
    %get3A_109 = vector.load %arg2[%get3A_106, %get3A_107, %get3A_108] : memref<3x159x512xf32, #tpu.memory_space<vmem>>, vector<1x159x512xf32>
    %get3A_110 = vector.shape_cast %get3A_109 : vector<1x159x512xf32> to vector<159x512xf32>
    %dot_general3A_111 = arith.constant dense<0.000000e+00> : vector<256x512xf32>
    %dot_general3A_112 = tpu.matmul %get3A_8, %get3A_110, %dot_general3A_111 {dimension_numbers = #tpu.dot_dimension_numbers<[1], [0], [0], [1], [0, 0, 1, 1], [], []>, transpose_lhs_hint = false} : vector<256x159xf32>, vector<159x512xf32>, vector<256x512xf32> -> vector<256x512xf32>
    %add3A_113 = arith.addf %dot_general3A_105, %dot_general3A_112 : vector<256x512xf32>
    %get3A_114 = arith.constant 2 : index
    %get3A_115 = arith.constant 0 : index
    %get3A_116 = arith.constant 0 : index
    %get3A_117 = vector.load %arg2[%get3A_114, %get3A_115, %get3A_116] : memref<3x159x512xf32, #tpu.memory_space<vmem>>, vector<1x159x512xf32>
    %get3A_118 = vector.shape_cast %get3A_117 : vector<1x159x512xf32> to vector<159x512xf32>
    %dot_general3A_119 = arith.constant dense<0.000000e+00> : vector<256x512xf32>
    %dot_general3A_120 = tpu.matmul %get3A_13, %get3A_118, %dot_general3A_119 {dimension_numbers = #tpu.dot_dimension_numbers<[1], [0], [0], [1], [0, 0, 1, 1], [], []>, transpose_lhs_hint = false} : vector<256x159xf32>, vector<159x512xf32>, vector<256x512xf32> -> vector<256x512xf32>
    %add3A_121 = arith.addf %add3A_113, %dot_general3A_120 : vector<256x512xf32>
    %add3A_122 = vector.broadcast %get3A_81 : vector<1x512xf32> to vector<256x512xf32>
    %add3A_123 = arith.addf %add3A_121, %add3A_122 : vector<256x512xf32>
    %max3A_124 = arith.constant 0.000000e+00 : f32
    %max3A_125 = vector.broadcast %max3A_124 : f32 to vector<256x512xf32>
    %max3A_126 = arith.maximumf %add3A_123, %max3A_125 : vector<256x512xf32>
    %get3A_127 = arith.constant 0 : index
    %get3A_128 = arith.constant 0 : index
    %get3A_129 = arith.constant 0 : index
    %get3A_130 = vector.load %arg2[%get3A_127, %get3A_128, %get3A_129] : memref<3x159x512xf32, #tpu.memory_space<vmem>>, vector<1x159x512xf32>
    %get3A_131 = vector.shape_cast %get3A_130 : vector<1x159x512xf32> to vector<159x512xf32>
    %dot_general3A_132 = arith.constant dense<0.000000e+00> : vector<256x512xf32>
    %dot_general3A_133 = tpu.matmul %get3A_8, %get3A_131, %dot_general3A_132 {dimension_numbers = #tpu.dot_dimension_numbers<[1], [0], [0], [1], [0, 0, 1, 1], [], []>, transpose_lhs_hint = false} : vector<256x159xf32>, vector<159x512xf32>, vector<256x512xf32> -> vector<256x512xf32>
    %get3A_134 = arith.constant 1 : index
    %get3A_135 = arith.constant 0 : index
    %get3A_136 = arith.constant 0 : index
    %get3A_137 = vector.load %arg2[%get3A_134, %get3A_135, %get3A_136] : memref<3x159x512xf32, #tpu.memory_space<vmem>>, vector<1x159x512xf32>
    %get3A_138 = vector.shape_cast %get3A_137 : vector<1x159x512xf32> to vector<159x512xf32>
    %dot_general3A_139 = arith.constant dense<0.000000e+00> : vector<256x512xf32>
    %dot_general3A_140 = tpu.matmul %get3A_13, %get3A_138, %dot_general3A_139 {dimension_numbers = #tpu.dot_dimension_numbers<[1], [0], [0], [1], [0, 0, 1, 1], [], []>, transpose_lhs_hint = false} : vector<256x159xf32>, vector<159x512xf32>, vector<256x512xf32> -> vector<256x512xf32>
    %add3A_141 = arith.addf %dot_general3A_133, %dot_general3A_140 : vector<256x512xf32>
    %get3A_142 = arith.constant 2 : index
    %get3A_143 = arith.constant 0 : index
    %get3A_144 = arith.constant 0 : index
    %get3A_145 = vector.load %arg2[%get3A_142, %get3A_143, %get3A_144] : memref<3x159x512xf32, #tpu.memory_space<vmem>>, vector<1x159x512xf32>
    %get3A_146 = vector.shape_cast %get3A_145 : vector<1x159x512xf32> to vector<159x512xf32>
    %dot_general3A_147 = arith.constant dense<0.000000e+00> : vector<256x512xf32>
    %dot_general3A_148 = tpu.matmul %get3A_18, %get3A_146, %dot_general3A_147 {dimension_numbers = #tpu.dot_dimension_numbers<[1], [0], [0], [1], [0, 0, 1, 1], [], []>, transpose_lhs_hint = false} : vector<256x159xf32>, vector<159x512xf32>, vector<256x512xf32> -> vector<256x512xf32>
    %add3A_149 = arith.addf %add3A_141, %dot_general3A_148 : vector<256x512xf32>
    %add3A_150 = vector.broadcast %get3A_81 : vector<1x512xf32> to vector<256x512xf32>
    %add3A_151 = arith.addf %add3A_149, %add3A_150 : vector<256x512xf32>
    %max3A_152 = arith.constant 0.000000e+00 : f32
    %max3A_153 = vector.broadcast %max3A_152 : f32 to vector<256x512xf32>
    %max3A_154 = arith.maximumf %add3A_151, %max3A_153 : vector<256x512xf32>
    %get3A_155 = arith.constant 0 : index
    %get3A_156 = arith.constant 0 : index
    %get3A_157 = arith.constant 0 : index
    %get3A_158 = vector.load %arg2[%get3A_155, %get3A_156, %get3A_157] : memref<3x159x512xf32, #tpu.memory_space<vmem>>, vector<1x159x512xf32>
    %get3A_159 = vector.shape_cast %get3A_158 : vector<1x159x512xf32> to vector<159x512xf32>
    %dot_general3A_160 = arith.constant dense<0.000000e+00> : vector<256x512xf32>
    %dot_general3A_161 = tpu.matmul %get3A_13, %get3A_159, %dot_general3A_160 {dimension_numbers = #tpu.dot_dimension_numbers<[1], [0], [0], [1], [0, 0, 1, 1], [], []>, transpose_lhs_hint = false} : vector<256x159xf32>, vector<159x512xf32>, vector<256x512xf32> -> vector<256x512xf32>
    %get3A_162 = arith.constant 1 : index
    %get3A_163 = arith.constant 0 : index
    %get3A_164 = arith.constant 0 : index
    %get3A_165 = vector.load %arg2[%get3A_162, %get3A_163, %get3A_164] : memref<3x159x512xf32, #tpu.memory_space<vmem>>, vector<1x159x512xf32>
    %get3A_166 = vector.shape_cast %get3A_165 : vector<1x159x512xf32> to vector<159x512xf32>
    %dot_general3A_167 = arith.constant dense<0.000000e+00> : vector<256x512xf32>
    %dot_general3A_168 = tpu.matmul %get3A_18, %get3A_166, %dot_general3A_167 {dimension_numbers = #tpu.dot_dimension_numbers<[1], [0], [0], [1], [0, 0, 1, 1], [], []>, transpose_lhs_hint = false} : vector<256x159xf32>, vector<159x512xf32>, vector<256x512xf32> -> vector<256x512xf32>
    %add3A_169 = arith.addf %dot_general3A_161, %dot_general3A_168 : vector<256x512xf32>
    %get3A_170 = arith.constant 2 : index
    %get3A_171 = arith.constant 0 : index
    %get3A_172 = arith.constant 0 : index
    %get3A_173 = vector.load %arg2[%get3A_170, %get3A_171, %get3A_172] : memref<3x159x512xf32, #tpu.memory_space<vmem>>, vector<1x159x512xf32>
    %get3A_174 = vector.shape_cast %get3A_173 : vector<1x159x512xf32> to vector<159x512xf32>
    %dot_general3A_175 = arith.constant dense<0.000000e+00> : vector<256x512xf32>
    %dot_general3A_176 = tpu.matmul %get3A_23, %get3A_174, %dot_general3A_175 {dimension_numbers = #tpu.dot_dimension_numbers<[1], [0], [0], [1], [0, 0, 1, 1], [], []>, transpose_lhs_hint = false} : vector<256x159xf32>, vector<159x512xf32>, vector<256x512xf32> -> vector<256x512xf32>
    %add3A_177 = arith.addf %add3A_169, %dot_general3A_176 : vector<256x512xf32>
    %add3A_178 = vector.broadcast %get3A_81 : vector<1x512xf32> to vector<256x512xf32>
    %add3A_179 = arith.addf %add3A_177, %add3A_178 : vector<256x512xf32>
    %max3A_180 = arith.constant 0.000000e+00 : f32
    %max3A_181 = vector.broadcast %max3A_180 : f32 to vector<256x512xf32>
    %max3A_182 = arith.maximumf %add3A_179, %max3A_181 : vector<256x512xf32>
    %get3A_183 = arith.constant 0 : index
    %get3A_184 = arith.constant 0 : index
    %get3A_185 = arith.constant 0 : index
    %get3A_186 = vector.load %arg2[%get3A_183, %get3A_184, %get3A_185] : memref<3x159x512xf32, #tpu.memory_space<vmem>>, vector<1x159x512xf32>
    %get3A_187 = vector.shape_cast %get3A_186 : vector<1x159x512xf32> to vector<159x512xf32>
    %dot_general3A_188 = arith.constant dense<0.000000e+00> : vector<256x512xf32>
    %dot_general3A_189 = tpu.matmul %get3A_18, %get3A_187, %dot_general3A_188 {dimension_numbers = #tpu.dot_dimension_numbers<[1], [0], [0], [1], [0, 0, 1, 1], [], []>, transpose_lhs_hint = false} : vector<256x159xf32>, vector<159x512xf32>, vector<256x512xf32> -> vector<256x512xf32>
    %get3A_190 = arith.constant 1 : index
    %get3A_191 = arith.constant 0 : index
    %get3A_192 = arith.constant 0 : index
    %get3A_193 = vector.load %arg2[%get3A_190, %get3A_191, %get3A_192] : memref<3x159x512xf32, #tpu.memory_space<vmem>>, vector<1x159x512xf32>
    %get3A_194 = vector.shape_cast %get3A_193 : vector<1x159x512xf32> to vector<159x512xf32>
    %dot_general3A_195 = arith.constant dense<0.000000e+00> : vector<256x512xf32>
    %dot_general3A_196 = tpu.matmul %get3A_23, %get3A_194, %dot_general3A_195 {dimension_numbers = #tpu.dot_dimension_numbers<[1], [0], [0], [1], [0, 0, 1, 1], [], []>, transpose_lhs_hint = false} : vector<256x159xf32>, vector<159x512xf32>, vector<256x512xf32> -> vector<256x512xf32>
    %add3A_197 = arith.addf %dot_general3A_189, %dot_general3A_196 : vector<256x512xf32>
    %get3A_198 = arith.constant 2 : index
    %get3A_199 = arith.constant 0 : index
    %get3A_200 = arith.constant 0 : index
    %get3A_201 = vector.load %arg2[%get3A_198, %get3A_199, %get3A_200] : memref<3x159x512xf32, #tpu.memory_space<vmem>>, vector<1x159x512xf32>
    %get3A_202 = vector.shape_cast %get3A_201 : vector<1x159x512xf32> to vector<159x512xf32>
    %dot_general3A_203 = arith.constant dense<0.000000e+00> : vector<256x512xf32>
    %dot_general3A_204 = tpu.matmul %get3A_28, %get3A_202, %dot_general3A_203 {dimension_numbers = #tpu.dot_dimension_numbers<[1], [0], [0], [1], [0, 0, 1, 1], [], []>, transpose_lhs_hint = false} : vector<256x159xf32>, vector<159x512xf32>, vector<256x512xf32> -> vector<256x512xf32>
    %add3A_205 = arith.addf %add3A_197, %dot_general3A_204 : vector<256x512xf32>
    %add3A_206 = vector.broadcast %get3A_81 : vector<1x512xf32> to vector<256x512xf32>
    %add3A_207 = arith.addf %add3A_205, %add3A_206 : vector<256x512xf32>
    %max3A_208 = arith.constant 0.000000e+00 : f32
    %max3A_209 = vector.broadcast %max3A_208 : f32 to vector<256x512xf32>
    %max3A_210 = arith.maximumf %add3A_207, %max3A_209 : vector<256x512xf32>
    %get3A_211 = arith.constant 0 : index
    %get3A_212 = arith.constant 0 : index
    %get3A_213 = arith.constant 0 : index
    %get3A_214 = vector.load %arg2[%get3A_211, %get3A_212, %get3A_213] : memref<3x159x512xf32, #tpu.memory_space<vmem>>, vector<1x159x512xf32>
    %get3A_215 = vector.shape_cast %get3A_214 : vector<1x159x512xf32> to vector<159x512xf32>
    %dot_general3A_216 = arith.constant dense<0.000000e+00> : vector<256x512xf32>
    %dot_general3A_217 = tpu.matmul %get3A_23, %get3A_215, %dot_general3A_216 {dimension_numbers = #tpu.dot_dimension_numbers<[1], [0], [0], [1], [0, 0, 1, 1], [], []>, transpose_lhs_hint = false} : vector<256x159xf32>, vector<159x512xf32>, vector<256x512xf32> -> vector<256x512xf32>
    %get3A_218 = arith.constant 1 : index
    %get3A_219 = arith.constant 0 : index
    %get3A_220 = arith.constant 0 : index
    %get3A_221 = vector.load %arg2[%get3A_218, %get3A_219, %get3A_220] : memref<3x159x512xf32, #tpu.memory_space<vmem>>, vector<1x159x512xf32>
    %get3A_222 = vector.shape_cast %get3A_221 : vector<1x159x512xf32> to vector<159x512xf32>
    %dot_general3A_223 = arith.constant dense<0.000000e+00> : vector<256x512xf32>
    %dot_general3A_224 = tpu.matmul %get3A_28, %get3A_222, %dot_general3A_223 {dimension_numbers = #tpu.dot_dimension_numbers<[1], [0], [0], [1], [0, 0, 1, 1], [], []>, transpose_lhs_hint = false} : vector<256x159xf32>, vector<159x512xf32>, vector<256x512xf32> -> vector<256x512xf32>
    %add3A_225 = arith.addf %dot_general3A_217, %dot_general3A_224 : vector<256x512xf32>
    %get3A_226 = arith.constant 2 : index
    %get3A_227 = arith.constant 0 : index
    %get3A_228 = arith.constant 0 : index
    %get3A_229 = vector.load %arg2[%get3A_226, %get3A_227, %get3A_228] : memref<3x159x512xf32, #tpu.memory_space<vmem>>, vector<1x159x512xf32>
    %get3A_230 = vector.shape_cast %get3A_229 : vector<1x159x512xf32> to vector<159x512xf32>
    %dot_general3A_231 = arith.constant dense<0.000000e+00> : vector<256x512xf32>
    %dot_general3A_232 = tpu.matmul %get3A_33, %get3A_230, %dot_general3A_231 {dimension_numbers = #tpu.dot_dimension_numbers<[1], [0], [0], [1], [0, 0, 1, 1], [], []>, transpose_lhs_hint = false} : vector<256x159xf32>, vector<159x512xf32>, vector<256x512xf32> -> vector<256x512xf32>
    %add3A_233 = arith.addf %add3A_225, %dot_general3A_232 : vector<256x512xf32>
    %add3A_234 = vector.broadcast %get3A_81 : vector<1x512xf32> to vector<256x512xf32>
    %add3A_235 = arith.addf %add3A_233, %add3A_234 : vector<256x512xf32>
    %max3A_236 = arith.constant 0.000000e+00 : f32
    %max3A_237 = vector.broadcast %max3A_236 : f32 to vector<256x512xf32>
    %max3A_238 = arith.maximumf %add3A_235, %max3A_237 : vector<256x512xf32>
    %get3A_239 = arith.constant 0 : index
    %get3A_240 = arith.constant 0 : index
    %get3A_241 = arith.constant 0 : index
    %get3A_242 = vector.load %arg2[%get3A_239, %get3A_240, %get3A_241] : memref<3x159x512xf32, #tpu.memory_space<vmem>>, vector<1x159x512xf32>
    %get3A_243 = vector.shape_cast %get3A_242 : vector<1x159x512xf32> to vector<159x512xf32>
    %dot_general3A_244 = arith.constant dense<0.000000e+00> : vector<256x512xf32>
    %dot_general3A_245 = tpu.matmul %get3A_28, %get3A_243, %dot_general3A_244 {dimension_numbers = #tpu.dot_dimension_numbers<[1], [0], [0], [1], [0, 0, 1, 1], [], []>, transpose_lhs_hint = false} : vector<256x159xf32>, vector<159x512xf32>, vector<256x512xf32> -> vector<256x512xf32>
    %get3A_246 = arith.constant 1 : index
    %get3A_247 = arith.constant 0 : index
    %get3A_248 = arith.constant 0 : index
    %get3A_249 = vector.load %arg2[%get3A_246, %get3A_247, %get3A_248] : memref<3x159x512xf32, #tpu.memory_space<vmem>>, vector<1x159x512xf32>
    %get3A_250 = vector.shape_cast %get3A_249 : vector<1x159x512xf32> to vector<159x512xf32>
    %dot_general3A_251 = arith.constant dense<0.000000e+00> : vector<256x512xf32>
    %dot_general3A_252 = tpu.matmul %get3A_33, %get3A_250, %dot_general3A_251 {dimension_numbers = #tpu.dot_dimension_numbers<[1], [0], [0], [1], [0, 0, 1, 1], [], []>, transpose_lhs_hint = false} : vector<256x159xf32>, vector<159x512xf32>, vector<256x512xf32> -> vector<256x512xf32>
    %add3A_253 = arith.addf %dot_general3A_245, %dot_general3A_252 : vector<256x512xf32>
    %get3A_254 = arith.constant 2 : index
    %get3A_255 = arith.constant 0 : index
    %get3A_256 = arith.constant 0 : index
    %get3A_257 = vector.load %arg2[%get3A_254, %get3A_255, %get3A_256] : memref<3x159x512xf32, #tpu.memory_space<vmem>>, vector<1x159x512xf32>
    %get3A_258 = vector.shape_cast %get3A_257 : vector<1x159x512xf32> to vector<159x512xf32>
    %dot_general3A_259 = arith.constant dense<0.000000e+00> : vector<256x512xf32>
    %dot_general3A_260 = tpu.matmul %get3A_38, %get3A_258, %dot_general3A_259 {dimension_numbers = #tpu.dot_dimension_numbers<[1], [0], [0], [1], [0, 0, 1, 1], [], []>, transpose_lhs_hint = false} : vector<256x159xf32>, vector<159x512xf32>, vector<256x512xf32> -> vector<256x512xf32>
    %add3A_261 = arith.addf %add3A_253, %dot_general3A_260 : vector<256x512xf32>
    %add3A_262 = vector.broadcast %get3A_81 : vector<1x512xf32> to vector<256x512xf32>
    %add3A_263 = arith.addf %add3A_261, %add3A_262 : vector<256x512xf32>
    %max3A_264 = arith.constant 0.000000e+00 : f32
    %max3A_265 = vector.broadcast %max3A_264 : f32 to vector<256x512xf32>
    %max3A_266 = arith.maximumf %add3A_263, %max3A_265 : vector<256x512xf32>
    %get3A_267 = arith.constant 0 : index
    %get3A_268 = arith.constant 0 : index
    %get3A_269 = arith.constant 0 : index
    %get3A_270 = vector.load %arg2[%get3A_267, %get3A_268, %get3A_269] : memref<3x159x512xf32, #tpu.memory_space<vmem>>, vector<1x159x512xf32>
    %get3A_271 = vector.shape_cast %get3A_270 : vector<1x159x512xf32> to vector<159x512xf32>
    %dot_general3A_272 = arith.constant dense<0.000000e+00> : vector<256x512xf32>
    %dot_general3A_273 = tpu.matmul %get3A_33, %get3A_271, %dot_general3A_272 {dimension_numbers = #tpu.dot_dimension_numbers<[1], [0], [0], [1], [0, 0, 1, 1], [], []>, transpose_lhs_hint = false} : vector<256x159xf32>, vector<159x512xf32>, vector<256x512xf32> -> vector<256x512xf32>
    %get3A_274 = arith.constant 1 : index
    %get3A_275 = arith.constant 0 : index
    %get3A_276 = arith.constant 0 : index
    %get3A_277 = vector.load %arg2[%get3A_274, %get3A_275, %get3A_276] : memref<3x159x512xf32, #tpu.memory_space<vmem>>, vector<1x159x512xf32>
    %get3A_278 = vector.shape_cast %get3A_277 : vector<1x159x512xf32> to vector<159x512xf32>
    %dot_general3A_279 = arith.constant dense<0.000000e+00> : vector<256x512xf32>
    %dot_general3A_280 = tpu.matmul %get3A_38, %get3A_278, %dot_general3A_279 {dimension_numbers = #tpu.dot_dimension_numbers<[1], [0], [0], [1], [0, 0, 1, 1], [], []>, transpose_lhs_hint = false} : vector<256x159xf32>, vector<159x512xf32>, vector<256x512xf32> -> vector<256x512xf32>
    %add3A_281 = arith.addf %dot_general3A_273, %dot_general3A_280 : vector<256x512xf32>
    %get3A_282 = arith.constant 2 : index
    %get3A_283 = arith.constant 0 : index
    %get3A_284 = arith.constant 0 : index
    %get3A_285 = vector.load %arg2[%get3A_282, %get3A_283, %get3A_284] : memref<3x159x512xf32, #tpu.memory_space<vmem>>, vector<1x159x512xf32>
    %get3A_286 = vector.shape_cast %get3A_285 : vector<1x159x512xf32> to vector<159x512xf32>
    %dot_general3A_287 = arith.constant dense<0.000000e+00> : vector<256x512xf32>
    %dot_general3A_288 = tpu.matmul %get3A_43, %get3A_286, %dot_general3A_287 {dimension_numbers = #tpu.dot_dimension_numbers<[1], [0], [0], [1], [0, 0, 1, 1], [], []>, transpose_lhs_hint = false} : vector<256x159xf32>, vector<159x512xf32>, vector<256x512xf32> -> vector<256x512xf32>
    %add3A_289 = arith.addf %add3A_281, %dot_general3A_288 : vector<256x512xf32>
    %add3A_290 = vector.broadcast %get3A_81 : vector<1x512xf32> to vector<256x512xf32>
    %add3A_291 = arith.addf %add3A_289, %add3A_290 : vector<256x512xf32>
    %max3A_292 = arith.constant 0.000000e+00 : f32
    %max3A_293 = vector.broadcast %max3A_292 : f32 to vector<256x512xf32>
    %max3A_294 = arith.maximumf %add3A_291, %max3A_293 : vector<256x512xf32>
    %get3A_295 = arith.constant 0 : index
    %get3A_296 = arith.constant 0 : index
    %get3A_297 = arith.constant 0 : index
    %get3A_298 = vector.load %arg2[%get3A_295, %get3A_296, %get3A_297] : memref<3x159x512xf32, #tpu.memory_space<vmem>>, vector<1x159x512xf32>
    %get3A_299 = vector.shape_cast %get3A_298 : vector<1x159x512xf32> to vector<159x512xf32>
    %dot_general3A_300 = arith.constant dense<0.000000e+00> : vector<256x512xf32>
    %dot_general3A_301 = tpu.matmul %get3A_38, %get3A_299, %dot_general3A_300 {dimension_numbers = #tpu.dot_dimension_numbers<[1], [0], [0], [1], [0, 0, 1, 1], [], []>, transpose_lhs_hint = false} : vector<256x159xf32>, vector<159x512xf32>, vector<256x512xf32> -> vector<256x512xf32>
    %get3A_302 = arith.constant 1 : index
    %get3A_303 = arith.constant 0 : index
    %get3A_304 = arith.constant 0 : index
    %get3A_305 = vector.load %arg2[%get3A_302, %get3A_303, %get3A_304] : memref<3x159x512xf32, #tpu.memory_space<vmem>>, vector<1x159x512xf32>
    %get3A_306 = vector.shape_cast %get3A_305 : vector<1x159x512xf32> to vector<159x512xf32>
    %dot_general3A_307 = arith.constant dense<0.000000e+00> : vector<256x512xf32>
    %dot_general3A_308 = tpu.matmul %get3A_43, %get3A_306, %dot_general3A_307 {dimension_numbers = #tpu.dot_dimension_numbers<[1], [0], [0], [1], [0, 0, 1, 1], [], []>, transpose_lhs_hint = false} : vector<256x159xf32>, vector<159x512xf32>, vector<256x512xf32> -> vector<256x512xf32>
    %add3A_309 = arith.addf %dot_general3A_301, %dot_general3A_308 : vector<256x512xf32>
    %get3A_310 = arith.constant 2 : index
    %get3A_311 = arith.constant 0 : index
    %get3A_312 = arith.constant 0 : index
    %get3A_313 = vector.load %arg2[%get3A_310, %get3A_311, %get3A_312] : memref<3x159x512xf32, #tpu.memory_space<vmem>>, vector<1x159x512xf32>
    %get3A_314 = vector.shape_cast %get3A_313 : vector<1x159x512xf32> to vector<159x512xf32>
    %dot_general3A_315 = arith.constant dense<0.000000e+00> : vector<256x512xf32>
    %dot_general3A_316 = tpu.matmul %get3A_48, %get3A_314, %dot_general3A_315 {dimension_numbers = #tpu.dot_dimension_numbers<[1], [0], [0], [1], [0, 0, 1, 1], [], []>, transpose_lhs_hint = false} : vector<256x159xf32>, vector<159x512xf32>, vector<256x512xf32> -> vector<256x512xf32>
    %add3A_317 = arith.addf %add3A_309, %dot_general3A_316 : vector<256x512xf32>
    %add3A_318 = vector.broadcast %get3A_81 : vector<1x512xf32> to vector<256x512xf32>
    %add3A_319 = arith.addf %add3A_317, %add3A_318 : vector<256x512xf32>
    %max3A_320 = arith.constant 0.000000e+00 : f32
    %max3A_321 = vector.broadcast %max3A_320 : f32 to vector<256x512xf32>
    %max3A_322 = arith.maximumf %add3A_319, %max3A_321 : vector<256x512xf32>
    %get3A_323 = arith.constant 0 : index
    %get3A_324 = arith.constant 0 : index
    %get3A_325 = arith.constant 0 : index
    %get3A_326 = vector.load %arg2[%get3A_323, %get3A_324, %get3A_325] : memref<3x159x512xf32, #tpu.memory_space<vmem>>, vector<1x159x512xf32>
    %get3A_327 = vector.shape_cast %get3A_326 : vector<1x159x512xf32> to vector<159x512xf32>
    %dot_general3A_328 = arith.constant dense<0.000000e+00> : vector<256x512xf32>
    %dot_general3A_329 = tpu.matmul %get3A_43, %get3A_327, %dot_general3A_328 {dimension_numbers = #tpu.dot_dimension_numbers<[1], [0], [0], [1], [0, 0, 1, 1], [], []>, transpose_lhs_hint = false} : vector<256x159xf32>, vector<159x512xf32>, vector<256x512xf32> -> vector<256x512xf32>
    %get3A_330 = arith.constant 1 : index
    %get3A_331 = arith.constant 0 : index
    %get3A_332 = arith.constant 0 : index
    %get3A_333 = vector.load %arg2[%get3A_330, %get3A_331, %get3A_332] : memref<3x159x512xf32, #tpu.memory_space<vmem>>, vector<1x159x512xf32>
    %get3A_334 = vector.shape_cast %get3A_333 : vector<1x159x512xf32> to vector<159x512xf32>
    %dot_general3A_335 = arith.constant dense<0.000000e+00> : vector<256x512xf32>
    %dot_general3A_336 = tpu.matmul %get3A_48, %get3A_334, %dot_general3A_335 {dimension_numbers = #tpu.dot_dimension_numbers<[1], [0], [0], [1], [0, 0, 1, 1], [], []>, transpose_lhs_hint = false} : vector<256x159xf32>, vector<159x512xf32>, vector<256x512xf32> -> vector<256x512xf32>
    %add3A_337 = arith.addf %dot_general3A_329, %dot_general3A_336 : vector<256x512xf32>
    %get3A_338 = arith.constant 2 : index
    %get3A_339 = arith.constant 0 : index
    %get3A_340 = arith.constant 0 : index
    %get3A_341 = vector.load %arg2[%get3A_338, %get3A_339, %get3A_340] : memref<3x159x512xf32, #tpu.memory_space<vmem>>, vector<1x159x512xf32>
    %get3A_342 = vector.shape_cast %get3A_341 : vector<1x159x512xf32> to vector<159x512xf32>
    %dot_general3A_343 = arith.constant dense<0.000000e+00> : vector<256x512xf32>
    %dot_general3A_344 = tpu.matmul %get3A_53, %get3A_342, %dot_general3A_343 {dimension_numbers = #tpu.dot_dimension_numbers<[1], [0], [0], [1], [0, 0, 1, 1], [], []>, transpose_lhs_hint = false} : vector<256x159xf32>, vector<159x512xf32>, vector<256x512xf32> -> vector<256x512xf32>
    %add3A_345 = arith.addf %add3A_337, %dot_general3A_344 : vector<256x512xf32>
    %add3A_346 = vector.broadcast %get3A_81 : vector<1x512xf32> to vector<256x512xf32>
    %add3A_347 = arith.addf %add3A_345, %add3A_346 : vector<256x512xf32>
    %max3A_348 = arith.constant 0.000000e+00 : f32
    %max3A_349 = vector.broadcast %max3A_348 : f32 to vector<256x512xf32>
    %max3A_350 = arith.maximumf %add3A_347, %max3A_349 : vector<256x512xf32>
    %get3A_351 = arith.constant 0 : index
    %get3A_352 = arith.constant 0 : index
    %get3A_353 = arith.constant 0 : index
    %get3A_354 = vector.load %arg2[%get3A_351, %get3A_352, %get3A_353] : memref<3x159x512xf32, #tpu.memory_space<vmem>>, vector<1x159x512xf32>
    %get3A_355 = vector.shape_cast %get3A_354 : vector<1x159x512xf32> to vector<159x512xf32>
    %dot_general3A_356 = arith.constant dense<0.000000e+00> : vector<256x512xf32>
    %dot_general3A_357 = tpu.matmul %get3A_48, %get3A_355, %dot_general3A_356 {dimension_numbers = #tpu.dot_dimension_numbers<[1], [0], [0], [1], [0, 0, 1, 1], [], []>, transpose_lhs_hint = false} : vector<256x159xf32>, vector<159x512xf32>, vector<256x512xf32> -> vector<256x512xf32>
    %get3A_358 = arith.constant 1 : index
    %get3A_359 = arith.constant 0 : index
    %get3A_360 = arith.constant 0 : index
    %get3A_361 = vector.load %arg2[%get3A_358, %get3A_359, %get3A_360] : memref<3x159x512xf32, #tpu.memory_space<vmem>>, vector<1x159x512xf32>
    %get3A_362 = vector.shape_cast %get3A_361 : vector<1x159x512xf32> to vector<159x512xf32>
    %dot_general3A_363 = arith.constant dense<0.000000e+00> : vector<256x512xf32>
    %dot_general3A_364 = tpu.matmul %get3A_53, %get3A_362, %dot_general3A_363 {dimension_numbers = #tpu.dot_dimension_numbers<[1], [0], [0], [1], [0, 0, 1, 1], [], []>, transpose_lhs_hint = false} : vector<256x159xf32>, vector<159x512xf32>, vector<256x512xf32> -> vector<256x512xf32>
    %add3A_365 = arith.addf %dot_general3A_357, %dot_general3A_364 : vector<256x512xf32>
    %get3A_366 = arith.constant 2 : index
    %get3A_367 = arith.constant 0 : index
    %get3A_368 = arith.constant 0 : index
    %get3A_369 = vector.load %arg2[%get3A_366, %get3A_367, %get3A_368] : memref<3x159x512xf32, #tpu.memory_space<vmem>>, vector<1x159x512xf32>
    %get3A_370 = vector.shape_cast %get3A_369 : vector<1x159x512xf32> to vector<159x512xf32>
    %dot_general3A_371 = arith.constant dense<0.000000e+00> : vector<256x512xf32>
    %dot_general3A_372 = tpu.matmul %get3A_58, %get3A_370, %dot_general3A_371 {dimension_numbers = #tpu.dot_dimension_numbers<[1], [0], [0], [1], [0, 0, 1, 1], [], []>, transpose_lhs_hint = false} : vector<256x159xf32>, vector<159x512xf32>, vector<256x512xf32> -> vector<256x512xf32>
    %add3A_373 = arith.addf %add3A_365, %dot_general3A_372 : vector<256x512xf32>
    %add3A_374 = vector.broadcast %get3A_81 : vector<1x512xf32> to vector<256x512xf32>
    %add3A_375 = arith.addf %add3A_373, %add3A_374 : vector<256x512xf32>
    %max3A_376 = arith.constant 0.000000e+00 : f32
    %max3A_377 = vector.broadcast %max3A_376 : f32 to vector<256x512xf32>
    %max3A_378 = arith.maximumf %add3A_375, %max3A_377 : vector<256x512xf32>
    %get3A_379 = arith.constant 0 : index
    %get3A_380 = arith.constant 0 : index
    %get3A_381 = arith.constant 0 : index
    %get3A_382 = vector.load %arg2[%get3A_379, %get3A_380, %get3A_381] : memref<3x159x512xf32, #tpu.memory_space<vmem>>, vector<1x159x512xf32>
    %get3A_383 = vector.shape_cast %get3A_382 : vector<1x159x512xf32> to vector<159x512xf32>
    %dot_general3A_384 = arith.constant dense<0.000000e+00> : vector<256x512xf32>
    %dot_general3A_385 = tpu.matmul %get3A_53, %get3A_383, %dot_general3A_384 {dimension_numbers = #tpu.dot_dimension_numbers<[1], [0], [0], [1], [0, 0, 1, 1], [], []>, transpose_lhs_hint = false} : vector<256x159xf32>, vector<159x512xf32>, vector<256x512xf32> -> vector<256x512xf32>
    %get3A_386 = arith.constant 1 : index
    %get3A_387 = arith.constant 0 : index
    %get3A_388 = arith.constant 0 : index
    %get3A_389 = vector.load %arg2[%get3A_386, %get3A_387, %get3A_388] : memref<3x159x512xf32, #tpu.memory_space<vmem>>, vector<1x159x512xf32>
    %get3A_390 = vector.shape_cast %get3A_389 : vector<1x159x512xf32> to vector<159x512xf32>
    %dot_general3A_391 = arith.constant dense<0.000000e+00> : vector<256x512xf32>
    %dot_general3A_392 = tpu.matmul %get3A_58, %get3A_390, %dot_general3A_391 {dimension_numbers = #tpu.dot_dimension_numbers<[1], [0], [0], [1], [0, 0, 1, 1], [], []>, transpose_lhs_hint = false} : vector<256x159xf32>, vector<159x512xf32>, vector<256x512xf32> -> vector<256x512xf32>
    %add3A_393 = arith.addf %dot_general3A_385, %dot_general3A_392 : vector<256x512xf32>
    %get3A_394 = arith.constant 2 : index
    %get3A_395 = arith.constant 0 : index
    %get3A_396 = arith.constant 0 : index
    %get3A_397 = vector.load %arg2[%get3A_394, %get3A_395, %get3A_396] : memref<3x159x512xf32, #tpu.memory_space<vmem>>, vector<1x159x512xf32>
    %get3A_398 = vector.shape_cast %get3A_397 : vector<1x159x512xf32> to vector<159x512xf32>
    %dot_general3A_399 = arith.constant dense<0.000000e+00> : vector<256x512xf32>
    %dot_general3A_400 = tpu.matmul %get3A_63, %get3A_398, %dot_general3A_399 {dimension_numbers = #tpu.dot_dimension_numbers<[1], [0], [0], [1], [0, 0, 1, 1], [], []>, transpose_lhs_hint = false} : vector<256x159xf32>, vector<159x512xf32>, vector<256x512xf32> -> vector<256x512xf32>
    %add3A_401 = arith.addf %add3A_393, %dot_general3A_400 : vector<256x512xf32>
    %add3A_402 = vector.broadcast %get3A_81 : vector<1x512xf32> to vector<256x512xf32>
    %add3A_403 = arith.addf %add3A_401, %add3A_402 : vector<256x512xf32>
    %max3A_404 = arith.constant 0.000000e+00 : f32
    %max3A_405 = vector.broadcast %max3A_404 : f32 to vector<256x512xf32>
    %max3A_406 = arith.maximumf %add3A_403, %max3A_405 : vector<256x512xf32>
    %get3A_407 = arith.constant 0 : index
    %get3A_408 = arith.constant 0 : index
    %get3A_409 = arith.constant 0 : index
    %get3A_410 = vector.load %arg2[%get3A_407, %get3A_408, %get3A_409] : memref<3x159x512xf32, #tpu.memory_space<vmem>>, vector<1x159x512xf32>
    %get3A_411 = vector.shape_cast %get3A_410 : vector<1x159x512xf32> to vector<159x512xf32>
    %dot_general3A_412 = arith.constant dense<0.000000e+00> : vector<256x512xf32>
    %dot_general3A_413 = tpu.matmul %get3A_58, %get3A_411, %dot_general3A_412 {dimension_numbers = #tpu.dot_dimension_numbers<[1], [0], [0], [1], [0, 0, 1, 1], [], []>, transpose_lhs_hint = false} : vector<256x159xf32>, vector<159x512xf32>, vector<256x512xf32> -> vector<256x512xf32>
    %get3A_414 = arith.constant 1 : index
    %get3A_415 = arith.constant 0 : index
    %get3A_416 = arith.constant 0 : index
    %get3A_417 = vector.load %arg2[%get3A_414, %get3A_415, %get3A_416] : memref<3x159x512xf32, #tpu.memory_space<vmem>>, vector<1x159x512xf32>
    %get3A_418 = vector.shape_cast %get3A_417 : vector<1x159x512xf32> to vector<159x512xf32>
    %dot_general3A_419 = arith.constant dense<0.000000e+00> : vector<256x512xf32>
    %dot_general3A_420 = tpu.matmul %get3A_63, %get3A_418, %dot_general3A_419 {dimension_numbers = #tpu.dot_dimension_numbers<[1], [0], [0], [1], [0, 0, 1, 1], [], []>, transpose_lhs_hint = false} : vector<256x159xf32>, vector<159x512xf32>, vector<256x512xf32> -> vector<256x512xf32>
    %add3A_421 = arith.addf %dot_general3A_413, %dot_general3A_420 : vector<256x512xf32>
    %get3A_422 = arith.constant 2 : index
    %get3A_423 = arith.constant 0 : index
    %get3A_424 = arith.constant 0 : index
    %get3A_425 = vector.load %arg2[%get3A_422, %get3A_423, %get3A_424] : memref<3x159x512xf32, #tpu.memory_space<vmem>>, vector<1x159x512xf32>
    %get3A_426 = vector.shape_cast %get3A_425 : vector<1x159x512xf32> to vector<159x512xf32>
    %dot_general3A_427 = arith.constant dense<0.000000e+00> : vector<256x512xf32>
    %dot_general3A_428 = tpu.matmul %get3A_68, %get3A_426, %dot_general3A_427 {dimension_numbers = #tpu.dot_dimension_numbers<[1], [0], [0], [1], [0, 0, 1, 1], [], []>, transpose_lhs_hint = false} : vector<256x159xf32>, vector<159x512xf32>, vector<256x512xf32> -> vector<256x512xf32>
    %add3A_429 = arith.addf %add3A_421, %dot_general3A_428 : vector<256x512xf32>
    %add3A_430 = vector.broadcast %get3A_81 : vector<1x512xf32> to vector<256x512xf32>
    %add3A_431 = arith.addf %add3A_429, %add3A_430 : vector<256x512xf32>
    %max3A_432 = arith.constant 0.000000e+00 : f32
    %max3A_433 = vector.broadcast %max3A_432 : f32 to vector<256x512xf32>
    %max3A_434 = arith.maximumf %add3A_431, %max3A_433 : vector<256x512xf32>
    %get3A_435 = arith.constant 0 : index
    %get3A_436 = arith.constant 0 : index
    %get3A_437 = arith.constant 0 : index
    %get3A_438 = vector.load %arg2[%get3A_435, %get3A_436, %get3A_437] : memref<3x159x512xf32, #tpu.memory_space<vmem>>, vector<1x159x512xf32>
    %get3A_439 = vector.shape_cast %get3A_438 : vector<1x159x512xf32> to vector<159x512xf32>
    %dot_general3A_440 = arith.constant dense<0.000000e+00> : vector<256x512xf32>
    %dot_general3A_441 = tpu.matmul %get3A_63, %get3A_439, %dot_general3A_440 {dimension_numbers = #tpu.dot_dimension_numbers<[1], [0], [0], [1], [0, 0, 1, 1], [], []>, transpose_lhs_hint = false} : vector<256x159xf32>, vector<159x512xf32>, vector<256x512xf32> -> vector<256x512xf32>
    %get3A_442 = arith.constant 1 : index
    %get3A_443 = arith.constant 0 : index
    %get3A_444 = arith.constant 0 : index
    %get3A_445 = vector.load %arg2[%get3A_442, %get3A_443, %get3A_444] : memref<3x159x512xf32, #tpu.memory_space<vmem>>, vector<1x159x512xf32>
    %get3A_446 = vector.shape_cast %get3A_445 : vector<1x159x512xf32> to vector<159x512xf32>
    %dot_general3A_447 = arith.constant dense<0.000000e+00> : vector<256x512xf32>
    %dot_general3A_448 = tpu.matmul %get3A_68, %get3A_446, %dot_general3A_447 {dimension_numbers = #tpu.dot_dimension_numbers<[1], [0], [0], [1], [0, 0, 1, 1], [], []>, transpose_lhs_hint = false} : vector<256x159xf32>, vector<159x512xf32>, vector<256x512xf32> -> vector<256x512xf32>
    %add3A_449 = arith.addf %dot_general3A_441, %dot_general3A_448 : vector<256x512xf32>
    %get3A_450 = arith.constant 2 : index
    %get3A_451 = arith.constant 0 : index
    %get3A_452 = arith.constant 0 : index
    %get3A_453 = vector.load %arg2[%get3A_450, %get3A_451, %get3A_452] : memref<3x159x512xf32, #tpu.memory_space<vmem>>, vector<1x159x512xf32>
    %get3A_454 = vector.shape_cast %get3A_453 : vector<1x159x512xf32> to vector<159x512xf32>
    %dot_general3A_455 = arith.constant dense<0.000000e+00> : vector<256x512xf32>
    %dot_general3A_456 = tpu.matmul %get3A_73, %get3A_454, %dot_general3A_455 {dimension_numbers = #tpu.dot_dimension_numbers<[1], [0], [0], [1], [0, 0, 1, 1], [], []>, transpose_lhs_hint = false} : vector<256x159xf32>, vector<159x512xf32>, vector<256x512xf32> -> vector<256x512xf32>
    %add3A_457 = arith.addf %add3A_449, %dot_general3A_456 : vector<256x512xf32>
    %add3A_458 = vector.broadcast %get3A_81 : vector<1x512xf32> to vector<256x512xf32>
    %add3A_459 = arith.addf %add3A_457, %add3A_458 : vector<256x512xf32>
    %max3A_460 = arith.constant 0.000000e+00 : f32
    %max3A_461 = vector.broadcast %max3A_460 : f32 to vector<256x512xf32>
    %max3A_462 = arith.maximumf %add3A_459, %max3A_461 : vector<256x512xf32>
    %get3A_463 = arith.constant 0 : index
    %get3A_464 = arith.constant 0 : index
    %get3A_465 = arith.constant 0 : index
    %get3A_466 = vector.load %arg2[%get3A_463, %get3A_464, %get3A_465] : memref<3x159x512xf32, #tpu.memory_space<vmem>>, vector<1x159x512xf32>
    %get3A_467 = vector.shape_cast %get3A_466 : vector<1x159x512xf32> to vector<159x512xf32>
    %dot_general3A_468 = arith.constant dense<0.000000e+00> : vector<256x512xf32>
    %dot_general3A_469 = tpu.matmul %get3A_68, %get3A_467, %dot_general3A_468 {dimension_numbers = #tpu.dot_dimension_numbers<[1], [0], [0], [1], [0, 0, 1, 1], [], []>, transpose_lhs_hint = false} : vector<256x159xf32>, vector<159x512xf32>, vector<256x512xf32> -> vector<256x512xf32>
    %get3A_470 = arith.constant 1 : index
    %get3A_471 = arith.constant 0 : index
    %get3A_472 = arith.constant 0 : index
    %get3A_473 = vector.load %arg2[%get3A_470, %get3A_471, %get3A_472] : memref<3x159x512xf32, #tpu.memory_space<vmem>>, vector<1x159x512xf32>
    %get3A_474 = vector.shape_cast %get3A_473 : vector<1x159x512xf32> to vector<159x512xf32>
    %dot_general3A_475 = arith.constant dense<0.000000e+00> : vector<256x512xf32>
    %dot_general3A_476 = tpu.matmul %get3A_73, %get3A_474, %dot_general3A_475 {dimension_numbers = #tpu.dot_dimension_numbers<[1], [0], [0], [1], [0, 0, 1, 1], [], []>, transpose_lhs_hint = false} : vector<256x159xf32>, vector<159x512xf32>, vector<256x512xf32> -> vector<256x512xf32>
    %add3A_477 = arith.addf %dot_general3A_469, %dot_general3A_476 : vector<256x512xf32>
    %get3A_478 = arith.constant 2 : index
    %get3A_479 = arith.constant 0 : index
    %get3A_480 = arith.constant 0 : index
    %get3A_481 = vector.load %arg2[%get3A_478, %get3A_479, %get3A_480] : memref<3x159x512xf32, #tpu.memory_space<vmem>>, vector<1x159x512xf32>
    %get3A_482 = vector.shape_cast %get3A_481 : vector<1x159x512xf32> to vector<159x512xf32>
    %dot_general3A_483 = arith.constant dense<0.000000e+00> : vector<256x512xf32>
    %dot_general3A_484 = tpu.matmul %get3A_78, %get3A_482, %dot_general3A_483 {dimension_numbers = #tpu.dot_dimension_numbers<[1], [0], [0], [1], [0, 0, 1, 1], [], []>, transpose_lhs_hint = false} : vector<256x159xf32>, vector<159x512xf32>, vector<256x512xf32> -> vector<256x512xf32>
    %add3A_485 = arith.addf %add3A_477, %dot_general3A_484 : vector<256x512xf32>
    %add3A_486 = vector.broadcast %get3A_81 : vector<1x512xf32> to vector<256x512xf32>
    %add3A_487 = arith.addf %add3A_485, %add3A_486 : vector<256x512xf32>
    %max3A_488 = arith.constant 0.000000e+00 : f32
    %max3A_489 = vector.broadcast %max3A_488 : f32 to vector<256x512xf32>
    %max3A_490 = arith.maximumf %add3A_487, %max3A_489 : vector<256x512xf32>
    %get3A_491 = arith.constant 0 : index
    %get3A_492 = arith.constant 0 : index
    %get3A_493 = arith.constant 0 : index
    %get3A_494 = vector.load %arg2[%get3A_491, %get3A_492, %get3A_493] : memref<3x159x512xf32, #tpu.memory_space<vmem>>, vector<1x159x512xf32>
    %get3A_495 = vector.shape_cast %get3A_494 : vector<1x159x512xf32> to vector<159x512xf32>
    %dot_general3A_496 = arith.constant dense<0.000000e+00> : vector<256x512xf32>
    %dot_general3A_497 = tpu.matmul %get3A_73, %get3A_495, %dot_general3A_496 {dimension_numbers = #tpu.dot_dimension_numbers<[1], [0], [0], [1], [0, 0, 1, 1], [], []>, transpose_lhs_hint = false} : vector<256x159xf32>, vector<159x512xf32>, vector<256x512xf32> -> vector<256x512xf32>
    %get3A_498 = arith.constant 1 : index
    %get3A_499 = arith.constant 0 : index
    %get3A_500 = arith.constant 0 : index
    %get3A_501 = vector.load %arg2[%get3A_498, %get3A_499, %get3A_500] : memref<3x159x512xf32, #tpu.memory_space<vmem>>, vector<1x159x512xf32>
    %get3A_502 = vector.shape_cast %get3A_501 : vector<1x159x512xf32> to vector<159x512xf32>
    %dot_general3A_503 = arith.constant dense<0.000000e+00> : vector<256x512xf32>
    %dot_general3A_504 = tpu.matmul %get3A_78, %get3A_502, %dot_general3A_503 {dimension_numbers = #tpu.dot_dimension_numbers<[1], [0], [0], [1], [0, 0, 1, 1], [], []>, transpose_lhs_hint = false} : vector<256x159xf32>, vector<159x512xf32>, vector<256x512xf32> -> vector<256x512xf32>
    %add3A_505 = arith.addf %dot_general3A_497, %dot_general3A_504 : vector<256x512xf32>
    %add3A_506 = vector.broadcast %get3A_81 : vector<1x512xf32> to vector<256x512xf32>
    %add3A_507 = arith.addf %add3A_505, %add3A_506 : vector<256x512xf32>
    %max3A_508 = arith.constant 0.000000e+00 : f32
    %max3A_509 = vector.broadcast %max3A_508 : f32 to vector<256x512xf32>
    %max3A_510 = arith.maximumf %add3A_507, %max3A_509 : vector<256x512xf32>
    %get3A_511 = arith.constant 0 : index
    %get3A_512 = arith.constant 0 : index
    %get3A_513 = vector.load %arg5[%get3A_511, %get3A_512] : memref<1x512xf32, #tpu.memory_space<vmem>>, vector<1x512xf32>
    %get3A_514 = arith.constant 1 : index
    %get3A_515 = arith.constant 0 : index
    %get3A_516 = arith.constant 0 : index
    %get3A_517 = vector.load %arg4[%get3A_514, %get3A_515, %get3A_516] : memref<4x512x512xf32, #tpu.memory_space<vmem>>, vector<1x512x512xf32>
    %get3A_518 = vector.shape_cast %get3A_517 : vector<1x512x512xf32> to vector<512x512xf32>
    %dot_general3A_519 = arith.constant dense<0.000000e+00> : vector<256x512xf32>
    %dot_general3A_520 = tpu.matmul %max3A_98, %get3A_518, %dot_general3A_519 {dimension_numbers = #tpu.dot_dimension_numbers<[1], [0], [0], [1], [0, 0, 1, 1], [], []>, transpose_lhs_hint = false} : vector<256x512xf32>, vector<512x512xf32>, vector<256x512xf32> -> vector<256x512xf32>
    %get3A_521 = arith.constant 2 : index
    %get3A_522 = arith.constant 0 : index
    %get3A_523 = arith.constant 0 : index
    %get3A_524 = vector.load %arg4[%get3A_521, %get3A_522, %get3A_523] : memref<4x512x512xf32, #tpu.memory_space<vmem>>, vector<1x512x512xf32>
    %get3A_525 = vector.shape_cast %get3A_524 : vector<1x512x512xf32> to vector<512x512xf32>
    %dot_general3A_526 = arith.constant dense<0.000000e+00> : vector<256x512xf32>
    %dot_general3A_527 = tpu.matmul %max3A_126, %get3A_525, %dot_general3A_526 {dimension_numbers = #tpu.dot_dimension_numbers<[1], [0], [0], [1], [0, 0, 1, 1], [], []>, transpose_lhs_hint = false} : vector<256x512xf32>, vector<512x512xf32>, vector<256x512xf32> -> vector<256x512xf32>
    %add3A_528 = arith.addf %dot_general3A_520, %dot_general3A_527 : vector<256x512xf32>
    %get3A_529 = arith.constant 3 : index
    %get3A_530 = arith.constant 0 : index
    %get3A_531 = arith.constant 0 : index
    %get3A_532 = vector.load %arg4[%get3A_529, %get3A_530, %get3A_531] : memref<4x512x512xf32, #tpu.memory_space<vmem>>, vector<1x512x512xf32>
    %get3A_533 = vector.shape_cast %get3A_532 : vector<1x512x512xf32> to vector<512x512xf32>
    %dot_general3A_534 = arith.constant dense<0.000000e+00> : vector<256x512xf32>
    %dot_general3A_535 = tpu.matmul %max3A_154, %get3A_533, %dot_general3A_534 {dimension_numbers = #tpu.dot_dimension_numbers<[1], [0], [0], [1], [0, 0, 1, 1], [], []>, transpose_lhs_hint = false} : vector<256x512xf32>, vector<512x512xf32>, vector<256x512xf32> -> vector<256x512xf32>
    %add3A_536 = arith.addf %add3A_528, %dot_general3A_535 : vector<256x512xf32>
    %add3A_537 = vector.broadcast %get3A_513 : vector<1x512xf32> to vector<256x512xf32>
    %add3A_538 = arith.addf %add3A_536, %add3A_537 : vector<256x512xf32>
    %get3A_539 = arith.constant 0 : index
    %get3A_540 = arith.constant 0 : index
    %get3A_541 = arith.constant 0 : index
    %get3A_542 = vector.load %arg4[%get3A_539, %get3A_540, %get3A_541] : memref<4x512x512xf32, #tpu.memory_space<vmem>>, vector<1x512x512xf32>
    %get3A_543 = vector.shape_cast %get3A_542 : vector<1x512x512xf32> to vector<512x512xf32>
    %dot_general3A_544 = arith.constant dense<0.000000e+00> : vector<256x512xf32>
    %dot_general3A_545 = tpu.matmul %max3A_126, %get3A_543, %dot_general3A_544 {dimension_numbers = #tpu.dot_dimension_numbers<[1], [0], [0], [1], [0, 0, 1, 1], [], []>, transpose_lhs_hint = false} : vector<256x512xf32>, vector<512x512xf32>, vector<256x512xf32> -> vector<256x512xf32>
    %get3A_546 = arith.constant 1 : index
    %get3A_547 = arith.constant 0 : index
    %get3A_548 = arith.constant 0 : index
    %get3A_549 = vector.load %arg4[%get3A_546, %get3A_547, %get3A_548] : memref<4x512x512xf32, #tpu.memory_space<vmem>>, vector<1x512x512xf32>
    %get3A_550 = vector.shape_cast %get3A_549 : vector<1x512x512xf32> to vector<512x512xf32>
    %dot_general3A_551 = arith.constant dense<0.000000e+00> : vector<256x512xf32>
    %dot_general3A_552 = tpu.matmul %max3A_154, %get3A_550, %dot_general3A_551 {dimension_numbers = #tpu.dot_dimension_numbers<[1], [0], [0], [1], [0, 0, 1, 1], [], []>, transpose_lhs_hint = false} : vector<256x512xf32>, vector<512x512xf32>, vector<256x512xf32> -> vector<256x512xf32>
    %add3A_553 = arith.addf %dot_general3A_545, %dot_general3A_552 : vector<256x512xf32>
    %get3A_554 = arith.constant 2 : index
    %get3A_555 = arith.constant 0 : index
    %get3A_556 = arith.constant 0 : index
    %get3A_557 = vector.load %arg4[%get3A_554, %get3A_555, %get3A_556] : memref<4x512x512xf32, #tpu.memory_space<vmem>>, vector<1x512x512xf32>
    %get3A_558 = vector.shape_cast %get3A_557 : vector<1x512x512xf32> to vector<512x512xf32>
    %dot_general3A_559 = arith.constant dense<0.000000e+00> : vector<256x512xf32>
    %dot_general3A_560 = tpu.matmul %max3A_182, %get3A_558, %dot_general3A_559 {dimension_numbers = #tpu.dot_dimension_numbers<[1], [0], [0], [1], [0, 0, 1, 1], [], []>, transpose_lhs_hint = false} : vector<256x512xf32>, vector<512x512xf32>, vector<256x512xf32> -> vector<256x512xf32>
    %add3A_561 = arith.addf %add3A_553, %dot_general3A_560 : vector<256x512xf32>
    %get3A_562 = arith.constant 3 : index
    %get3A_563 = arith.constant 0 : index
    %get3A_564 = arith.constant 0 : index
    %get3A_565 = vector.load %arg4[%get3A_562, %get3A_563, %get3A_564] : memref<4x512x512xf32, #tpu.memory_space<vmem>>, vector<1x512x512xf32>
    %get3A_566 = vector.shape_cast %get3A_565 : vector<1x512x512xf32> to vector<512x512xf32>
    %dot_general3A_567 = arith.constant dense<0.000000e+00> : vector<256x512xf32>
    %dot_general3A_568 = tpu.matmul %max3A_210, %get3A_566, %dot_general3A_567 {dimension_numbers = #tpu.dot_dimension_numbers<[1], [0], [0], [1], [0, 0, 1, 1], [], []>, transpose_lhs_hint = false} : vector<256x512xf32>, vector<512x512xf32>, vector<256x512xf32> -> vector<256x512xf32>
    %add3A_569 = arith.addf %add3A_561, %dot_general3A_568 : vector<256x512xf32>
    %add3A_570 = vector.broadcast %get3A_513 : vector<1x512xf32> to vector<256x512xf32>
    %add3A_571 = arith.addf %add3A_569, %add3A_570 : vector<256x512xf32>
    %get3A_572 = arith.constant 0 : index
    %get3A_573 = arith.constant 0 : index
    %get3A_574 = arith.constant 0 : index
    %get3A_575 = vector.load %arg4[%get3A_572, %get3A_573, %get3A_574] : memref<4x512x512xf32, #tpu.memory_space<vmem>>, vector<1x512x512xf32>
    %get3A_576 = vector.shape_cast %get3A_575 : vector<1x512x512xf32> to vector<512x512xf32>
    %dot_general3A_577 = arith.constant dense<0.000000e+00> : vector<256x512xf32>
    %dot_general3A_578 = tpu.matmul %max3A_182, %get3A_576, %dot_general3A_577 {dimension_numbers = #tpu.dot_dimension_numbers<[1], [0], [0], [1], [0, 0, 1, 1], [], []>, transpose_lhs_hint = false} : vector<256x512xf32>, vector<512x512xf32>, vector<256x512xf32> -> vector<256x512xf32>
    %get3A_579 = arith.constant 1 : index
    %get3A_580 = arith.constant 0 : index
    %get3A_581 = arith.constant 0 : index
    %get3A_582 = vector.load %arg4[%get3A_579, %get3A_580, %get3A_581] : memref<4x512x512xf32, #tpu.memory_space<vmem>>, vector<1x512x512xf32>
    %get3A_583 = vector.shape_cast %get3A_582 : vector<1x512x512xf32> to vector<512x512xf32>
    %dot_general3A_584 = arith.constant dense<0.000000e+00> : vector<256x512xf32>
    %dot_general3A_585 = tpu.matmul %max3A_210, %get3A_583, %dot_general3A_584 {dimension_numbers = #tpu.dot_dimension_numbers<[1], [0], [0], [1], [0, 0, 1, 1], [], []>, transpose_lhs_hint = false} : vector<256x512xf32>, vector<512x512xf32>, vector<256x512xf32> -> vector<256x512xf32>
    %add3A_586 = arith.addf %dot_general3A_578, %dot_general3A_585 : vector<256x512xf32>
    %get3A_587 = arith.constant 2 : index
    %get3A_588 = arith.constant 0 : index
    %get3A_589 = arith.constant 0 : index
    %get3A_590 = vector.load %arg4[%get3A_587, %get3A_588, %get3A_589] : memref<4x512x512xf32, #tpu.memory_space<vmem>>, vector<1x512x512xf32>
    %get3A_591 = vector.shape_cast %get3A_590 : vector<1x512x512xf32> to vector<512x512xf32>
    %dot_general3A_592 = arith.constant dense<0.000000e+00> : vector<256x512xf32>
    %dot_general3A_593 = tpu.matmul %max3A_238, %get3A_591, %dot_general3A_592 {dimension_numbers = #tpu.dot_dimension_numbers<[1], [0], [0], [1], [0, 0, 1, 1], [], []>, transpose_lhs_hint = false} : vector<256x512xf32>, vector<512x512xf32>, vector<256x512xf32> -> vector<256x512xf32>
    %add3A_594 = arith.addf %add3A_586, %dot_general3A_593 : vector<256x512xf32>
    %get3A_595 = arith.constant 3 : index
    %get3A_596 = arith.constant 0 : index
    %get3A_597 = arith.constant 0 : index
    %get3A_598 = vector.load %arg4[%get3A_595, %get3A_596, %get3A_597] : memref<4x512x512xf32, #tpu.memory_space<vmem>>, vector<1x512x512xf32>
    %get3A_599 = vector.shape_cast %get3A_598 : vector<1x512x512xf32> to vector<512x512xf32>
    %dot_general3A_600 = arith.constant dense<0.000000e+00> : vector<256x512xf32>
    %dot_general3A_601 = tpu.matmul %max3A_266, %get3A_599, %dot_general3A_600 {dimension_numbers = #tpu.dot_dimension_numbers<[1], [0], [0], [1], [0, 0, 1, 1], [], []>, transpose_lhs_hint = false} : vector<256x512xf32>, vector<512x512xf32>, vector<256x512xf32> -> vector<256x512xf32>
    %add3A_602 = arith.addf %add3A_594, %dot_general3A_601 : vector<256x512xf32>
    %add3A_603 = vector.broadcast %get3A_513 : vector<1x512xf32> to vector<256x512xf32>
    %add3A_604 = arith.addf %add3A_602, %add3A_603 : vector<256x512xf32>
    %get3A_605 = arith.constant 0 : index
    %get3A_606 = arith.constant 0 : index
    %get3A_607 = arith.constant 0 : index
    %get3A_608 = vector.load %arg4[%get3A_605, %get3A_606, %get3A_607] : memref<4x512x512xf32, #tpu.memory_space<vmem>>, vector<1x512x512xf32>
    %get3A_609 = vector.shape_cast %get3A_608 : vector<1x512x512xf32> to vector<512x512xf32>
    %dot_general3A_610 = arith.constant dense<0.000000e+00> : vector<256x512xf32>
    %dot_general3A_611 = tpu.matmul %max3A_238, %get3A_609, %dot_general3A_610 {dimension_numbers = #tpu.dot_dimension_numbers<[1], [0], [0], [1], [0, 0, 1, 1], [], []>, transpose_lhs_hint = false} : vector<256x512xf32>, vector<512x512xf32>, vector<256x512xf32> -> vector<256x512xf32>
    %get3A_612 = arith.constant 1 : index
    %get3A_613 = arith.constant 0 : index
    %get3A_614 = arith.constant 0 : index
    %get3A_615 = vector.load %arg4[%get3A_612, %get3A_613, %get3A_614] : memref<4x512x512xf32, #tpu.memory_space<vmem>>, vector<1x512x512xf32>
    %get3A_616 = vector.shape_cast %get3A_615 : vector<1x512x512xf32> to vector<512x512xf32>
    %dot_general3A_617 = arith.constant dense<0.000000e+00> : vector<256x512xf32>
    %dot_general3A_618 = tpu.matmul %max3A_266, %get3A_616, %dot_general3A_617 {dimension_numbers = #tpu.dot_dimension_numbers<[1], [0], [0], [1], [0, 0, 1, 1], [], []>, transpose_lhs_hint = false} : vector<256x512xf32>, vector<512x512xf32>, vector<256x512xf32> -> vector<256x512xf32>
    %add3A_619 = arith.addf %dot_general3A_611, %dot_general3A_618 : vector<256x512xf32>
    %get3A_620 = arith.constant 2 : index
    %get3A_621 = arith.constant 0 : index
    %get3A_622 = arith.constant 0 : index
    %get3A_623 = vector.load %arg4[%get3A_620, %get3A_621, %get3A_622] : memref<4x512x512xf32, #tpu.memory_space<vmem>>, vector<1x512x512xf32>
    %get3A_624 = vector.shape_cast %get3A_623 : vector<1x512x512xf32> to vector<512x512xf32>
    %dot_general3A_625 = arith.constant dense<0.000000e+00> : vector<256x512xf32>
    %dot_general3A_626 = tpu.matmul %max3A_294, %get3A_624, %dot_general3A_625 {dimension_numbers = #tpu.dot_dimension_numbers<[1], [0], [0], [1], [0, 0, 1, 1], [], []>, transpose_lhs_hint = false} : vector<256x512xf32>, vector<512x512xf32>, vector<256x512xf32> -> vector<256x512xf32>
    %add3A_627 = arith.addf %add3A_619, %dot_general3A_626 : vector<256x512xf32>
    %get3A_628 = arith.constant 3 : index
    %get3A_629 = arith.constant 0 : index
    %get3A_630 = arith.constant 0 : index
    %get3A_631 = vector.load %arg4[%get3A_628, %get3A_629, %get3A_630] : memref<4x512x512xf32, #tpu.memory_space<vmem>>, vector<1x512x512xf32>
    %get3A_632 = vector.shape_cast %get3A_631 : vector<1x512x512xf32> to vector<512x512xf32>
    %dot_general3A_633 = arith.constant dense<0.000000e+00> : vector<256x512xf32>
    %dot_general3A_634 = tpu.matmul %max3A_322, %get3A_632, %dot_general3A_633 {dimension_numbers = #tpu.dot_dimension_numbers<[1], [0], [0], [1], [0, 0, 1, 1], [], []>, transpose_lhs_hint = false} : vector<256x512xf32>, vector<512x512xf32>, vector<256x512xf32> -> vector<256x512xf32>
    %add3A_635 = arith.addf %add3A_627, %dot_general3A_634 : vector<256x512xf32>
    %add3A_636 = vector.broadcast %get3A_513 : vector<1x512xf32> to vector<256x512xf32>
    %add3A_637 = arith.addf %add3A_635, %add3A_636 : vector<256x512xf32>
    %get3A_638 = arith.constant 0 : index
    %get3A_639 = arith.constant 0 : index
    %get3A_640 = arith.constant 0 : index
    %get3A_641 = vector.load %arg4[%get3A_638, %get3A_639, %get3A_640] : memref<4x512x512xf32, #tpu.memory_space<vmem>>, vector<1x512x512xf32>
    %get3A_642 = vector.shape_cast %get3A_641 : vector<1x512x512xf32> to vector<512x512xf32>
    %dot_general3A_643 = arith.constant dense<0.000000e+00> : vector<256x512xf32>
    %dot_general3A_644 = tpu.matmul %max3A_294, %get3A_642, %dot_general3A_643 {dimension_numbers = #tpu.dot_dimension_numbers<[1], [0], [0], [1], [0, 0, 1, 1], [], []>, transpose_lhs_hint = false} : vector<256x512xf32>, vector<512x512xf32>, vector<256x512xf32> -> vector<256x512xf32>
    %get3A_645 = arith.constant 1 : index
    %get3A_646 = arith.constant 0 : index
    %get3A_647 = arith.constant 0 : index
    %get3A_648 = vector.load %arg4[%get3A_645, %get3A_646, %get3A_647] : memref<4x512x512xf32, #tpu.memory_space<vmem>>, vector<1x512x512xf32>
    %get3A_649 = vector.shape_cast %get3A_648 : vector<1x512x512xf32> to vector<512x512xf32>
    %dot_general3A_650 = arith.constant dense<0.000000e+00> : vector<256x512xf32>
    %dot_general3A_651 = tpu.matmul %max3A_322, %get3A_649, %dot_general3A_650 {dimension_numbers = #tpu.dot_dimension_numbers<[1], [0], [0], [1], [0, 0, 1, 1], [], []>, transpose_lhs_hint = false} : vector<256x512xf32>, vector<512x512xf32>, vector<256x512xf32> -> vector<256x512xf32>
    %add3A_652 = arith.addf %dot_general3A_644, %dot_general3A_651 : vector<256x512xf32>
    %get3A_653 = arith.constant 2 : index
    %get3A_654 = arith.constant 0 : index
    %get3A_655 = arith.constant 0 : index
    %get3A_656 = vector.load %arg4[%get3A_653, %get3A_654, %get3A_655] : memref<4x512x512xf32, #tpu.memory_space<vmem>>, vector<1x512x512xf32>
    %get3A_657 = vector.shape_cast %get3A_656 : vector<1x512x512xf32> to vector<512x512xf32>
    %dot_general3A_658 = arith.constant dense<0.000000e+00> : vector<256x512xf32>
    %dot_general3A_659 = tpu.matmul %max3A_350, %get3A_657, %dot_general3A_658 {dimension_numbers = #tpu.dot_dimension_numbers<[1], [0], [0], [1], [0, 0, 1, 1], [], []>, transpose_lhs_hint = false} : vector<256x512xf32>, vector<512x512xf32>, vector<256x512xf32> -> vector<256x512xf32>
    %add3A_660 = arith.addf %add3A_652, %dot_general3A_659 : vector<256x512xf32>
    %get3A_661 = arith.constant 3 : index
    %get3A_662 = arith.constant 0 : index
    %get3A_663 = arith.constant 0 : index
    %get3A_664 = vector.load %arg4[%get3A_661, %get3A_662, %get3A_663] : memref<4x512x512xf32, #tpu.memory_space<vmem>>, vector<1x512x512xf32>
    %get3A_665 = vector.shape_cast %get3A_664 : vector<1x512x512xf32> to vector<512x512xf32>
    %dot_general3A_666 = arith.constant dense<0.000000e+00> : vector<256x512xf32>
    %dot_general3A_667 = tpu.matmul %max3A_378, %get3A_665, %dot_general3A_666 {dimension_numbers = #tpu.dot_dimension_numbers<[1], [0], [0], [1], [0, 0, 1, 1], [], []>, transpose_lhs_hint = false} : vector<256x512xf32>, vector<512x512xf32>, vector<256x512xf32> -> vector<256x512xf32>
    %add3A_668 = arith.addf %add3A_660, %dot_general3A_667 : vector<256x512xf32>
    %add3A_669 = vector.broadcast %get3A_513 : vector<1x512xf32> to vector<256x512xf32>
    %add3A_670 = arith.addf %add3A_668, %add3A_669 : vector<256x512xf32>
    %get3A_671 = arith.constant 0 : index
    %get3A_672 = arith.constant 0 : index
    %get3A_673 = arith.constant 0 : index
    %get3A_674 = vector.load %arg4[%get3A_671, %get3A_672, %get3A_673] : memref<4x512x512xf32, #tpu.memory_space<vmem>>, vector<1x512x512xf32>
    %get3A_675 = vector.shape_cast %get3A_674 : vector<1x512x512xf32> to vector<512x512xf32>
    %dot_general3A_676 = arith.constant dense<0.000000e+00> : vector<256x512xf32>
    %dot_general3A_677 = tpu.matmul %max3A_350, %get3A_675, %dot_general3A_676 {dimension_numbers = #tpu.dot_dimension_numbers<[1], [0], [0], [1], [0, 0, 1, 1], [], []>, transpose_lhs_hint = false} : vector<256x512xf32>, vector<512x512xf32>, vector<256x512xf32> -> vector<256x512xf32>
    %get3A_678 = arith.constant 1 : index
    %get3A_679 = arith.constant 0 : index
    %get3A_680 = arith.constant 0 : index
    %get3A_681 = vector.load %arg4[%get3A_678, %get3A_679, %get3A_680] : memref<4x512x512xf32, #tpu.memory_space<vmem>>, vector<1x512x512xf32>
    %get3A_682 = vector.shape_cast %get3A_681 : vector<1x512x512xf32> to vector<512x512xf32>
    %dot_general3A_683 = arith.constant dense<0.000000e+00> : vector<256x512xf32>
    %dot_general3A_684 = tpu.matmul %max3A_378, %get3A_682, %dot_general3A_683 {dimension_numbers = #tpu.dot_dimension_numbers<[1], [0], [0], [1], [0, 0, 1, 1], [], []>, transpose_lhs_hint = false} : vector<256x512xf32>, vector<512x512xf32>, vector<256x512xf32> -> vector<256x512xf32>
    %add3A_685 = arith.addf %dot_general3A_677, %dot_general3A_684 : vector<256x512xf32>
    %get3A_686 = arith.constant 2 : index
    %get3A_687 = arith.constant 0 : index
    %get3A_688 = arith.constant 0 : index
    %get3A_689 = vector.load %arg4[%get3A_686, %get3A_687, %get3A_688] : memref<4x512x512xf32, #tpu.memory_space<vmem>>, vector<1x512x512xf32>
    %get3A_690 = vector.shape_cast %get3A_689 : vector<1x512x512xf32> to vector<512x512xf32>
    %dot_general3A_691 = arith.constant dense<0.000000e+00> : vector<256x512xf32>
    %dot_general3A_692 = tpu.matmul %max3A_406, %get3A_690, %dot_general3A_691 {dimension_numbers = #tpu.dot_dimension_numbers<[1], [0], [0], [1], [0, 0, 1, 1], [], []>, transpose_lhs_hint = false} : vector<256x512xf32>, vector<512x512xf32>, vector<256x512xf32> -> vector<256x512xf32>
    %add3A_693 = arith.addf %add3A_685, %dot_general3A_692 : vector<256x512xf32>
    %get3A_694 = arith.constant 3 : index
    %get3A_695 = arith.constant 0 : index
    %get3A_696 = arith.constant 0 : index
    %get3A_697 = vector.load %arg4[%get3A_694, %get3A_695, %get3A_696] : memref<4x512x512xf32, #tpu.memory_space<vmem>>, vector<1x512x512xf32>
    %get3A_698 = vector.shape_cast %get3A_697 : vector<1x512x512xf32> to vector<512x512xf32>
    %dot_general3A_699 = arith.constant dense<0.000000e+00> : vector<256x512xf32>
    %dot_general3A_700 = tpu.matmul %max3A_434, %get3A_698, %dot_general3A_699 {dimension_numbers = #tpu.dot_dimension_numbers<[1], [0], [0], [1], [0, 0, 1, 1], [], []>, transpose_lhs_hint = false} : vector<256x512xf32>, vector<512x512xf32>, vector<256x512xf32> -> vector<256x512xf32>
    %add3A_701 = arith.addf %add3A_693, %dot_general3A_700 : vector<256x512xf32>
    %add3A_702 = vector.broadcast %get3A_513 : vector<1x512xf32> to vector<256x512xf32>
    %add3A_703 = arith.addf %add3A_701, %add3A_702 : vector<256x512xf32>
    %get3A_704 = arith.constant 0 : index
    %get3A_705 = arith.constant 0 : index
    %get3A_706 = arith.constant 0 : index
    %get3A_707 = vector.load %arg4[%get3A_704, %get3A_705, %get3A_706] : memref<4x512x512xf32, #tpu.memory_space<vmem>>, vector<1x512x512xf32>
    %get3A_708 = vector.shape_cast %get3A_707 : vector<1x512x512xf32> to vector<512x512xf32>
    %dot_general3A_709 = arith.constant dense<0.000000e+00> : vector<256x512xf32>
    %dot_general3A_710 = tpu.matmul %max3A_406, %get3A_708, %dot_general3A_709 {dimension_numbers = #tpu.dot_dimension_numbers<[1], [0], [0], [1], [0, 0, 1, 1], [], []>, transpose_lhs_hint = false} : vector<256x512xf32>, vector<512x512xf32>, vector<256x512xf32> -> vector<256x512xf32>
    %get3A_711 = arith.constant 1 : index
    %get3A_712 = arith.constant 0 : index
    %get3A_713 = arith.constant 0 : index
    %get3A_714 = vector.load %arg4[%get3A_711, %get3A_712, %get3A_713] : memref<4x512x512xf32, #tpu.memory_space<vmem>>, vector<1x512x512xf32>
    %get3A_715 = vector.shape_cast %get3A_714 : vector<1x512x512xf32> to vector<512x512xf32>
    %dot_general3A_716 = arith.constant dense<0.000000e+00> : vector<256x512xf32>
    %dot_general3A_717 = tpu.matmul %max3A_434, %get3A_715, %dot_general3A_716 {dimension_numbers = #tpu.dot_dimension_numbers<[1], [0], [0], [1], [0, 0, 1, 1], [], []>, transpose_lhs_hint = false} : vector<256x512xf32>, vector<512x512xf32>, vector<256x512xf32> -> vector<256x512xf32>
    %add3A_718 = arith.addf %dot_general3A_710, %dot_general3A_717 : vector<256x512xf32>
    %get3A_719 = arith.constant 2 : index
    %get3A_720 = arith.constant 0 : index
    %get3A_721 = arith.constant 0 : index
    %get3A_722 = vector.load %arg4[%get3A_719, %get3A_720, %get3A_721] : memref<4x512x512xf32, #tpu.memory_space<vmem>>, vector<1x512x512xf32>
    %get3A_723 = vector.shape_cast %get3A_722 : vector<1x512x512xf32> to vector<512x512xf32>
    %dot_general3A_724 = arith.constant dense<0.000000e+00> : vector<256x512xf32>
    %dot_general3A_725 = tpu.matmul %max3A_462, %get3A_723, %dot_general3A_724 {dimension_numbers = #tpu.dot_dimension_numbers<[1], [0], [0], [1], [0, 0, 1, 1], [], []>, transpose_lhs_hint = false} : vector<256x512xf32>, vector<512x512xf32>, vector<256x512xf32> -> vector<256x512xf32>
    %add3A_726 = arith.addf %add3A_718, %dot_general3A_725 : vector<256x512xf32>
    %get3A_727 = arith.constant 3 : index
    %get3A_728 = arith.constant 0 : index
    %get3A_729 = arith.constant 0 : index
    %get3A_730 = vector.load %arg4[%get3A_727, %get3A_728, %get3A_729] : memref<4x512x512xf32, #tpu.memory_space<vmem>>, vector<1x512x512xf32>
    %get3A_731 = vector.shape_cast %get3A_730 : vector<1x512x512xf32> to vector<512x512xf32>
    %dot_general3A_732 = arith.constant dense<0.000000e+00> : vector<256x512xf32>
    %dot_general3A_733 = tpu.matmul %max3A_490, %get3A_731, %dot_general3A_732 {dimension_numbers = #tpu.dot_dimension_numbers<[1], [0], [0], [1], [0, 0, 1, 1], [], []>, transpose_lhs_hint = false} : vector<256x512xf32>, vector<512x512xf32>, vector<256x512xf32> -> vector<256x512xf32>
    %add3A_734 = arith.addf %add3A_726, %dot_general3A_733 : vector<256x512xf32>
    %add3A_735 = vector.broadcast %get3A_513 : vector<1x512xf32> to vector<256x512xf32>
    %add3A_736 = arith.addf %add3A_734, %add3A_735 : vector<256x512xf32>
    %get3A_737 = arith.constant 0 : index
    %get3A_738 = arith.constant 0 : index
    %get3A_739 = arith.constant 0 : index
    %get3A_740 = vector.load %arg4[%get3A_737, %get3A_738, %get3A_739] : memref<4x512x512xf32, #tpu.memory_space<vmem>>, vector<1x512x512xf32>
    %get3A_741 = vector.shape_cast %get3A_740 : vector<1x512x512xf32> to vector<512x512xf32>
    %dot_general3A_742 = arith.constant dense<0.000000e+00> : vector<256x512xf32>
    %dot_general3A_743 = tpu.matmul %max3A_462, %get3A_741, %dot_general3A_742 {dimension_numbers = #tpu.dot_dimension_numbers<[1], [0], [0], [1], [0, 0, 1, 1], [], []>, transpose_lhs_hint = false} : vector<256x512xf32>, vector<512x512xf32>, vector<256x512xf32> -> vector<256x512xf32>
    %get3A_744 = arith.constant 1 : index
    %get3A_745 = arith.constant 0 : index
    %get3A_746 = arith.constant 0 : index
    %get3A_747 = vector.load %arg4[%get3A_744, %get3A_745, %get3A_746] : memref<4x512x512xf32, #tpu.memory_space<vmem>>, vector<1x512x512xf32>
    %get3A_748 = vector.shape_cast %get3A_747 : vector<1x512x512xf32> to vector<512x512xf32>
    %dot_general3A_749 = arith.constant dense<0.000000e+00> : vector<256x512xf32>
    %dot_general3A_750 = tpu.matmul %max3A_490, %get3A_748, %dot_general3A_749 {dimension_numbers = #tpu.dot_dimension_numbers<[1], [0], [0], [1], [0, 0, 1, 1], [], []>, transpose_lhs_hint = false} : vector<256x512xf32>, vector<512x512xf32>, vector<256x512xf32> -> vector<256x512xf32>
    %add3A_751 = arith.addf %dot_general3A_743, %dot_general3A_750 : vector<256x512xf32>
    %get3A_752 = arith.constant 2 : index
    %get3A_753 = arith.constant 0 : index
    %get3A_754 = arith.constant 0 : index
    %get3A_755 = vector.load %arg4[%get3A_752, %get3A_753, %get3A_754] : memref<4x512x512xf32, #tpu.memory_space<vmem>>, vector<1x512x512xf32>
    %get3A_756 = vector.shape_cast %get3A_755 : vector<1x512x512xf32> to vector<512x512xf32>
    %dot_general3A_757 = arith.constant dense<0.000000e+00> : vector<256x512xf32>
    %dot_general3A_758 = tpu.matmul %max3A_510, %get3A_756, %dot_general3A_757 {dimension_numbers = #tpu.dot_dimension_numbers<[1], [0], [0], [1], [0, 0, 1, 1], [], []>, transpose_lhs_hint = false} : vector<256x512xf32>, vector<512x512xf32>, vector<256x512xf32> -> vector<256x512xf32>
    %add3A_759 = arith.addf %add3A_751, %dot_general3A_758 : vector<256x512xf32>
    %add3A_760 = vector.broadcast %get3A_513 : vector<1x512xf32> to vector<256x512xf32>
    %add3A_761 = arith.addf %add3A_759, %add3A_760 : vector<256x512xf32>
    %max3A_762 = arith.constant 0.000000e+00 : f32
    %max3A_763 = vector.broadcast %max3A_762 : f32 to vector<256x512xf32>
    %max3A_764 = arith.maximumf %add3A_538, %max3A_763 : vector<256x512xf32>
    %max3A_765 = arith.constant 0.000000e+00 : f32
    %max3A_766 = vector.broadcast %max3A_765 : f32 to vector<256x512xf32>
    %max3A_767 = arith.maximumf %add3A_571, %max3A_766 : vector<256x512xf32>
    %max3A_768 = arith.constant 0.000000e+00 : f32
    %max3A_769 = vector.broadcast %max3A_768 : f32 to vector<256x512xf32>
    %max3A_770 = arith.maximumf %add3A_604, %max3A_769 : vector<256x512xf32>
    %max3A_771 = arith.constant 0.000000e+00 : f32
    %max3A_772 = vector.broadcast %max3A_771 : f32 to vector<256x512xf32>
    %max3A_773 = arith.maximumf %add3A_637, %max3A_772 : vector<256x512xf32>
    %max3A_774 = arith.constant 0.000000e+00 : f32
    %max3A_775 = vector.broadcast %max3A_774 : f32 to vector<256x512xf32>
    %max3A_776 = arith.maximumf %add3A_670, %max3A_775 : vector<256x512xf32>
    %max3A_777 = arith.constant 0.000000e+00 : f32
    %max3A_778 = vector.broadcast %max3A_777 : f32 to vector<256x512xf32>
    %max3A_779 = arith.maximumf %add3A_703, %max3A_778 : vector<256x512xf32>
    %max3A_780 = arith.constant 0.000000e+00 : f32
    %max3A_781 = vector.broadcast %max3A_780 : f32 to vector<256x512xf32>
    %max3A_782 = arith.maximumf %add3A_736, %max3A_781 : vector<256x512xf32>
    %max3A_783 = arith.constant 0.000000e+00 : f32
    %max3A_784 = vector.broadcast %max3A_783 : f32 to vector<256x512xf32>
    %max3A_785 = arith.maximumf %add3A_761, %max3A_784 : vector<256x512xf32>
    %get3A_786 = arith.constant 0 : index
    %get3A_787 = arith.constant 0 : index
    %get3A_788 = vector.load %arg7[%get3A_786, %get3A_787] : memref<1x512xf32, #tpu.memory_space<vmem>>, vector<1x512xf32>
    %get3A_789 = arith.constant 1 : index
    %get3A_790 = arith.constant 0 : index
    %get3A_791 = arith.constant 0 : index
    %get3A_792 = vector.load %arg6[%get3A_789, %get3A_790, %get3A_791] : memref<3x512x512xf32, #tpu.memory_space<vmem>>, vector<1x512x512xf32>
    %get3A_793 = vector.shape_cast %get3A_792 : vector<1x512x512xf32> to vector<512x512xf32>
    %dot_general3A_794 = arith.constant dense<0.000000e+00> : vector<256x512xf32>
    %dot_general3A_795 = tpu.matmul %max3A_764, %get3A_793, %dot_general3A_794 {dimension_numbers = #tpu.dot_dimension_numbers<[1], [0], [0], [1], [0, 0, 1, 1], [], []>, transpose_lhs_hint = false} : vector<256x512xf32>, vector<512x512xf32>, vector<256x512xf32> -> vector<256x512xf32>
    %get3A_796 = arith.constant 2 : index
    %get3A_797 = arith.constant 0 : index
    %get3A_798 = arith.constant 0 : index
    %get3A_799 = vector.load %arg6[%get3A_796, %get3A_797, %get3A_798] : memref<3x512x512xf32, #tpu.memory_space<vmem>>, vector<1x512x512xf32>
    %get3A_800 = vector.shape_cast %get3A_799 : vector<1x512x512xf32> to vector<512x512xf32>
    %dot_general3A_801 = arith.constant dense<0.000000e+00> : vector<256x512xf32>
    %dot_general3A_802 = tpu.matmul %max3A_767, %get3A_800, %dot_general3A_801 {dimension_numbers = #tpu.dot_dimension_numbers<[1], [0], [0], [1], [0, 0, 1, 1], [], []>, transpose_lhs_hint = false} : vector<256x512xf32>, vector<512x512xf32>, vector<256x512xf32> -> vector<256x512xf32>
    %add3A_803 = arith.addf %dot_general3A_795, %dot_general3A_802 : vector<256x512xf32>
    %add3A_804 = vector.broadcast %get3A_788 : vector<1x512xf32> to vector<256x512xf32>
    %add3A_805 = arith.addf %add3A_803, %add3A_804 : vector<256x512xf32>
    %max3A_806 = arith.constant 0.000000e+00 : f32
    %max3A_807 = vector.broadcast %max3A_806 : f32 to vector<256x512xf32>
    %max3A_808 = arith.maximumf %add3A_805, %max3A_807 : vector<256x512xf32>
    %get3A_809 = arith.constant 0 : index
    %get3A_810 = arith.constant 0 : index
    %get3A_811 = arith.constant 0 : index
    %get3A_812 = vector.load %arg6[%get3A_809, %get3A_810, %get3A_811] : memref<3x512x512xf32, #tpu.memory_space<vmem>>, vector<1x512x512xf32>
    %get3A_813 = vector.shape_cast %get3A_812 : vector<1x512x512xf32> to vector<512x512xf32>
    %dot_general3A_814 = arith.constant dense<0.000000e+00> : vector<256x512xf32>
    %dot_general3A_815 = tpu.matmul %max3A_764, %get3A_813, %dot_general3A_814 {dimension_numbers = #tpu.dot_dimension_numbers<[1], [0], [0], [1], [0, 0, 1, 1], [], []>, transpose_lhs_hint = false} : vector<256x512xf32>, vector<512x512xf32>, vector<256x512xf32> -> vector<256x512xf32>
    %get3A_816 = arith.constant 1 : index
    %get3A_817 = arith.constant 0 : index
    %get3A_818 = arith.constant 0 : index
    %get3A_819 = vector.load %arg6[%get3A_816, %get3A_817, %get3A_818] : memref<3x512x512xf32, #tpu.memory_space<vmem>>, vector<1x512x512xf32>
    %get3A_820 = vector.shape_cast %get3A_819 : vector<1x512x512xf32> to vector<512x512xf32>
    %dot_general3A_821 = arith.constant dense<0.000000e+00> : vector<256x512xf32>
    %dot_general3A_822 = tpu.matmul %max3A_767, %get3A_820, %dot_general3A_821 {dimension_numbers = #tpu.dot_dimension_numbers<[1], [0], [0], [1], [0, 0, 1, 1], [], []>, transpose_lhs_hint = false} : vector<256x512xf32>, vector<512x512xf32>, vector<256x512xf32> -> vector<256x512xf32>
    %add3A_823 = arith.addf %dot_general3A_815, %dot_general3A_822 : vector<256x512xf32>
    %get3A_824 = arith.constant 2 : index
    %get3A_825 = arith.constant 0 : index
    %get3A_826 = arith.constant 0 : index
    %get3A_827 = vector.load %arg6[%get3A_824, %get3A_825, %get3A_826] : memref<3x512x512xf32, #tpu.memory_space<vmem>>, vector<1x512x512xf32>
    %get3A_828 = vector.shape_cast %get3A_827 : vector<1x512x512xf32> to vector<512x512xf32>
    %dot_general3A_829 = arith.constant dense<0.000000e+00> : vector<256x512xf32>
    %dot_general3A_830 = tpu.matmul %max3A_770, %get3A_828, %dot_general3A_829 {dimension_numbers = #tpu.dot_dimension_numbers<[1], [0], [0], [1], [0, 0, 1, 1], [], []>, transpose_lhs_hint = false} : vector<256x512xf32>, vector<512x512xf32>, vector<256x512xf32> -> vector<256x512xf32>
    %add3A_831 = arith.addf %add3A_823, %dot_general3A_830 : vector<256x512xf32>
    %add3A_832 = vector.broadcast %get3A_788 : vector<1x512xf32> to vector<256x512xf32>
    %add3A_833 = arith.addf %add3A_831, %add3A_832 : vector<256x512xf32>
    %max3A_834 = arith.constant 0.000000e+00 : f32
    %max3A_835 = vector.broadcast %max3A_834 : f32 to vector<256x512xf32>
    %max3A_836 = arith.maximumf %add3A_833, %max3A_835 : vector<256x512xf32>
    %get3A_837 = arith.constant 0 : index
    %get3A_838 = arith.constant 0 : index
    %get3A_839 = arith.constant 0 : index
    %get3A_840 = vector.load %arg6[%get3A_837, %get3A_838, %get3A_839] : memref<3x512x512xf32, #tpu.memory_space<vmem>>, vector<1x512x512xf32>
    %get3A_841 = vector.shape_cast %get3A_840 : vector<1x512x512xf32> to vector<512x512xf32>
    %dot_general3A_842 = arith.constant dense<0.000000e+00> : vector<256x512xf32>
    %dot_general3A_843 = tpu.matmul %max3A_767, %get3A_841, %dot_general3A_842 {dimension_numbers = #tpu.dot_dimension_numbers<[1], [0], [0], [1], [0, 0, 1, 1], [], []>, transpose_lhs_hint = false} : vector<256x512xf32>, vector<512x512xf32>, vector<256x512xf32> -> vector<256x512xf32>
    %get3A_844 = arith.constant 1 : index
    %get3A_845 = arith.constant 0 : index
    %get3A_846 = arith.constant 0 : index
    %get3A_847 = vector.load %arg6[%get3A_844, %get3A_845, %get3A_846] : memref<3x512x512xf32, #tpu.memory_space<vmem>>, vector<1x512x512xf32>
    %get3A_848 = vector.shape_cast %get3A_847 : vector<1x512x512xf32> to vector<512x512xf32>
    %dot_general3A_849 = arith.constant dense<0.000000e+00> : vector<256x512xf32>
    %dot_general3A_850 = tpu.matmul %max3A_770, %get3A_848, %dot_general3A_849 {dimension_numbers = #tpu.dot_dimension_numbers<[1], [0], [0], [1], [0, 0, 1, 1], [], []>, transpose_lhs_hint = false} : vector<256x512xf32>, vector<512x512xf32>, vector<256x512xf32> -> vector<256x512xf32>
    %add3A_851 = arith.addf %dot_general3A_843, %dot_general3A_850 : vector<256x512xf32>
    %get3A_852 = arith.constant 2 : index
    %get3A_853 = arith.constant 0 : index
    %get3A_854 = arith.constant 0 : index
    %get3A_855 = vector.load %arg6[%get3A_852, %get3A_853, %get3A_854] : memref<3x512x512xf32, #tpu.memory_space<vmem>>, vector<1x512x512xf32>
    %get3A_856 = vector.shape_cast %get3A_855 : vector<1x512x512xf32> to vector<512x512xf32>
    %dot_general3A_857 = arith.constant dense<0.000000e+00> : vector<256x512xf32>
    %dot_general3A_858 = tpu.matmul %max3A_773, %get3A_856, %dot_general3A_857 {dimension_numbers = #tpu.dot_dimension_numbers<[1], [0], [0], [1], [0, 0, 1, 1], [], []>, transpose_lhs_hint = false} : vector<256x512xf32>, vector<512x512xf32>, vector<256x512xf32> -> vector<256x512xf32>
    %add3A_859 = arith.addf %add3A_851, %dot_general3A_858 : vector<256x512xf32>
    %add3A_860 = vector.broadcast %get3A_788 : vector<1x512xf32> to vector<256x512xf32>
    %add3A_861 = arith.addf %add3A_859, %add3A_860 : vector<256x512xf32>
    %max3A_862 = arith.constant 0.000000e+00 : f32
    %max3A_863 = vector.broadcast %max3A_862 : f32 to vector<256x512xf32>
    %max3A_864 = arith.maximumf %add3A_861, %max3A_863 : vector<256x512xf32>
    %get3A_865 = arith.constant 0 : index
    %get3A_866 = arith.constant 0 : index
    %get3A_867 = arith.constant 0 : index
    %get3A_868 = vector.load %arg6[%get3A_865, %get3A_866, %get3A_867] : memref<3x512x512xf32, #tpu.memory_space<vmem>>, vector<1x512x512xf32>
    %get3A_869 = vector.shape_cast %get3A_868 : vector<1x512x512xf32> to vector<512x512xf32>
    %dot_general3A_870 = arith.constant dense<0.000000e+00> : vector<256x512xf32>
    %dot_general3A_871 = tpu.matmul %max3A_770, %get3A_869, %dot_general3A_870 {dimension_numbers = #tpu.dot_dimension_numbers<[1], [0], [0], [1], [0, 0, 1, 1], [], []>, transpose_lhs_hint = false} : vector<256x512xf32>, vector<512x512xf32>, vector<256x512xf32> -> vector<256x512xf32>
    %get3A_872 = arith.constant 1 : index
    %get3A_873 = arith.constant 0 : index
    %get3A_874 = arith.constant 0 : index
    %get3A_875 = vector.load %arg6[%get3A_872, %get3A_873, %get3A_874] : memref<3x512x512xf32, #tpu.memory_space<vmem>>, vector<1x512x512xf32>
    %get3A_876 = vector.shape_cast %get3A_875 : vector<1x512x512xf32> to vector<512x512xf32>
    %dot_general3A_877 = arith.constant dense<0.000000e+00> : vector<256x512xf32>
    %dot_general3A_878 = tpu.matmul %max3A_773, %get3A_876, %dot_general3A_877 {dimension_numbers = #tpu.dot_dimension_numbers<[1], [0], [0], [1], [0, 0, 1, 1], [], []>, transpose_lhs_hint = false} : vector<256x512xf32>, vector<512x512xf32>, vector<256x512xf32> -> vector<256x512xf32>
    %add3A_879 = arith.addf %dot_general3A_871, %dot_general3A_878 : vector<256x512xf32>
    %get3A_880 = arith.constant 2 : index
    %get3A_881 = arith.constant 0 : index
    %get3A_882 = arith.constant 0 : index
    %get3A_883 = vector.load %arg6[%get3A_880, %get3A_881, %get3A_882] : memref<3x512x512xf32, #tpu.memory_space<vmem>>, vector<1x512x512xf32>
    %get3A_884 = vector.shape_cast %get3A_883 : vector<1x512x512xf32> to vector<512x512xf32>
    %dot_general3A_885 = arith.constant dense<0.000000e+00> : vector<256x512xf32>
    %dot_general3A_886 = tpu.matmul %max3A_776, %get3A_884, %dot_general3A_885 {dimension_numbers = #tpu.dot_dimension_numbers<[1], [0], [0], [1], [0, 0, 1, 1], [], []>, transpose_lhs_hint = false} : vector<256x512xf32>, vector<512x512xf32>, vector<256x512xf32> -> vector<256x512xf32>
    %add3A_887 = arith.addf %add3A_879, %dot_general3A_886 : vector<256x512xf32>
    %add3A_888 = vector.broadcast %get3A_788 : vector<1x512xf32> to vector<256x512xf32>
    %add3A_889 = arith.addf %add3A_887, %add3A_888 : vector<256x512xf32>
    %max3A_890 = arith.constant 0.000000e+00 : f32
    %max3A_891 = vector.broadcast %max3A_890 : f32 to vector<256x512xf32>
    %max3A_892 = arith.maximumf %add3A_889, %max3A_891 : vector<256x512xf32>
    %get3A_893 = arith.constant 0 : index
    %get3A_894 = arith.constant 0 : index
    %get3A_895 = arith.constant 0 : index
    %get3A_896 = vector.load %arg6[%get3A_893, %get3A_894, %get3A_895] : memref<3x512x512xf32, #tpu.memory_space<vmem>>, vector<1x512x512xf32>
    %get3A_897 = vector.shape_cast %get3A_896 : vector<1x512x512xf32> to vector<512x512xf32>
    %dot_general3A_898 = arith.constant dense<0.000000e+00> : vector<256x512xf32>
    %dot_general3A_899 = tpu.matmul %max3A_773, %get3A_897, %dot_general3A_898 {dimension_numbers = #tpu.dot_dimension_numbers<[1], [0], [0], [1], [0, 0, 1, 1], [], []>, transpose_lhs_hint = false} : vector<256x512xf32>, vector<512x512xf32>, vector<256x512xf32> -> vector<256x512xf32>
    %get3A_900 = arith.constant 1 : index
    %get3A_901 = arith.constant 0 : index
    %get3A_902 = arith.constant 0 : index
    %get3A_903 = vector.load %arg6[%get3A_900, %get3A_901, %get3A_902] : memref<3x512x512xf32, #tpu.memory_space<vmem>>, vector<1x512x512xf32>
    %get3A_904 = vector.shape_cast %get3A_903 : vector<1x512x512xf32> to vector<512x512xf32>
    %dot_general3A_905 = arith.constant dense<0.000000e+00> : vector<256x512xf32>
    %dot_general3A_906 = tpu.matmul %max3A_776, %get3A_904, %dot_general3A_905 {dimension_numbers = #tpu.dot_dimension_numbers<[1], [0], [0], [1], [0, 0, 1, 1], [], []>, transpose_lhs_hint = false} : vector<256x512xf32>, vector<512x512xf32>, vector<256x512xf32> -> vector<256x512xf32>
    %add3A_907 = arith.addf %dot_general3A_899, %dot_general3A_906 : vector<256x512xf32>
    %get3A_908 = arith.constant 2 : index
    %get3A_909 = arith.constant 0 : index
    %get3A_910 = arith.constant 0 : index
    %get3A_911 = vector.load %arg6[%get3A_908, %get3A_909, %get3A_910] : memref<3x512x512xf32, #tpu.memory_space<vmem>>, vector<1x512x512xf32>
    %get3A_912 = vector.shape_cast %get3A_911 : vector<1x512x512xf32> to vector<512x512xf32>
    %dot_general3A_913 = arith.constant dense<0.000000e+00> : vector<256x512xf32>
    %dot_general3A_914 = tpu.matmul %max3A_779, %get3A_912, %dot_general3A_913 {dimension_numbers = #tpu.dot_dimension_numbers<[1], [0], [0], [1], [0, 0, 1, 1], [], []>, transpose_lhs_hint = false} : vector<256x512xf32>, vector<512x512xf32>, vector<256x512xf32> -> vector<256x512xf32>
    %add3A_915 = arith.addf %add3A_907, %dot_general3A_914 : vector<256x512xf32>
    %add3A_916 = vector.broadcast %get3A_788 : vector<1x512xf32> to vector<256x512xf32>
    %add3A_917 = arith.addf %add3A_915, %add3A_916 : vector<256x512xf32>
    %max3A_918 = arith.constant 0.000000e+00 : f32
    %max3A_919 = vector.broadcast %max3A_918 : f32 to vector<256x512xf32>
    %max3A_920 = arith.maximumf %add3A_917, %max3A_919 : vector<256x512xf32>
    %get3A_921 = arith.constant 0 : index
    %get3A_922 = arith.constant 0 : index
    %get3A_923 = arith.constant 0 : index
    %get3A_924 = vector.load %arg6[%get3A_921, %get3A_922, %get3A_923] : memref<3x512x512xf32, #tpu.memory_space<vmem>>, vector<1x512x512xf32>
    %get3A_925 = vector.shape_cast %get3A_924 : vector<1x512x512xf32> to vector<512x512xf32>
    %dot_general3A_926 = arith.constant dense<0.000000e+00> : vector<256x512xf32>
    %dot_general3A_927 = tpu.matmul %max3A_776, %get3A_925, %dot_general3A_926 {dimension_numbers = #tpu.dot_dimension_numbers<[1], [0], [0], [1], [0, 0, 1, 1], [], []>, transpose_lhs_hint = false} : vector<256x512xf32>, vector<512x512xf32>, vector<256x512xf32> -> vector<256x512xf32>
    %get3A_928 = arith.constant 1 : index
    %get3A_929 = arith.constant 0 : index
    %get3A_930 = arith.constant 0 : index
    %get3A_931 = vector.load %arg6[%get3A_928, %get3A_929, %get3A_930] : memref<3x512x512xf32, #tpu.memory_space<vmem>>, vector<1x512x512xf32>
    %get3A_932 = vector.shape_cast %get3A_931 : vector<1x512x512xf32> to vector<512x512xf32>
    %dot_general3A_933 = arith.constant dense<0.000000e+00> : vector<256x512xf32>
    %dot_general3A_934 = tpu.matmul %max3A_779, %get3A_932, %dot_general3A_933 {dimension_numbers = #tpu.dot_dimension_numbers<[1], [0], [0], [1], [0, 0, 1, 1], [], []>, transpose_lhs_hint = false} : vector<256x512xf32>, vector<512x512xf32>, vector<256x512xf32> -> vector<256x512xf32>
    %add3A_935 = arith.addf %dot_general3A_927, %dot_general3A_934 : vector<256x512xf32>
    %get3A_936 = arith.constant 2 : index
    %get3A_937 = arith.constant 0 : index
    %get3A_938 = arith.constant 0 : index
    %get3A_939 = vector.load %arg6[%get3A_936, %get3A_937, %get3A_938] : memref<3x512x512xf32, #tpu.memory_space<vmem>>, vector<1x512x512xf32>
    %get3A_940 = vector.shape_cast %get3A_939 : vector<1x512x512xf32> to vector<512x512xf32>
    %dot_general3A_941 = arith.constant dense<0.000000e+00> : vector<256x512xf32>
    %dot_general3A_942 = tpu.matmul %max3A_782, %get3A_940, %dot_general3A_941 {dimension_numbers = #tpu.dot_dimension_numbers<[1], [0], [0], [1], [0, 0, 1, 1], [], []>, transpose_lhs_hint = false} : vector<256x512xf32>, vector<512x512xf32>, vector<256x512xf32> -> vector<256x512xf32>
    %add3A_943 = arith.addf %add3A_935, %dot_general3A_942 : vector<256x512xf32>
    %add3A_944 = vector.broadcast %get3A_788 : vector<1x512xf32> to vector<256x512xf32>
    %add3A_945 = arith.addf %add3A_943, %add3A_944 : vector<256x512xf32>
    %max3A_946 = arith.constant 0.000000e+00 : f32
    %max3A_947 = vector.broadcast %max3A_946 : f32 to vector<256x512xf32>
    %max3A_948 = arith.maximumf %add3A_945, %max3A_947 : vector<256x512xf32>
    %get3A_949 = arith.constant 0 : index
    %get3A_950 = arith.constant 0 : index
    %get3A_951 = arith.constant 0 : index
    %get3A_952 = vector.load %arg6[%get3A_949, %get3A_950, %get3A_951] : memref<3x512x512xf32, #tpu.memory_space<vmem>>, vector<1x512x512xf32>
    %get3A_953 = vector.shape_cast %get3A_952 : vector<1x512x512xf32> to vector<512x512xf32>
    %dot_general3A_954 = arith.constant dense<0.000000e+00> : vector<256x512xf32>
    %dot_general3A_955 = tpu.matmul %max3A_779, %get3A_953, %dot_general3A_954 {dimension_numbers = #tpu.dot_dimension_numbers<[1], [0], [0], [1], [0, 0, 1, 1], [], []>, transpose_lhs_hint = false} : vector<256x512xf32>, vector<512x512xf32>, vector<256x512xf32> -> vector<256x512xf32>
    %get3A_956 = arith.constant 1 : index
    %get3A_957 = arith.constant 0 : index
    %get3A_958 = arith.constant 0 : index
    %get3A_959 = vector.load %arg6[%get3A_956, %get3A_957, %get3A_958] : memref<3x512x512xf32, #tpu.memory_space<vmem>>, vector<1x512x512xf32>
    %get3A_960 = vector.shape_cast %get3A_959 : vector<1x512x512xf32> to vector<512x512xf32>
    %dot_general3A_961 = arith.constant dense<0.000000e+00> : vector<256x512xf32>
    %dot_general3A_962 = tpu.matmul %max3A_782, %get3A_960, %dot_general3A_961 {dimension_numbers = #tpu.dot_dimension_numbers<[1], [0], [0], [1], [0, 0, 1, 1], [], []>, transpose_lhs_hint = false} : vector<256x512xf32>, vector<512x512xf32>, vector<256x512xf32> -> vector<256x512xf32>
    %add3A_963 = arith.addf %dot_general3A_955, %dot_general3A_962 : vector<256x512xf32>
    %get3A_964 = arith.constant 2 : index
    %get3A_965 = arith.constant 0 : index
    %get3A_966 = arith.constant 0 : index
    %get3A_967 = vector.load %arg6[%get3A_964, %get3A_965, %get3A_966] : memref<3x512x512xf32, #tpu.memory_space<vmem>>, vector<1x512x512xf32>
    %get3A_968 = vector.shape_cast %get3A_967 : vector<1x512x512xf32> to vector<512x512xf32>
    %dot_general3A_969 = arith.constant dense<0.000000e+00> : vector<256x512xf32>
    %dot_general3A_970 = tpu.matmul %max3A_785, %get3A_968, %dot_general3A_969 {dimension_numbers = #tpu.dot_dimension_numbers<[1], [0], [0], [1], [0, 0, 1, 1], [], []>, transpose_lhs_hint = false} : vector<256x512xf32>, vector<512x512xf32>, vector<256x512xf32> -> vector<256x512xf32>
    %add3A_971 = arith.addf %add3A_963, %dot_general3A_970 : vector<256x512xf32>
    %add3A_972 = vector.broadcast %get3A_788 : vector<1x512xf32> to vector<256x512xf32>
    %add3A_973 = arith.addf %add3A_971, %add3A_972 : vector<256x512xf32>
    %max3A_974 = arith.constant 0.000000e+00 : f32
    %max3A_975 = vector.broadcast %max3A_974 : f32 to vector<256x512xf32>
    %max3A_976 = arith.maximumf %add3A_973, %max3A_975 : vector<256x512xf32>
    %get3A_977 = arith.constant 0 : index
    %get3A_978 = arith.constant 0 : index
    %get3A_979 = arith.constant 0 : index
    %get3A_980 = vector.load %arg6[%get3A_977, %get3A_978, %get3A_979] : memref<3x512x512xf32, #tpu.memory_space<vmem>>, vector<1x512x512xf32>
    %get3A_981 = vector.shape_cast %get3A_980 : vector<1x512x512xf32> to vector<512x512xf32>
    %dot_general3A_982 = arith.constant dense<0.000000e+00> : vector<256x512xf32>
    %dot_general3A_983 = tpu.matmul %max3A_782, %get3A_981, %dot_general3A_982 {dimension_numbers = #tpu.dot_dimension_numbers<[1], [0], [0], [1], [0, 0, 1, 1], [], []>, transpose_lhs_hint = false} : vector<256x512xf32>, vector<512x512xf32>, vector<256x512xf32> -> vector<256x512xf32>
    %get3A_984 = arith.constant 1 : index
    %get3A_985 = arith.constant 0 : index
    %get3A_986 = arith.constant 0 : index
    %get3A_987 = vector.load %arg6[%get3A_984, %get3A_985, %get3A_986] : memref<3x512x512xf32, #tpu.memory_space<vmem>>, vector<1x512x512xf32>
    %get3A_988 = vector.shape_cast %get3A_987 : vector<1x512x512xf32> to vector<512x512xf32>
    %dot_general3A_989 = arith.constant dense<0.000000e+00> : vector<256x512xf32>
    %dot_general3A_990 = tpu.matmul %max3A_785, %get3A_988, %dot_general3A_989 {dimension_numbers = #tpu.dot_dimension_numbers<[1], [0], [0], [1], [0, 0, 1, 1], [], []>, transpose_lhs_hint = false} : vector<256x512xf32>, vector<512x512xf32>, vector<256x512xf32> -> vector<256x512xf32>
    %add3A_991 = arith.addf %dot_general3A_983, %dot_general3A_990 : vector<256x512xf32>
    %add3A_992 = vector.broadcast %get3A_788 : vector<1x512xf32> to vector<256x512xf32>
    %add3A_993 = arith.addf %add3A_991, %add3A_992 : vector<256x512xf32>
    %max3A_994 = arith.constant 0.000000e+00 : f32
    %max3A_995 = vector.broadcast %max3A_994 : f32 to vector<256x512xf32>
    %max3A_996 = arith.maximumf %add3A_993, %max3A_995 : vector<256x512xf32>
    %get3A_997 = arith.constant 0 : index
    %get3A_998 = arith.constant 0 : index
    %get3A_999 = vector.load %arg9[%get3A_997, %get3A_998] : memref<1x512xf32, #tpu.memory_space<vmem>>, vector<1x512xf32>
    %get3A_1000 = arith.constant 0 : index
    %get3A_1001 = arith.constant 0 : index
    %get3A_1002 = arith.constant 0 : index
    %get3A_1003 = vector.load %arg8[%get3A_1000, %get3A_1001, %get3A_1002] : memref<1x512x512xf32, #tpu.memory_space<vmem>>, vector<1x512x512xf32>
    %get3A_1004 = vector.shape_cast %get3A_1003 : vector<1x512x512xf32> to vector<512x512xf32>
    %dot_general3A_1005 = arith.constant dense<0.000000e+00> : vector<256x512xf32>
    %dot_general3A_1006 = tpu.matmul %max3A_808, %get3A_1004, %dot_general3A_1005 {dimension_numbers = #tpu.dot_dimension_numbers<[1], [0], [0], [1], [0, 0, 1, 1], [], []>, transpose_lhs_hint = false} : vector<256x512xf32>, vector<512x512xf32>, vector<256x512xf32> -> vector<256x512xf32>
    %add3A_1007 = vector.broadcast %get3A_999 : vector<1x512xf32> to vector<256x512xf32>
    %add3A_1008 = arith.addf %dot_general3A_1006, %add3A_1007 : vector<256x512xf32>
    %get3A_1009 = arith.constant 0 : index
    %get3A_1010 = arith.constant 0 : index
    %get3A_1011 = arith.constant 0 : index
    %get3A_1012 = vector.load %arg8[%get3A_1009, %get3A_1010, %get3A_1011] : memref<1x512x512xf32, #tpu.memory_space<vmem>>, vector<1x512x512xf32>
    %get3A_1013 = vector.shape_cast %get3A_1012 : vector<1x512x512xf32> to vector<512x512xf32>
    %dot_general3A_1014 = arith.constant dense<0.000000e+00> : vector<256x512xf32>
    %dot_general3A_1015 = tpu.matmul %max3A_836, %get3A_1013, %dot_general3A_1014 {dimension_numbers = #tpu.dot_dimension_numbers<[1], [0], [0], [1], [0, 0, 1, 1], [], []>, transpose_lhs_hint = false} : vector<256x512xf32>, vector<512x512xf32>, vector<256x512xf32> -> vector<256x512xf32>
    %add3A_1016 = vector.broadcast %get3A_999 : vector<1x512xf32> to vector<256x512xf32>
    %add3A_1017 = arith.addf %dot_general3A_1015, %add3A_1016 : vector<256x512xf32>
    %get3A_1018 = arith.constant 0 : index
    %get3A_1019 = arith.constant 0 : index
    %get3A_1020 = arith.constant 0 : index
    %get3A_1021 = vector.load %arg8[%get3A_1018, %get3A_1019, %get3A_1020] : memref<1x512x512xf32, #tpu.memory_space<vmem>>, vector<1x512x512xf32>
    %get3A_1022 = vector.shape_cast %get3A_1021 : vector<1x512x512xf32> to vector<512x512xf32>
    %dot_general3A_1023 = arith.constant dense<0.000000e+00> : vector<256x512xf32>
    %dot_general3A_1024 = tpu.matmul %max3A_864, %get3A_1022, %dot_general3A_1023 {dimension_numbers = #tpu.dot_dimension_numbers<[1], [0], [0], [1], [0, 0, 1, 1], [], []>, transpose_lhs_hint = false} : vector<256x512xf32>, vector<512x512xf32>, vector<256x512xf32> -> vector<256x512xf32>
    %add3A_1025 = vector.broadcast %get3A_999 : vector<1x512xf32> to vector<256x512xf32>
    %add3A_1026 = arith.addf %dot_general3A_1024, %add3A_1025 : vector<256x512xf32>
    %get3A_1027 = arith.constant 0 : index
    %get3A_1028 = arith.constant 0 : index
    %get3A_1029 = arith.constant 0 : index
    %get3A_1030 = vector.load %arg8[%get3A_1027, %get3A_1028, %get3A_1029] : memref<1x512x512xf32, #tpu.memory_space<vmem>>, vector<1x512x512xf32>
    %get3A_1031 = vector.shape_cast %get3A_1030 : vector<1x512x512xf32> to vector<512x512xf32>
    %dot_general3A_1032 = arith.constant dense<0.000000e+00> : vector<256x512xf32>
    %dot_general3A_1033 = tpu.matmul %max3A_892, %get3A_1031, %dot_general3A_1032 {dimension_numbers = #tpu.dot_dimension_numbers<[1], [0], [0], [1], [0, 0, 1, 1], [], []>, transpose_lhs_hint = false} : vector<256x512xf32>, vector<512x512xf32>, vector<256x512xf32> -> vector<256x512xf32>
    %add3A_1034 = vector.broadcast %get3A_999 : vector<1x512xf32> to vector<256x512xf32>
    %add3A_1035 = arith.addf %dot_general3A_1033, %add3A_1034 : vector<256x512xf32>
    %get3A_1036 = arith.constant 0 : index
    %get3A_1037 = arith.constant 0 : index
    %get3A_1038 = arith.constant 0 : index
    %get3A_1039 = vector.load %arg8[%get3A_1036, %get3A_1037, %get3A_1038] : memref<1x512x512xf32, #tpu.memory_space<vmem>>, vector<1x512x512xf32>
    %get3A_1040 = vector.shape_cast %get3A_1039 : vector<1x512x512xf32> to vector<512x512xf32>
    %dot_general3A_1041 = arith.constant dense<0.000000e+00> : vector<256x512xf32>
    %dot_general3A_1042 = tpu.matmul %max3A_920, %get3A_1040, %dot_general3A_1041 {dimension_numbers = #tpu.dot_dimension_numbers<[1], [0], [0], [1], [0, 0, 1, 1], [], []>, transpose_lhs_hint = false} : vector<256x512xf32>, vector<512x512xf32>, vector<256x512xf32> -> vector<256x512xf32>
    %add3A_1043 = vector.broadcast %get3A_999 : vector<1x512xf32> to vector<256x512xf32>
    %add3A_1044 = arith.addf %dot_general3A_1042, %add3A_1043 : vector<256x512xf32>
    %get3A_1045 = arith.constant 0 : index
    %get3A_1046 = arith.constant 0 : index
    %get3A_1047 = arith.constant 0 : index
    %get3A_1048 = vector.load %arg8[%get3A_1045, %get3A_1046, %get3A_1047] : memref<1x512x512xf32, #tpu.memory_space<vmem>>, vector<1x512x512xf32>
    %get3A_1049 = vector.shape_cast %get3A_1048 : vector<1x512x512xf32> to vector<512x512xf32>
    %dot_general3A_1050 = arith.constant dense<0.000000e+00> : vector<256x512xf32>
    %dot_general3A_1051 = tpu.matmul %max3A_948, %get3A_1049, %dot_general3A_1050 {dimension_numbers = #tpu.dot_dimension_numbers<[1], [0], [0], [1], [0, 0, 1, 1], [], []>, transpose_lhs_hint = false} : vector<256x512xf32>, vector<512x512xf32>, vector<256x512xf32> -> vector<256x512xf32>
    %add3A_1052 = vector.broadcast %get3A_999 : vector<1x512xf32> to vector<256x512xf32>
    %add3A_1053 = arith.addf %dot_general3A_1051, %add3A_1052 : vector<256x512xf32>
    %get3A_1054 = arith.constant 0 : index
    %get3A_1055 = arith.constant 0 : index
    %get3A_1056 = arith.constant 0 : index
    %get3A_1057 = vector.load %arg8[%get3A_1054, %get3A_1055, %get3A_1056] : memref<1x512x512xf32, #tpu.memory_space<vmem>>, vector<1x512x512xf32>
    %get3A_1058 = vector.shape_cast %get3A_1057 : vector<1x512x512xf32> to vector<512x512xf32>
    %dot_general3A_1059 = arith.constant dense<0.000000e+00> : vector<256x512xf32>
    %dot_general3A_1060 = tpu.matmul %max3A_976, %get3A_1058, %dot_general3A_1059 {dimension_numbers = #tpu.dot_dimension_numbers<[1], [0], [0], [1], [0, 0, 1, 1], [], []>, transpose_lhs_hint = false} : vector<256x512xf32>, vector<512x512xf32>, vector<256x512xf32> -> vector<256x512xf32>
    %add3A_1061 = vector.broadcast %get3A_999 : vector<1x512xf32> to vector<256x512xf32>
    %add3A_1062 = arith.addf %dot_general3A_1060, %add3A_1061 : vector<256x512xf32>
    %get3A_1063 = arith.constant 0 : index
    %get3A_1064 = arith.constant 0 : index
    %get3A_1065 = arith.constant 0 : index
    %get3A_1066 = vector.load %arg8[%get3A_1063, %get3A_1064, %get3A_1065] : memref<1x512x512xf32, #tpu.memory_space<vmem>>, vector<1x512x512xf32>
    %get3A_1067 = vector.shape_cast %get3A_1066 : vector<1x512x512xf32> to vector<512x512xf32>
    %dot_general3A_1068 = arith.constant dense<0.000000e+00> : vector<256x512xf32>
    %dot_general3A_1069 = tpu.matmul %max3A_996, %get3A_1067, %dot_general3A_1068 {dimension_numbers = #tpu.dot_dimension_numbers<[1], [0], [0], [1], [0, 0, 1, 1], [], []>, transpose_lhs_hint = false} : vector<256x512xf32>, vector<512x512xf32>, vector<256x512xf32> -> vector<256x512xf32>
    %add3A_1070 = vector.broadcast %get3A_999 : vector<1x512xf32> to vector<256x512xf32>
    %add3A_1071 = arith.addf %dot_general3A_1069, %add3A_1070 : vector<256x512xf32>
    %add3A_1072 = arith.addf %add3A_538, %add3A_1008 : vector<256x512xf32>
    %add3A_1073 = arith.addf %add3A_571, %add3A_1017 : vector<256x512xf32>
    %add3A_1074 = arith.addf %add3A_604, %add3A_1026 : vector<256x512xf32>
    %add3A_1075 = arith.addf %add3A_637, %add3A_1035 : vector<256x512xf32>
    %add3A_1076 = arith.addf %add3A_670, %add3A_1044 : vector<256x512xf32>
    %add3A_1077 = arith.addf %add3A_703, %add3A_1053 : vector<256x512xf32>
    %add3A_1078 = arith.addf %add3A_736, %add3A_1062 : vector<256x512xf32>
    %add3A_1079 = arith.addf %add3A_761, %add3A_1071 : vector<256x512xf32>
    %get3A_1080 = arith.constant 0 : index
    %get3A_1081 = arith.constant 0 : index
    %get3A_1082 = vector.load %arg11[%get3A_1080, %get3A_1081] : memref<1x512xf32, #tpu.memory_space<vmem>>, vector<1x512xf32>
    %get3A_1083 = arith.constant 1 : index
    %get3A_1084 = arith.constant 0 : index
    %get3A_1085 = arith.constant 0 : index
    %get3A_1086 = vector.load %arg10[%get3A_1083, %get3A_1084, %get3A_1085] : memref<4x512x512xf32, #tpu.memory_space<vmem>>, vector<1x512x512xf32>
    %get3A_1087 = vector.shape_cast %get3A_1086 : vector<1x512x512xf32> to vector<512x512xf32>
    %dot_general3A_1088 = arith.constant dense<0.000000e+00> : vector<256x512xf32>
    %dot_general3A_1089 = tpu.matmul %add3A_1072, %get3A_1087, %dot_general3A_1088 {dimension_numbers = #tpu.dot_dimension_numbers<[1], [0], [0], [1], [0, 0, 1, 1], [], []>, transpose_lhs_hint = false} : vector<256x512xf32>, vector<512x512xf32>, vector<256x512xf32> -> vector<256x512xf32>
    %get3A_1090 = arith.constant 2 : index
    %get3A_1091 = arith.constant 0 : index
    %get3A_1092 = arith.constant 0 : index
    %get3A_1093 = vector.load %arg10[%get3A_1090, %get3A_1091, %get3A_1092] : memref<4x512x512xf32, #tpu.memory_space<vmem>>, vector<1x512x512xf32>
    %get3A_1094 = vector.shape_cast %get3A_1093 : vector<1x512x512xf32> to vector<512x512xf32>
    %dot_general3A_1095 = arith.constant dense<0.000000e+00> : vector<256x512xf32>
    %dot_general3A_1096 = tpu.matmul %add3A_1073, %get3A_1094, %dot_general3A_1095 {dimension_numbers = #tpu.dot_dimension_numbers<[1], [0], [0], [1], [0, 0, 1, 1], [], []>, transpose_lhs_hint = false} : vector<256x512xf32>, vector<512x512xf32>, vector<256x512xf32> -> vector<256x512xf32>
    %add3A_1097 = arith.addf %dot_general3A_1089, %dot_general3A_1096 : vector<256x512xf32>
    %get3A_1098 = arith.constant 3 : index
    %get3A_1099 = arith.constant 0 : index
    %get3A_1100 = arith.constant 0 : index
    %get3A_1101 = vector.load %arg10[%get3A_1098, %get3A_1099, %get3A_1100] : memref<4x512x512xf32, #tpu.memory_space<vmem>>, vector<1x512x512xf32>
    %get3A_1102 = vector.shape_cast %get3A_1101 : vector<1x512x512xf32> to vector<512x512xf32>
    %dot_general3A_1103 = arith.constant dense<0.000000e+00> : vector<256x512xf32>
    %dot_general3A_1104 = tpu.matmul %add3A_1074, %get3A_1102, %dot_general3A_1103 {dimension_numbers = #tpu.dot_dimension_numbers<[1], [0], [0], [1], [0, 0, 1, 1], [], []>, transpose_lhs_hint = false} : vector<256x512xf32>, vector<512x512xf32>, vector<256x512xf32> -> vector<256x512xf32>
    %add3A_1105 = arith.addf %add3A_1097, %dot_general3A_1104 : vector<256x512xf32>
    %add3A_1106 = vector.broadcast %get3A_1082 : vector<1x512xf32> to vector<256x512xf32>
    %add3A_1107 = arith.addf %add3A_1105, %add3A_1106 : vector<256x512xf32>
    %get3A_1108 = arith.constant 0 : index
    %get3A_1109 = arith.constant 0 : index
    %get3A_1110 = arith.constant 0 : index
    %get3A_1111 = vector.load %arg10[%get3A_1108, %get3A_1109, %get3A_1110] : memref<4x512x512xf32, #tpu.memory_space<vmem>>, vector<1x512x512xf32>
    %get3A_1112 = vector.shape_cast %get3A_1111 : vector<1x512x512xf32> to vector<512x512xf32>
    %dot_general3A_1113 = arith.constant dense<0.000000e+00> : vector<256x512xf32>
    %dot_general3A_1114 = tpu.matmul %add3A_1073, %get3A_1112, %dot_general3A_1113 {dimension_numbers = #tpu.dot_dimension_numbers<[1], [0], [0], [1], [0, 0, 1, 1], [], []>, transpose_lhs_hint = false} : vector<256x512xf32>, vector<512x512xf32>, vector<256x512xf32> -> vector<256x512xf32>
    %get3A_1115 = arith.constant 1 : index
    %get3A_1116 = arith.constant 0 : index
    %get3A_1117 = arith.constant 0 : index
    %get3A_1118 = vector.load %arg10[%get3A_1115, %get3A_1116, %get3A_1117] : memref<4x512x512xf32, #tpu.memory_space<vmem>>, vector<1x512x512xf32>
    %get3A_1119 = vector.shape_cast %get3A_1118 : vector<1x512x512xf32> to vector<512x512xf32>
    %dot_general3A_1120 = arith.constant dense<0.000000e+00> : vector<256x512xf32>
    %dot_general3A_1121 = tpu.matmul %add3A_1074, %get3A_1119, %dot_general3A_1120 {dimension_numbers = #tpu.dot_dimension_numbers<[1], [0], [0], [1], [0, 0, 1, 1], [], []>, transpose_lhs_hint = false} : vector<256x512xf32>, vector<512x512xf32>, vector<256x512xf32> -> vector<256x512xf32>
    %add3A_1122 = arith.addf %dot_general3A_1114, %dot_general3A_1121 : vector<256x512xf32>
    %get3A_1123 = arith.constant 2 : index
    %get3A_1124 = arith.constant 0 : index
    %get3A_1125 = arith.constant 0 : index
    %get3A_1126 = vector.load %arg10[%get3A_1123, %get3A_1124, %get3A_1125] : memref<4x512x512xf32, #tpu.memory_space<vmem>>, vector<1x512x512xf32>
    %get3A_1127 = vector.shape_cast %get3A_1126 : vector<1x512x512xf32> to vector<512x512xf32>
    %dot_general3A_1128 = arith.constant dense<0.000000e+00> : vector<256x512xf32>
    %dot_general3A_1129 = tpu.matmul %add3A_1075, %get3A_1127, %dot_general3A_1128 {dimension_numbers = #tpu.dot_dimension_numbers<[1], [0], [0], [1], [0, 0, 1, 1], [], []>, transpose_lhs_hint = false} : vector<256x512xf32>, vector<512x512xf32>, vector<256x512xf32> -> vector<256x512xf32>
    %add3A_1130 = arith.addf %add3A_1122, %dot_general3A_1129 : vector<256x512xf32>
    %get3A_1131 = arith.constant 3 : index
    %get3A_1132 = arith.constant 0 : index
    %get3A_1133 = arith.constant 0 : index
    %get3A_1134 = vector.load %arg10[%get3A_1131, %get3A_1132, %get3A_1133] : memref<4x512x512xf32, #tpu.memory_space<vmem>>, vector<1x512x512xf32>
    %get3A_1135 = vector.shape_cast %get3A_1134 : vector<1x512x512xf32> to vector<512x512xf32>
    %dot_general3A_1136 = arith.constant dense<0.000000e+00> : vector<256x512xf32>
    %dot_general3A_1137 = tpu.matmul %add3A_1076, %get3A_1135, %dot_general3A_1136 {dimension_numbers = #tpu.dot_dimension_numbers<[1], [0], [0], [1], [0, 0, 1, 1], [], []>, transpose_lhs_hint = false} : vector<256x512xf32>, vector<512x512xf32>, vector<256x512xf32> -> vector<256x512xf32>
    %add3A_1138 = arith.addf %add3A_1130, %dot_general3A_1137 : vector<256x512xf32>
    %add3A_1139 = vector.broadcast %get3A_1082 : vector<1x512xf32> to vector<256x512xf32>
    %add3A_1140 = arith.addf %add3A_1138, %add3A_1139 : vector<256x512xf32>
    %get3A_1141 = arith.constant 0 : index
    %get3A_1142 = arith.constant 0 : index
    %get3A_1143 = arith.constant 0 : index
    %get3A_1144 = vector.load %arg10[%get3A_1141, %get3A_1142, %get3A_1143] : memref<4x512x512xf32, #tpu.memory_space<vmem>>, vector<1x512x512xf32>
    %get3A_1145 = vector.shape_cast %get3A_1144 : vector<1x512x512xf32> to vector<512x512xf32>
    %dot_general3A_1146 = arith.constant dense<0.000000e+00> : vector<256x512xf32>
    %dot_general3A_1147 = tpu.matmul %add3A_1075, %get3A_1145, %dot_general3A_1146 {dimension_numbers = #tpu.dot_dimension_numbers<[1], [0], [0], [1], [0, 0, 1, 1], [], []>, transpose_lhs_hint = false} : vector<256x512xf32>, vector<512x512xf32>, vector<256x512xf32> -> vector<256x512xf32>
    %get3A_1148 = arith.constant 1 : index
    %get3A_1149 = arith.constant 0 : index
    %get3A_1150 = arith.constant 0 : index
    %get3A_1151 = vector.load %arg10[%get3A_1148, %get3A_1149, %get3A_1150] : memref<4x512x512xf32, #tpu.memory_space<vmem>>, vector<1x512x512xf32>
    %get3A_1152 = vector.shape_cast %get3A_1151 : vector<1x512x512xf32> to vector<512x512xf32>
    %dot_general3A_1153 = arith.constant dense<0.000000e+00> : vector<256x512xf32>
    %dot_general3A_1154 = tpu.matmul %add3A_1076, %get3A_1152, %dot_general3A_1153 {dimension_numbers = #tpu.dot_dimension_numbers<[1], [0], [0], [1], [0, 0, 1, 1], [], []>, transpose_lhs_hint = false} : vector<256x512xf32>, vector<512x512xf32>, vector<256x512xf32> -> vector<256x512xf32>
    %add3A_1155 = arith.addf %dot_general3A_1147, %dot_general3A_1154 : vector<256x512xf32>
    %get3A_1156 = arith.constant 2 : index
    %get3A_1157 = arith.constant 0 : index
    %get3A_1158 = arith.constant 0 : index
    %get3A_1159 = vector.load %arg10[%get3A_1156, %get3A_1157, %get3A_1158] : memref<4x512x512xf32, #tpu.memory_space<vmem>>, vector<1x512x512xf32>
    %get3A_1160 = vector.shape_cast %get3A_1159 : vector<1x512x512xf32> to vector<512x512xf32>
    %dot_general3A_1161 = arith.constant dense<0.000000e+00> : vector<256x512xf32>
    %dot_general3A_1162 = tpu.matmul %add3A_1077, %get3A_1160, %dot_general3A_1161 {dimension_numbers = #tpu.dot_dimension_numbers<[1], [0], [0], [1], [0, 0, 1, 1], [], []>, transpose_lhs_hint = false} : vector<256x512xf32>, vector<512x512xf32>, vector<256x512xf32> -> vector<256x512xf32>
    %add3A_1163 = arith.addf %add3A_1155, %dot_general3A_1162 : vector<256x512xf32>
    %get3A_1164 = arith.constant 3 : index
    %get3A_1165 = arith.constant 0 : index
    %get3A_1166 = arith.constant 0 : index
    %get3A_1167 = vector.load %arg10[%get3A_1164, %get3A_1165, %get3A_1166] : memref<4x512x512xf32, #tpu.memory_space<vmem>>, vector<1x512x512xf32>
    %get3A_1168 = vector.shape_cast %get3A_1167 : vector<1x512x512xf32> to vector<512x512xf32>
    %dot_general3A_1169 = arith.constant dense<0.000000e+00> : vector<256x512xf32>
    %dot_general3A_1170 = tpu.matmul %add3A_1078, %get3A_1168, %dot_general3A_1169 {dimension_numbers = #tpu.dot_dimension_numbers<[1], [0], [0], [1], [0, 0, 1, 1], [], []>, transpose_lhs_hint = false} : vector<256x512xf32>, vector<512x512xf32>, vector<256x512xf32> -> vector<256x512xf32>
    %add3A_1171 = arith.addf %add3A_1163, %dot_general3A_1170 : vector<256x512xf32>
    %add3A_1172 = vector.broadcast %get3A_1082 : vector<1x512xf32> to vector<256x512xf32>
    %add3A_1173 = arith.addf %add3A_1171, %add3A_1172 : vector<256x512xf32>
    %get3A_1174 = arith.constant 0 : index
    %get3A_1175 = arith.constant 0 : index
    %get3A_1176 = arith.constant 0 : index
    %get3A_1177 = vector.load %arg10[%get3A_1174, %get3A_1175, %get3A_1176] : memref<4x512x512xf32, #tpu.memory_space<vmem>>, vector<1x512x512xf32>
    %get3A_1178 = vector.shape_cast %get3A_1177 : vector<1x512x512xf32> to vector<512x512xf32>
    %dot_general3A_1179 = arith.constant dense<0.000000e+00> : vector<256x512xf32>
    %dot_general3A_1180 = tpu.matmul %add3A_1077, %get3A_1178, %dot_general3A_1179 {dimension_numbers = #tpu.dot_dimension_numbers<[1], [0], [0], [1], [0, 0, 1, 1], [], []>, transpose_lhs_hint = false} : vector<256x512xf32>, vector<512x512xf32>, vector<256x512xf32> -> vector<256x512xf32>
    %get3A_1181 = arith.constant 1 : index
    %get3A_1182 = arith.constant 0 : index
    %get3A_1183 = arith.constant 0 : index
    %get3A_1184 = vector.load %arg10[%get3A_1181, %get3A_1182, %get3A_1183] : memref<4x512x512xf32, #tpu.memory_space<vmem>>, vector<1x512x512xf32>
    %get3A_1185 = vector.shape_cast %get3A_1184 : vector<1x512x512xf32> to vector<512x512xf32>
    %dot_general3A_1186 = arith.constant dense<0.000000e+00> : vector<256x512xf32>
    %dot_general3A_1187 = tpu.matmul %add3A_1078, %get3A_1185, %dot_general3A_1186 {dimension_numbers = #tpu.dot_dimension_numbers<[1], [0], [0], [1], [0, 0, 1, 1], [], []>, transpose_lhs_hint = false} : vector<256x512xf32>, vector<512x512xf32>, vector<256x512xf32> -> vector<256x512xf32>
    %add3A_1188 = arith.addf %dot_general3A_1180, %dot_general3A_1187 : vector<256x512xf32>
    %get3A_1189 = arith.constant 2 : index
    %get3A_1190 = arith.constant 0 : index
    %get3A_1191 = arith.constant 0 : index
    %get3A_1192 = vector.load %arg10[%get3A_1189, %get3A_1190, %get3A_1191] : memref<4x512x512xf32, #tpu.memory_space<vmem>>, vector<1x512x512xf32>
    %get3A_1193 = vector.shape_cast %get3A_1192 : vector<1x512x512xf32> to vector<512x512xf32>
    %dot_general3A_1194 = arith.constant dense<0.000000e+00> : vector<256x512xf32>
    %dot_general3A_1195 = tpu.matmul %add3A_1079, %get3A_1193, %dot_general3A_1194 {dimension_numbers = #tpu.dot_dimension_numbers<[1], [0], [0], [1], [0, 0, 1, 1], [], []>, transpose_lhs_hint = false} : vector<256x512xf32>, vector<512x512xf32>, vector<256x512xf32> -> vector<256x512xf32>
    %add3A_1196 = arith.addf %add3A_1188, %dot_general3A_1195 : vector<256x512xf32>
    %add3A_1197 = vector.broadcast %get3A_1082 : vector<1x512xf32> to vector<256x512xf32>
    %add3A_1198 = arith.addf %add3A_1196, %add3A_1197 : vector<256x512xf32>
    %max3A_1199 = arith.constant 0.000000e+00 : f32
    %max3A_1200 = vector.broadcast %max3A_1199 : f32 to vector<256x512xf32>
    %max3A_1201 = arith.maximumf %add3A_1107, %max3A_1200 : vector<256x512xf32>
    %max3A_1202 = arith.constant 0.000000e+00 : f32
    %max3A_1203 = vector.broadcast %max3A_1202 : f32 to vector<256x512xf32>
    %max3A_1204 = arith.maximumf %add3A_1140, %max3A_1203 : vector<256x512xf32>
    %max3A_1205 = arith.constant 0.000000e+00 : f32
    %max3A_1206 = vector.broadcast %max3A_1205 : f32 to vector<256x512xf32>
    %max3A_1207 = arith.maximumf %add3A_1173, %max3A_1206 : vector<256x512xf32>
    %max3A_1208 = arith.constant 0.000000e+00 : f32
    %max3A_1209 = vector.broadcast %max3A_1208 : f32 to vector<256x512xf32>
    %max3A_1210 = arith.maximumf %add3A_1198, %max3A_1209 : vector<256x512xf32>
    %get3A_1211 = arith.constant 0 : index
    %get3A_1212 = arith.constant 0 : index
    %get3A_1213 = vector.load %arg13[%get3A_1211, %get3A_1212] : memref<1x512xf32, #tpu.memory_space<vmem>>, vector<1x512xf32>
    %get3A_1214 = arith.constant 1 : index
    %get3A_1215 = arith.constant 0 : index
    %get3A_1216 = arith.constant 0 : index
    %get3A_1217 = vector.load %arg12[%get3A_1214, %get3A_1215, %get3A_1216] : memref<3x512x512xf32, #tpu.memory_space<vmem>>, vector<1x512x512xf32>
    %get3A_1218 = vector.shape_cast %get3A_1217 : vector<1x512x512xf32> to vector<512x512xf32>
    %dot_general3A_1219 = arith.constant dense<0.000000e+00> : vector<256x512xf32>
    %dot_general3A_1220 = tpu.matmul %max3A_1201, %get3A_1218, %dot_general3A_1219 {dimension_numbers = #tpu.dot_dimension_numbers<[1], [0], [0], [1], [0, 0, 1, 1], [], []>, transpose_lhs_hint = false} : vector<256x512xf32>, vector<512x512xf32>, vector<256x512xf32> -> vector<256x512xf32>
    %get3A_1221 = arith.constant 2 : index
    %get3A_1222 = arith.constant 0 : index
    %get3A_1223 = arith.constant 0 : index
    %get3A_1224 = vector.load %arg12[%get3A_1221, %get3A_1222, %get3A_1223] : memref<3x512x512xf32, #tpu.memory_space<vmem>>, vector<1x512x512xf32>
    %get3A_1225 = vector.shape_cast %get3A_1224 : vector<1x512x512xf32> to vector<512x512xf32>
    %dot_general3A_1226 = arith.constant dense<0.000000e+00> : vector<256x512xf32>
    %dot_general3A_1227 = tpu.matmul %max3A_1204, %get3A_1225, %dot_general3A_1226 {dimension_numbers = #tpu.dot_dimension_numbers<[1], [0], [0], [1], [0, 0, 1, 1], [], []>, transpose_lhs_hint = false} : vector<256x512xf32>, vector<512x512xf32>, vector<256x512xf32> -> vector<256x512xf32>
    %add3A_1228 = arith.addf %dot_general3A_1220, %dot_general3A_1227 : vector<256x512xf32>
    %add3A_1229 = vector.broadcast %get3A_1213 : vector<1x512xf32> to vector<256x512xf32>
    %add3A_1230 = arith.addf %add3A_1228, %add3A_1229 : vector<256x512xf32>
    %max3A_1231 = arith.constant 0.000000e+00 : f32
    %max3A_1232 = vector.broadcast %max3A_1231 : f32 to vector<256x512xf32>
    %max3A_1233 = arith.maximumf %add3A_1230, %max3A_1232 : vector<256x512xf32>
    %get3A_1234 = arith.constant 0 : index
    %get3A_1235 = arith.constant 0 : index
    %get3A_1236 = arith.constant 0 : index
    %get3A_1237 = vector.load %arg12[%get3A_1234, %get3A_1235, %get3A_1236] : memref<3x512x512xf32, #tpu.memory_space<vmem>>, vector<1x512x512xf32>
    %get3A_1238 = vector.shape_cast %get3A_1237 : vector<1x512x512xf32> to vector<512x512xf32>
    %dot_general3A_1239 = arith.constant dense<0.000000e+00> : vector<256x512xf32>
    %dot_general3A_1240 = tpu.matmul %max3A_1201, %get3A_1238, %dot_general3A_1239 {dimension_numbers = #tpu.dot_dimension_numbers<[1], [0], [0], [1], [0, 0, 1, 1], [], []>, transpose_lhs_hint = false} : vector<256x512xf32>, vector<512x512xf32>, vector<256x512xf32> -> vector<256x512xf32>
    %get3A_1241 = arith.constant 1 : index
    %get3A_1242 = arith.constant 0 : index
    %get3A_1243 = arith.constant 0 : index
    %get3A_1244 = vector.load %arg12[%get3A_1241, %get3A_1242, %get3A_1243] : memref<3x512x512xf32, #tpu.memory_space<vmem>>, vector<1x512x512xf32>
    %get3A_1245 = vector.shape_cast %get3A_1244 : vector<1x512x512xf32> to vector<512x512xf32>
    %dot_general3A_1246 = arith.constant dense<0.000000e+00> : vector<256x512xf32>
    %dot_general3A_1247 = tpu.matmul %max3A_1204, %get3A_1245, %dot_general3A_1246 {dimension_numbers = #tpu.dot_dimension_numbers<[1], [0], [0], [1], [0, 0, 1, 1], [], []>, transpose_lhs_hint = false} : vector<256x512xf32>, vector<512x512xf32>, vector<256x512xf32> -> vector<256x512xf32>
    %add3A_1248 = arith.addf %dot_general3A_1240, %dot_general3A_1247 : vector<256x512xf32>
    %get3A_1249 = arith.constant 2 : index
    %get3A_1250 = arith.constant 0 : index
    %get3A_1251 = arith.constant 0 : index
    %get3A_1252 = vector.load %arg12[%get3A_1249, %get3A_1250, %get3A_1251] : memref<3x512x512xf32, #tpu.memory_space<vmem>>, vector<1x512x512xf32>
    %get3A_1253 = vector.shape_cast %get3A_1252 : vector<1x512x512xf32> to vector<512x512xf32>
    %dot_general3A_1254 = arith.constant dense<0.000000e+00> : vector<256x512xf32>
    %dot_general3A_1255 = tpu.matmul %max3A_1207, %get3A_1253, %dot_general3A_1254 {dimension_numbers = #tpu.dot_dimension_numbers<[1], [0], [0], [1], [0, 0, 1, 1], [], []>, transpose_lhs_hint = false} : vector<256x512xf32>, vector<512x512xf32>, vector<256x512xf32> -> vector<256x512xf32>
    %add3A_1256 = arith.addf %add3A_1248, %dot_general3A_1255 : vector<256x512xf32>
    %add3A_1257 = vector.broadcast %get3A_1213 : vector<1x512xf32> to vector<256x512xf32>
    %add3A_1258 = arith.addf %add3A_1256, %add3A_1257 : vector<256x512xf32>
    %max3A_1259 = arith.constant 0.000000e+00 : f32
    %max3A_1260 = vector.broadcast %max3A_1259 : f32 to vector<256x512xf32>
    %max3A_1261 = arith.maximumf %add3A_1258, %max3A_1260 : vector<256x512xf32>
    %get3A_1262 = arith.constant 0 : index
    %get3A_1263 = arith.constant 0 : index
    %get3A_1264 = arith.constant 0 : index
    %get3A_1265 = vector.load %arg12[%get3A_1262, %get3A_1263, %get3A_1264] : memref<3x512x512xf32, #tpu.memory_space<vmem>>, vector<1x512x512xf32>
    %get3A_1266 = vector.shape_cast %get3A_1265 : vector<1x512x512xf32> to vector<512x512xf32>
    %dot_general3A_1267 = arith.constant dense<0.000000e+00> : vector<256x512xf32>
    %dot_general3A_1268 = tpu.matmul %max3A_1204, %get3A_1266, %dot_general3A_1267 {dimension_numbers = #tpu.dot_dimension_numbers<[1], [0], [0], [1], [0, 0, 1, 1], [], []>, transpose_lhs_hint = false} : vector<256x512xf32>, vector<512x512xf32>, vector<256x512xf32> -> vector<256x512xf32>
    %get3A_1269 = arith.constant 1 : index
    %get3A_1270 = arith.constant 0 : index
    %get3A_1271 = arith.constant 0 : index
    %get3A_1272 = vector.load %arg12[%get3A_1269, %get3A_1270, %get3A_1271] : memref<3x512x512xf32, #tpu.memory_space<vmem>>, vector<1x512x512xf32>
    %get3A_1273 = vector.shape_cast %get3A_1272 : vector<1x512x512xf32> to vector<512x512xf32>
    %dot_general3A_1274 = arith.constant dense<0.000000e+00> : vector<256x512xf32>
    %dot_general3A_1275 = tpu.matmul %max3A_1207, %get3A_1273, %dot_general3A_1274 {dimension_numbers = #tpu.dot_dimension_numbers<[1], [0], [0], [1], [0, 0, 1, 1], [], []>, transpose_lhs_hint = false} : vector<256x512xf32>, vector<512x512xf32>, vector<256x512xf32> -> vector<256x512xf32>
    %add3A_1276 = arith.addf %dot_general3A_1268, %dot_general3A_1275 : vector<256x512xf32>
    %get3A_1277 = arith.constant 2 : index
    %get3A_1278 = arith.constant 0 : index
    %get3A_1279 = arith.constant 0 : index
    %get3A_1280 = vector.load %arg12[%get3A_1277, %get3A_1278, %get3A_1279] : memref<3x512x512xf32, #tpu.memory_space<vmem>>, vector<1x512x512xf32>
    %get3A_1281 = vector.shape_cast %get3A_1280 : vector<1x512x512xf32> to vector<512x512xf32>
    %dot_general3A_1282 = arith.constant dense<0.000000e+00> : vector<256x512xf32>
    %dot_general3A_1283 = tpu.matmul %max3A_1210, %get3A_1281, %dot_general3A_1282 {dimension_numbers = #tpu.dot_dimension_numbers<[1], [0], [0], [1], [0, 0, 1, 1], [], []>, transpose_lhs_hint = false} : vector<256x512xf32>, vector<512x512xf32>, vector<256x512xf32> -> vector<256x512xf32>
    %add3A_1284 = arith.addf %add3A_1276, %dot_general3A_1283 : vector<256x512xf32>
    %add3A_1285 = vector.broadcast %get3A_1213 : vector<1x512xf32> to vector<256x512xf32>
    %add3A_1286 = arith.addf %add3A_1284, %add3A_1285 : vector<256x512xf32>
    %max3A_1287 = arith.constant 0.000000e+00 : f32
    %max3A_1288 = vector.broadcast %max3A_1287 : f32 to vector<256x512xf32>
    %max3A_1289 = arith.maximumf %add3A_1286, %max3A_1288 : vector<256x512xf32>
    %get3A_1290 = arith.constant 0 : index
    %get3A_1291 = arith.constant 0 : index
    %get3A_1292 = arith.constant 0 : index
    %get3A_1293 = vector.load %arg12[%get3A_1290, %get3A_1291, %get3A_1292] : memref<3x512x512xf32, #tpu.memory_space<vmem>>, vector<1x512x512xf32>
    %get3A_1294 = vector.shape_cast %get3A_1293 : vector<1x512x512xf32> to vector<512x512xf32>
    %dot_general3A_1295 = arith.constant dense<0.000000e+00> : vector<256x512xf32>
    %dot_general3A_1296 = tpu.matmul %max3A_1207, %get3A_1294, %dot_general3A_1295 {dimension_numbers = #tpu.dot_dimension_numbers<[1], [0], [0], [1], [0, 0, 1, 1], [], []>, transpose_lhs_hint = false} : vector<256x512xf32>, vector<512x512xf32>, vector<256x512xf32> -> vector<256x512xf32>
    %get3A_1297 = arith.constant 1 : index
    %get3A_1298 = arith.constant 0 : index
    %get3A_1299 = arith.constant 0 : index
    %get3A_1300 = vector.load %arg12[%get3A_1297, %get3A_1298, %get3A_1299] : memref<3x512x512xf32, #tpu.memory_space<vmem>>, vector<1x512x512xf32>
    %get3A_1301 = vector.shape_cast %get3A_1300 : vector<1x512x512xf32> to vector<512x512xf32>
    %dot_general3A_1302 = arith.constant dense<0.000000e+00> : vector<256x512xf32>
    %dot_general3A_1303 = tpu.matmul %max3A_1210, %get3A_1301, %dot_general3A_1302 {dimension_numbers = #tpu.dot_dimension_numbers<[1], [0], [0], [1], [0, 0, 1, 1], [], []>, transpose_lhs_hint = false} : vector<256x512xf32>, vector<512x512xf32>, vector<256x512xf32> -> vector<256x512xf32>
    %add3A_1304 = arith.addf %dot_general3A_1296, %dot_general3A_1303 : vector<256x512xf32>
    %add3A_1305 = vector.broadcast %get3A_1213 : vector<1x512xf32> to vector<256x512xf32>
    %add3A_1306 = arith.addf %add3A_1304, %add3A_1305 : vector<256x512xf32>
    %max3A_1307 = arith.constant 0.000000e+00 : f32
    %max3A_1308 = vector.broadcast %max3A_1307 : f32 to vector<256x512xf32>
    %max3A_1309 = arith.maximumf %add3A_1306, %max3A_1308 : vector<256x512xf32>
    %get3A_1310 = arith.constant 0 : index
    %get3A_1311 = arith.constant 0 : index
    %get3A_1312 = vector.load %arg15[%get3A_1310, %get3A_1311] : memref<1x512xf32, #tpu.memory_space<vmem>>, vector<1x512xf32>
    %get3A_1313 = arith.constant 0 : index
    %get3A_1314 = arith.constant 0 : index
    %get3A_1315 = arith.constant 0 : index
    %get3A_1316 = vector.load %arg14[%get3A_1313, %get3A_1314, %get3A_1315] : memref<1x512x512xf32, #tpu.memory_space<vmem>>, vector<1x512x512xf32>
    %get3A_1317 = vector.shape_cast %get3A_1316 : vector<1x512x512xf32> to vector<512x512xf32>
    %dot_general3A_1318 = arith.constant dense<0.000000e+00> : vector<256x512xf32>
    %dot_general3A_1319 = tpu.matmul %max3A_1233, %get3A_1317, %dot_general3A_1318 {dimension_numbers = #tpu.dot_dimension_numbers<[1], [0], [0], [1], [0, 0, 1, 1], [], []>, transpose_lhs_hint = false} : vector<256x512xf32>, vector<512x512xf32>, vector<256x512xf32> -> vector<256x512xf32>
    %add3A_1320 = vector.broadcast %get3A_1312 : vector<1x512xf32> to vector<256x512xf32>
    %add3A_1321 = arith.addf %dot_general3A_1319, %add3A_1320 : vector<256x512xf32>
    %get3A_1322 = arith.constant 0 : index
    %get3A_1323 = arith.constant 0 : index
    %get3A_1324 = arith.constant 0 : index
    %get3A_1325 = vector.load %arg14[%get3A_1322, %get3A_1323, %get3A_1324] : memref<1x512x512xf32, #tpu.memory_space<vmem>>, vector<1x512x512xf32>
    %get3A_1326 = vector.shape_cast %get3A_1325 : vector<1x512x512xf32> to vector<512x512xf32>
    %dot_general3A_1327 = arith.constant dense<0.000000e+00> : vector<256x512xf32>
    %dot_general3A_1328 = tpu.matmul %max3A_1261, %get3A_1326, %dot_general3A_1327 {dimension_numbers = #tpu.dot_dimension_numbers<[1], [0], [0], [1], [0, 0, 1, 1], [], []>, transpose_lhs_hint = false} : vector<256x512xf32>, vector<512x512xf32>, vector<256x512xf32> -> vector<256x512xf32>
    %add3A_1329 = vector.broadcast %get3A_1312 : vector<1x512xf32> to vector<256x512xf32>
    %add3A_1330 = arith.addf %dot_general3A_1328, %add3A_1329 : vector<256x512xf32>
    %get3A_1331 = arith.constant 0 : index
    %get3A_1332 = arith.constant 0 : index
    %get3A_1333 = arith.constant 0 : index
    %get3A_1334 = vector.load %arg14[%get3A_1331, %get3A_1332, %get3A_1333] : memref<1x512x512xf32, #tpu.memory_space<vmem>>, vector<1x512x512xf32>
    %get3A_1335 = vector.shape_cast %get3A_1334 : vector<1x512x512xf32> to vector<512x512xf32>
    %dot_general3A_1336 = arith.constant dense<0.000000e+00> : vector<256x512xf32>
    %dot_general3A_1337 = tpu.matmul %max3A_1289, %get3A_1335, %dot_general3A_1336 {dimension_numbers = #tpu.dot_dimension_numbers<[1], [0], [0], [1], [0, 0, 1, 1], [], []>, transpose_lhs_hint = false} : vector<256x512xf32>, vector<512x512xf32>, vector<256x512xf32> -> vector<256x512xf32>
    %add3A_1338 = vector.broadcast %get3A_1312 : vector<1x512xf32> to vector<256x512xf32>
    %add3A_1339 = arith.addf %dot_general3A_1337, %add3A_1338 : vector<256x512xf32>
    %get3A_1340 = arith.constant 0 : index
    %get3A_1341 = arith.constant 0 : index
    %get3A_1342 = arith.constant 0 : index
    %get3A_1343 = vector.load %arg14[%get3A_1340, %get3A_1341, %get3A_1342] : memref<1x512x512xf32, #tpu.memory_space<vmem>>, vector<1x512x512xf32>
    %get3A_1344 = vector.shape_cast %get3A_1343 : vector<1x512x512xf32> to vector<512x512xf32>
    %dot_general3A_1345 = arith.constant dense<0.000000e+00> : vector<256x512xf32>
    %dot_general3A_1346 = tpu.matmul %max3A_1309, %get3A_1344, %dot_general3A_1345 {dimension_numbers = #tpu.dot_dimension_numbers<[1], [0], [0], [1], [0, 0, 1, 1], [], []>, transpose_lhs_hint = false} : vector<256x512xf32>, vector<512x512xf32>, vector<256x512xf32> -> vector<256x512xf32>
    %add3A_1347 = vector.broadcast %get3A_1312 : vector<1x512xf32> to vector<256x512xf32>
    %add3A_1348 = arith.addf %dot_general3A_1346, %add3A_1347 : vector<256x512xf32>
    %add3A_1349 = arith.addf %add3A_1107, %add3A_1321 : vector<256x512xf32>
    %add3A_1350 = arith.addf %add3A_1140, %add3A_1330 : vector<256x512xf32>
    %add3A_1351 = arith.addf %add3A_1173, %add3A_1339 : vector<256x512xf32>
    %add3A_1352 = arith.addf %add3A_1198, %add3A_1348 : vector<256x512xf32>
    %get3A_1353 = arith.constant 0 : index
    %get3A_1354 = arith.constant 0 : index
    %get3A_1355 = vector.load %arg17[%get3A_1353, %get3A_1354] : memref<1x512xf32, #tpu.memory_space<vmem>>, vector<1x512xf32>
    %get3A_1356 = arith.constant 1 : index
    %get3A_1357 = arith.constant 0 : index
    %get3A_1358 = arith.constant 0 : index
    %get3A_1359 = vector.load %arg16[%get3A_1356, %get3A_1357, %get3A_1358] : memref<3x512x512xf32, #tpu.memory_space<vmem>>, vector<1x512x512xf32>
    %get3A_1360 = vector.shape_cast %get3A_1359 : vector<1x512x512xf32> to vector<512x512xf32>
    %dot_general3A_1361 = arith.constant dense<0.000000e+00> : vector<256x512xf32>
    %dot_general3A_1362 = tpu.matmul %add3A_1349, %get3A_1360, %dot_general3A_1361 {dimension_numbers = #tpu.dot_dimension_numbers<[1], [0], [0], [1], [0, 0, 1, 1], [], []>, transpose_lhs_hint = false} : vector<256x512xf32>, vector<512x512xf32>, vector<256x512xf32> -> vector<256x512xf32>
    %get3A_1363 = arith.constant 2 : index
    %get3A_1364 = arith.constant 0 : index
    %get3A_1365 = arith.constant 0 : index
    %get3A_1366 = vector.load %arg16[%get3A_1363, %get3A_1364, %get3A_1365] : memref<3x512x512xf32, #tpu.memory_space<vmem>>, vector<1x512x512xf32>
    %get3A_1367 = vector.shape_cast %get3A_1366 : vector<1x512x512xf32> to vector<512x512xf32>
    %dot_general3A_1368 = arith.constant dense<0.000000e+00> : vector<256x512xf32>
    %dot_general3A_1369 = tpu.matmul %add3A_1350, %get3A_1367, %dot_general3A_1368 {dimension_numbers = #tpu.dot_dimension_numbers<[1], [0], [0], [1], [0, 0, 1, 1], [], []>, transpose_lhs_hint = false} : vector<256x512xf32>, vector<512x512xf32>, vector<256x512xf32> -> vector<256x512xf32>
    %add3A_1370 = arith.addf %dot_general3A_1362, %dot_general3A_1369 : vector<256x512xf32>
    %add3A_1371 = vector.broadcast %get3A_1355 : vector<1x512xf32> to vector<256x512xf32>
    %add3A_1372 = arith.addf %add3A_1370, %add3A_1371 : vector<256x512xf32>
    %get3A_1373 = arith.constant 0 : index
    %get3A_1374 = arith.constant 0 : index
    %get3A_1375 = arith.constant 0 : index
    %get3A_1376 = vector.load %arg16[%get3A_1373, %get3A_1374, %get3A_1375] : memref<3x512x512xf32, #tpu.memory_space<vmem>>, vector<1x512x512xf32>
    %get3A_1377 = vector.shape_cast %get3A_1376 : vector<1x512x512xf32> to vector<512x512xf32>
    %dot_general3A_1378 = arith.constant dense<0.000000e+00> : vector<256x512xf32>
    %dot_general3A_1379 = tpu.matmul %add3A_1349, %get3A_1377, %dot_general3A_1378 {dimension_numbers = #tpu.dot_dimension_numbers<[1], [0], [0], [1], [0, 0, 1, 1], [], []>, transpose_lhs_hint = false} : vector<256x512xf32>, vector<512x512xf32>, vector<256x512xf32> -> vector<256x512xf32>
    %get3A_1380 = arith.constant 1 : index
    %get3A_1381 = arith.constant 0 : index
    %get3A_1382 = arith.constant 0 : index
    %get3A_1383 = vector.load %arg16[%get3A_1380, %get3A_1381, %get3A_1382] : memref<3x512x512xf32, #tpu.memory_space<vmem>>, vector<1x512x512xf32>
    %get3A_1384 = vector.shape_cast %get3A_1383 : vector<1x512x512xf32> to vector<512x512xf32>
    %dot_general3A_1385 = arith.constant dense<0.000000e+00> : vector<256x512xf32>
    %dot_general3A_1386 = tpu.matmul %add3A_1350, %get3A_1384, %dot_general3A_1385 {dimension_numbers = #tpu.dot_dimension_numbers<[1], [0], [0], [1], [0, 0, 1, 1], [], []>, transpose_lhs_hint = false} : vector<256x512xf32>, vector<512x512xf32>, vector<256x512xf32> -> vector<256x512xf32>
    %add3A_1387 = arith.addf %dot_general3A_1379, %dot_general3A_1386 : vector<256x512xf32>
    %get3A_1388 = arith.constant 2 : index
    %get3A_1389 = arith.constant 0 : index
    %get3A_1390 = arith.constant 0 : index
    %get3A_1391 = vector.load %arg16[%get3A_1388, %get3A_1389, %get3A_1390] : memref<3x512x512xf32, #tpu.memory_space<vmem>>, vector<1x512x512xf32>
    %get3A_1392 = vector.shape_cast %get3A_1391 : vector<1x512x512xf32> to vector<512x512xf32>
    %dot_general3A_1393 = arith.constant dense<0.000000e+00> : vector<256x512xf32>
    %dot_general3A_1394 = tpu.matmul %add3A_1351, %get3A_1392, %dot_general3A_1393 {dimension_numbers = #tpu.dot_dimension_numbers<[1], [0], [0], [1], [0, 0, 1, 1], [], []>, transpose_lhs_hint = false} : vector<256x512xf32>, vector<512x512xf32>, vector<256x512xf32> -> vector<256x512xf32>
    %add3A_1395 = arith.addf %add3A_1387, %dot_general3A_1394 : vector<256x512xf32>
    %add3A_1396 = vector.broadcast %get3A_1355 : vector<1x512xf32> to vector<256x512xf32>
    %add3A_1397 = arith.addf %add3A_1395, %add3A_1396 : vector<256x512xf32>
    %get3A_1398 = arith.constant 0 : index
    %get3A_1399 = arith.constant 0 : index
    %get3A_1400 = arith.constant 0 : index
    %get3A_1401 = vector.load %arg16[%get3A_1398, %get3A_1399, %get3A_1400] : memref<3x512x512xf32, #tpu.memory_space<vmem>>, vector<1x512x512xf32>
    %get3A_1402 = vector.shape_cast %get3A_1401 : vector<1x512x512xf32> to vector<512x512xf32>
    %dot_general3A_1403 = arith.constant dense<0.000000e+00> : vector<256x512xf32>
    %dot_general3A_1404 = tpu.matmul %add3A_1350, %get3A_1402, %dot_general3A_1403 {dimension_numbers = #tpu.dot_dimension_numbers<[1], [0], [0], [1], [0, 0, 1, 1], [], []>, transpose_lhs_hint = false} : vector<256x512xf32>, vector<512x512xf32>, vector<256x512xf32> -> vector<256x512xf32>
    %get3A_1405 = arith.constant 1 : index
    %get3A_1406 = arith.constant 0 : index
    %get3A_1407 = arith.constant 0 : index
    %get3A_1408 = vector.load %arg16[%get3A_1405, %get3A_1406, %get3A_1407] : memref<3x512x512xf32, #tpu.memory_space<vmem>>, vector<1x512x512xf32>
    %get3A_1409 = vector.shape_cast %get3A_1408 : vector<1x512x512xf32> to vector<512x512xf32>
    %dot_general3A_1410 = arith.constant dense<0.000000e+00> : vector<256x512xf32>
    %dot_general3A_1411 = tpu.matmul %add3A_1351, %get3A_1409, %dot_general3A_1410 {dimension_numbers = #tpu.dot_dimension_numbers<[1], [0], [0], [1], [0, 0, 1, 1], [], []>, transpose_lhs_hint = false} : vector<256x512xf32>, vector<512x512xf32>, vector<256x512xf32> -> vector<256x512xf32>
    %add3A_1412 = arith.addf %dot_general3A_1404, %dot_general3A_1411 : vector<256x512xf32>
    %get3A_1413 = arith.constant 2 : index
    %get3A_1414 = arith.constant 0 : index
    %get3A_1415 = arith.constant 0 : index
    %get3A_1416 = vector.load %arg16[%get3A_1413, %get3A_1414, %get3A_1415] : memref<3x512x512xf32, #tpu.memory_space<vmem>>, vector<1x512x512xf32>
    %get3A_1417 = vector.shape_cast %get3A_1416 : vector<1x512x512xf32> to vector<512x512xf32>
    %dot_general3A_1418 = arith.constant dense<0.000000e+00> : vector<256x512xf32>
    %dot_general3A_1419 = tpu.matmul %add3A_1352, %get3A_1417, %dot_general3A_1418 {dimension_numbers = #tpu.dot_dimension_numbers<[1], [0], [0], [1], [0, 0, 1, 1], [], []>, transpose_lhs_hint = false} : vector<256x512xf32>, vector<512x512xf32>, vector<256x512xf32> -> vector<256x512xf32>
    %add3A_1420 = arith.addf %add3A_1412, %dot_general3A_1419 : vector<256x512xf32>
    %add3A_1421 = vector.broadcast %get3A_1355 : vector<1x512xf32> to vector<256x512xf32>
    %add3A_1422 = arith.addf %add3A_1420, %add3A_1421 : vector<256x512xf32>
    %get3A_1423 = arith.constant 0 : index
    %get3A_1424 = arith.constant 0 : index
    %get3A_1425 = arith.constant 0 : index
    %get3A_1426 = vector.load %arg16[%get3A_1423, %get3A_1424, %get3A_1425] : memref<3x512x512xf32, #tpu.memory_space<vmem>>, vector<1x512x512xf32>
    %get3A_1427 = vector.shape_cast %get3A_1426 : vector<1x512x512xf32> to vector<512x512xf32>
    %dot_general3A_1428 = arith.constant dense<0.000000e+00> : vector<256x512xf32>
    %dot_general3A_1429 = tpu.matmul %add3A_1351, %get3A_1427, %dot_general3A_1428 {dimension_numbers = #tpu.dot_dimension_numbers<[1], [0], [0], [1], [0, 0, 1, 1], [], []>, transpose_lhs_hint = false} : vector<256x512xf32>, vector<512x512xf32>, vector<256x512xf32> -> vector<256x512xf32>
    %get3A_1430 = arith.constant 1 : index
    %get3A_1431 = arith.constant 0 : index
    %get3A_1432 = arith.constant 0 : index
    %get3A_1433 = vector.load %arg16[%get3A_1430, %get3A_1431, %get3A_1432] : memref<3x512x512xf32, #tpu.memory_space<vmem>>, vector<1x512x512xf32>
    %get3A_1434 = vector.shape_cast %get3A_1433 : vector<1x512x512xf32> to vector<512x512xf32>
    %dot_general3A_1435 = arith.constant dense<0.000000e+00> : vector<256x512xf32>
    %dot_general3A_1436 = tpu.matmul %add3A_1352, %get3A_1434, %dot_general3A_1435 {dimension_numbers = #tpu.dot_dimension_numbers<[1], [0], [0], [1], [0, 0, 1, 1], [], []>, transpose_lhs_hint = false} : vector<256x512xf32>, vector<512x512xf32>, vector<256x512xf32> -> vector<256x512xf32>
    %add3A_1437 = arith.addf %dot_general3A_1429, %dot_general3A_1436 : vector<256x512xf32>
    %add3A_1438 = vector.broadcast %get3A_1355 : vector<1x512xf32> to vector<256x512xf32>
    %add3A_1439 = arith.addf %add3A_1437, %add3A_1438 : vector<256x512xf32>
    %swap3A = arith.constant 0 : index
    %swap3A_1440 = arith.constant 0 : index
    %swap3A_1441 = arith.constant 0 : index
    %swap3A_1442 = vector.load %arg18[%swap3A, %swap3A_1440, %swap3A_1441] : memref<4x256x512xf32, #tpu.memory_space<vmem>>, vector<1x256x512xf32>
    %swap3A_1443 = vector.shape_cast %swap3A_1442 : vector<1x256x512xf32> to vector<256x512xf32>
    %swap3A_1444 = vector.shape_cast %add3A_1372 : vector<256x512xf32> to vector<1x256x512xf32>
    tpu.vector_store %arg18[%swap3A, %swap3A_1440, %swap3A_1441], %swap3A_1444 {strides = array<i32>} : memref<4x256x512xf32, #tpu.memory_space<vmem>>, vector<1x256x512xf32>,
    %swap3A_1445 = arith.constant 1 : index
    %swap3A_1446 = arith.constant 0 : index
    %swap3A_1447 = arith.constant 0 : index
    %swap3A_1448 = vector.load %arg18[%swap3A_1445, %swap3A_1446, %swap3A_1447] : memref<4x256x512xf32, #tpu.memory_space<vmem>>, vector<1x256x512xf32>
    %swap3A_1449 = vector.shape_cast %swap3A_1448 : vector<1x256x512xf32> to vector<256x512xf32>
    %swap3A_1450 = vector.shape_cast %add3A_1397 : vector<256x512xf32> to vector<1x256x512xf32>
    tpu.vector_store %arg18[%swap3A_1445, %swap3A_1446, %swap3A_1447], %swap3A_1450 {strides = array<i32>} : memref<4x256x512xf32, #tpu.memory_space<vmem>>, vector<1x256x512xf32>,
    %swap3A_1451 = arith.constant 2 : index
    %swap3A_1452 = arith.constant 0 : index
    %swap3A_1453 = arith.constant 0 : index
    %swap3A_1454 = vector.load %arg18[%swap3A_1451, %swap3A_1452, %swap3A_1453] : memref<4x256x512xf32, #tpu.memory_space<vmem>>, vector<1x256x512xf32>
    %swap3A_1455 = vector.shape_cast %swap3A_1454 : vector<1x256x512xf32> to vector<256x512xf32>
    %swap3A_1456 = vector.shape_cast %add3A_1422 : vector<256x512xf32> to vector<1x256x512xf32>
    tpu.vector_store %arg18[%swap3A_1451, %swap3A_1452, %swap3A_1453], %swap3A_1456 {strides = array<i32>} : memref<4x256x512xf32, #tpu.memory_space<vmem>>, vector<1x256x512xf32>,
    %swap3A_1457 = arith.constant 3 : index
    %swap3A_1458 = arith.constant 0 : index
    %swap3A_1459 = arith.constant 0 : index
    %swap3A_1460 = vector.load %arg18[%swap3A_1457, %swap3A_1458, %swap3A_1459] : memref<4x256x512xf32, #tpu.memory_space<vmem>>, vector<1x256x512xf32>
    %swap3A_1461 = vector.shape_cast %swap3A_1460 : vector<1x256x512xf32> to vector<256x512xf32>
    %swap3A_1462 = vector.shape_cast %add3A_1439 : vector<256x512xf32> to vector<1x256x512xf32>
    tpu.vector_store %arg18[%swap3A_1457, %swap3A_1458, %swap3A_1459], %swap3A_1462 {strides = array<i32>} : memref<4x256x512xf32, #tpu.memory_space<vmem>>, vector<1x256x512xf32>,
    return
  }
  func.func @transform_0(%arg0: i32) -> (i32, i32, i32) {
    %c0_i32 = arith.constant 0 : i32
    %c0_i32_0 = arith.constant 0 : i32
    %c0_i32_1 = arith.constant 0 : i32
    return %arg0, %c0_i32, %c0_i32_0 : i32, i32, i32
  }
  func.func @transform_1(%arg0: i32) -> (i32, i32, i32) {
    %c0_i32 = arith.constant 0 : i32
    %c0_i32_0 = arith.constant 0 : i32
    %c0_i32_1 = arith.constant 0 : i32
    %c0_i32_2 = arith.constant 0 : i32
    return %c0_i32, %c0_i32_0, %c0_i32_1 : i32, i32, i32
  }
  func.func @transform_2(%arg0: i32) -> (i32, i32) {
    %c0_i32 = arith.constant 0 : i32
    %c0_i32_0 = arith.constant 0 : i32
    %c0_i32_1 = arith.constant 0 : i32
    return %c0_i32, %c0_i32_0 : i32, i32
  }
  func.func @transform_3(%arg0: i32) -> (i32, i32, i32) {
    %c0_i32 = arith.constant 0 : i32
    %c0_i32_0 = arith.constant 0 : i32
    %c0_i32_1 = arith.constant 0 : i32
    %c0_i32_2 = arith.constant 0 : i32
    return %c0_i32, %c0_i32_0, %c0_i32_1 : i32, i32, i32
  }
  func.func @transform_4(%arg0: i32) -> (i32, i32) {
    %c0_i32 = arith.constant 0 : i32
    %c0_i32_0 = arith.constant 0 : i32
    %c0_i32_1 = arith.constant 0 : i32
    return %c0_i32, %c0_i32_0 : i32, i32
  }
  func.func @transform_5(%arg0: i32) -> (i32, i32, i32) {
    %c0_i32 = arith.constant 0 : i32
    %c0_i32_0 = arith.constant 0 : i32
    %c0_i32_1 = arith.constant 0 : i32
    %c0_i32_2 = arith.constant 0 : i32
    return %c0_i32, %c0_i32_0, %c0_i32_1 : i32, i32, i32
  }
  func.func @transform_6(%arg0: i32) -> (i32, i32) {
    %c0_i32 = arith.constant 0 : i32
    %c0_i32_0 = arith.constant 0 : i32
    %c0_i32_1 = arith.constant 0 : i32
    return %c0_i32, %c0_i32_0 : i32, i32
  }
  func.func @transform_7(%arg0: i32) -> (i32, i32, i32) {
    %c0_i32 = arith.constant 0 : i32
    %c0_i32_0 = arith.constant 0 : i32
    %c0_i32_1 = arith.constant 0 : i32
    %c0_i32_2 = arith.constant 0 : i32
    return %c0_i32, %c0_i32_0, %c0_i32_1 : i32, i32, i32
  }
  func.func @transform_8(%arg0: i32) -> (i32, i32) {
    %c0_i32 = arith.constant 0 : i32
    %c0_i32_0 = arith.constant 0 : i32
    %c0_i32_1 = arith.constant 0 : i32
    return %c0_i32, %c0_i32_0 : i32, i32
  }
  func.func @transform_9(%arg0: i32) -> (i32, i32, i32) {
    %c0_i32 = arith.constant 0 : i32
    %c0_i32_0 = arith.constant 0 : i32
    %c0_i32_1 = arith.constant 0 : i32
    %c0_i32_2 = arith.constant 0 : i32
    return %c0_i32, %c0_i32_0, %c0_i32_1 : i32, i32, i32
  }
  func.func @transform_10(%arg0: i32) -> (i32, i32) {
    %c0_i32 = arith.constant 0 : i32
    %c0_i32_0 = arith.constant 0 : i32
    %c0_i32_1 = arith.constant 0 : i32
    return %c0_i32, %c0_i32_0 : i32, i32
  }
  func.func @transform_11(%arg0: i32) -> (i32, i32, i32) {
    %c0_i32 = arith.constant 0 : i32
    %c0_i32_0 = arith.constant 0 : i32
    %c0_i32_1 = arith.constant 0 : i32
    %c0_i32_2 = arith.constant 0 : i32
    return %c0_i32, %c0_i32_0, %c0_i32_1 : i32, i32, i32
  }
  func.func @transform_12(%arg0: i32) -> (i32, i32) {
    %c0_i32 = arith.constant 0 : i32
    %c0_i32_0 = arith.constant 0 : i32
    %c0_i32_1 = arith.constant 0 : i32
    return %c0_i32, %c0_i32_0 : i32, i32
  }
  func.func @transform_13(%arg0: i32) -> (i32, i32, i32) {
    %c0_i32 = arith.constant 0 : i32
    %c0_i32_0 = arith.constant 0 : i32
    %c0_i32_1 = arith.constant 0 : i32
    %c0_i32_2 = arith.constant 0 : i32
    return %c0_i32, %c0_i32_0, %c0_i32_1 : i32, i32, i32
  }
  func.func @transform_14(%arg0: i32) -> (i32, i32) {
    %c0_i32 = arith.constant 0 : i32
    %c0_i32_0 = arith.constant 0 : i32
    %c0_i32_1 = arith.constant 0 : i32
    return %c0_i32, %c0_i32_0 : i32, i32
  }
  func.func @transform_15(%arg0: i32) -> (i32, i32, i32) {
    %c0_i32 = arith.constant 0 : i32
    %c0_i32_0 = arith.constant 0 : i32
    %c0_i32_1 = arith.constant 0 : i32
    %c0_i32_2 = arith.constant 0 : i32
    return %c0_i32, %c0_i32_0, %c0_i32_1 : i32, i32, i32
  }
  func.func @transform_16(%arg0: i32) -> (i32, i32) {
    %c0_i32 = arith.constant 0 : i32
    %c0_i32_0 = arith.constant 0 : i32
    %c0_i32_1 = arith.constant 0 : i32
    return %c0_i32, %c0_i32_0 : i32, i32
  }
  func.func @transform_17(%arg0: i32) -> (i32, i32, i32) {
    %c0_i32 = arith.constant 0 : i32
    %c0_i32_0 = arith.constant 0 : i32
    %c0_i32_1 = arith.constant 0 : i32
    return %c0_i32, %arg0, %c0_i32_0 : i32, i32, i32
  }
}

module attributes {stable_mosaic.version = 14 : i64} {
  func.func @_quant_body(%arg0: i32, %arg1: memref<512x512xf32, #tpu.memory_space<vmem>>, %arg2: memref<8192x512xf32, #tpu.memory_space<vmem>>, %arg3: memref<512x1xi32, #tpu.memory_space<vmem>>) attributes {dimension_semantics = [#tpu.dimension_semantics<arbitrary>], iteration_bounds = array<i64: 8>, scalar_prefetch = 0 : i64, scratch_operands = 0 : i64, tpu.core_type = #tpu.core_type<tc>, window_params = [{transform_indices = @transform_0, window_bounds = array<i64: 512, 512>}, {pipeline_mode = #tpu.pipeline_mode<synchronous>, transform_indices = @transform_1, window_bounds = array<i64: 8192, 512>}, {transform_indices = @transform_2, window_bounds = array<i64: 512, 1>}]} {
    %get3A = arith.constant 0 : index
    %get3A_0 = arith.constant 0 : index
    %get3A_1 = vector.load %arg1[%get3A, %get3A_0] : memref<512x512xf32, #tpu.memory_space<vmem>>, vector<512x512xf32>
    %broadcast_in_dim3A = arith.constant 1.000000e+00 : f32
    %broadcast_in_dim3A_2 = vector.broadcast %broadcast_in_dim3A : f32 to vector<1x512xf32>
    %broadcast_in_dim3A_3 = arith.constant 0x7F800000 : f32
    %broadcast_in_dim3A_4 = vector.broadcast %broadcast_in_dim3A_3 : f32 to vector<512x1xf32>
    %broadcast_in_dim3A_5 = arith.constant 0 : i32
    %broadcast_in_dim3A_6 = vector.broadcast %broadcast_in_dim3A_5 : i32 to vector<512x1xi32>
    %iota3A = tpu.iota {dimensions = array<i32: 1>} : vector<512x1024xi32>
    %get3A_7 = arith.constant 0 : index
    %get3A_8 = arith.constant 0 : index
    %get3A_9 = vector.load %arg2[%get3A_7, %get3A_8] : memref<8192x512xf32, #tpu.memory_space<vmem>>, vector<1024x512xf32>
    %mul3A = arith.mulf %get3A_9, %get3A_9 : vector<1024x512xf32>
    %dot_general3A = arith.constant dense<0.000000e+00> : vector<1x1024xf32>
    %dot_general3A_10 = tpu.matmul %broadcast_in_dim3A_2, %mul3A, %dot_general3A {dimension_numbers = #tpu.dot_dimension_numbers<[1], [1], [0], [0], [0, 0, 1, 0], [], []>, transpose_lhs_hint = false} : vector<1x512xf32>, vector<1024x512xf32>, vector<1x1024xf32> -> vector<1x1024xf32>
    %dot_general3A_11 = arith.constant dense<0.000000e+00> : vector<512x1024xf32>
    %dot_general3A_12 = tpu.matmul %get3A_1, %get3A_9, %dot_general3A_11 {dimension_numbers = #tpu.dot_dimension_numbers<[1], [1], [0], [0], [0, 0, 1, 0], [], []>, transpose_lhs_hint = false} : vector<512x512xf32>, vector<1024x512xf32>, vector<512x1024xf32> -> vector<512x1024xf32>
    %mul3A_13 = arith.constant 2.000000e+00 : f32
    %mul3A_14 = vector.broadcast %mul3A_13 : f32 to vector<512x1024xf32>
    %mul3A_15 = arith.mulf %mul3A_14, %dot_general3A_12 : vector<512x1024xf32>
    %sub3A = vector.broadcast %dot_general3A_10 : vector<1x1024xf32> to vector<512x1024xf32>
    %sub3A_16 = arith.subf %sub3A, %mul3A_15 : vector<512x1024xf32>
    %reduce_min3A = arith.constant dense<0x7F800000> : vector<512xf32>
    %reduce_min3A_17 = vector.multi_reduction <minimumf>, %sub3A_16, %reduce_min3A [1] : vector<512x1024xf32> to vector<512xf32>
    %broadcast_in_dim3A_18 = vector.shape_cast %reduce_min3A_17 : vector<512xf32> to vector<512x1xf32>
    %eq3A = vector.broadcast %broadcast_in_dim3A_18 : vector<512x1xf32> to vector<512x1024xf32>
    %eq3A_19 = arith.cmpf oeq, %sub3A_16, %eq3A : vector<512x1024xf32>
    %jit3A = arith.constant 1024 : i32
    %broadcast_in_dim3A_20 = vector.broadcast %jit3A : i32 to vector<512x1024xi32>
    %select_n3A = arith.select %eq3A_19, %iota3A, %broadcast_in_dim3A_20 : vector<512x1024xi1>, vector<512x1024xi32>
    %reduce_min3A_21 = arith.constant dense<2147483647> : vector<512xi32>
    %reduce_min3A_22 = vector.multi_reduction <minsi>, %select_n3A, %reduce_min3A_21 [1] : vector<512x1024xi32> to vector<512xi32>
    %broadcast_in_dim3A_23 = vector.shape_cast %reduce_min3A_22 : vector<512xi32> to vector<512x1xi32>
    %add3A = arith.constant 0 : i32
    %add3A_24 = vector.broadcast %add3A : i32 to vector<512x1xi32>
    %add3A_25 = arith.addi %broadcast_in_dim3A_23, %add3A_24 : vector<512x1xi32>
    %lt3A = arith.cmpf olt, %broadcast_in_dim3A_18, %broadcast_in_dim3A_4 : vector<512x1xf32>
    %select_n3A_26 = arith.select %lt3A, %broadcast_in_dim3A_18, %broadcast_in_dim3A_4 : vector<512x1xi1>, vector<512x1xf32>
    %select_n3A_27 = arith.select %lt3A, %add3A_25, %broadcast_in_dim3A_6 : vector<512x1xi1>, vector<512x1xi32>
    %get3A_28 = arith.constant 1024 : index
    %get3A_29 = arith.constant 0 : index
    %get3A_30 = vector.load %arg2[%get3A_28, %get3A_29] : memref<8192x512xf32, #tpu.memory_space<vmem>>, vector<1024x512xf32>
    %mul3A_31 = arith.mulf %get3A_30, %get3A_30 : vector<1024x512xf32>
    %dot_general3A_32 = arith.constant dense<0.000000e+00> : vector<1x1024xf32>
    %dot_general3A_33 = tpu.matmul %broadcast_in_dim3A_2, %mul3A_31, %dot_general3A_32 {dimension_numbers = #tpu.dot_dimension_numbers<[1], [1], [0], [0], [0, 0, 1, 0], [], []>, transpose_lhs_hint = false} : vector<1x512xf32>, vector<1024x512xf32>, vector<1x1024xf32> -> vector<1x1024xf32>
    %dot_general3A_34 = arith.constant dense<0.000000e+00> : vector<512x1024xf32>
    %dot_general3A_35 = tpu.matmul %get3A_1, %get3A_30, %dot_general3A_34 {dimension_numbers = #tpu.dot_dimension_numbers<[1], [1], [0], [0], [0, 0, 1, 0], [], []>, transpose_lhs_hint = false} : vector<512x512xf32>, vector<1024x512xf32>, vector<512x1024xf32> -> vector<512x1024xf32>
    %mul3A_36 = arith.constant 2.000000e+00 : f32
    %mul3A_37 = vector.broadcast %mul3A_36 : f32 to vector<512x1024xf32>
    %mul3A_38 = arith.mulf %mul3A_37, %dot_general3A_35 : vector<512x1024xf32>
    %sub3A_39 = vector.broadcast %dot_general3A_33 : vector<1x1024xf32> to vector<512x1024xf32>
    %sub3A_40 = arith.subf %sub3A_39, %mul3A_38 : vector<512x1024xf32>
    %reduce_min3A_41 = arith.constant dense<0x7F800000> : vector<512xf32>
    %reduce_min3A_42 = vector.multi_reduction <minimumf>, %sub3A_40, %reduce_min3A_41 [1] : vector<512x1024xf32> to vector<512xf32>
    %broadcast_in_dim3A_43 = vector.shape_cast %reduce_min3A_42 : vector<512xf32> to vector<512x1xf32>
    %eq3A_44 = vector.broadcast %broadcast_in_dim3A_43 : vector<512x1xf32> to vector<512x1024xf32>
    %eq3A_45 = arith.cmpf oeq, %sub3A_40, %eq3A_44 : vector<512x1024xf32>
    %jit3A_46 = arith.constant 1024 : i32
    %broadcast_in_dim3A_47 = vector.broadcast %jit3A_46 : i32 to vector<512x1024xi32>
    %select_n3A_48 = arith.select %eq3A_45, %iota3A, %broadcast_in_dim3A_47 : vector<512x1024xi1>, vector<512x1024xi32>
    %reduce_min3A_49 = arith.constant dense<2147483647> : vector<512xi32>
    %reduce_min3A_50 = vector.multi_reduction <minsi>, %select_n3A_48, %reduce_min3A_49 [1] : vector<512x1024xi32> to vector<512xi32>
    %broadcast_in_dim3A_51 = vector.shape_cast %reduce_min3A_50 : vector<512xi32> to vector<512x1xi32>
    %add3A_52 = arith.constant 1024 : i32
    %add3A_53 = vector.broadcast %add3A_52 : i32 to vector<512x1xi32>
    %add3A_54 = arith.addi %broadcast_in_dim3A_51, %add3A_53 : vector<512x1xi32>
    %lt3A_55 = arith.cmpf olt, %broadcast_in_dim3A_43, %select_n3A_26 : vector<512x1xf32>
    %select_n3A_56 = arith.select %lt3A_55, %broadcast_in_dim3A_43, %select_n3A_26 : vector<512x1xi1>, vector<512x1xf32>
    %select_n3A_57 = arith.select %lt3A_55, %add3A_54, %select_n3A_27 : vector<512x1xi1>, vector<512x1xi32>
    %get3A_58 = arith.constant 2048 : index
    %get3A_59 = arith.constant 0 : index
    %get3A_60 = vector.load %arg2[%get3A_58, %get3A_59] : memref<8192x512xf32, #tpu.memory_space<vmem>>, vector<1024x512xf32>
    %mul3A_61 = arith.mulf %get3A_60, %get3A_60 : vector<1024x512xf32>
    %dot_general3A_62 = arith.constant dense<0.000000e+00> : vector<1x1024xf32>
    %dot_general3A_63 = tpu.matmul %broadcast_in_dim3A_2, %mul3A_61, %dot_general3A_62 {dimension_numbers = #tpu.dot_dimension_numbers<[1], [1], [0], [0], [0, 0, 1, 0], [], []>, transpose_lhs_hint = false} : vector<1x512xf32>, vector<1024x512xf32>, vector<1x1024xf32> -> vector<1x1024xf32>
    %dot_general3A_64 = arith.constant dense<0.000000e+00> : vector<512x1024xf32>
    %dot_general3A_65 = tpu.matmul %get3A_1, %get3A_60, %dot_general3A_64 {dimension_numbers = #tpu.dot_dimension_numbers<[1], [1], [0], [0], [0, 0, 1, 0], [], []>, transpose_lhs_hint = false} : vector<512x512xf32>, vector<1024x512xf32>, vector<512x1024xf32> -> vector<512x1024xf32>
    %mul3A_66 = arith.constant 2.000000e+00 : f32
    %mul3A_67 = vector.broadcast %mul3A_66 : f32 to vector<512x1024xf32>
    %mul3A_68 = arith.mulf %mul3A_67, %dot_general3A_65 : vector<512x1024xf32>
    %sub3A_69 = vector.broadcast %dot_general3A_63 : vector<1x1024xf32> to vector<512x1024xf32>
    %sub3A_70 = arith.subf %sub3A_69, %mul3A_68 : vector<512x1024xf32>
    %reduce_min3A_71 = arith.constant dense<0x7F800000> : vector<512xf32>
    %reduce_min3A_72 = vector.multi_reduction <minimumf>, %sub3A_70, %reduce_min3A_71 [1] : vector<512x1024xf32> to vector<512xf32>
    %broadcast_in_dim3A_73 = vector.shape_cast %reduce_min3A_72 : vector<512xf32> to vector<512x1xf32>
    %eq3A_74 = vector.broadcast %broadcast_in_dim3A_73 : vector<512x1xf32> to vector<512x1024xf32>
    %eq3A_75 = arith.cmpf oeq, %sub3A_70, %eq3A_74 : vector<512x1024xf32>
    %jit3A_76 = arith.constant 1024 : i32
    %broadcast_in_dim3A_77 = vector.broadcast %jit3A_76 : i32 to vector<512x1024xi32>
    %select_n3A_78 = arith.select %eq3A_75, %iota3A, %broadcast_in_dim3A_77 : vector<512x1024xi1>, vector<512x1024xi32>
    %reduce_min3A_79 = arith.constant dense<2147483647> : vector<512xi32>
    %reduce_min3A_80 = vector.multi_reduction <minsi>, %select_n3A_78, %reduce_min3A_79 [1] : vector<512x1024xi32> to vector<512xi32>
    %broadcast_in_dim3A_81 = vector.shape_cast %reduce_min3A_80 : vector<512xi32> to vector<512x1xi32>
    %add3A_82 = arith.constant 2048 : i32
    %add3A_83 = vector.broadcast %add3A_82 : i32 to vector<512x1xi32>
    %add3A_84 = arith.addi %broadcast_in_dim3A_81, %add3A_83 : vector<512x1xi32>
    %lt3A_85 = arith.cmpf olt, %broadcast_in_dim3A_73, %select_n3A_56 : vector<512x1xf32>
    %select_n3A_86 = arith.select %lt3A_85, %broadcast_in_dim3A_73, %select_n3A_56 : vector<512x1xi1>, vector<512x1xf32>
    %select_n3A_87 = arith.select %lt3A_85, %add3A_84, %select_n3A_57 : vector<512x1xi1>, vector<512x1xi32>
    %get3A_88 = arith.constant 3072 : index
    %get3A_89 = arith.constant 0 : index
    %get3A_90 = vector.load %arg2[%get3A_88, %get3A_89] : memref<8192x512xf32, #tpu.memory_space<vmem>>, vector<1024x512xf32>
    %mul3A_91 = arith.mulf %get3A_90, %get3A_90 : vector<1024x512xf32>
    %dot_general3A_92 = arith.constant dense<0.000000e+00> : vector<1x1024xf32>
    %dot_general3A_93 = tpu.matmul %broadcast_in_dim3A_2, %mul3A_91, %dot_general3A_92 {dimension_numbers = #tpu.dot_dimension_numbers<[1], [1], [0], [0], [0, 0, 1, 0], [], []>, transpose_lhs_hint = false} : vector<1x512xf32>, vector<1024x512xf32>, vector<1x1024xf32> -> vector<1x1024xf32>
    %dot_general3A_94 = arith.constant dense<0.000000e+00> : vector<512x1024xf32>
    %dot_general3A_95 = tpu.matmul %get3A_1, %get3A_90, %dot_general3A_94 {dimension_numbers = #tpu.dot_dimension_numbers<[1], [1], [0], [0], [0, 0, 1, 0], [], []>, transpose_lhs_hint = false} : vector<512x512xf32>, vector<1024x512xf32>, vector<512x1024xf32> -> vector<512x1024xf32>
    %mul3A_96 = arith.constant 2.000000e+00 : f32
    %mul3A_97 = vector.broadcast %mul3A_96 : f32 to vector<512x1024xf32>
    %mul3A_98 = arith.mulf %mul3A_97, %dot_general3A_95 : vector<512x1024xf32>
    %sub3A_99 = vector.broadcast %dot_general3A_93 : vector<1x1024xf32> to vector<512x1024xf32>
    %sub3A_100 = arith.subf %sub3A_99, %mul3A_98 : vector<512x1024xf32>
    %reduce_min3A_101 = arith.constant dense<0x7F800000> : vector<512xf32>
    %reduce_min3A_102 = vector.multi_reduction <minimumf>, %sub3A_100, %reduce_min3A_101 [1] : vector<512x1024xf32> to vector<512xf32>
    %broadcast_in_dim3A_103 = vector.shape_cast %reduce_min3A_102 : vector<512xf32> to vector<512x1xf32>
    %eq3A_104 = vector.broadcast %broadcast_in_dim3A_103 : vector<512x1xf32> to vector<512x1024xf32>
    %eq3A_105 = arith.cmpf oeq, %sub3A_100, %eq3A_104 : vector<512x1024xf32>
    %jit3A_106 = arith.constant 1024 : i32
    %broadcast_in_dim3A_107 = vector.broadcast %jit3A_106 : i32 to vector<512x1024xi32>
    %select_n3A_108 = arith.select %eq3A_105, %iota3A, %broadcast_in_dim3A_107 : vector<512x1024xi1>, vector<512x1024xi32>
    %reduce_min3A_109 = arith.constant dense<2147483647> : vector<512xi32>
    %reduce_min3A_110 = vector.multi_reduction <minsi>, %select_n3A_108, %reduce_min3A_109 [1] : vector<512x1024xi32> to vector<512xi32>
    %broadcast_in_dim3A_111 = vector.shape_cast %reduce_min3A_110 : vector<512xi32> to vector<512x1xi32>
    %add3A_112 = arith.constant 3072 : i32
    %add3A_113 = vector.broadcast %add3A_112 : i32 to vector<512x1xi32>
    %add3A_114 = arith.addi %broadcast_in_dim3A_111, %add3A_113 : vector<512x1xi32>
    %lt3A_115 = arith.cmpf olt, %broadcast_in_dim3A_103, %select_n3A_86 : vector<512x1xf32>
    %select_n3A_116 = arith.select %lt3A_115, %broadcast_in_dim3A_103, %select_n3A_86 : vector<512x1xi1>, vector<512x1xf32>
    %select_n3A_117 = arith.select %lt3A_115, %add3A_114, %select_n3A_87 : vector<512x1xi1>, vector<512x1xi32>
    %get3A_118 = arith.constant 4096 : index
    %get3A_119 = arith.constant 0 : index
    %get3A_120 = vector.load %arg2[%get3A_118, %get3A_119] : memref<8192x512xf32, #tpu.memory_space<vmem>>, vector<1024x512xf32>
    %mul3A_121 = arith.mulf %get3A_120, %get3A_120 : vector<1024x512xf32>
    %dot_general3A_122 = arith.constant dense<0.000000e+00> : vector<1x1024xf32>
    %dot_general3A_123 = tpu.matmul %broadcast_in_dim3A_2, %mul3A_121, %dot_general3A_122 {dimension_numbers = #tpu.dot_dimension_numbers<[1], [1], [0], [0], [0, 0, 1, 0], [], []>, transpose_lhs_hint = false} : vector<1x512xf32>, vector<1024x512xf32>, vector<1x1024xf32> -> vector<1x1024xf32>
    %dot_general3A_124 = arith.constant dense<0.000000e+00> : vector<512x1024xf32>
    %dot_general3A_125 = tpu.matmul %get3A_1, %get3A_120, %dot_general3A_124 {dimension_numbers = #tpu.dot_dimension_numbers<[1], [1], [0], [0], [0, 0, 1, 0], [], []>, transpose_lhs_hint = false} : vector<512x512xf32>, vector<1024x512xf32>, vector<512x1024xf32> -> vector<512x1024xf32>
    %mul3A_126 = arith.constant 2.000000e+00 : f32
    %mul3A_127 = vector.broadcast %mul3A_126 : f32 to vector<512x1024xf32>
    %mul3A_128 = arith.mulf %mul3A_127, %dot_general3A_125 : vector<512x1024xf32>
    %sub3A_129 = vector.broadcast %dot_general3A_123 : vector<1x1024xf32> to vector<512x1024xf32>
    %sub3A_130 = arith.subf %sub3A_129, %mul3A_128 : vector<512x1024xf32>
    %reduce_min3A_131 = arith.constant dense<0x7F800000> : vector<512xf32>
    %reduce_min3A_132 = vector.multi_reduction <minimumf>, %sub3A_130, %reduce_min3A_131 [1] : vector<512x1024xf32> to vector<512xf32>
    %broadcast_in_dim3A_133 = vector.shape_cast %reduce_min3A_132 : vector<512xf32> to vector<512x1xf32>
    %eq3A_134 = vector.broadcast %broadcast_in_dim3A_133 : vector<512x1xf32> to vector<512x1024xf32>
    %eq3A_135 = arith.cmpf oeq, %sub3A_130, %eq3A_134 : vector<512x1024xf32>
    %jit3A_136 = arith.constant 1024 : i32
    %broadcast_in_dim3A_137 = vector.broadcast %jit3A_136 : i32 to vector<512x1024xi32>
    %select_n3A_138 = arith.select %eq3A_135, %iota3A, %broadcast_in_dim3A_137 : vector<512x1024xi1>, vector<512x1024xi32>
    %reduce_min3A_139 = arith.constant dense<2147483647> : vector<512xi32>
    %reduce_min3A_140 = vector.multi_reduction <minsi>, %select_n3A_138, %reduce_min3A_139 [1] : vector<512x1024xi32> to vector<512xi32>
    %broadcast_in_dim3A_141 = vector.shape_cast %reduce_min3A_140 : vector<512xi32> to vector<512x1xi32>
    %add3A_142 = arith.constant 4096 : i32
    %add3A_143 = vector.broadcast %add3A_142 : i32 to vector<512x1xi32>
    %add3A_144 = arith.addi %broadcast_in_dim3A_141, %add3A_143 : vector<512x1xi32>
    %lt3A_145 = arith.cmpf olt, %broadcast_in_dim3A_133, %select_n3A_116 : vector<512x1xf32>
    %select_n3A_146 = arith.select %lt3A_145, %broadcast_in_dim3A_133, %select_n3A_116 : vector<512x1xi1>, vector<512x1xf32>
    %select_n3A_147 = arith.select %lt3A_145, %add3A_144, %select_n3A_117 : vector<512x1xi1>, vector<512x1xi32>
    %get3A_148 = arith.constant 5120 : index
    %get3A_149 = arith.constant 0 : index
    %get3A_150 = vector.load %arg2[%get3A_148, %get3A_149] : memref<8192x512xf32, #tpu.memory_space<vmem>>, vector<1024x512xf32>
    %mul3A_151 = arith.mulf %get3A_150, %get3A_150 : vector<1024x512xf32>
    %dot_general3A_152 = arith.constant dense<0.000000e+00> : vector<1x1024xf32>
    %dot_general3A_153 = tpu.matmul %broadcast_in_dim3A_2, %mul3A_151, %dot_general3A_152 {dimension_numbers = #tpu.dot_dimension_numbers<[1], [1], [0], [0], [0, 0, 1, 0], [], []>, transpose_lhs_hint = false} : vector<1x512xf32>, vector<1024x512xf32>, vector<1x1024xf32> -> vector<1x1024xf32>
    %dot_general3A_154 = arith.constant dense<0.000000e+00> : vector<512x1024xf32>
    %dot_general3A_155 = tpu.matmul %get3A_1, %get3A_150, %dot_general3A_154 {dimension_numbers = #tpu.dot_dimension_numbers<[1], [1], [0], [0], [0, 0, 1, 0], [], []>, transpose_lhs_hint = false} : vector<512x512xf32>, vector<1024x512xf32>, vector<512x1024xf32> -> vector<512x1024xf32>
    %mul3A_156 = arith.constant 2.000000e+00 : f32
    %mul3A_157 = vector.broadcast %mul3A_156 : f32 to vector<512x1024xf32>
    %mul3A_158 = arith.mulf %mul3A_157, %dot_general3A_155 : vector<512x1024xf32>
    %sub3A_159 = vector.broadcast %dot_general3A_153 : vector<1x1024xf32> to vector<512x1024xf32>
    %sub3A_160 = arith.subf %sub3A_159, %mul3A_158 : vector<512x1024xf32>
    %reduce_min3A_161 = arith.constant dense<0x7F800000> : vector<512xf32>
    %reduce_min3A_162 = vector.multi_reduction <minimumf>, %sub3A_160, %reduce_min3A_161 [1] : vector<512x1024xf32> to vector<512xf32>
    %broadcast_in_dim3A_163 = vector.shape_cast %reduce_min3A_162 : vector<512xf32> to vector<512x1xf32>
    %eq3A_164 = vector.broadcast %broadcast_in_dim3A_163 : vector<512x1xf32> to vector<512x1024xf32>
    %eq3A_165 = arith.cmpf oeq, %sub3A_160, %eq3A_164 : vector<512x1024xf32>
    %jit3A_166 = arith.constant 1024 : i32
    %broadcast_in_dim3A_167 = vector.broadcast %jit3A_166 : i32 to vector<512x1024xi32>
    %select_n3A_168 = arith.select %eq3A_165, %iota3A, %broadcast_in_dim3A_167 : vector<512x1024xi1>, vector<512x1024xi32>
    %reduce_min3A_169 = arith.constant dense<2147483647> : vector<512xi32>
    %reduce_min3A_170 = vector.multi_reduction <minsi>, %select_n3A_168, %reduce_min3A_169 [1] : vector<512x1024xi32> to vector<512xi32>
    %broadcast_in_dim3A_171 = vector.shape_cast %reduce_min3A_170 : vector<512xi32> to vector<512x1xi32>
    %add3A_172 = arith.constant 5120 : i32
    %add3A_173 = vector.broadcast %add3A_172 : i32 to vector<512x1xi32>
    %add3A_174 = arith.addi %broadcast_in_dim3A_171, %add3A_173 : vector<512x1xi32>
    %lt3A_175 = arith.cmpf olt, %broadcast_in_dim3A_163, %select_n3A_146 : vector<512x1xf32>
    %select_n3A_176 = arith.select %lt3A_175, %broadcast_in_dim3A_163, %select_n3A_146 : vector<512x1xi1>, vector<512x1xf32>
    %select_n3A_177 = arith.select %lt3A_175, %add3A_174, %select_n3A_147 : vector<512x1xi1>, vector<512x1xi32>
    %get3A_178 = arith.constant 6144 : index
    %get3A_179 = arith.constant 0 : index
    %get3A_180 = vector.load %arg2[%get3A_178, %get3A_179] : memref<8192x512xf32, #tpu.memory_space<vmem>>, vector<1024x512xf32>
    %mul3A_181 = arith.mulf %get3A_180, %get3A_180 : vector<1024x512xf32>
    %dot_general3A_182 = arith.constant dense<0.000000e+00> : vector<1x1024xf32>
    %dot_general3A_183 = tpu.matmul %broadcast_in_dim3A_2, %mul3A_181, %dot_general3A_182 {dimension_numbers = #tpu.dot_dimension_numbers<[1], [1], [0], [0], [0, 0, 1, 0], [], []>, transpose_lhs_hint = false} : vector<1x512xf32>, vector<1024x512xf32>, vector<1x1024xf32> -> vector<1x1024xf32>
    %dot_general3A_184 = arith.constant dense<0.000000e+00> : vector<512x1024xf32>
    %dot_general3A_185 = tpu.matmul %get3A_1, %get3A_180, %dot_general3A_184 {dimension_numbers = #tpu.dot_dimension_numbers<[1], [1], [0], [0], [0, 0, 1, 0], [], []>, transpose_lhs_hint = false} : vector<512x512xf32>, vector<1024x512xf32>, vector<512x1024xf32> -> vector<512x1024xf32>
    %mul3A_186 = arith.constant 2.000000e+00 : f32
    %mul3A_187 = vector.broadcast %mul3A_186 : f32 to vector<512x1024xf32>
    %mul3A_188 = arith.mulf %mul3A_187, %dot_general3A_185 : vector<512x1024xf32>
    %sub3A_189 = vector.broadcast %dot_general3A_183 : vector<1x1024xf32> to vector<512x1024xf32>
    %sub3A_190 = arith.subf %sub3A_189, %mul3A_188 : vector<512x1024xf32>
    %reduce_min3A_191 = arith.constant dense<0x7F800000> : vector<512xf32>
    %reduce_min3A_192 = vector.multi_reduction <minimumf>, %sub3A_190, %reduce_min3A_191 [1] : vector<512x1024xf32> to vector<512xf32>
    %broadcast_in_dim3A_193 = vector.shape_cast %reduce_min3A_192 : vector<512xf32> to vector<512x1xf32>
    %eq3A_194 = vector.broadcast %broadcast_in_dim3A_193 : vector<512x1xf32> to vector<512x1024xf32>
    %eq3A_195 = arith.cmpf oeq, %sub3A_190, %eq3A_194 : vector<512x1024xf32>
    %jit3A_196 = arith.constant 1024 : i32
    %broadcast_in_dim3A_197 = vector.broadcast %jit3A_196 : i32 to vector<512x1024xi32>
    %select_n3A_198 = arith.select %eq3A_195, %iota3A, %broadcast_in_dim3A_197 : vector<512x1024xi1>, vector<512x1024xi32>
    %reduce_min3A_199 = arith.constant dense<2147483647> : vector<512xi32>
    %reduce_min3A_200 = vector.multi_reduction <minsi>, %select_n3A_198, %reduce_min3A_199 [1] : vector<512x1024xi32> to vector<512xi32>
    %broadcast_in_dim3A_201 = vector.shape_cast %reduce_min3A_200 : vector<512xi32> to vector<512x1xi32>
    %add3A_202 = arith.constant 6144 : i32
    %add3A_203 = vector.broadcast %add3A_202 : i32 to vector<512x1xi32>
    %add3A_204 = arith.addi %broadcast_in_dim3A_201, %add3A_203 : vector<512x1xi32>
    %lt3A_205 = arith.cmpf olt, %broadcast_in_dim3A_193, %select_n3A_176 : vector<512x1xf32>
    %select_n3A_206 = arith.select %lt3A_205, %broadcast_in_dim3A_193, %select_n3A_176 : vector<512x1xi1>, vector<512x1xf32>
    %select_n3A_207 = arith.select %lt3A_205, %add3A_204, %select_n3A_177 : vector<512x1xi1>, vector<512x1xi32>
    %get3A_208 = arith.constant 7168 : index
    %get3A_209 = arith.constant 0 : index
    %get3A_210 = vector.load %arg2[%get3A_208, %get3A_209] : memref<8192x512xf32, #tpu.memory_space<vmem>>, vector<1024x512xf32>
    %mul3A_211 = arith.mulf %get3A_210, %get3A_210 : vector<1024x512xf32>
    %dot_general3A_212 = arith.constant dense<0.000000e+00> : vector<1x1024xf32>
    %dot_general3A_213 = tpu.matmul %broadcast_in_dim3A_2, %mul3A_211, %dot_general3A_212 {dimension_numbers = #tpu.dot_dimension_numbers<[1], [1], [0], [0], [0, 0, 1, 0], [], []>, transpose_lhs_hint = false} : vector<1x512xf32>, vector<1024x512xf32>, vector<1x1024xf32> -> vector<1x1024xf32>
    %dot_general3A_214 = arith.constant dense<0.000000e+00> : vector<512x1024xf32>
    %dot_general3A_215 = tpu.matmul %get3A_1, %get3A_210, %dot_general3A_214 {dimension_numbers = #tpu.dot_dimension_numbers<[1], [1], [0], [0], [0, 0, 1, 0], [], []>, transpose_lhs_hint = false} : vector<512x512xf32>, vector<1024x512xf32>, vector<512x1024xf32> -> vector<512x1024xf32>
    %mul3A_216 = arith.constant 2.000000e+00 : f32
    %mul3A_217 = vector.broadcast %mul3A_216 : f32 to vector<512x1024xf32>
    %mul3A_218 = arith.mulf %mul3A_217, %dot_general3A_215 : vector<512x1024xf32>
    %sub3A_219 = vector.broadcast %dot_general3A_213 : vector<1x1024xf32> to vector<512x1024xf32>
    %sub3A_220 = arith.subf %sub3A_219, %mul3A_218 : vector<512x1024xf32>
    %reduce_min3A_221 = arith.constant dense<0x7F800000> : vector<512xf32>
    %reduce_min3A_222 = vector.multi_reduction <minimumf>, %sub3A_220, %reduce_min3A_221 [1] : vector<512x1024xf32> to vector<512xf32>
    %broadcast_in_dim3A_223 = vector.shape_cast %reduce_min3A_222 : vector<512xf32> to vector<512x1xf32>
    %eq3A_224 = vector.broadcast %broadcast_in_dim3A_223 : vector<512x1xf32> to vector<512x1024xf32>
    %eq3A_225 = arith.cmpf oeq, %sub3A_220, %eq3A_224 : vector<512x1024xf32>
    %jit3A_226 = arith.constant 1024 : i32
    %broadcast_in_dim3A_227 = vector.broadcast %jit3A_226 : i32 to vector<512x1024xi32>
    %select_n3A_228 = arith.select %eq3A_225, %iota3A, %broadcast_in_dim3A_227 : vector<512x1024xi1>, vector<512x1024xi32>
    %reduce_min3A_229 = arith.constant dense<2147483647> : vector<512xi32>
    %reduce_min3A_230 = vector.multi_reduction <minsi>, %select_n3A_228, %reduce_min3A_229 [1] : vector<512x1024xi32> to vector<512xi32>
    %broadcast_in_dim3A_231 = vector.shape_cast %reduce_min3A_230 : vector<512xi32> to vector<512x1xi32>
    %add3A_232 = arith.constant 7168 : i32
    %add3A_233 = vector.broadcast %add3A_232 : i32 to vector<512x1xi32>
    %add3A_234 = arith.addi %broadcast_in_dim3A_231, %add3A_233 : vector<512x1xi32>
    %lt3A_235 = arith.cmpf olt, %broadcast_in_dim3A_223, %select_n3A_206 : vector<512x1xf32>
    %select_n3A_236 = arith.select %lt3A_235, %add3A_234, %select_n3A_207 : vector<512x1xi1>, vector<512x1xi32>
    %swap3A = arith.constant 0 : index
    %swap3A_237 = arith.constant 0 : index
    %swap3A_238 = vector.load %arg3[%swap3A, %swap3A_237] : memref<512x1xi32, #tpu.memory_space<vmem>>, vector<512x1xi32>
    tpu.vector_store %arg3[%swap3A, %swap3A_237], %select_n3A_236 {strides = array<i32>} : memref<512x1xi32, #tpu.memory_space<vmem>>, vector<512x1xi32>,
    return
  }
  func.func @transform_0(%arg0: i32) -> (i32, i32) {
    %c0_i32 = arith.constant 0 : i32
    %c0_i32_0 = arith.constant 0 : i32
    return %arg0, %c0_i32 : i32, i32
  }
  func.func @transform_1(%arg0: i32) -> (i32, i32) {
    %c0_i32 = arith.constant 0 : i32
    %c0_i32_0 = arith.constant 0 : i32
    %c0_i32_1 = arith.constant 0 : i32
    return %c0_i32, %c0_i32_0 : i32, i32
  }
  func.func @transform_2(%arg0: i32) -> (i32, i32) {
    %c0_i32 = arith.constant 0 : i32
    %c0_i32_0 = arith.constant 0 : i32
    return %arg0, %c0_i32 : i32, i32
  }
}

module attributes {stable_mosaic.version = 14 : i64} {
  func.func @_losses_body(%arg0: memref<1024x768xf32, #tpu.memory_space<vmem>>, %arg1: memref<512x768xf32, #tpu.memory_space<vmem>>, %arg2: memref<1x512xf32, #tpu.memory_space<vmem>>, %arg3: memref<1024x512xf32, #tpu.memory_space<vmem>>, %arg4: memref<4x1024x512xf32, #tpu.memory_space<vmem>>, %arg5: memref<1024x1xi32, #tpu.memory_space<vmem>>, %arg6: memref<1x1024xi32, #tpu.memory_space<vmem>>, %arg7: memref<1x1xf32, #tpu.memory_space<vmem>>, %arg8: memref<1x1xf32, #tpu.memory_space<vmem>>, %arg9: memref<1x1xf32, #tpu.memory_space<vmem>>) attributes {dimension_semantics = [], scalar_prefetch = 0 : i64, scratch_operands = 0 : i64, tpu.core_type = #tpu.core_type<tc>} {
    %get3A = arith.constant 0 : index
    %get3A_0 = arith.constant 0 : index
    %get3A_1 = vector.load %arg0[%get3A, %get3A_0] : memref<1024x768xf32, #tpu.memory_space<vmem>>, vector<1024x768xf32>
    %get3A_2 = arith.constant 0 : index
    %get3A_3 = arith.constant 0 : index
    %get3A_4 = vector.load %arg1[%get3A_2, %get3A_3] : memref<512x768xf32, #tpu.memory_space<vmem>>, vector<512x768xf32>
    %dot_general3A = arith.constant dense<0.000000e+00> : vector<1024x512xf32>
    %dot_general3A_5 = tpu.matmul %get3A_1, %get3A_4, %dot_general3A {dimension_numbers = #tpu.dot_dimension_numbers<[1], [1], [0], [0], [0, 0, 1, 0], [], []>, transpose_lhs_hint = false} : vector<1024x768xf32>, vector<512x768xf32>, vector<1024x512xf32> -> vector<1024x512xf32>
    %get3A_6 = arith.constant 0 : index
    %get3A_7 = arith.constant 0 : index
    %get3A_8 = vector.load %arg2[%get3A_6, %get3A_7] : memref<1x512xf32, #tpu.memory_space<vmem>>, vector<1x512xf32>
    %add3A = vector.broadcast %get3A_8 : vector<1x512xf32> to vector<1024x512xf32>
    %add3A_9 = arith.addf %dot_general3A_5, %add3A : vector<1024x512xf32>
    %mul3A = arith.mulf %add3A_9, %add3A_9 : vector<1024x512xf32>
    %reduce_sum3A = arith.constant dense<0.000000e+00> : vector<1024xf32>
    %reduce_sum3A_10 = vector.multi_reduction <add>, %mul3A, %reduce_sum3A [1] : vector<1024x512xf32> to vector<1024xf32>
    %broadcast_in_dim3A = vector.shape_cast %reduce_sum3A_10 : vector<1024xf32> to vector<1024x1xf32>
    %sqrt3A = math.sqrt %broadcast_in_dim3A : vector<1024x1xf32>
    %add3A_11 = arith.constant 9.99999996E-13 : f32
    %add3A_12 = vector.broadcast %add3A_11 : f32 to vector<1024x1xf32>
    %add3A_13 = arith.addf %sqrt3A, %add3A_12 : vector<1024x1xf32>
    %div3A = vector.broadcast %add3A_13 : vector<1024x1xf32> to vector<1024x512xf32>
    %div3A_14 = arith.divf %add3A_9, %div3A : vector<1024x512xf32>
    %get3A_15 = arith.constant 0 : index
    %get3A_16 = arith.constant 0 : index
    %get3A_17 = vector.load %arg3[%get3A_15, %get3A_16] : memref<1024x512xf32, #tpu.memory_space<vmem>>, vector<1024x512xf32>
    %mul3A_18 = arith.mulf %get3A_17, %get3A_17 : vector<1024x512xf32>
    %reduce_sum3A_19 = arith.constant dense<0.000000e+00> : vector<1024xf32>
    %reduce_sum3A_20 = vector.multi_reduction <add>, %mul3A_18, %reduce_sum3A_19 [1] : vector<1024x512xf32> to vector<1024xf32>
    %broadcast_in_dim3A_21 = vector.shape_cast %reduce_sum3A_20 : vector<1024xf32> to vector<1024x1xf32>
    %sqrt3A_22 = math.sqrt %broadcast_in_dim3A_21 : vector<1024x1xf32>
    %add3A_23 = arith.constant 9.99999996E-13 : f32
    %add3A_24 = vector.broadcast %add3A_23 : f32 to vector<1024x1xf32>
    %add3A_25 = arith.addf %sqrt3A_22, %add3A_24 : vector<1024x1xf32>
    %div3A_26 = vector.broadcast %add3A_25 : vector<1024x1xf32> to vector<1024x512xf32>
    %div3A_27 = arith.divf %get3A_17, %div3A_26 : vector<1024x512xf32>
    %get3A_28 = arith.constant 0 : index
    %get3A_29 = arith.constant 0 : index
    %get3A_30 = arith.constant 0 : index
    %get3A_31 = vector.load %arg4[%get3A_28, %get3A_29, %get3A_30] : memref<4x1024x512xf32, #tpu.memory_space<vmem>>, vector<1x1024x512xf32>
    %get3A_32 = vector.shape_cast %get3A_31 : vector<1x1024x512xf32> to vector<1024x512xf32>
    %mul3A_33 = arith.mulf %get3A_32, %get3A_32 : vector<1024x512xf32>
    %reduce_sum3A_34 = arith.constant dense<0.000000e+00> : vector<1024xf32>
    %reduce_sum3A_35 = vector.multi_reduction <add>, %mul3A_33, %reduce_sum3A_34 [1] : vector<1024x512xf32> to vector<1024xf32>
    %broadcast_in_dim3A_36 = vector.shape_cast %reduce_sum3A_35 : vector<1024xf32> to vector<1024x1xf32>
    %sqrt3A_37 = math.sqrt %broadcast_in_dim3A_36 : vector<1024x1xf32>
    %add3A_38 = arith.constant 9.99999996E-13 : f32
    %add3A_39 = vector.broadcast %add3A_38 : f32 to vector<1024x1xf32>
    %add3A_40 = arith.addf %sqrt3A_37, %add3A_39 : vector<1024x1xf32>
    %div3A_41 = vector.broadcast %add3A_40 : vector<1024x1xf32> to vector<1024x512xf32>
    %div3A_42 = arith.divf %get3A_32, %div3A_41 : vector<1024x512xf32>
    %get3A_43 = arith.constant 1 : index
    %get3A_44 = arith.constant 0 : index
    %get3A_45 = arith.constant 0 : index
    %get3A_46 = vector.load %arg4[%get3A_43, %get3A_44, %get3A_45] : memref<4x1024x512xf32, #tpu.memory_space<vmem>>, vector<1x1024x512xf32>
    %get3A_47 = vector.shape_cast %get3A_46 : vector<1x1024x512xf32> to vector<1024x512xf32>
    %mul3A_48 = arith.mulf %get3A_47, %get3A_47 : vector<1024x512xf32>
    %reduce_sum3A_49 = arith.constant dense<0.000000e+00> : vector<1024xf32>
    %reduce_sum3A_50 = vector.multi_reduction <add>, %mul3A_48, %reduce_sum3A_49 [1] : vector<1024x512xf32> to vector<1024xf32>
    %broadcast_in_dim3A_51 = vector.shape_cast %reduce_sum3A_50 : vector<1024xf32> to vector<1024x1xf32>
    %sqrt3A_52 = math.sqrt %broadcast_in_dim3A_51 : vector<1024x1xf32>
    %add3A_53 = arith.constant 9.99999996E-13 : f32
    %add3A_54 = vector.broadcast %add3A_53 : f32 to vector<1024x1xf32>
    %add3A_55 = arith.addf %sqrt3A_52, %add3A_54 : vector<1024x1xf32>
    %div3A_56 = vector.broadcast %add3A_55 : vector<1024x1xf32> to vector<1024x512xf32>
    %div3A_57 = arith.divf %get3A_47, %div3A_56 : vector<1024x512xf32>
    %get3A_58 = arith.constant 2 : index
    %get3A_59 = arith.constant 0 : index
    %get3A_60 = arith.constant 0 : index
    %get3A_61 = vector.load %arg4[%get3A_58, %get3A_59, %get3A_60] : memref<4x1024x512xf32, #tpu.memory_space<vmem>>, vector<1x1024x512xf32>
    %get3A_62 = vector.shape_cast %get3A_61 : vector<1x1024x512xf32> to vector<1024x512xf32>
    %mul3A_63 = arith.mulf %get3A_62, %get3A_62 : vector<1024x512xf32>
    %reduce_sum3A_64 = arith.constant dense<0.000000e+00> : vector<1024xf32>
    %reduce_sum3A_65 = vector.multi_reduction <add>, %mul3A_63, %reduce_sum3A_64 [1] : vector<1024x512xf32> to vector<1024xf32>
    %broadcast_in_dim3A_66 = vector.shape_cast %reduce_sum3A_65 : vector<1024xf32> to vector<1024x1xf32>
    %sqrt3A_67 = math.sqrt %broadcast_in_dim3A_66 : vector<1024x1xf32>
    %add3A_68 = arith.constant 9.99999996E-13 : f32
    %add3A_69 = vector.broadcast %add3A_68 : f32 to vector<1024x1xf32>
    %add3A_70 = arith.addf %sqrt3A_67, %add3A_69 : vector<1024x1xf32>
    %div3A_71 = vector.broadcast %add3A_70 : vector<1024x1xf32> to vector<1024x512xf32>
    %div3A_72 = arith.divf %get3A_62, %div3A_71 : vector<1024x512xf32>
    %get3A_73 = arith.constant 3 : index
    %get3A_74 = arith.constant 0 : index
    %get3A_75 = arith.constant 0 : index
    %get3A_76 = vector.load %arg4[%get3A_73, %get3A_74, %get3A_75] : memref<4x1024x512xf32, #tpu.memory_space<vmem>>, vector<1x1024x512xf32>
    %get3A_77 = vector.shape_cast %get3A_76 : vector<1x1024x512xf32> to vector<1024x512xf32>
    %mul3A_78 = arith.mulf %get3A_77, %get3A_77 : vector<1024x512xf32>
    %reduce_sum3A_79 = arith.constant dense<0.000000e+00> : vector<1024xf32>
    %reduce_sum3A_80 = vector.multi_reduction <add>, %mul3A_78, %reduce_sum3A_79 [1] : vector<1024x512xf32> to vector<1024xf32>
    %broadcast_in_dim3A_81 = vector.shape_cast %reduce_sum3A_80 : vector<1024xf32> to vector<1024x1xf32>
    %sqrt3A_82 = math.sqrt %broadcast_in_dim3A_81 : vector<1024x1xf32>
    %add3A_83 = arith.constant 9.99999996E-13 : f32
    %add3A_84 = vector.broadcast %add3A_83 : f32 to vector<1024x1xf32>
    %add3A_85 = arith.addf %sqrt3A_82, %add3A_84 : vector<1024x1xf32>
    %div3A_86 = vector.broadcast %add3A_85 : vector<1024x1xf32> to vector<1024x512xf32>
    %div3A_87 = arith.divf %get3A_77, %div3A_86 : vector<1024x512xf32>
    %iota3A = tpu.iota {dimensions = array<i32: 0>} : vector<1024x1024xi32>
    %iota3A_88 = tpu.iota {dimensions = array<i32: 1>} : vector<1024x1024xi32>
    %eq3A = arith.cmpi eq, %iota3A, %iota3A_88 : vector<1024x1024xi32>
    %convert_element_type3A = arith.extui %eq3A : vector<1024x1024xi1> to vector<1024x1024xi32>
    %convert_element_type3A_89 = arith.sitofp %convert_element_type3A : vector<1024x1024xi32> to vector<1024x1024xf32>
    %get3A_90 = arith.constant 0 : index
    %get3A_91 = arith.constant 0 : index
    %get3A_92 = vector.load %arg5[%get3A_90, %get3A_91] : memref<1024x1xi32, #tpu.memory_space<vmem>>, vector<1024x1xi32>
    %get3A_93 = arith.constant 0 : index
    %get3A_94 = arith.constant 0 : index
    %get3A_95 = vector.load %arg6[%get3A_93, %get3A_94] : memref<1x1024xi32, #tpu.memory_space<vmem>>, vector<1x1024xi32>
    %eq3A_96 = vector.broadcast %get3A_92 : vector<1024x1xi32> to vector<1024x1024xi32>
    %eq3A_97 = vector.broadcast %get3A_95 : vector<1x1024xi32> to vector<1024x1024xi32>
    %eq3A_98 = arith.cmpi eq, %eq3A_96, %eq3A_97 : vector<1024x1024xi32>
    %convert_element_type3A_99 = arith.extui %eq3A_98 : vector<1024x1024xi1> to vector<1024x1024xi32>
    %convert_element_type3A_100 = arith.sitofp %convert_element_type3A_99 : vector<1024x1024xi32> to vector<1024x1024xf32>
    %dot_general3A_101 = arith.constant dense<0.000000e+00> : vector<1024x1024xf32>
    %dot_general3A_102 = tpu.matmul %div3A_42, %div3A_14, %dot_general3A_101 {dimension_numbers = #tpu.dot_dimension_numbers<[1], [1], [0], [0], [0, 0, 1, 0], [], []>, transpose_lhs_hint = false} : vector<1024x512xf32>, vector<1024x512xf32>, vector<1024x1024xf32> -> vector<1024x1024xf32>
    %div3A_103 = arith.constant 1.000000e-01 : f32
    %div3A_104 = vector.broadcast %div3A_103 : f32 to vector<1024x1024xf32>
    %div3A_105 = arith.divf %dot_general3A_102, %div3A_104 : vector<1024x1024xf32>
    %exp3A = math.exp %div3A_105 : vector<1024x1024xf32>
    %mul3A_106 = arith.mulf %exp3A, %convert_element_type3A_89 : vector<1024x1024xf32>
    %reduce_sum3A_107 = arith.constant dense<0.000000e+00> : vector<1024xf32>
    %reduce_sum3A_108 = vector.multi_reduction <add>, %mul3A_106, %reduce_sum3A_107 [1] : vector<1024x1024xf32> to vector<1024xf32>
    %broadcast_in_dim3A_109 = vector.shape_cast %reduce_sum3A_108 : vector<1024xf32> to vector<1024x1xf32>
    %sub3A = arith.constant 1.000000e+00 : f32
    %sub3A_110 = vector.broadcast %sub3A : f32 to vector<1024x1024xf32>
    %sub3A_111 = arith.subf %sub3A_110, %convert_element_type3A_89 : vector<1024x1024xf32>
    %mul3A_112 = arith.mulf %exp3A, %sub3A_111 : vector<1024x1024xf32>
    %reduce_sum3A_113 = arith.constant dense<0.000000e+00> : vector<1024xf32>
    %reduce_sum3A_114 = vector.multi_reduction <add>, %mul3A_112, %reduce_sum3A_113 [1] : vector<1024x1024xf32> to vector<1024xf32>
    %broadcast_in_dim3A_115 = vector.shape_cast %reduce_sum3A_114 : vector<1024xf32> to vector<1024x1xf32>
    %div3A_116 = arith.divf %broadcast_in_dim3A_109, %broadcast_in_dim3A_115 : vector<1024x1xf32>
    %log3A = math.log %div3A_116 : vector<1024x1xf32>
    %reduce_sum3A_117 = arith.constant dense<0.000000e+00> : vector<1024xf32>
    %reduce_sum3A_118 = vector.multi_reduction <add>, %convert_element_type3A_89, %reduce_sum3A_117 [1] : vector<1024x1024xf32> to vector<1024xf32>
    %broadcast_in_dim3A_119 = vector.shape_cast %reduce_sum3A_118 : vector<1024xf32> to vector<1024x1xf32>
    %mul3A_120 = arith.mulf %broadcast_in_dim3A_119, %log3A : vector<1024x1xf32>
    %reduce_sum3A_121 = vector.shape_cast %mul3A_120 : vector<1024x1xf32> to vector<1x1024x1xf32>
    %reduce_sum3A_122 = arith.constant dense<0.000000e+00> : vector<1xf32>
    %reduce_sum3A_123 = vector.multi_reduction <add>, %reduce_sum3A_121, %reduce_sum3A_122 [1, 2] : vector<1x1024x1xf32> to vector<1xf32>
    %reduce_sum3A_124 = vector.shape_cast %reduce_sum3A_123 : vector<1xf32> to vector<1x1x1xf32>
    %reduce_sum3A_125 = vector.extract %reduce_sum3A_124[0, 0, 0] : f32 from vector<1x1x1xf32>
    %div3A_126 = arith.constant 1.024000e+03 : f32
    %div3A_127 = arith.divf %reduce_sum3A_125, %div3A_126 : f32
    %neg3A = arith.constant 0.000000e+00 : f32
    %neg3A_128 = arith.subf %neg3A, %div3A_127 : f32
    %reshape3A = vector.broadcast %neg3A_128 : f32 to vector<1x1xf32>
    %swap3A = arith.constant 0 : index
    %swap3A_129 = arith.constant 0 : index
    %swap3A_130 = vector.load %arg7[%swap3A, %swap3A_129] : memref<1x1xf32, #tpu.memory_space<vmem>>, vector<1x1xf32>
    tpu.vector_store %arg7[%swap3A, %swap3A_129], %reshape3A {strides = array<i32>} : memref<1x1xf32, #tpu.memory_space<vmem>>, vector<1x1xf32>,
    %dot_general3A_131 = arith.constant dense<0.000000e+00> : vector<1024x1024xf32>
    %dot_general3A_132 = tpu.matmul %div3A_57, %div3A_27, %dot_general3A_131 {dimension_numbers = #tpu.dot_dimension_numbers<[1], [1], [0], [0], [0, 0, 1, 0], [], []>, transpose_lhs_hint = false} : vector<1024x512xf32>, vector<1024x512xf32>, vector<1024x1024xf32> -> vector<1024x1024xf32>
    %div3A_133 = arith.constant 1.000000e-01 : f32
    %div3A_134 = vector.broadcast %div3A_133 : f32 to vector<1024x1024xf32>
    %div3A_135 = arith.divf %dot_general3A_132, %div3A_134 : vector<1024x1024xf32>
    %exp3A_136 = math.exp %div3A_135 : vector<1024x1024xf32>
    %mul3A_137 = arith.mulf %exp3A_136, %convert_element_type3A_89 : vector<1024x1024xf32>
    %reduce_sum3A_138 = arith.constant dense<0.000000e+00> : vector<1024xf32>
    %reduce_sum3A_139 = vector.multi_reduction <add>, %mul3A_137, %reduce_sum3A_138 [1] : vector<1024x1024xf32> to vector<1024xf32>
    %broadcast_in_dim3A_140 = vector.shape_cast %reduce_sum3A_139 : vector<1024xf32> to vector<1024x1xf32>
    %sub3A_141 = arith.constant 1.000000e+00 : f32
    %sub3A_142 = vector.broadcast %sub3A_141 : f32 to vector<1024x1024xf32>
    %sub3A_143 = arith.subf %sub3A_142, %convert_element_type3A_89 : vector<1024x1024xf32>
    %mul3A_144 = arith.mulf %exp3A_136, %sub3A_143 : vector<1024x1024xf32>
    %reduce_sum3A_145 = arith.constant dense<0.000000e+00> : vector<1024xf32>
    %reduce_sum3A_146 = vector.multi_reduction <add>, %mul3A_144, %reduce_sum3A_145 [1] : vector<1024x1024xf32> to vector<1024xf32>
    %broadcast_in_dim3A_147 = vector.shape_cast %reduce_sum3A_146 : vector<1024xf32> to vector<1024x1xf32>
    %div3A_148 = arith.divf %broadcast_in_dim3A_140, %broadcast_in_dim3A_147 : vector<1024x1xf32>
    %log3A_149 = math.log %div3A_148 : vector<1024x1xf32>
    %reduce_sum3A_150 = arith.constant dense<0.000000e+00> : vector<1024xf32>
    %reduce_sum3A_151 = vector.multi_reduction <add>, %convert_element_type3A_89, %reduce_sum3A_150 [1] : vector<1024x1024xf32> to vector<1024xf32>
    %broadcast_in_dim3A_152 = vector.shape_cast %reduce_sum3A_151 : vector<1024xf32> to vector<1024x1xf32>
    %mul3A_153 = arith.mulf %broadcast_in_dim3A_152, %log3A_149 : vector<1024x1xf32>
    %reduce_sum3A_154 = vector.shape_cast %mul3A_153 : vector<1024x1xf32> to vector<1x1024x1xf32>
    %reduce_sum3A_155 = arith.constant dense<0.000000e+00> : vector<1xf32>
    %reduce_sum3A_156 = vector.multi_reduction <add>, %reduce_sum3A_154, %reduce_sum3A_155 [1, 2] : vector<1x1024x1xf32> to vector<1xf32>
    %reduce_sum3A_157 = vector.shape_cast %reduce_sum3A_156 : vector<1xf32> to vector<1x1x1xf32>
    %reduce_sum3A_158 = vector.extract %reduce_sum3A_157[0, 0, 0] : f32 from vector<1x1x1xf32>
    %div3A_159 = arith.constant 1.024000e+03 : f32
    %div3A_160 = arith.divf %reduce_sum3A_158, %div3A_159 : f32
    %neg3A_161 = arith.constant 0.000000e+00 : f32
    %neg3A_162 = arith.subf %neg3A_161, %div3A_160 : f32
    %reshape3A_163 = vector.broadcast %neg3A_162 : f32 to vector<1x1xf32>
    %swap3A_164 = arith.constant 0 : index
    %swap3A_165 = arith.constant 0 : index
    %swap3A_166 = vector.load %arg8[%swap3A_164, %swap3A_165] : memref<1x1xf32, #tpu.memory_space<vmem>>, vector<1x1xf32>
    tpu.vector_store %arg8[%swap3A_164, %swap3A_165], %reshape3A_163 {strides = array<i32>} : memref<1x1xf32, #tpu.memory_space<vmem>>, vector<1x1xf32>,
    %dot_general3A_167 = arith.constant dense<0.000000e+00> : vector<1024x1024xf32>
    %dot_general3A_168 = tpu.matmul %div3A_87, %div3A_72, %dot_general3A_167 {dimension_numbers = #tpu.dot_dimension_numbers<[1], [1], [0], [0], [0, 0, 1, 0], [], []>, transpose_lhs_hint = false} : vector<1024x512xf32>, vector<1024x512xf32>, vector<1024x1024xf32> -> vector<1024x1024xf32>
    %div3A_169 = arith.constant 1.000000e-01 : f32
    %div3A_170 = vector.broadcast %div3A_169 : f32 to vector<1024x1024xf32>
    %div3A_171 = arith.divf %dot_general3A_168, %div3A_170 : vector<1024x1024xf32>
    %exp3A_172 = math.exp %div3A_171 : vector<1024x1024xf32>
    %mul3A_173 = arith.mulf %exp3A_172, %convert_element_type3A_100 : vector<1024x1024xf32>
    %reduce_sum3A_174 = arith.constant dense<0.000000e+00> : vector<1024xf32>
    %reduce_sum3A_175 = vector.multi_reduction <add>, %mul3A_173, %reduce_sum3A_174 [1] : vector<1024x1024xf32> to vector<1024xf32>
    %broadcast_in_dim3A_176 = vector.shape_cast %reduce_sum3A_175 : vector<1024xf32> to vector<1024x1xf32>
    %sub3A_177 = arith.constant 1.000000e+00 : f32
    %sub3A_178 = vector.broadcast %sub3A_177 : f32 to vector<1024x1024xf32>
    %sub3A_179 = arith.subf %sub3A_178, %convert_element_type3A_100 : vector<1024x1024xf32>
    %mul3A_180 = arith.mulf %exp3A_172, %sub3A_179 : vector<1024x1024xf32>
    %reduce_sum3A_181 = arith.constant dense<0.000000e+00> : vector<1024xf32>
    %reduce_sum3A_182 = vector.multi_reduction <add>, %mul3A_180, %reduce_sum3A_181 [1] : vector<1024x1024xf32> to vector<1024xf32>
    %broadcast_in_dim3A_183 = vector.shape_cast %reduce_sum3A_182 : vector<1024xf32> to vector<1024x1xf32>
    %div3A_184 = arith.divf %broadcast_in_dim3A_176, %broadcast_in_dim3A_183 : vector<1024x1xf32>
    %log3A_185 = math.log %div3A_184 : vector<1024x1xf32>
    %reduce_sum3A_186 = arith.constant dense<0.000000e+00> : vector<1024xf32>
    %reduce_sum3A_187 = vector.multi_reduction <add>, %convert_element_type3A_100, %reduce_sum3A_186 [1] : vector<1024x1024xf32> to vector<1024xf32>
    %broadcast_in_dim3A_188 = vector.shape_cast %reduce_sum3A_187 : vector<1024xf32> to vector<1024x1xf32>
    %mul3A_189 = arith.mulf %broadcast_in_dim3A_188, %log3A_185 : vector<1024x1xf32>
    %reduce_sum3A_190 = vector.shape_cast %mul3A_189 : vector<1024x1xf32> to vector<1x1024x1xf32>
    %reduce_sum3A_191 = arith.constant dense<0.000000e+00> : vector<1xf32>
    %reduce_sum3A_192 = vector.multi_reduction <add>, %reduce_sum3A_190, %reduce_sum3A_191 [1, 2] : vector<1x1024x1xf32> to vector<1xf32>
    %reduce_sum3A_193 = vector.shape_cast %reduce_sum3A_192 : vector<1xf32> to vector<1x1x1xf32>
    %reduce_sum3A_194 = vector.extract %reduce_sum3A_193[0, 0, 0] : f32 from vector<1x1x1xf32>
    %div3A_195 = arith.constant 1.024000e+03 : f32
    %div3A_196 = arith.divf %reduce_sum3A_194, %div3A_195 : f32
    %neg3A_197 = arith.constant 0.000000e+00 : f32
    %neg3A_198 = arith.subf %neg3A_197, %div3A_196 : f32
    %reshape3A_199 = vector.broadcast %neg3A_198 : f32 to vector<1x1xf32>
    %swap3A_200 = arith.constant 0 : index
    %swap3A_201 = arith.constant 0 : index
    %swap3A_202 = vector.load %arg9[%swap3A_200, %swap3A_201] : memref<1x1xf32, #tpu.memory_space<vmem>>, vector<1x1xf32>
    tpu.vector_store %arg9[%swap3A_200, %swap3A_201], %reshape3A_199 {strides = array<i32>} : memref<1x1xf32, #tpu.memory_space<vmem>>, vector<1x1xf32>,
    return
  }
}

module attributes {stable_mosaic.version = 14 : i64} {
  func.func @_decoder_body(%arg0: i32, %arg1: memref<4x256x512xf32, #tpu.memory_space<vmem>>, %arg2: memref<3x512x512xf32, #tpu.memory_space<vmem>>, %arg3: memref<1x512xf32, #tpu.memory_space<vmem>>, %arg4: memref<3x512x512xf32, #tpu.memory_space<vmem>>, %arg5: memref<1x512xf32, #tpu.memory_space<vmem>>, %arg6: memref<1x512x512xf32, #tpu.memory_space<vmem>>, %arg7: memref<1x512xf32, #tpu.memory_space<vmem>>, %arg8: memref<3x512x512xf32, #tpu.memory_space<vmem>>, %arg9: memref<1x512xf32, #tpu.memory_space<vmem>>, %arg10: memref<3x512x512xf32, #tpu.memory_space<vmem>>, %arg11: memref<1x512xf32, #tpu.memory_space<vmem>>, %arg12: memref<1x512x512xf32, #tpu.memory_space<vmem>>, %arg13: memref<1x512xf32, #tpu.memory_space<vmem>>, %arg14: memref<3x512x512xf32, #tpu.memory_space<vmem>>, %arg15: memref<1x512xf32, #tpu.memory_space<vmem>>, %arg16: memref<3x512x512xf32, #tpu.memory_space<vmem>>, %arg17: memref<1x512xf32, #tpu.memory_space<vmem>>, %arg18: memref<3x512x159xf32, #tpu.memory_space<vmem>>, %arg19: memref<1x159xf32, #tpu.memory_space<vmem>>, %arg20: memref<256x16x159xf32, #tpu.memory_space<vmem>>) attributes {dimension_semantics = [#tpu.dimension_semantics<arbitrary>], iteration_bounds = array<i64: 4>, scalar_prefetch = 0 : i64, scratch_operands = 0 : i64, tpu.core_type = #tpu.core_type<tc>, window_params = [{transform_indices = @transform_0, window_bounds = array<i64: 4, 256, 512>}, {pipeline_mode = #tpu.pipeline_mode<synchronous>, transform_indices = @transform_1, window_bounds = array<i64: 3, 512, 512>}, {pipeline_mode = #tpu.pipeline_mode<synchronous>, transform_indices = @transform_2, window_bounds = array<i64: 1, 512>}, {pipeline_mode = #tpu.pipeline_mode<synchronous>, transform_indices = @transform_3, window_bounds = array<i64: 3, 512, 512>}, {pipeline_mode = #tpu.pipeline_mode<synchronous>, transform_indices = @transform_4, window_bounds = array<i64: 1, 512>}, {pipeline_mode = #tpu.pipeline_mode<synchronous>, transform_indices = @transform_5, window_bounds = array<i64: 1, 512, 512>}, {pipeline_mode = #tpu.pipeline_mode<synchronous>, transform_indices = @transform_6, window_bounds = array<i64: 1, 512>}, {pipeline_mode = #tpu.pipeline_mode<synchronous>, transform_indices = @transform_7, window_bounds = array<i64: 3, 512, 512>}, {pipeline_mode = #tpu.pipeline_mode<synchronous>, transform_indices = @transform_8, window_bounds = array<i64: 1, 512>}, {pipeline_mode = #tpu.pipeline_mode<synchronous>, transform_indices = @transform_9, window_bounds = array<i64: 3, 512, 512>}, {pipeline_mode = #tpu.pipeline_mode<synchronous>, transform_indices = @transform_10, window_bounds = array<i64: 1, 512>}, {pipeline_mode = #tpu.pipeline_mode<synchronous>, transform_indices = @transform_11, window_bounds = array<i64: 1, 512, 512>}, {pipeline_mode = #tpu.pipeline_mode<synchronous>, transform_indices = @transform_12, window_bounds = array<i64: 1, 512>}, {pipeline_mode = #tpu.pipeline_mode<synchronous>, transform_indices = @transform_13, window_bounds = array<i64: 3, 512, 512>}, {pipeline_mode = #tpu.pipeline_mode<synchronous>, transform_indices = @transform_14, window_bounds = array<i64: 1, 512>}, {pipeline_mode = #tpu.pipeline_mode<synchronous>, transform_indices = @transform_15, window_bounds = array<i64: 3, 512, 512>}, {pipeline_mode = #tpu.pipeline_mode<synchronous>, transform_indices = @transform_16, window_bounds = array<i64: 1, 512>}, {pipeline_mode = #tpu.pipeline_mode<synchronous>, transform_indices = @transform_17, window_bounds = array<i64: 3, 512, 159>}, {pipeline_mode = #tpu.pipeline_mode<synchronous>, transform_indices = @transform_18, window_bounds = array<i64: 1, 159>}, {transform_indices = @transform_19, window_bounds = array<i64: 256, 16, 159>}]} {
    %get3A = arith.constant 0 : index
    %get3A_0 = arith.constant 0 : index
    %get3A_1 = arith.constant 0 : index
    %get3A_2 = vector.load %arg1[%get3A, %get3A_0, %get3A_1] : memref<4x256x512xf32, #tpu.memory_space<vmem>>, vector<1x256x512xf32>
    %get3A_3 = vector.shape_cast %get3A_2 : vector<1x256x512xf32> to vector<256x512xf32>
    %get3A_4 = arith.constant 1 : index
    %get3A_5 = arith.constant 0 : index
    %get3A_6 = arith.constant 0 : index
    %get3A_7 = vector.load %arg1[%get3A_4, %get3A_5, %get3A_6] : memref<4x256x512xf32, #tpu.memory_space<vmem>>, vector<1x256x512xf32>
    %get3A_8 = vector.shape_cast %get3A_7 : vector<1x256x512xf32> to vector<256x512xf32>
    %get3A_9 = arith.constant 2 : index
    %get3A_10 = arith.constant 0 : index
    %get3A_11 = arith.constant 0 : index
    %get3A_12 = vector.load %arg1[%get3A_9, %get3A_10, %get3A_11] : memref<4x256x512xf32, #tpu.memory_space<vmem>>, vector<1x256x512xf32>
    %get3A_13 = vector.shape_cast %get3A_12 : vector<1x256x512xf32> to vector<256x512xf32>
    %get3A_14 = arith.constant 3 : index
    %get3A_15 = arith.constant 0 : index
    %get3A_16 = arith.constant 0 : index
    %get3A_17 = vector.load %arg1[%get3A_14, %get3A_15, %get3A_16] : memref<4x256x512xf32, #tpu.memory_space<vmem>>, vector<1x256x512xf32>
    %get3A_18 = vector.shape_cast %get3A_17 : vector<1x256x512xf32> to vector<256x512xf32>
    %get3A_19 = arith.constant 0 : index
    %get3A_20 = arith.constant 0 : index
    %get3A_21 = vector.load %arg3[%get3A_19, %get3A_20] : memref<1x512xf32, #tpu.memory_space<vmem>>, vector<1x512xf32>
    %get3A_22 = arith.constant 1 : index
    %get3A_23 = arith.constant 0 : index
    %get3A_24 = arith.constant 0 : index
    %get3A_25 = vector.load %arg2[%get3A_22, %get3A_23, %get3A_24] : memref<3x512x512xf32, #tpu.memory_space<vmem>>, vector<1x512x512xf32>
    %get3A_26 = vector.shape_cast %get3A_25 : vector<1x512x512xf32> to vector<512x512xf32>
    %dot_general3A = arith.constant dense<0.000000e+00> : vector<256x512xf32>
    %dot_general3A_27 = tpu.matmul %get3A_3, %get3A_26, %dot_general3A {dimension_numbers = #tpu.dot_dimension_numbers<[1], [0], [0], [1], [0, 0, 1, 1], [], []>, transpose_lhs_hint = false} : vector<256x512xf32>, vector<512x512xf32>, vector<256x512xf32> -> vector<256x512xf32>
    %get3A_28 = arith.constant 2 : index
    %get3A_29 = arith.constant 0 : index
    %get3A_30 = arith.constant 0 : index
    %get3A_31 = vector.load %arg2[%get3A_28, %get3A_29, %get3A_30] : memref<3x512x512xf32, #tpu.memory_space<vmem>>, vector<1x512x512xf32>
    %get3A_32 = vector.shape_cast %get3A_31 : vector<1x512x512xf32> to vector<512x512xf32>
    %dot_general3A_33 = arith.constant dense<0.000000e+00> : vector<256x512xf32>
    %dot_general3A_34 = tpu.matmul %get3A_8, %get3A_32, %dot_general3A_33 {dimension_numbers = #tpu.dot_dimension_numbers<[1], [0], [0], [1], [0, 0, 1, 1], [], []>, transpose_lhs_hint = false} : vector<256x512xf32>, vector<512x512xf32>, vector<256x512xf32> -> vector<256x512xf32>
    %add3A = arith.addf %dot_general3A_27, %dot_general3A_34 : vector<256x512xf32>
    %add3A_35 = vector.broadcast %get3A_21 : vector<1x512xf32> to vector<256x512xf32>
    %add3A_36 = arith.addf %add3A, %add3A_35 : vector<256x512xf32>
    %max3A = arith.constant 0.000000e+00 : f32
    %max3A_37 = vector.broadcast %max3A : f32 to vector<256x512xf32>
    %max3A_38 = arith.maximumf %add3A_36, %max3A_37 : vector<256x512xf32>
    %get3A_39 = arith.constant 0 : index
    %get3A_40 = arith.constant 0 : index
    %get3A_41 = arith.constant 0 : index
    %get3A_42 = vector.load %arg2[%get3A_39, %get3A_40, %get3A_41] : memref<3x512x512xf32, #tpu.memory_space<vmem>>, vector<1x512x512xf32>
    %get3A_43 = vector.shape_cast %get3A_42 : vector<1x512x512xf32> to vector<512x512xf32>
    %dot_general3A_44 = arith.constant dense<0.000000e+00> : vector<256x512xf32>
    %dot_general3A_45 = tpu.matmul %get3A_3, %get3A_43, %dot_general3A_44 {dimension_numbers = #tpu.dot_dimension_numbers<[1], [0], [0], [1], [0, 0, 1, 1], [], []>, transpose_lhs_hint = false} : vector<256x512xf32>, vector<512x512xf32>, vector<256x512xf32> -> vector<256x512xf32>
    %get3A_46 = arith.constant 1 : index
    %get3A_47 = arith.constant 0 : index
    %get3A_48 = arith.constant 0 : index
    %get3A_49 = vector.load %arg2[%get3A_46, %get3A_47, %get3A_48] : memref<3x512x512xf32, #tpu.memory_space<vmem>>, vector<1x512x512xf32>
    %get3A_50 = vector.shape_cast %get3A_49 : vector<1x512x512xf32> to vector<512x512xf32>
    %dot_general3A_51 = arith.constant dense<0.000000e+00> : vector<256x512xf32>
    %dot_general3A_52 = tpu.matmul %get3A_8, %get3A_50, %dot_general3A_51 {dimension_numbers = #tpu.dot_dimension_numbers<[1], [0], [0], [1], [0, 0, 1, 1], [], []>, transpose_lhs_hint = false} : vector<256x512xf32>, vector<512x512xf32>, vector<256x512xf32> -> vector<256x512xf32>
    %add3A_53 = arith.addf %dot_general3A_45, %dot_general3A_52 : vector<256x512xf32>
    %get3A_54 = arith.constant 2 : index
    %get3A_55 = arith.constant 0 : index
    %get3A_56 = arith.constant 0 : index
    %get3A_57 = vector.load %arg2[%get3A_54, %get3A_55, %get3A_56] : memref<3x512x512xf32, #tpu.memory_space<vmem>>, vector<1x512x512xf32>
    %get3A_58 = vector.shape_cast %get3A_57 : vector<1x512x512xf32> to vector<512x512xf32>
    %dot_general3A_59 = arith.constant dense<0.000000e+00> : vector<256x512xf32>
    %dot_general3A_60 = tpu.matmul %get3A_13, %get3A_58, %dot_general3A_59 {dimension_numbers = #tpu.dot_dimension_numbers<[1], [0], [0], [1], [0, 0, 1, 1], [], []>, transpose_lhs_hint = false} : vector<256x512xf32>, vector<512x512xf32>, vector<256x512xf32> -> vector<256x512xf32>
    %add3A_61 = arith.addf %add3A_53, %dot_general3A_60 : vector<256x512xf32>
    %add3A_62 = vector.broadcast %get3A_21 : vector<1x512xf32> to vector<256x512xf32>
    %add3A_63 = arith.addf %add3A_61, %add3A_62 : vector<256x512xf32>
    %max3A_64 = arith.constant 0.000000e+00 : f32
    %max3A_65 = vector.broadcast %max3A_64 : f32 to vector<256x512xf32>
    %max3A_66 = arith.maximumf %add3A_63, %max3A_65 : vector<256x512xf32>
    %get3A_67 = arith.constant 0 : index
    %get3A_68 = arith.constant 0 : index
    %get3A_69 = arith.constant 0 : index
    %get3A_70 = vector.load %arg2[%get3A_67, %get3A_68, %get3A_69] : memref<3x512x512xf32, #tpu.memory_space<vmem>>, vector<1x512x512xf32>
    %get3A_71 = vector.shape_cast %get3A_70 : vector<1x512x512xf32> to vector<512x512xf32>
    %dot_general3A_72 = arith.constant dense<0.000000e+00> : vector<256x512xf32>
    %dot_general3A_73 = tpu.matmul %get3A_8, %get3A_71, %dot_general3A_72 {dimension_numbers = #tpu.dot_dimension_numbers<[1], [0], [0], [1], [0, 0, 1, 1], [], []>, transpose_lhs_hint = false} : vector<256x512xf32>, vector<512x512xf32>, vector<256x512xf32> -> vector<256x512xf32>
    %get3A_74 = arith.constant 1 : index
    %get3A_75 = arith.constant 0 : index
    %get3A_76 = arith.constant 0 : index
    %get3A_77 = vector.load %arg2[%get3A_74, %get3A_75, %get3A_76] : memref<3x512x512xf32, #tpu.memory_space<vmem>>, vector<1x512x512xf32>
    %get3A_78 = vector.shape_cast %get3A_77 : vector<1x512x512xf32> to vector<512x512xf32>
    %dot_general3A_79 = arith.constant dense<0.000000e+00> : vector<256x512xf32>
    %dot_general3A_80 = tpu.matmul %get3A_13, %get3A_78, %dot_general3A_79 {dimension_numbers = #tpu.dot_dimension_numbers<[1], [0], [0], [1], [0, 0, 1, 1], [], []>, transpose_lhs_hint = false} : vector<256x512xf32>, vector<512x512xf32>, vector<256x512xf32> -> vector<256x512xf32>
    %add3A_81 = arith.addf %dot_general3A_73, %dot_general3A_80 : vector<256x512xf32>
    %get3A_82 = arith.constant 2 : index
    %get3A_83 = arith.constant 0 : index
    %get3A_84 = arith.constant 0 : index
    %get3A_85 = vector.load %arg2[%get3A_82, %get3A_83, %get3A_84] : memref<3x512x512xf32, #tpu.memory_space<vmem>>, vector<1x512x512xf32>
    %get3A_86 = vector.shape_cast %get3A_85 : vector<1x512x512xf32> to vector<512x512xf32>
    %dot_general3A_87 = arith.constant dense<0.000000e+00> : vector<256x512xf32>
    %dot_general3A_88 = tpu.matmul %get3A_18, %get3A_86, %dot_general3A_87 {dimension_numbers = #tpu.dot_dimension_numbers<[1], [0], [0], [1], [0, 0, 1, 1], [], []>, transpose_lhs_hint = false} : vector<256x512xf32>, vector<512x512xf32>, vector<256x512xf32> -> vector<256x512xf32>
    %add3A_89 = arith.addf %add3A_81, %dot_general3A_88 : vector<256x512xf32>
    %add3A_90 = vector.broadcast %get3A_21 : vector<1x512xf32> to vector<256x512xf32>
    %add3A_91 = arith.addf %add3A_89, %add3A_90 : vector<256x512xf32>
    %max3A_92 = arith.constant 0.000000e+00 : f32
    %max3A_93 = vector.broadcast %max3A_92 : f32 to vector<256x512xf32>
    %max3A_94 = arith.maximumf %add3A_91, %max3A_93 : vector<256x512xf32>
    %get3A_95 = arith.constant 0 : index
    %get3A_96 = arith.constant 0 : index
    %get3A_97 = arith.constant 0 : index
    %get3A_98 = vector.load %arg2[%get3A_95, %get3A_96, %get3A_97] : memref<3x512x512xf32, #tpu.memory_space<vmem>>, vector<1x512x512xf32>
    %get3A_99 = vector.shape_cast %get3A_98 : vector<1x512x512xf32> to vector<512x512xf32>
    %dot_general3A_100 = arith.constant dense<0.000000e+00> : vector<256x512xf32>
    %dot_general3A_101 = tpu.matmul %get3A_13, %get3A_99, %dot_general3A_100 {dimension_numbers = #tpu.dot_dimension_numbers<[1], [0], [0], [1], [0, 0, 1, 1], [], []>, transpose_lhs_hint = false} : vector<256x512xf32>, vector<512x512xf32>, vector<256x512xf32> -> vector<256x512xf32>
    %get3A_102 = arith.constant 1 : index
    %get3A_103 = arith.constant 0 : index
    %get3A_104 = arith.constant 0 : index
    %get3A_105 = vector.load %arg2[%get3A_102, %get3A_103, %get3A_104] : memref<3x512x512xf32, #tpu.memory_space<vmem>>, vector<1x512x512xf32>
    %get3A_106 = vector.shape_cast %get3A_105 : vector<1x512x512xf32> to vector<512x512xf32>
    %dot_general3A_107 = arith.constant dense<0.000000e+00> : vector<256x512xf32>
    %dot_general3A_108 = tpu.matmul %get3A_18, %get3A_106, %dot_general3A_107 {dimension_numbers = #tpu.dot_dimension_numbers<[1], [0], [0], [1], [0, 0, 1, 1], [], []>, transpose_lhs_hint = false} : vector<256x512xf32>, vector<512x512xf32>, vector<256x512xf32> -> vector<256x512xf32>
    %add3A_109 = arith.addf %dot_general3A_101, %dot_general3A_108 : vector<256x512xf32>
    %add3A_110 = vector.broadcast %get3A_21 : vector<1x512xf32> to vector<256x512xf32>
    %add3A_111 = arith.addf %add3A_109, %add3A_110 : vector<256x512xf32>
    %max3A_112 = arith.constant 0.000000e+00 : f32
    %max3A_113 = vector.broadcast %max3A_112 : f32 to vector<256x512xf32>
    %max3A_114 = arith.maximumf %add3A_111, %max3A_113 : vector<256x512xf32>
    %max3A_115 = arith.constant 0.000000e+00 : f32
    %max3A_116 = vector.broadcast %max3A_115 : f32 to vector<256x512xf32>
    %max3A_117 = arith.maximumf %max3A_38, %max3A_116 : vector<256x512xf32>
    %max3A_118 = arith.constant 0.000000e+00 : f32
    %max3A_119 = vector.broadcast %max3A_118 : f32 to vector<256x512xf32>
    %max3A_120 = arith.maximumf %max3A_66, %max3A_119 : vector<256x512xf32>
    %max3A_121 = arith.constant 0.000000e+00 : f32
    %max3A_122 = vector.broadcast %max3A_121 : f32 to vector<256x512xf32>
    %max3A_123 = arith.maximumf %max3A_94, %max3A_122 : vector<256x512xf32>
    %max3A_124 = arith.constant 0.000000e+00 : f32
    %max3A_125 = vector.broadcast %max3A_124 : f32 to vector<256x512xf32>
    %max3A_126 = arith.maximumf %max3A_114, %max3A_125 : vector<256x512xf32>
    %get3A_127 = arith.constant 0 : index
    %get3A_128 = arith.constant 0 : index
    %get3A_129 = vector.load %arg5[%get3A_127, %get3A_128] : memref<1x512xf32, #tpu.memory_space<vmem>>, vector<1x512xf32>
    %get3A_130 = arith.constant 1 : index
    %get3A_131 = arith.constant 0 : index
    %get3A_132 = arith.constant 0 : index
    %get3A_133 = vector.load %arg4[%get3A_130, %get3A_131, %get3A_132] : memref<3x512x512xf32, #tpu.memory_space<vmem>>, vector<1x512x512xf32>
    %get3A_134 = vector.shape_cast %get3A_133 : vector<1x512x512xf32> to vector<512x512xf32>
    %dot_general3A_135 = arith.constant dense<0.000000e+00> : vector<256x512xf32>
    %dot_general3A_136 = tpu.matmul %max3A_117, %get3A_134, %dot_general3A_135 {dimension_numbers = #tpu.dot_dimension_numbers<[1], [0], [0], [1], [0, 0, 1, 1], [], []>, transpose_lhs_hint = false} : vector<256x512xf32>, vector<512x512xf32>, vector<256x512xf32> -> vector<256x512xf32>
    %get3A_137 = arith.constant 2 : index
    %get3A_138 = arith.constant 0 : index
    %get3A_139 = arith.constant 0 : index
    %get3A_140 = vector.load %arg4[%get3A_137, %get3A_138, %get3A_139] : memref<3x512x512xf32, #tpu.memory_space<vmem>>, vector<1x512x512xf32>
    %get3A_141 = vector.shape_cast %get3A_140 : vector<1x512x512xf32> to vector<512x512xf32>
    %dot_general3A_142 = arith.constant dense<0.000000e+00> : vector<256x512xf32>
    %dot_general3A_143 = tpu.matmul %max3A_120, %get3A_141, %dot_general3A_142 {dimension_numbers = #tpu.dot_dimension_numbers<[1], [0], [0], [1], [0, 0, 1, 1], [], []>, transpose_lhs_hint = false} : vector<256x512xf32>, vector<512x512xf32>, vector<256x512xf32> -> vector<256x512xf32>
    %add3A_144 = arith.addf %dot_general3A_136, %dot_general3A_143 : vector<256x512xf32>
    %add3A_145 = vector.broadcast %get3A_129 : vector<1x512xf32> to vector<256x512xf32>
    %add3A_146 = arith.addf %add3A_144, %add3A_145 : vector<256x512xf32>
    %max3A_147 = arith.constant 0.000000e+00 : f32
    %max3A_148 = vector.broadcast %max3A_147 : f32 to vector<256x512xf32>
    %max3A_149 = arith.maximumf %add3A_146, %max3A_148 : vector<256x512xf32>
    %get3A_150 = arith.constant 0 : index
    %get3A_151 = arith.constant 0 : index
    %get3A_152 = arith.constant 0 : index
    %get3A_153 = vector.load %arg4[%get3A_150, %get3A_151, %get3A_152] : memref<3x512x512xf32, #tpu.memory_space<vmem>>, vector<1x512x512xf32>
    %get3A_154 = vector.shape_cast %get3A_153 : vector<1x512x512xf32> to vector<512x512xf32>
    %dot_general3A_155 = arith.constant dense<0.000000e+00> : vector<256x512xf32>
    %dot_general3A_156 = tpu.matmul %max3A_117, %get3A_154, %dot_general3A_155 {dimension_numbers = #tpu.dot_dimension_numbers<[1], [0], [0], [1], [0, 0, 1, 1], [], []>, transpose_lhs_hint = false} : vector<256x512xf32>, vector<512x512xf32>, vector<256x512xf32> -> vector<256x512xf32>
    %get3A_157 = arith.constant 1 : index
    %get3A_158 = arith.constant 0 : index
    %get3A_159 = arith.constant 0 : index
    %get3A_160 = vector.load %arg4[%get3A_157, %get3A_158, %get3A_159] : memref<3x512x512xf32, #tpu.memory_space<vmem>>, vector<1x512x512xf32>
    %get3A_161 = vector.shape_cast %get3A_160 : vector<1x512x512xf32> to vector<512x512xf32>
    %dot_general3A_162 = arith.constant dense<0.000000e+00> : vector<256x512xf32>
    %dot_general3A_163 = tpu.matmul %max3A_120, %get3A_161, %dot_general3A_162 {dimension_numbers = #tpu.dot_dimension_numbers<[1], [0], [0], [1], [0, 0, 1, 1], [], []>, transpose_lhs_hint = false} : vector<256x512xf32>, vector<512x512xf32>, vector<256x512xf32> -> vector<256x512xf32>
    %add3A_164 = arith.addf %dot_general3A_156, %dot_general3A_163 : vector<256x512xf32>
    %get3A_165 = arith.constant 2 : index
    %get3A_166 = arith.constant 0 : index
    %get3A_167 = arith.constant 0 : index
    %get3A_168 = vector.load %arg4[%get3A_165, %get3A_166, %get3A_167] : memref<3x512x512xf32, #tpu.memory_space<vmem>>, vector<1x512x512xf32>
    %get3A_169 = vector.shape_cast %get3A_168 : vector<1x512x512xf32> to vector<512x512xf32>
    %dot_general3A_170 = arith.constant dense<0.000000e+00> : vector<256x512xf32>
    %dot_general3A_171 = tpu.matmul %max3A_123, %get3A_169, %dot_general3A_170 {dimension_numbers = #tpu.dot_dimension_numbers<[1], [0], [0], [1], [0, 0, 1, 1], [], []>, transpose_lhs_hint = false} : vector<256x512xf32>, vector<512x512xf32>, vector<256x512xf32> -> vector<256x512xf32>
    %add3A_172 = arith.addf %add3A_164, %dot_general3A_171 : vector<256x512xf32>
    %add3A_173 = vector.broadcast %get3A_129 : vector<1x512xf32> to vector<256x512xf32>
    %add3A_174 = arith.addf %add3A_172, %add3A_173 : vector<256x512xf32>
    %max3A_175 = arith.constant 0.000000e+00 : f32
    %max3A_176 = vector.broadcast %max3A_175 : f32 to vector<256x512xf32>
    %max3A_177 = arith.maximumf %add3A_174, %max3A_176 : vector<256x512xf32>
    %get3A_178 = arith.constant 0 : index
    %get3A_179 = arith.constant 0 : index
    %get3A_180 = arith.constant 0 : index
    %get3A_181 = vector.load %arg4[%get3A_178, %get3A_179, %get3A_180] : memref<3x512x512xf32, #tpu.memory_space<vmem>>, vector<1x512x512xf32>
    %get3A_182 = vector.shape_cast %get3A_181 : vector<1x512x512xf32> to vector<512x512xf32>
    %dot_general3A_183 = arith.constant dense<0.000000e+00> : vector<256x512xf32>
    %dot_general3A_184 = tpu.matmul %max3A_120, %get3A_182, %dot_general3A_183 {dimension_numbers = #tpu.dot_dimension_numbers<[1], [0], [0], [1], [0, 0, 1, 1], [], []>, transpose_lhs_hint = false} : vector<256x512xf32>, vector<512x512xf32>, vector<256x512xf32> -> vector<256x512xf32>
    %get3A_185 = arith.constant 1 : index
    %get3A_186 = arith.constant 0 : index
    %get3A_187 = arith.constant 0 : index
    %get3A_188 = vector.load %arg4[%get3A_185, %get3A_186, %get3A_187] : memref<3x512x512xf32, #tpu.memory_space<vmem>>, vector<1x512x512xf32>
    %get3A_189 = vector.shape_cast %get3A_188 : vector<1x512x512xf32> to vector<512x512xf32>
    %dot_general3A_190 = arith.constant dense<0.000000e+00> : vector<256x512xf32>
    %dot_general3A_191 = tpu.matmul %max3A_123, %get3A_189, %dot_general3A_190 {dimension_numbers = #tpu.dot_dimension_numbers<[1], [0], [0], [1], [0, 0, 1, 1], [], []>, transpose_lhs_hint = false} : vector<256x512xf32>, vector<512x512xf32>, vector<256x512xf32> -> vector<256x512xf32>
    %add3A_192 = arith.addf %dot_general3A_184, %dot_general3A_191 : vector<256x512xf32>
    %get3A_193 = arith.constant 2 : index
    %get3A_194 = arith.constant 0 : index
    %get3A_195 = arith.constant 0 : index
    %get3A_196 = vector.load %arg4[%get3A_193, %get3A_194, %get3A_195] : memref<3x512x512xf32, #tpu.memory_space<vmem>>, vector<1x512x512xf32>
    %get3A_197 = vector.shape_cast %get3A_196 : vector<1x512x512xf32> to vector<512x512xf32>
    %dot_general3A_198 = arith.constant dense<0.000000e+00> : vector<256x512xf32>
    %dot_general3A_199 = tpu.matmul %max3A_126, %get3A_197, %dot_general3A_198 {dimension_numbers = #tpu.dot_dimension_numbers<[1], [0], [0], [1], [0, 0, 1, 1], [], []>, transpose_lhs_hint = false} : vector<256x512xf32>, vector<512x512xf32>, vector<256x512xf32> -> vector<256x512xf32>
    %add3A_200 = arith.addf %add3A_192, %dot_general3A_199 : vector<256x512xf32>
    %add3A_201 = vector.broadcast %get3A_129 : vector<1x512xf32> to vector<256x512xf32>
    %add3A_202 = arith.addf %add3A_200, %add3A_201 : vector<256x512xf32>
    %max3A_203 = arith.constant 0.000000e+00 : f32
    %max3A_204 = vector.broadcast %max3A_203 : f32 to vector<256x512xf32>
    %max3A_205 = arith.maximumf %add3A_202, %max3A_204 : vector<256x512xf32>
    %get3A_206 = arith.constant 0 : index
    %get3A_207 = arith.constant 0 : index
    %get3A_208 = arith.constant 0 : index
    %get3A_209 = vector.load %arg4[%get3A_206, %get3A_207, %get3A_208] : memref<3x512x512xf32, #tpu.memory_space<vmem>>, vector<1x512x512xf32>
    %get3A_210 = vector.shape_cast %get3A_209 : vector<1x512x512xf32> to vector<512x512xf32>
    %dot_general3A_211 = arith.constant dense<0.000000e+00> : vector<256x512xf32>
    %dot_general3A_212 = tpu.matmul %max3A_123, %get3A_210, %dot_general3A_211 {dimension_numbers = #tpu.dot_dimension_numbers<[1], [0], [0], [1], [0, 0, 1, 1], [], []>, transpose_lhs_hint = false} : vector<256x512xf32>, vector<512x512xf32>, vector<256x512xf32> -> vector<256x512xf32>
    %get3A_213 = arith.constant 1 : index
    %get3A_214 = arith.constant 0 : index
    %get3A_215 = arith.constant 0 : index
    %get3A_216 = vector.load %arg4[%get3A_213, %get3A_214, %get3A_215] : memref<3x512x512xf32, #tpu.memory_space<vmem>>, vector<1x512x512xf32>
    %get3A_217 = vector.shape_cast %get3A_216 : vector<1x512x512xf32> to vector<512x512xf32>
    %dot_general3A_218 = arith.constant dense<0.000000e+00> : vector<256x512xf32>
    %dot_general3A_219 = tpu.matmul %max3A_126, %get3A_217, %dot_general3A_218 {dimension_numbers = #tpu.dot_dimension_numbers<[1], [0], [0], [1], [0, 0, 1, 1], [], []>, transpose_lhs_hint = false} : vector<256x512xf32>, vector<512x512xf32>, vector<256x512xf32> -> vector<256x512xf32>
    %add3A_220 = arith.addf %dot_general3A_212, %dot_general3A_219 : vector<256x512xf32>
    %add3A_221 = vector.broadcast %get3A_129 : vector<1x512xf32> to vector<256x512xf32>
    %add3A_222 = arith.addf %add3A_220, %add3A_221 : vector<256x512xf32>
    %max3A_223 = arith.constant 0.000000e+00 : f32
    %max3A_224 = vector.broadcast %max3A_223 : f32 to vector<256x512xf32>
    %max3A_225 = arith.maximumf %add3A_222, %max3A_224 : vector<256x512xf32>
    %get3A_226 = arith.constant 0 : index
    %get3A_227 = arith.constant 0 : index
    %get3A_228 = vector.load %arg7[%get3A_226, %get3A_227] : memref<1x512xf32, #tpu.memory_space<vmem>>, vector<1x512xf32>
    %get3A_229 = arith.constant 0 : index
    %get3A_230 = arith.constant 0 : index
    %get3A_231 = arith.constant 0 : index
    %get3A_232 = vector.load %arg6[%get3A_229, %get3A_230, %get3A_231] : memref<1x512x512xf32, #tpu.memory_space<vmem>>, vector<1x512x512xf32>
    %get3A_233 = vector.shape_cast %get3A_232 : vector<1x512x512xf32> to vector<512x512xf32>
    %dot_general3A_234 = arith.constant dense<0.000000e+00> : vector<256x512xf32>
    %dot_general3A_235 = tpu.matmul %max3A_149, %get3A_233, %dot_general3A_234 {dimension_numbers = #tpu.dot_dimension_numbers<[1], [0], [0], [1], [0, 0, 1, 1], [], []>, transpose_lhs_hint = false} : vector<256x512xf32>, vector<512x512xf32>, vector<256x512xf32> -> vector<256x512xf32>
    %add3A_236 = vector.broadcast %get3A_228 : vector<1x512xf32> to vector<256x512xf32>
    %add3A_237 = arith.addf %dot_general3A_235, %add3A_236 : vector<256x512xf32>
    %get3A_238 = arith.constant 0 : index
    %get3A_239 = arith.constant 0 : index
    %get3A_240 = arith.constant 0 : index
    %get3A_241 = vector.load %arg6[%get3A_238, %get3A_239, %get3A_240] : memref<1x512x512xf32, #tpu.memory_space<vmem>>, vector<1x512x512xf32>
    %get3A_242 = vector.shape_cast %get3A_241 : vector<1x512x512xf32> to vector<512x512xf32>
    %dot_general3A_243 = arith.constant dense<0.000000e+00> : vector<256x512xf32>
    %dot_general3A_244 = tpu.matmul %max3A_177, %get3A_242, %dot_general3A_243 {dimension_numbers = #tpu.dot_dimension_numbers<[1], [0], [0], [1], [0, 0, 1, 1], [], []>, transpose_lhs_hint = false} : vector<256x512xf32>, vector<512x512xf32>, vector<256x512xf32> -> vector<256x512xf32>
    %add3A_245 = vector.broadcast %get3A_228 : vector<1x512xf32> to vector<256x512xf32>
    %add3A_246 = arith.addf %dot_general3A_244, %add3A_245 : vector<256x512xf32>
    %get3A_247 = arith.constant 0 : index
    %get3A_248 = arith.constant 0 : index
    %get3A_249 = arith.constant 0 : index
    %get3A_250 = vector.load %arg6[%get3A_247, %get3A_248, %get3A_249] : memref<1x512x512xf32, #tpu.memory_space<vmem>>, vector<1x512x512xf32>
    %get3A_251 = vector.shape_cast %get3A_250 : vector<1x512x512xf32> to vector<512x512xf32>
    %dot_general3A_252 = arith.constant dense<0.000000e+00> : vector<256x512xf32>
    %dot_general3A_253 = tpu.matmul %max3A_205, %get3A_251, %dot_general3A_252 {dimension_numbers = #tpu.dot_dimension_numbers<[1], [0], [0], [1], [0, 0, 1, 1], [], []>, transpose_lhs_hint = false} : vector<256x512xf32>, vector<512x512xf32>, vector<256x512xf32> -> vector<256x512xf32>
    %add3A_254 = vector.broadcast %get3A_228 : vector<1x512xf32> to vector<256x512xf32>
    %add3A_255 = arith.addf %dot_general3A_253, %add3A_254 : vector<256x512xf32>
    %get3A_256 = arith.constant 0 : index
    %get3A_257 = arith.constant 0 : index
    %get3A_258 = arith.constant 0 : index
    %get3A_259 = vector.load %arg6[%get3A_256, %get3A_257, %get3A_258] : memref<1x512x512xf32, #tpu.memory_space<vmem>>, vector<1x512x512xf32>
    %get3A_260 = vector.shape_cast %get3A_259 : vector<1x512x512xf32> to vector<512x512xf32>
    %dot_general3A_261 = arith.constant dense<0.000000e+00> : vector<256x512xf32>
    %dot_general3A_262 = tpu.matmul %max3A_225, %get3A_260, %dot_general3A_261 {dimension_numbers = #tpu.dot_dimension_numbers<[1], [0], [0], [1], [0, 0, 1, 1], [], []>, transpose_lhs_hint = false} : vector<256x512xf32>, vector<512x512xf32>, vector<256x512xf32> -> vector<256x512xf32>
    %add3A_263 = vector.broadcast %get3A_228 : vector<1x512xf32> to vector<256x512xf32>
    %add3A_264 = arith.addf %dot_general3A_262, %add3A_263 : vector<256x512xf32>
    %add3A_265 = arith.addf %max3A_38, %add3A_237 : vector<256x512xf32>
    %add3A_266 = arith.addf %max3A_66, %add3A_246 : vector<256x512xf32>
    %add3A_267 = arith.addf %max3A_94, %add3A_255 : vector<256x512xf32>
    %add3A_268 = arith.addf %max3A_114, %add3A_264 : vector<256x512xf32>
    %get3A_269 = arith.constant 0 : index
    %get3A_270 = arith.constant 0 : index
    %get3A_271 = vector.load %arg9[%get3A_269, %get3A_270] : memref<1x512xf32, #tpu.memory_space<vmem>>, vector<1x512xf32>
    %get3A_272 = arith.constant 0 : index
    %get3A_273 = arith.constant 0 : index
    %get3A_274 = arith.constant 0 : index
    %get3A_275 = vector.load %arg8[%get3A_272, %get3A_273, %get3A_274] : memref<3x512x512xf32, #tpu.memory_space<vmem>>, vector<1x512x512xf32>
    %get3A_276 = vector.shape_cast %get3A_275 : vector<1x512x512xf32> to vector<512x512xf32>
    %get3A_277 = arith.constant 2 : index
    %get3A_278 = arith.constant 0 : index
    %get3A_279 = arith.constant 0 : index
    %get3A_280 = vector.load %arg8[%get3A_277, %get3A_278, %get3A_279] : memref<3x512x512xf32, #tpu.memory_space<vmem>>, vector<1x512x512xf32>
    %get3A_281 = vector.shape_cast %get3A_280 : vector<1x512x512xf32> to vector<512x512xf32>
    %get3A_282 = arith.constant 1 : index
    %get3A_283 = arith.constant 0 : index
    %get3A_284 = arith.constant 0 : index
    %get3A_285 = vector.load %arg8[%get3A_282, %get3A_283, %get3A_284] : memref<3x512x512xf32, #tpu.memory_space<vmem>>, vector<1x512x512xf32>
    %get3A_286 = vector.shape_cast %get3A_285 : vector<1x512x512xf32> to vector<512x512xf32>
    %add3A_287 = arith.addf %get3A_286, %get3A_281 : vector<512x512xf32>
    %get3A_288 = arith.constant 1 : index
    %get3A_289 = arith.constant 0 : index
    %get3A_290 = arith.constant 0 : index
    %get3A_291 = vector.load %arg8[%get3A_288, %get3A_289, %get3A_290] : memref<3x512x512xf32, #tpu.memory_space<vmem>>, vector<1x512x512xf32>
    %get3A_292 = vector.shape_cast %get3A_291 : vector<1x512x512xf32> to vector<512x512xf32>
    %add3A_293 = arith.addf %get3A_276, %get3A_292 : vector<512x512xf32>
    %dot_general3A_294 = arith.constant dense<0.000000e+00> : vector<256x512xf32>
    %dot_general3A_295 = tpu.matmul %add3A_265, %add3A_287, %dot_general3A_294 {dimension_numbers = #tpu.dot_dimension_numbers<[1], [0], [0], [1], [0, 0, 1, 1], [], []>, transpose_lhs_hint = false} : vector<256x512xf32>, vector<512x512xf32>, vector<256x512xf32> -> vector<256x512xf32>
    %add3A_296 = vector.broadcast %get3A_271 : vector<1x512xf32> to vector<256x512xf32>
    %add3A_297 = arith.addf %dot_general3A_295, %add3A_296 : vector<256x512xf32>
    %dot_general3A_298 = arith.constant dense<0.000000e+00> : vector<256x512xf32>
    %dot_general3A_299 = tpu.matmul %add3A_265, %add3A_293, %dot_general3A_298 {dimension_numbers = #tpu.dot_dimension_numbers<[1], [0], [0], [1], [0, 0, 1, 1], [], []>, transpose_lhs_hint = false} : vector<256x512xf32>, vector<512x512xf32>, vector<256x512xf32> -> vector<256x512xf32>
    %dot_general3A_300 = arith.constant dense<0.000000e+00> : vector<256x512xf32>
    %dot_general3A_301 = tpu.matmul %add3A_266, %get3A_281, %dot_general3A_300 {dimension_numbers = #tpu.dot_dimension_numbers<[1], [0], [0], [1], [0, 0, 1, 1], [], []>, transpose_lhs_hint = false} : vector<256x512xf32>, vector<512x512xf32>, vector<256x512xf32> -> vector<256x512xf32>
    %add3A_302 = arith.addf %dot_general3A_299, %dot_general3A_301 : vector<256x512xf32>
    %add3A_303 = vector.broadcast %get3A_271 : vector<1x512xf32> to vector<256x512xf32>
    %add3A_304 = arith.addf %add3A_302, %add3A_303 : vector<256x512xf32>
    %dot_general3A_305 = arith.constant dense<0.000000e+00> : vector<256x512xf32>
    %dot_general3A_306 = tpu.matmul %add3A_266, %add3A_287, %dot_general3A_305 {dimension_numbers = #tpu.dot_dimension_numbers<[1], [0], [0], [1], [0, 0, 1, 1], [], []>, transpose_lhs_hint = false} : vector<256x512xf32>, vector<512x512xf32>, vector<256x512xf32> -> vector<256x512xf32>
    %dot_general3A_307 = arith.constant dense<0.000000e+00> : vector<256x512xf32>
    %dot_general3A_308 = tpu.matmul %add3A_265, %get3A_276, %dot_general3A_307 {dimension_numbers = #tpu.dot_dimension_numbers<[1], [0], [0], [1], [0, 0, 1, 1], [], []>, transpose_lhs_hint = false} : vector<256x512xf32>, vector<512x512xf32>, vector<256x512xf32> -> vector<256x512xf32>
    %add3A_309 = arith.addf %dot_general3A_306, %dot_general3A_308 : vector<256x512xf32>
    %add3A_310 = vector.broadcast %get3A_271 : vector<1x512xf32> to vector<256x512xf32>
    %add3A_311 = arith.addf %add3A_309, %add3A_310 : vector<256x512xf32>
    %dot_general3A_312 = arith.constant dense<0.000000e+00> : vector<256x512xf32>
    %dot_general3A_313 = tpu.matmul %add3A_266, %add3A_293, %dot_general3A_312 {dimension_numbers = #tpu.dot_dimension_numbers<[1], [0], [0], [1], [0, 0, 1, 1], [], []>, transpose_lhs_hint = false} : vector<256x512xf32>, vector<512x512xf32>, vector<256x512xf32> -> vector<256x512xf32>
    %dot_general3A_314 = arith.constant dense<0.000000e+00> : vector<256x512xf32>
    %dot_general3A_315 = tpu.matmul %add3A_267, %get3A_281, %dot_general3A_314 {dimension_numbers = #tpu.dot_dimension_numbers<[1], [0], [0], [1], [0, 0, 1, 1], [], []>, transpose_lhs_hint = false} : vector<256x512xf32>, vector<512x512xf32>, vector<256x512xf32> -> vector<256x512xf32>
    %add3A_316 = arith.addf %dot_general3A_313, %dot_general3A_315 : vector<256x512xf32>
    %add3A_317 = vector.broadcast %get3A_271 : vector<1x512xf32> to vector<256x512xf32>
    %add3A_318 = arith.addf %add3A_316, %add3A_317 : vector<256x512xf32>
    %dot_general3A_319 = arith.constant dense<0.000000e+00> : vector<256x512xf32>
    %dot_general3A_320 = tpu.matmul %add3A_267, %add3A_287, %dot_general3A_319 {dimension_numbers = #tpu.dot_dimension_numbers<[1], [0], [0], [1], [0, 0, 1, 1], [], []>, transpose_lhs_hint = false} : vector<256x512xf32>, vector<512x512xf32>, vector<256x512xf32> -> vector<256x512xf32>
    %dot_general3A_321 = arith.constant dense<0.000000e+00> : vector<256x512xf32>
    %dot_general3A_322 = tpu.matmul %add3A_266, %get3A_276, %dot_general3A_321 {dimension_numbers = #tpu.dot_dimension_numbers<[1], [0], [0], [1], [0, 0, 1, 1], [], []>, transpose_lhs_hint = false} : vector<256x512xf32>, vector<512x512xf32>, vector<256x512xf32> -> vector<256x512xf32>
    %add3A_323 = arith.addf %dot_general3A_320, %dot_general3A_322 : vector<256x512xf32>
    %add3A_324 = vector.broadcast %get3A_271 : vector<1x512xf32> to vector<256x512xf32>
    %add3A_325 = arith.addf %add3A_323, %add3A_324 : vector<256x512xf32>
    %dot_general3A_326 = arith.constant dense<0.000000e+00> : vector<256x512xf32>
    %dot_general3A_327 = tpu.matmul %add3A_267, %add3A_293, %dot_general3A_326 {dimension_numbers = #tpu.dot_dimension_numbers<[1], [0], [0], [1], [0, 0, 1, 1], [], []>, transpose_lhs_hint = false} : vector<256x512xf32>, vector<512x512xf32>, vector<256x512xf32> -> vector<256x512xf32>
    %dot_general3A_328 = arith.constant dense<0.000000e+00> : vector<256x512xf32>
    %dot_general3A_329 = tpu.matmul %add3A_268, %get3A_281, %dot_general3A_328 {dimension_numbers = #tpu.dot_dimension_numbers<[1], [0], [0], [1], [0, 0, 1, 1], [], []>, transpose_lhs_hint = false} : vector<256x512xf32>, vector<512x512xf32>, vector<256x512xf32> -> vector<256x512xf32>
    %add3A_330 = arith.addf %dot_general3A_327, %dot_general3A_329 : vector<256x512xf32>
    %add3A_331 = vector.broadcast %get3A_271 : vector<1x512xf32> to vector<256x512xf32>
    %add3A_332 = arith.addf %add3A_330, %add3A_331 : vector<256x512xf32>
    %dot_general3A_333 = arith.constant dense<0.000000e+00> : vector<256x512xf32>
    %dot_general3A_334 = tpu.matmul %add3A_268, %add3A_287, %dot_general3A_333 {dimension_numbers = #tpu.dot_dimension_numbers<[1], [0], [0], [1], [0, 0, 1, 1], [], []>, transpose_lhs_hint = false} : vector<256x512xf32>, vector<512x512xf32>, vector<256x512xf32> -> vector<256x512xf32>
    %dot_general3A_335 = arith.constant dense<0.000000e+00> : vector<256x512xf32>
    %dot_general3A_336 = tpu.matmul %add3A_267, %get3A_276, %dot_general3A_335 {dimension_numbers = #tpu.dot_dimension_numbers<[1], [0], [0], [1], [0, 0, 1, 1], [], []>, transpose_lhs_hint = false} : vector<256x512xf32>, vector<512x512xf32>, vector<256x512xf32> -> vector<256x512xf32>
    %add3A_337 = arith.addf %dot_general3A_334, %dot_general3A_336 : vector<256x512xf32>
    %add3A_338 = vector.broadcast %get3A_271 : vector<1x512xf32> to vector<256x512xf32>
    %add3A_339 = arith.addf %add3A_337, %add3A_338 : vector<256x512xf32>
    %dot_general3A_340 = arith.constant dense<0.000000e+00> : vector<256x512xf32>
    %dot_general3A_341 = tpu.matmul %add3A_268, %add3A_293, %dot_general3A_340 {dimension_numbers = #tpu.dot_dimension_numbers<[1], [0], [0], [1], [0, 0, 1, 1], [], []>, transpose_lhs_hint = false} : vector<256x512xf32>, vector<512x512xf32>, vector<256x512xf32> -> vector<256x512xf32>
    %add3A_342 = vector.broadcast %get3A_271 : vector<1x512xf32> to vector<256x512xf32>
    %add3A_343 = arith.addf %dot_general3A_341, %add3A_342 : vector<256x512xf32>
    %max3A_344 = arith.constant 0.000000e+00 : f32
    %max3A_345 = vector.broadcast %max3A_344 : f32 to vector<256x512xf32>
    %max3A_346 = arith.maximumf %add3A_297, %max3A_345 : vector<256x512xf32>
    %max3A_347 = arith.constant 0.000000e+00 : f32
    %max3A_348 = vector.broadcast %max3A_347 : f32 to vector<256x512xf32>
    %max3A_349 = arith.maximumf %add3A_304, %max3A_348 : vector<256x512xf32>
    %max3A_350 = arith.constant 0.000000e+00 : f32
    %max3A_351 = vector.broadcast %max3A_350 : f32 to vector<256x512xf32>
    %max3A_352 = arith.maximumf %add3A_311, %max3A_351 : vector<256x512xf32>
    %max3A_353 = arith.constant 0.000000e+00 : f32
    %max3A_354 = vector.broadcast %max3A_353 : f32 to vector<256x512xf32>
    %max3A_355 = arith.maximumf %add3A_318, %max3A_354 : vector<256x512xf32>
    %max3A_356 = arith.constant 0.000000e+00 : f32
    %max3A_357 = vector.broadcast %max3A_356 : f32 to vector<256x512xf32>
    %max3A_358 = arith.maximumf %add3A_325, %max3A_357 : vector<256x512xf32>
    %max3A_359 = arith.constant 0.000000e+00 : f32
    %max3A_360 = vector.broadcast %max3A_359 : f32 to vector<256x512xf32>
    %max3A_361 = arith.maximumf %add3A_332, %max3A_360 : vector<256x512xf32>
    %max3A_362 = arith.constant 0.000000e+00 : f32
    %max3A_363 = vector.broadcast %max3A_362 : f32 to vector<256x512xf32>
    %max3A_364 = arith.maximumf %add3A_339, %max3A_363 : vector<256x512xf32>
    %max3A_365 = arith.constant 0.000000e+00 : f32
    %max3A_366 = vector.broadcast %max3A_365 : f32 to vector<256x512xf32>
    %max3A_367 = arith.maximumf %add3A_343, %max3A_366 : vector<256x512xf32>
    %get3A_368 = arith.constant 0 : index
    %get3A_369 = arith.constant 0 : index
    %get3A_370 = vector.load %arg11[%get3A_368, %get3A_369] : memref<1x512xf32, #tpu.memory_space<vmem>>, vector<1x512xf32>
    %get3A_371 = arith.constant 1 : index
    %get3A_372 = arith.constant 0 : index
    %get3A_373 = arith.constant 0 : index
    %get3A_374 = vector.load %arg10[%get3A_371, %get3A_372, %get3A_373] : memref<3x512x512xf32, #tpu.memory_space<vmem>>, vector<1x512x512xf32>
    %get3A_375 = vector.shape_cast %get3A_374 : vector<1x512x512xf32> to vector<512x512xf32>
    %dot_general3A_376 = arith.constant dense<0.000000e+00> : vector<256x512xf32>
    %dot_general3A_377 = tpu.matmul %max3A_346, %get3A_375, %dot_general3A_376 {dimension_numbers = #tpu.dot_dimension_numbers<[1], [0], [0], [1], [0, 0, 1, 1], [], []>, transpose_lhs_hint = false} : vector<256x512xf32>, vector<512x512xf32>, vector<256x512xf32> -> vector<256x512xf32>
    %get3A_378 = arith.constant 2 : index
    %get3A_379 = arith.constant 0 : index
    %get3A_380 = arith.constant 0 : index
    %get3A_381 = vector.load %arg10[%get3A_378, %get3A_379, %get3A_380] : memref<3x512x512xf32, #tpu.memory_space<vmem>>, vector<1x512x512xf32>
    %get3A_382 = vector.shape_cast %get3A_381 : vector<1x512x512xf32> to vector<512x512xf32>
    %dot_general3A_383 = arith.constant dense<0.000000e+00> : vector<256x512xf32>
    %dot_general3A_384 = tpu.matmul %max3A_349, %get3A_382, %dot_general3A_383 {dimension_numbers = #tpu.dot_dimension_numbers<[1], [0], [0], [1], [0, 0, 1, 1], [], []>, transpose_lhs_hint = false} : vector<256x512xf32>, vector<512x512xf32>, vector<256x512xf32> -> vector<256x512xf32>
    %add3A_385 = arith.addf %dot_general3A_377, %dot_general3A_384 : vector<256x512xf32>
    %add3A_386 = vector.broadcast %get3A_370 : vector<1x512xf32> to vector<256x512xf32>
    %add3A_387 = arith.addf %add3A_385, %add3A_386 : vector<256x512xf32>
    %max3A_388 = arith.constant 0.000000e+00 : f32
    %max3A_389 = vector.broadcast %max3A_388 : f32 to vector<256x512xf32>
    %max3A_390 = arith.maximumf %add3A_387, %max3A_389 : vector<256x512xf32>
    %get3A_391 = arith.constant 0 : index
    %get3A_392 = arith.constant 0 : index
    %get3A_393 = arith.constant 0 : index
    %get3A_394 = vector.load %arg10[%get3A_391, %get3A_392, %get3A_393] : memref<3x512x512xf32, #tpu.memory_space<vmem>>, vector<1x512x512xf32>
    %get3A_395 = vector.shape_cast %get3A_394 : vector<1x512x512xf32> to vector<512x512xf32>
    %dot_general3A_396 = arith.constant dense<0.000000e+00> : vector<256x512xf32>
    %dot_general3A_397 = tpu.matmul %max3A_346, %get3A_395, %dot_general3A_396 {dimension_numbers = #tpu.dot_dimension_numbers<[1], [0], [0], [1], [0, 0, 1, 1], [], []>, transpose_lhs_hint = false} : vector<256x512xf32>, vector<512x512xf32>, vector<256x512xf32> -> vector<256x512xf32>
    %get3A_398 = arith.constant 1 : index
    %get3A_399 = arith.constant 0 : index
    %get3A_400 = arith.constant 0 : index
    %get3A_401 = vector.load %arg10[%get3A_398, %get3A_399, %get3A_400] : memref<3x512x512xf32, #tpu.memory_space<vmem>>, vector<1x512x512xf32>
    %get3A_402 = vector.shape_cast %get3A_401 : vector<1x512x512xf32> to vector<512x512xf32>
    %dot_general3A_403 = arith.constant dense<0.000000e+00> : vector<256x512xf32>
    %dot_general3A_404 = tpu.matmul %max3A_349, %get3A_402, %dot_general3A_403 {dimension_numbers = #tpu.dot_dimension_numbers<[1], [0], [0], [1], [0, 0, 1, 1], [], []>, transpose_lhs_hint = false} : vector<256x512xf32>, vector<512x512xf32>, vector<256x512xf32> -> vector<256x512xf32>
    %add3A_405 = arith.addf %dot_general3A_397, %dot_general3A_404 : vector<256x512xf32>
    %get3A_406 = arith.constant 2 : index
    %get3A_407 = arith.constant 0 : index
    %get3A_408 = arith.constant 0 : index
    %get3A_409 = vector.load %arg10[%get3A_406, %get3A_407, %get3A_408] : memref<3x512x512xf32, #tpu.memory_space<vmem>>, vector<1x512x512xf32>
    %get3A_410 = vector.shape_cast %get3A_409 : vector<1x512x512xf32> to vector<512x512xf32>
    %dot_general3A_411 = arith.constant dense<0.000000e+00> : vector<256x512xf32>
    %dot_general3A_412 = tpu.matmul %max3A_352, %get3A_410, %dot_general3A_411 {dimension_numbers = #tpu.dot_dimension_numbers<[1], [0], [0], [1], [0, 0, 1, 1], [], []>, transpose_lhs_hint = false} : vector<256x512xf32>, vector<512x512xf32>, vector<256x512xf32> -> vector<256x512xf32>
    %add3A_413 = arith.addf %add3A_405, %dot_general3A_412 : vector<256x512xf32>
    %add3A_414 = vector.broadcast %get3A_370 : vector<1x512xf32> to vector<256x512xf32>
    %add3A_415 = arith.addf %add3A_413, %add3A_414 : vector<256x512xf32>
    %max3A_416 = arith.constant 0.000000e+00 : f32
    %max3A_417 = vector.broadcast %max3A_416 : f32 to vector<256x512xf32>
    %max3A_418 = arith.maximumf %add3A_415, %max3A_417 : vector<256x512xf32>
    %get3A_419 = arith.constant 0 : index
    %get3A_420 = arith.constant 0 : index
    %get3A_421 = arith.constant 0 : index
    %get3A_422 = vector.load %arg10[%get3A_419, %get3A_420, %get3A_421] : memref<3x512x512xf32, #tpu.memory_space<vmem>>, vector<1x512x512xf32>
    %get3A_423 = vector.shape_cast %get3A_422 : vector<1x512x512xf32> to vector<512x512xf32>
    %dot_general3A_424 = arith.constant dense<0.000000e+00> : vector<256x512xf32>
    %dot_general3A_425 = tpu.matmul %max3A_349, %get3A_423, %dot_general3A_424 {dimension_numbers = #tpu.dot_dimension_numbers<[1], [0], [0], [1], [0, 0, 1, 1], [], []>, transpose_lhs_hint = false} : vector<256x512xf32>, vector<512x512xf32>, vector<256x512xf32> -> vector<256x512xf32>
    %get3A_426 = arith.constant 1 : index
    %get3A_427 = arith.constant 0 : index
    %get3A_428 = arith.constant 0 : index
    %get3A_429 = vector.load %arg10[%get3A_426, %get3A_427, %get3A_428] : memref<3x512x512xf32, #tpu.memory_space<vmem>>, vector<1x512x512xf32>
    %get3A_430 = vector.shape_cast %get3A_429 : vector<1x512x512xf32> to vector<512x512xf32>
    %dot_general3A_431 = arith.constant dense<0.000000e+00> : vector<256x512xf32>
    %dot_general3A_432 = tpu.matmul %max3A_352, %get3A_430, %dot_general3A_431 {dimension_numbers = #tpu.dot_dimension_numbers<[1], [0], [0], [1], [0, 0, 1, 1], [], []>, transpose_lhs_hint = false} : vector<256x512xf32>, vector<512x512xf32>, vector<256x512xf32> -> vector<256x512xf32>
    %add3A_433 = arith.addf %dot_general3A_425, %dot_general3A_432 : vector<256x512xf32>
    %get3A_434 = arith.constant 2 : index
    %get3A_435 = arith.constant 0 : index
    %get3A_436 = arith.constant 0 : index
    %get3A_437 = vector.load %arg10[%get3A_434, %get3A_435, %get3A_436] : memref<3x512x512xf32, #tpu.memory_space<vmem>>, vector<1x512x512xf32>
    %get3A_438 = vector.shape_cast %get3A_437 : vector<1x512x512xf32> to vector<512x512xf32>
    %dot_general3A_439 = arith.constant dense<0.000000e+00> : vector<256x512xf32>
    %dot_general3A_440 = tpu.matmul %max3A_355, %get3A_438, %dot_general3A_439 {dimension_numbers = #tpu.dot_dimension_numbers<[1], [0], [0], [1], [0, 0, 1, 1], [], []>, transpose_lhs_hint = false} : vector<256x512xf32>, vector<512x512xf32>, vector<256x512xf32> -> vector<256x512xf32>
    %add3A_441 = arith.addf %add3A_433, %dot_general3A_440 : vector<256x512xf32>
    %add3A_442 = vector.broadcast %get3A_370 : vector<1x512xf32> to vector<256x512xf32>
    %add3A_443 = arith.addf %add3A_441, %add3A_442 : vector<256x512xf32>
    %max3A_444 = arith.constant 0.000000e+00 : f32
    %max3A_445 = vector.broadcast %max3A_444 : f32 to vector<256x512xf32>
    %max3A_446 = arith.maximumf %add3A_443, %max3A_445 : vector<256x512xf32>
    %get3A_447 = arith.constant 0 : index
    %get3A_448 = arith.constant 0 : index
    %get3A_449 = arith.constant 0 : index
    %get3A_450 = vector.load %arg10[%get3A_447, %get3A_448, %get3A_449] : memref<3x512x512xf32, #tpu.memory_space<vmem>>, vector<1x512x512xf32>
    %get3A_451 = vector.shape_cast %get3A_450 : vector<1x512x512xf32> to vector<512x512xf32>
    %dot_general3A_452 = arith.constant dense<0.000000e+00> : vector<256x512xf32>
    %dot_general3A_453 = tpu.matmul %max3A_352, %get3A_451, %dot_general3A_452 {dimension_numbers = #tpu.dot_dimension_numbers<[1], [0], [0], [1], [0, 0, 1, 1], [], []>, transpose_lhs_hint = false} : vector<256x512xf32>, vector<512x512xf32>, vector<256x512xf32> -> vector<256x512xf32>
    %get3A_454 = arith.constant 1 : index
    %get3A_455 = arith.constant 0 : index
    %get3A_456 = arith.constant 0 : index
    %get3A_457 = vector.load %arg10[%get3A_454, %get3A_455, %get3A_456] : memref<3x512x512xf32, #tpu.memory_space<vmem>>, vector<1x512x512xf32>
    %get3A_458 = vector.shape_cast %get3A_457 : vector<1x512x512xf32> to vector<512x512xf32>
    %dot_general3A_459 = arith.constant dense<0.000000e+00> : vector<256x512xf32>
    %dot_general3A_460 = tpu.matmul %max3A_355, %get3A_458, %dot_general3A_459 {dimension_numbers = #tpu.dot_dimension_numbers<[1], [0], [0], [1], [0, 0, 1, 1], [], []>, transpose_lhs_hint = false} : vector<256x512xf32>, vector<512x512xf32>, vector<256x512xf32> -> vector<256x512xf32>
    %add3A_461 = arith.addf %dot_general3A_453, %dot_general3A_460 : vector<256x512xf32>
    %get3A_462 = arith.constant 2 : index
    %get3A_463 = arith.constant 0 : index
    %get3A_464 = arith.constant 0 : index
    %get3A_465 = vector.load %arg10[%get3A_462, %get3A_463, %get3A_464] : memref<3x512x512xf32, #tpu.memory_space<vmem>>, vector<1x512x512xf32>
    %get3A_466 = vector.shape_cast %get3A_465 : vector<1x512x512xf32> to vector<512x512xf32>
    %dot_general3A_467 = arith.constant dense<0.000000e+00> : vector<256x512xf32>
    %dot_general3A_468 = tpu.matmul %max3A_358, %get3A_466, %dot_general3A_467 {dimension_numbers = #tpu.dot_dimension_numbers<[1], [0], [0], [1], [0, 0, 1, 1], [], []>, transpose_lhs_hint = false} : vector<256x512xf32>, vector<512x512xf32>, vector<256x512xf32> -> vector<256x512xf32>
    %add3A_469 = arith.addf %add3A_461, %dot_general3A_468 : vector<256x512xf32>
    %add3A_470 = vector.broadcast %get3A_370 : vector<1x512xf32> to vector<256x512xf32>
    %add3A_471 = arith.addf %add3A_469, %add3A_470 : vector<256x512xf32>
    %max3A_472 = arith.constant 0.000000e+00 : f32
    %max3A_473 = vector.broadcast %max3A_472 : f32 to vector<256x512xf32>
    %max3A_474 = arith.maximumf %add3A_471, %max3A_473 : vector<256x512xf32>
    %get3A_475 = arith.constant 0 : index
    %get3A_476 = arith.constant 0 : index
    %get3A_477 = arith.constant 0 : index
    %get3A_478 = vector.load %arg10[%get3A_475, %get3A_476, %get3A_477] : memref<3x512x512xf32, #tpu.memory_space<vmem>>, vector<1x512x512xf32>
    %get3A_479 = vector.shape_cast %get3A_478 : vector<1x512x512xf32> to vector<512x512xf32>
    %dot_general3A_480 = arith.constant dense<0.000000e+00> : vector<256x512xf32>
    %dot_general3A_481 = tpu.matmul %max3A_355, %get3A_479, %dot_general3A_480 {dimension_numbers = #tpu.dot_dimension_numbers<[1], [0], [0], [1], [0, 0, 1, 1], [], []>, transpose_lhs_hint = false} : vector<256x512xf32>, vector<512x512xf32>, vector<256x512xf32> -> vector<256x512xf32>
    %get3A_482 = arith.constant 1 : index
    %get3A_483 = arith.constant 0 : index
    %get3A_484 = arith.constant 0 : index
    %get3A_485 = vector.load %arg10[%get3A_482, %get3A_483, %get3A_484] : memref<3x512x512xf32, #tpu.memory_space<vmem>>, vector<1x512x512xf32>
    %get3A_486 = vector.shape_cast %get3A_485 : vector<1x512x512xf32> to vector<512x512xf32>
    %dot_general3A_487 = arith.constant dense<0.000000e+00> : vector<256x512xf32>
    %dot_general3A_488 = tpu.matmul %max3A_358, %get3A_486, %dot_general3A_487 {dimension_numbers = #tpu.dot_dimension_numbers<[1], [0], [0], [1], [0, 0, 1, 1], [], []>, transpose_lhs_hint = false} : vector<256x512xf32>, vector<512x512xf32>, vector<256x512xf32> -> vector<256x512xf32>
    %add3A_489 = arith.addf %dot_general3A_481, %dot_general3A_488 : vector<256x512xf32>
    %get3A_490 = arith.constant 2 : index
    %get3A_491 = arith.constant 0 : index
    %get3A_492 = arith.constant 0 : index
    %get3A_493 = vector.load %arg10[%get3A_490, %get3A_491, %get3A_492] : memref<3x512x512xf32, #tpu.memory_space<vmem>>, vector<1x512x512xf32>
    %get3A_494 = vector.shape_cast %get3A_493 : vector<1x512x512xf32> to vector<512x512xf32>
    %dot_general3A_495 = arith.constant dense<0.000000e+00> : vector<256x512xf32>
    %dot_general3A_496 = tpu.matmul %max3A_361, %get3A_494, %dot_general3A_495 {dimension_numbers = #tpu.dot_dimension_numbers<[1], [0], [0], [1], [0, 0, 1, 1], [], []>, transpose_lhs_hint = false} : vector<256x512xf32>, vector<512x512xf32>, vector<256x512xf32> -> vector<256x512xf32>
    %add3A_497 = arith.addf %add3A_489, %dot_general3A_496 : vector<256x512xf32>
    %add3A_498 = vector.broadcast %get3A_370 : vector<1x512xf32> to vector<256x512xf32>
    %add3A_499 = arith.addf %add3A_497, %add3A_498 : vector<256x512xf32>
    %max3A_500 = arith.constant 0.000000e+00 : f32
    %max3A_501 = vector.broadcast %max3A_500 : f32 to vector<256x512xf32>
    %max3A_502 = arith.maximumf %add3A_499, %max3A_501 : vector<256x512xf32>
    %get3A_503 = arith.constant 0 : index
    %get3A_504 = arith.constant 0 : index
    %get3A_505 = arith.constant 0 : index
    %get3A_506 = vector.load %arg10[%get3A_503, %get3A_504, %get3A_505] : memref<3x512x512xf32, #tpu.memory_space<vmem>>, vector<1x512x512xf32>
    %get3A_507 = vector.shape_cast %get3A_506 : vector<1x512x512xf32> to vector<512x512xf32>
    %dot_general3A_508 = arith.constant dense<0.000000e+00> : vector<256x512xf32>
    %dot_general3A_509 = tpu.matmul %max3A_358, %get3A_507, %dot_general3A_508 {dimension_numbers = #tpu.dot_dimension_numbers<[1], [0], [0], [1], [0, 0, 1, 1], [], []>, transpose_lhs_hint = false} : vector<256x512xf32>, vector<512x512xf32>, vector<256x512xf32> -> vector<256x512xf32>
    %get3A_510 = arith.constant 1 : index
    %get3A_511 = arith.constant 0 : index
    %get3A_512 = arith.constant 0 : index
    %get3A_513 = vector.load %arg10[%get3A_510, %get3A_511, %get3A_512] : memref<3x512x512xf32, #tpu.memory_space<vmem>>, vector<1x512x512xf32>
    %get3A_514 = vector.shape_cast %get3A_513 : vector<1x512x512xf32> to vector<512x512xf32>
    %dot_general3A_515 = arith.constant dense<0.000000e+00> : vector<256x512xf32>
    %dot_general3A_516 = tpu.matmul %max3A_361, %get3A_514, %dot_general3A_515 {dimension_numbers = #tpu.dot_dimension_numbers<[1], [0], [0], [1], [0, 0, 1, 1], [], []>, transpose_lhs_hint = false} : vector<256x512xf32>, vector<512x512xf32>, vector<256x512xf32> -> vector<256x512xf32>
    %add3A_517 = arith.addf %dot_general3A_509, %dot_general3A_516 : vector<256x512xf32>
    %get3A_518 = arith.constant 2 : index
    %get3A_519 = arith.constant 0 : index
    %get3A_520 = arith.constant 0 : index
    %get3A_521 = vector.load %arg10[%get3A_518, %get3A_519, %get3A_520] : memref<3x512x512xf32, #tpu.memory_space<vmem>>, vector<1x512x512xf32>
    %get3A_522 = vector.shape_cast %get3A_521 : vector<1x512x512xf32> to vector<512x512xf32>
    %dot_general3A_523 = arith.constant dense<0.000000e+00> : vector<256x512xf32>
    %dot_general3A_524 = tpu.matmul %max3A_364, %get3A_522, %dot_general3A_523 {dimension_numbers = #tpu.dot_dimension_numbers<[1], [0], [0], [1], [0, 0, 1, 1], [], []>, transpose_lhs_hint = false} : vector<256x512xf32>, vector<512x512xf32>, vector<256x512xf32> -> vector<256x512xf32>
    %add3A_525 = arith.addf %add3A_517, %dot_general3A_524 : vector<256x512xf32>
    %add3A_526 = vector.broadcast %get3A_370 : vector<1x512xf32> to vector<256x512xf32>
    %add3A_527 = arith.addf %add3A_525, %add3A_526 : vector<256x512xf32>
    %max3A_528 = arith.constant 0.000000e+00 : f32
    %max3A_529 = vector.broadcast %max3A_528 : f32 to vector<256x512xf32>
    %max3A_530 = arith.maximumf %add3A_527, %max3A_529 : vector<256x512xf32>
    %get3A_531 = arith.constant 0 : index
    %get3A_532 = arith.constant 0 : index
    %get3A_533 = arith.constant 0 : index
    %get3A_534 = vector.load %arg10[%get3A_531, %get3A_532, %get3A_533] : memref<3x512x512xf32, #tpu.memory_space<vmem>>, vector<1x512x512xf32>
    %get3A_535 = vector.shape_cast %get3A_534 : vector<1x512x512xf32> to vector<512x512xf32>
    %dot_general3A_536 = arith.constant dense<0.000000e+00> : vector<256x512xf32>
    %dot_general3A_537 = tpu.matmul %max3A_361, %get3A_535, %dot_general3A_536 {dimension_numbers = #tpu.dot_dimension_numbers<[1], [0], [0], [1], [0, 0, 1, 1], [], []>, transpose_lhs_hint = false} : vector<256x512xf32>, vector<512x512xf32>, vector<256x512xf32> -> vector<256x512xf32>
    %get3A_538 = arith.constant 1 : index
    %get3A_539 = arith.constant 0 : index
    %get3A_540 = arith.constant 0 : index
    %get3A_541 = vector.load %arg10[%get3A_538, %get3A_539, %get3A_540] : memref<3x512x512xf32, #tpu.memory_space<vmem>>, vector<1x512x512xf32>
    %get3A_542 = vector.shape_cast %get3A_541 : vector<1x512x512xf32> to vector<512x512xf32>
    %dot_general3A_543 = arith.constant dense<0.000000e+00> : vector<256x512xf32>
    %dot_general3A_544 = tpu.matmul %max3A_364, %get3A_542, %dot_general3A_543 {dimension_numbers = #tpu.dot_dimension_numbers<[1], [0], [0], [1], [0, 0, 1, 1], [], []>, transpose_lhs_hint = false} : vector<256x512xf32>, vector<512x512xf32>, vector<256x512xf32> -> vector<256x512xf32>
    %add3A_545 = arith.addf %dot_general3A_537, %dot_general3A_544 : vector<256x512xf32>
    %get3A_546 = arith.constant 2 : index
    %get3A_547 = arith.constant 0 : index
    %get3A_548 = arith.constant 0 : index
    %get3A_549 = vector.load %arg10[%get3A_546, %get3A_547, %get3A_548] : memref<3x512x512xf32, #tpu.memory_space<vmem>>, vector<1x512x512xf32>
    %get3A_550 = vector.shape_cast %get3A_549 : vector<1x512x512xf32> to vector<512x512xf32>
    %dot_general3A_551 = arith.constant dense<0.000000e+00> : vector<256x512xf32>
    %dot_general3A_552 = tpu.matmul %max3A_367, %get3A_550, %dot_general3A_551 {dimension_numbers = #tpu.dot_dimension_numbers<[1], [0], [0], [1], [0, 0, 1, 1], [], []>, transpose_lhs_hint = false} : vector<256x512xf32>, vector<512x512xf32>, vector<256x512xf32> -> vector<256x512xf32>
    %add3A_553 = arith.addf %add3A_545, %dot_general3A_552 : vector<256x512xf32>
    %add3A_554 = vector.broadcast %get3A_370 : vector<1x512xf32> to vector<256x512xf32>
    %add3A_555 = arith.addf %add3A_553, %add3A_554 : vector<256x512xf32>
    %max3A_556 = arith.constant 0.000000e+00 : f32
    %max3A_557 = vector.broadcast %max3A_556 : f32 to vector<256x512xf32>
    %max3A_558 = arith.maximumf %add3A_555, %max3A_557 : vector<256x512xf32>
    %get3A_559 = arith.constant 0 : index
    %get3A_560 = arith.constant 0 : index
    %get3A_561 = arith.constant 0 : index
    %get3A_562 = vector.load %arg10[%get3A_559, %get3A_560, %get3A_561] : memref<3x512x512xf32, #tpu.memory_space<vmem>>, vector<1x512x512xf32>
    %get3A_563 = vector.shape_cast %get3A_562 : vector<1x512x512xf32> to vector<512x512xf32>
    %dot_general3A_564 = arith.constant dense<0.000000e+00> : vector<256x512xf32>
    %dot_general3A_565 = tpu.matmul %max3A_364, %get3A_563, %dot_general3A_564 {dimension_numbers = #tpu.dot_dimension_numbers<[1], [0], [0], [1], [0, 0, 1, 1], [], []>, transpose_lhs_hint = false} : vector<256x512xf32>, vector<512x512xf32>, vector<256x512xf32> -> vector<256x512xf32>
    %get3A_566 = arith.constant 1 : index
    %get3A_567 = arith.constant 0 : index
    %get3A_568 = arith.constant 0 : index
    %get3A_569 = vector.load %arg10[%get3A_566, %get3A_567, %get3A_568] : memref<3x512x512xf32, #tpu.memory_space<vmem>>, vector<1x512x512xf32>
    %get3A_570 = vector.shape_cast %get3A_569 : vector<1x512x512xf32> to vector<512x512xf32>
    %dot_general3A_571 = arith.constant dense<0.000000e+00> : vector<256x512xf32>
    %dot_general3A_572 = tpu.matmul %max3A_367, %get3A_570, %dot_general3A_571 {dimension_numbers = #tpu.dot_dimension_numbers<[1], [0], [0], [1], [0, 0, 1, 1], [], []>, transpose_lhs_hint = false} : vector<256x512xf32>, vector<512x512xf32>, vector<256x512xf32> -> vector<256x512xf32>
    %add3A_573 = arith.addf %dot_general3A_565, %dot_general3A_572 : vector<256x512xf32>
    %add3A_574 = vector.broadcast %get3A_370 : vector<1x512xf32> to vector<256x512xf32>
    %add3A_575 = arith.addf %add3A_573, %add3A_574 : vector<256x512xf32>
    %max3A_576 = arith.constant 0.000000e+00 : f32
    %max3A_577 = vector.broadcast %max3A_576 : f32 to vector<256x512xf32>
    %max3A_578 = arith.maximumf %add3A_575, %max3A_577 : vector<256x512xf32>
    %get3A_579 = arith.constant 0 : index
    %get3A_580 = arith.constant 0 : index
    %get3A_581 = vector.load %arg13[%get3A_579, %get3A_580] : memref<1x512xf32, #tpu.memory_space<vmem>>, vector<1x512xf32>
    %get3A_582 = arith.constant 0 : index
    %get3A_583 = arith.constant 0 : index
    %get3A_584 = arith.constant 0 : index
    %get3A_585 = vector.load %arg12[%get3A_582, %get3A_583, %get3A_584] : memref<1x512x512xf32, #tpu.memory_space<vmem>>, vector<1x512x512xf32>
    %get3A_586 = vector.shape_cast %get3A_585 : vector<1x512x512xf32> to vector<512x512xf32>
    %dot_general3A_587 = arith.constant dense<0.000000e+00> : vector<256x512xf32>
    %dot_general3A_588 = tpu.matmul %max3A_390, %get3A_586, %dot_general3A_587 {dimension_numbers = #tpu.dot_dimension_numbers<[1], [0], [0], [1], [0, 0, 1, 1], [], []>, transpose_lhs_hint = false} : vector<256x512xf32>, vector<512x512xf32>, vector<256x512xf32> -> vector<256x512xf32>
    %add3A_589 = vector.broadcast %get3A_581 : vector<1x512xf32> to vector<256x512xf32>
    %add3A_590 = arith.addf %dot_general3A_588, %add3A_589 : vector<256x512xf32>
    %get3A_591 = arith.constant 0 : index
    %get3A_592 = arith.constant 0 : index
    %get3A_593 = arith.constant 0 : index
    %get3A_594 = vector.load %arg12[%get3A_591, %get3A_592, %get3A_593] : memref<1x512x512xf32, #tpu.memory_space<vmem>>, vector<1x512x512xf32>
    %get3A_595 = vector.shape_cast %get3A_594 : vector<1x512x512xf32> to vector<512x512xf32>
    %dot_general3A_596 = arith.constant dense<0.000000e+00> : vector<256x512xf32>
    %dot_general3A_597 = tpu.matmul %max3A_418, %get3A_595, %dot_general3A_596 {dimension_numbers = #tpu.dot_dimension_numbers<[1], [0], [0], [1], [0, 0, 1, 1], [], []>, transpose_lhs_hint = false} : vector<256x512xf32>, vector<512x512xf32>, vector<256x512xf32> -> vector<256x512xf32>
    %add3A_598 = vector.broadcast %get3A_581 : vector<1x512xf32> to vector<256x512xf32>
    %add3A_599 = arith.addf %dot_general3A_597, %add3A_598 : vector<256x512xf32>
    %get3A_600 = arith.constant 0 : index
    %get3A_601 = arith.constant 0 : index
    %get3A_602 = arith.constant 0 : index
    %get3A_603 = vector.load %arg12[%get3A_600, %get3A_601, %get3A_602] : memref<1x512x512xf32, #tpu.memory_space<vmem>>, vector<1x512x512xf32>
    %get3A_604 = vector.shape_cast %get3A_603 : vector<1x512x512xf32> to vector<512x512xf32>
    %dot_general3A_605 = arith.constant dense<0.000000e+00> : vector<256x512xf32>
    %dot_general3A_606 = tpu.matmul %max3A_446, %get3A_604, %dot_general3A_605 {dimension_numbers = #tpu.dot_dimension_numbers<[1], [0], [0], [1], [0, 0, 1, 1], [], []>, transpose_lhs_hint = false} : vector<256x512xf32>, vector<512x512xf32>, vector<256x512xf32> -> vector<256x512xf32>
    %add3A_607 = vector.broadcast %get3A_581 : vector<1x512xf32> to vector<256x512xf32>
    %add3A_608 = arith.addf %dot_general3A_606, %add3A_607 : vector<256x512xf32>
    %get3A_609 = arith.constant 0 : index
    %get3A_610 = arith.constant 0 : index
    %get3A_611 = arith.constant 0 : index
    %get3A_612 = vector.load %arg12[%get3A_609, %get3A_610, %get3A_611] : memref<1x512x512xf32, #tpu.memory_space<vmem>>, vector<1x512x512xf32>
    %get3A_613 = vector.shape_cast %get3A_612 : vector<1x512x512xf32> to vector<512x512xf32>
    %dot_general3A_614 = arith.constant dense<0.000000e+00> : vector<256x512xf32>
    %dot_general3A_615 = tpu.matmul %max3A_474, %get3A_613, %dot_general3A_614 {dimension_numbers = #tpu.dot_dimension_numbers<[1], [0], [0], [1], [0, 0, 1, 1], [], []>, transpose_lhs_hint = false} : vector<256x512xf32>, vector<512x512xf32>, vector<256x512xf32> -> vector<256x512xf32>
    %add3A_616 = vector.broadcast %get3A_581 : vector<1x512xf32> to vector<256x512xf32>
    %add3A_617 = arith.addf %dot_general3A_615, %add3A_616 : vector<256x512xf32>
    %get3A_618 = arith.constant 0 : index
    %get3A_619 = arith.constant 0 : index
    %get3A_620 = arith.constant 0 : index
    %get3A_621 = vector.load %arg12[%get3A_618, %get3A_619, %get3A_620] : memref<1x512x512xf32, #tpu.memory_space<vmem>>, vector<1x512x512xf32>
    %get3A_622 = vector.shape_cast %get3A_621 : vector<1x512x512xf32> to vector<512x512xf32>
    %dot_general3A_623 = arith.constant dense<0.000000e+00> : vector<256x512xf32>
    %dot_general3A_624 = tpu.matmul %max3A_502, %get3A_622, %dot_general3A_623 {dimension_numbers = #tpu.dot_dimension_numbers<[1], [0], [0], [1], [0, 0, 1, 1], [], []>, transpose_lhs_hint = false} : vector<256x512xf32>, vector<512x512xf32>, vector<256x512xf32> -> vector<256x512xf32>
    %add3A_625 = vector.broadcast %get3A_581 : vector<1x512xf32> to vector<256x512xf32>
    %add3A_626 = arith.addf %dot_general3A_624, %add3A_625 : vector<256x512xf32>
    %get3A_627 = arith.constant 0 : index
    %get3A_628 = arith.constant 0 : index
    %get3A_629 = arith.constant 0 : index
    %get3A_630 = vector.load %arg12[%get3A_627, %get3A_628, %get3A_629] : memref<1x512x512xf32, #tpu.memory_space<vmem>>, vector<1x512x512xf32>
    %get3A_631 = vector.shape_cast %get3A_630 : vector<1x512x512xf32> to vector<512x512xf32>
    %dot_general3A_632 = arith.constant dense<0.000000e+00> : vector<256x512xf32>
    %dot_general3A_633 = tpu.matmul %max3A_530, %get3A_631, %dot_general3A_632 {dimension_numbers = #tpu.dot_dimension_numbers<[1], [0], [0], [1], [0, 0, 1, 1], [], []>, transpose_lhs_hint = false} : vector<256x512xf32>, vector<512x512xf32>, vector<256x512xf32> -> vector<256x512xf32>
    %add3A_634 = vector.broadcast %get3A_581 : vector<1x512xf32> to vector<256x512xf32>
    %add3A_635 = arith.addf %dot_general3A_633, %add3A_634 : vector<256x512xf32>
    %get3A_636 = arith.constant 0 : index
    %get3A_637 = arith.constant 0 : index
    %get3A_638 = arith.constant 0 : index
    %get3A_639 = vector.load %arg12[%get3A_636, %get3A_637, %get3A_638] : memref<1x512x512xf32, #tpu.memory_space<vmem>>, vector<1x512x512xf32>
    %get3A_640 = vector.shape_cast %get3A_639 : vector<1x512x512xf32> to vector<512x512xf32>
    %dot_general3A_641 = arith.constant dense<0.000000e+00> : vector<256x512xf32>
    %dot_general3A_642 = tpu.matmul %max3A_558, %get3A_640, %dot_general3A_641 {dimension_numbers = #tpu.dot_dimension_numbers<[1], [0], [0], [1], [0, 0, 1, 1], [], []>, transpose_lhs_hint = false} : vector<256x512xf32>, vector<512x512xf32>, vector<256x512xf32> -> vector<256x512xf32>
    %add3A_643 = vector.broadcast %get3A_581 : vector<1x512xf32> to vector<256x512xf32>
    %add3A_644 = arith.addf %dot_general3A_642, %add3A_643 : vector<256x512xf32>
    %get3A_645 = arith.constant 0 : index
    %get3A_646 = arith.constant 0 : index
    %get3A_647 = arith.constant 0 : index
    %get3A_648 = vector.load %arg12[%get3A_645, %get3A_646, %get3A_647] : memref<1x512x512xf32, #tpu.memory_space<vmem>>, vector<1x512x512xf32>
    %get3A_649 = vector.shape_cast %get3A_648 : vector<1x512x512xf32> to vector<512x512xf32>
    %dot_general3A_650 = arith.constant dense<0.000000e+00> : vector<256x512xf32>
    %dot_general3A_651 = tpu.matmul %max3A_578, %get3A_649, %dot_general3A_650 {dimension_numbers = #tpu.dot_dimension_numbers<[1], [0], [0], [1], [0, 0, 1, 1], [], []>, transpose_lhs_hint = false} : vector<256x512xf32>, vector<512x512xf32>, vector<256x512xf32> -> vector<256x512xf32>
    %add3A_652 = vector.broadcast %get3A_581 : vector<1x512xf32> to vector<256x512xf32>
    %add3A_653 = arith.addf %dot_general3A_651, %add3A_652 : vector<256x512xf32>
    %add3A_654 = arith.addf %add3A_297, %add3A_590 : vector<256x512xf32>
    %add3A_655 = arith.addf %add3A_304, %add3A_599 : vector<256x512xf32>
    %add3A_656 = arith.addf %add3A_311, %add3A_608 : vector<256x512xf32>
    %add3A_657 = arith.addf %add3A_318, %add3A_617 : vector<256x512xf32>
    %add3A_658 = arith.addf %add3A_325, %add3A_626 : vector<256x512xf32>
    %add3A_659 = arith.addf %add3A_332, %add3A_635 : vector<256x512xf32>
    %add3A_660 = arith.addf %add3A_339, %add3A_644 : vector<256x512xf32>
    %add3A_661 = arith.addf %add3A_343, %add3A_653 : vector<256x512xf32>
    %get3A_662 = arith.constant 0 : index
    %get3A_663 = arith.constant 0 : index
    %get3A_664 = vector.load %arg15[%get3A_662, %get3A_663] : memref<1x512xf32, #tpu.memory_space<vmem>>, vector<1x512xf32>
    %get3A_665 = arith.constant 0 : index
    %get3A_666 = arith.constant 0 : index
    %get3A_667 = arith.constant 0 : index
    %get3A_668 = vector.load %arg14[%get3A_665, %get3A_666, %get3A_667] : memref<3x512x512xf32, #tpu.memory_space<vmem>>, vector<1x512x512xf32>
    %get3A_669 = vector.shape_cast %get3A_668 : vector<1x512x512xf32> to vector<512x512xf32>
    %get3A_670 = arith.constant 2 : index
    %get3A_671 = arith.constant 0 : index
    %get3A_672 = arith.constant 0 : index
    %get3A_673 = vector.load %arg14[%get3A_670, %get3A_671, %get3A_672] : memref<3x512x512xf32, #tpu.memory_space<vmem>>, vector<1x512x512xf32>
    %get3A_674 = vector.shape_cast %get3A_673 : vector<1x512x512xf32> to vector<512x512xf32>
    %get3A_675 = arith.constant 1 : index
    %get3A_676 = arith.constant 0 : index
    %get3A_677 = arith.constant 0 : index
    %get3A_678 = vector.load %arg14[%get3A_675, %get3A_676, %get3A_677] : memref<3x512x512xf32, #tpu.memory_space<vmem>>, vector<1x512x512xf32>
    %get3A_679 = vector.shape_cast %get3A_678 : vector<1x512x512xf32> to vector<512x512xf32>
    %add3A_680 = arith.addf %get3A_679, %get3A_674 : vector<512x512xf32>
    %get3A_681 = arith.constant 1 : index
    %get3A_682 = arith.constant 0 : index
    %get3A_683 = arith.constant 0 : index
    %get3A_684 = vector.load %arg14[%get3A_681, %get3A_682, %get3A_683] : memref<3x512x512xf32, #tpu.memory_space<vmem>>, vector<1x512x512xf32>
    %get3A_685 = vector.shape_cast %get3A_684 : vector<1x512x512xf32> to vector<512x512xf32>
    %add3A_686 = arith.addf %get3A_669, %get3A_685 : vector<512x512xf32>
    %dot_general3A_687 = arith.constant dense<0.000000e+00> : vector<256x512xf32>
    %dot_general3A_688 = tpu.matmul %add3A_654, %add3A_680, %dot_general3A_687 {dimension_numbers = #tpu.dot_dimension_numbers<[1], [0], [0], [1], [0, 0, 1, 1], [], []>, transpose_lhs_hint = false} : vector<256x512xf32>, vector<512x512xf32>, vector<256x512xf32> -> vector<256x512xf32>
    %add3A_689 = vector.broadcast %get3A_664 : vector<1x512xf32> to vector<256x512xf32>
    %add3A_690 = arith.addf %dot_general3A_688, %add3A_689 : vector<256x512xf32>
    %dot_general3A_691 = arith.constant dense<0.000000e+00> : vector<256x512xf32>
    %dot_general3A_692 = tpu.matmul %add3A_654, %add3A_686, %dot_general3A_691 {dimension_numbers = #tpu.dot_dimension_numbers<[1], [0], [0], [1], [0, 0, 1, 1], [], []>, transpose_lhs_hint = false} : vector<256x512xf32>, vector<512x512xf32>, vector<256x512xf32> -> vector<256x512xf32>
    %dot_general3A_693 = arith.constant dense<0.000000e+00> : vector<256x512xf32>
    %dot_general3A_694 = tpu.matmul %add3A_655, %get3A_674, %dot_general3A_693 {dimension_numbers = #tpu.dot_dimension_numbers<[1], [0], [0], [1], [0, 0, 1, 1], [], []>, transpose_lhs_hint = false} : vector<256x512xf32>, vector<512x512xf32>, vector<256x512xf32> -> vector<256x512xf32>
    %add3A_695 = arith.addf %dot_general3A_692, %dot_general3A_694 : vector<256x512xf32>
    %add3A_696 = vector.broadcast %get3A_664 : vector<1x512xf32> to vector<256x512xf32>
    %add3A_697 = arith.addf %add3A_695, %add3A_696 : vector<256x512xf32>
    %dot_general3A_698 = arith.constant dense<0.000000e+00> : vector<256x512xf32>
    %dot_general3A_699 = tpu.matmul %add3A_655, %add3A_680, %dot_general3A_698 {dimension_numbers = #tpu.dot_dimension_numbers<[1], [0], [0], [1], [0, 0, 1, 1], [], []>, transpose_lhs_hint = false} : vector<256x512xf32>, vector<512x512xf32>, vector<256x512xf32> -> vector<256x512xf32>
    %dot_general3A_700 = arith.constant dense<0.000000e+00> : vector<256x512xf32>
    %dot_general3A_701 = tpu.matmul %add3A_654, %get3A_669, %dot_general3A_700 {dimension_numbers = #tpu.dot_dimension_numbers<[1], [0], [0], [1], [0, 0, 1, 1], [], []>, transpose_lhs_hint = false} : vector<256x512xf32>, vector<512x512xf32>, vector<256x512xf32> -> vector<256x512xf32>
    %add3A_702 = arith.addf %dot_general3A_699, %dot_general3A_701 : vector<256x512xf32>
    %add3A_703 = vector.broadcast %get3A_664 : vector<1x512xf32> to vector<256x512xf32>
    %add3A_704 = arith.addf %add3A_702, %add3A_703 : vector<256x512xf32>
    %dot_general3A_705 = arith.constant dense<0.000000e+00> : vector<256x512xf32>
    %dot_general3A_706 = tpu.matmul %add3A_655, %add3A_686, %dot_general3A_705 {dimension_numbers = #tpu.dot_dimension_numbers<[1], [0], [0], [1], [0, 0, 1, 1], [], []>, transpose_lhs_hint = false} : vector<256x512xf32>, vector<512x512xf32>, vector<256x512xf32> -> vector<256x512xf32>
    %dot_general3A_707 = arith.constant dense<0.000000e+00> : vector<256x512xf32>
    %dot_general3A_708 = tpu.matmul %add3A_656, %get3A_674, %dot_general3A_707 {dimension_numbers = #tpu.dot_dimension_numbers<[1], [0], [0], [1], [0, 0, 1, 1], [], []>, transpose_lhs_hint = false} : vector<256x512xf32>, vector<512x512xf32>, vector<256x512xf32> -> vector<256x512xf32>
    %add3A_709 = arith.addf %dot_general3A_706, %dot_general3A_708 : vector<256x512xf32>
    %add3A_710 = vector.broadcast %get3A_664 : vector<1x512xf32> to vector<256x512xf32>
    %add3A_711 = arith.addf %add3A_709, %add3A_710 : vector<256x512xf32>
    %dot_general3A_712 = arith.constant dense<0.000000e+00> : vector<256x512xf32>
    %dot_general3A_713 = tpu.matmul %add3A_656, %add3A_680, %dot_general3A_712 {dimension_numbers = #tpu.dot_dimension_numbers<[1], [0], [0], [1], [0, 0, 1, 1], [], []>, transpose_lhs_hint = false} : vector<256x512xf32>, vector<512x512xf32>, vector<256x512xf32> -> vector<256x512xf32>
    %dot_general3A_714 = arith.constant dense<0.000000e+00> : vector<256x512xf32>
    %dot_general3A_715 = tpu.matmul %add3A_655, %get3A_669, %dot_general3A_714 {dimension_numbers = #tpu.dot_dimension_numbers<[1], [0], [0], [1], [0, 0, 1, 1], [], []>, transpose_lhs_hint = false} : vector<256x512xf32>, vector<512x512xf32>, vector<256x512xf32> -> vector<256x512xf32>
    %add3A_716 = arith.addf %dot_general3A_713, %dot_general3A_715 : vector<256x512xf32>
    %add3A_717 = vector.broadcast %get3A_664 : vector<1x512xf32> to vector<256x512xf32>
    %add3A_718 = arith.addf %add3A_716, %add3A_717 : vector<256x512xf32>
    %dot_general3A_719 = arith.constant dense<0.000000e+00> : vector<256x512xf32>
    %dot_general3A_720 = tpu.matmul %add3A_656, %add3A_686, %dot_general3A_719 {dimension_numbers = #tpu.dot_dimension_numbers<[1], [0], [0], [1], [0, 0, 1, 1], [], []>, transpose_lhs_hint = false} : vector<256x512xf32>, vector<512x512xf32>, vector<256x512xf32> -> vector<256x512xf32>
    %dot_general3A_721 = arith.constant dense<0.000000e+00> : vector<256x512xf32>
    %dot_general3A_722 = tpu.matmul %add3A_657, %get3A_674, %dot_general3A_721 {dimension_numbers = #tpu.dot_dimension_numbers<[1], [0], [0], [1], [0, 0, 1, 1], [], []>, transpose_lhs_hint = false} : vector<256x512xf32>, vector<512x512xf32>, vector<256x512xf32> -> vector<256x512xf32>
    %add3A_723 = arith.addf %dot_general3A_720, %dot_general3A_722 : vector<256x512xf32>
    %add3A_724 = vector.broadcast %get3A_664 : vector<1x512xf32> to vector<256x512xf32>
    %add3A_725 = arith.addf %add3A_723, %add3A_724 : vector<256x512xf32>
    %dot_general3A_726 = arith.constant dense<0.000000e+00> : vector<256x512xf32>
    %dot_general3A_727 = tpu.matmul %add3A_657, %add3A_680, %dot_general3A_726 {dimension_numbers = #tpu.dot_dimension_numbers<[1], [0], [0], [1], [0, 0, 1, 1], [], []>, transpose_lhs_hint = false} : vector<256x512xf32>, vector<512x512xf32>, vector<256x512xf32> -> vector<256x512xf32>
    %dot_general3A_728 = arith.constant dense<0.000000e+00> : vector<256x512xf32>
    %dot_general3A_729 = tpu.matmul %add3A_656, %get3A_669, %dot_general3A_728 {dimension_numbers = #tpu.dot_dimension_numbers<[1], [0], [0], [1], [0, 0, 1, 1], [], []>, transpose_lhs_hint = false} : vector<256x512xf32>, vector<512x512xf32>, vector<256x512xf32> -> vector<256x512xf32>
    %add3A_730 = arith.addf %dot_general3A_727, %dot_general3A_729 : vector<256x512xf32>
    %add3A_731 = vector.broadcast %get3A_664 : vector<1x512xf32> to vector<256x512xf32>
    %add3A_732 = arith.addf %add3A_730, %add3A_731 : vector<256x512xf32>
    %dot_general3A_733 = arith.constant dense<0.000000e+00> : vector<256x512xf32>
    %dot_general3A_734 = tpu.matmul %add3A_657, %add3A_686, %dot_general3A_733 {dimension_numbers = #tpu.dot_dimension_numbers<[1], [0], [0], [1], [0, 0, 1, 1], [], []>, transpose_lhs_hint = false} : vector<256x512xf32>, vector<512x512xf32>, vector<256x512xf32> -> vector<256x512xf32>
    %dot_general3A_735 = arith.constant dense<0.000000e+00> : vector<256x512xf32>
    %dot_general3A_736 = tpu.matmul %add3A_658, %get3A_674, %dot_general3A_735 {dimension_numbers = #tpu.dot_dimension_numbers<[1], [0], [0], [1], [0, 0, 1, 1], [], []>, transpose_lhs_hint = false} : vector<256x512xf32>, vector<512x512xf32>, vector<256x512xf32> -> vector<256x512xf32>
    %add3A_737 = arith.addf %dot_general3A_734, %dot_general3A_736 : vector<256x512xf32>
    %add3A_738 = vector.broadcast %get3A_664 : vector<1x512xf32> to vector<256x512xf32>
    %add3A_739 = arith.addf %add3A_737, %add3A_738 : vector<256x512xf32>
    %dot_general3A_740 = arith.constant dense<0.000000e+00> : vector<256x512xf32>
    %dot_general3A_741 = tpu.matmul %add3A_658, %add3A_680, %dot_general3A_740 {dimension_numbers = #tpu.dot_dimension_numbers<[1], [0], [0], [1], [0, 0, 1, 1], [], []>, transpose_lhs_hint = false} : vector<256x512xf32>, vector<512x512xf32>, vector<256x512xf32> -> vector<256x512xf32>
    %dot_general3A_742 = arith.constant dense<0.000000e+00> : vector<256x512xf32>
    %dot_general3A_743 = tpu.matmul %add3A_657, %get3A_669, %dot_general3A_742 {dimension_numbers = #tpu.dot_dimension_numbers<[1], [0], [0], [1], [0, 0, 1, 1], [], []>, transpose_lhs_hint = false} : vector<256x512xf32>, vector<512x512xf32>, vector<256x512xf32> -> vector<256x512xf32>
    %add3A_744 = arith.addf %dot_general3A_741, %dot_general3A_743 : vector<256x512xf32>
    %add3A_745 = vector.broadcast %get3A_664 : vector<1x512xf32> to vector<256x512xf32>
    %add3A_746 = arith.addf %add3A_744, %add3A_745 : vector<256x512xf32>
    %dot_general3A_747 = arith.constant dense<0.000000e+00> : vector<256x512xf32>
    %dot_general3A_748 = tpu.matmul %add3A_658, %add3A_686, %dot_general3A_747 {dimension_numbers = #tpu.dot_dimension_numbers<[1], [0], [0], [1], [0, 0, 1, 1], [], []>, transpose_lhs_hint = false} : vector<256x512xf32>, vector<512x512xf32>, vector<256x512xf32> -> vector<256x512xf32>
    %dot_general3A_749 = arith.constant dense<0.000000e+00> : vector<256x512xf32>
    %dot_general3A_750 = tpu.matmul %add3A_659, %get3A_674, %dot_general3A_749 {dimension_numbers = #tpu.dot_dimension_numbers<[1], [0], [0], [1], [0, 0, 1, 1], [], []>, transpose_lhs_hint = false} : vector<256x512xf32>, vector<512x512xf32>, vector<256x512xf32> -> vector<256x512xf32>
    %add3A_751 = arith.addf %dot_general3A_748, %dot_general3A_750 : vector<256x512xf32>
    %add3A_752 = vector.broadcast %get3A_664 : vector<1x512xf32> to vector<256x512xf32>
    %add3A_753 = arith.addf %add3A_751, %add3A_752 : vector<256x512xf32>
    %dot_general3A_754 = arith.constant dense<0.000000e+00> : vector<256x512xf32>
    %dot_general3A_755 = tpu.matmul %add3A_659, %add3A_680, %dot_general3A_754 {dimension_numbers = #tpu.dot_dimension_numbers<[1], [0], [0], [1], [0, 0, 1, 1], [], []>, transpose_lhs_hint = false} : vector<256x512xf32>, vector<512x512xf32>, vector<256x512xf32> -> vector<256x512xf32>
    %dot_general3A_756 = arith.constant dense<0.000000e+00> : vector<256x512xf32>
    %dot_general3A_757 = tpu.matmul %add3A_658, %get3A_669, %dot_general3A_756 {dimension_numbers = #tpu.dot_dimension_numbers<[1], [0], [0], [1], [0, 0, 1, 1], [], []>, transpose_lhs_hint = false} : vector<256x512xf32>, vector<512x512xf32>, vector<256x512xf32> -> vector<256x512xf32>
    %add3A_758 = arith.addf %dot_general3A_755, %dot_general3A_757 : vector<256x512xf32>
    %add3A_759 = vector.broadcast %get3A_664 : vector<1x512xf32> to vector<256x512xf32>
    %add3A_760 = arith.addf %add3A_758, %add3A_759 : vector<256x512xf32>
    %dot_general3A_761 = arith.constant dense<0.000000e+00> : vector<256x512xf32>
    %dot_general3A_762 = tpu.matmul %add3A_659, %add3A_686, %dot_general3A_761 {dimension_numbers = #tpu.dot_dimension_numbers<[1], [0], [0], [1], [0, 0, 1, 1], [], []>, transpose_lhs_hint = false} : vector<256x512xf32>, vector<512x512xf32>, vector<256x512xf32> -> vector<256x512xf32>
    %dot_general3A_763 = arith.constant dense<0.000000e+00> : vector<256x512xf32>
    %dot_general3A_764 = tpu.matmul %add3A_660, %get3A_674, %dot_general3A_763 {dimension_numbers = #tpu.dot_dimension_numbers<[1], [0], [0], [1], [0, 0, 1, 1], [], []>, transpose_lhs_hint = false} : vector<256x512xf32>, vector<512x512xf32>, vector<256x512xf32> -> vector<256x512xf32>
    %add3A_765 = arith.addf %dot_general3A_762, %dot_general3A_764 : vector<256x512xf32>
    %add3A_766 = vector.broadcast %get3A_664 : vector<1x512xf32> to vector<256x512xf32>
    %add3A_767 = arith.addf %add3A_765, %add3A_766 : vector<256x512xf32>
    %dot_general3A_768 = arith.constant dense<0.000000e+00> : vector<256x512xf32>
    %dot_general3A_769 = tpu.matmul %add3A_660, %add3A_680, %dot_general3A_768 {dimension_numbers = #tpu.dot_dimension_numbers<[1], [0], [0], [1], [0, 0, 1, 1], [], []>, transpose_lhs_hint = false} : vector<256x512xf32>, vector<512x512xf32>, vector<256x512xf32> -> vector<256x512xf32>
    %dot_general3A_770 = arith.constant dense<0.000000e+00> : vector<256x512xf32>
    %dot_general3A_771 = tpu.matmul %add3A_659, %get3A_669, %dot_general3A_770 {dimension_numbers = #tpu.dot_dimension_numbers<[1], [0], [0], [1], [0, 0, 1, 1], [], []>, transpose_lhs_hint = false} : vector<256x512xf32>, vector<512x512xf32>, vector<256x512xf32> -> vector<256x512xf32>
    %add3A_772 = arith.addf %dot_general3A_769, %dot_general3A_771 : vector<256x512xf32>
    %add3A_773 = vector.broadcast %get3A_664 : vector<1x512xf32> to vector<256x512xf32>
    %add3A_774 = arith.addf %add3A_772, %add3A_773 : vector<256x512xf32>
    %dot_general3A_775 = arith.constant dense<0.000000e+00> : vector<256x512xf32>
    %dot_general3A_776 = tpu.matmul %add3A_660, %add3A_686, %dot_general3A_775 {dimension_numbers = #tpu.dot_dimension_numbers<[1], [0], [0], [1], [0, 0, 1, 1], [], []>, transpose_lhs_hint = false} : vector<256x512xf32>, vector<512x512xf32>, vector<256x512xf32> -> vector<256x512xf32>
    %dot_general3A_777 = arith.constant dense<0.000000e+00> : vector<256x512xf32>
    %dot_general3A_778 = tpu.matmul %add3A_661, %get3A_674, %dot_general3A_777 {dimension_numbers = #tpu.dot_dimension_numbers<[1], [0], [0], [1], [0, 0, 1, 1], [], []>, transpose_lhs_hint = false} : vector<256x512xf32>, vector<512x512xf32>, vector<256x512xf32> -> vector<256x512xf32>
    %add3A_779 = arith.addf %dot_general3A_776, %dot_general3A_778 : vector<256x512xf32>
    %add3A_780 = vector.broadcast %get3A_664 : vector<1x512xf32> to vector<256x512xf32>
    %add3A_781 = arith.addf %add3A_779, %add3A_780 : vector<256x512xf32>
    %dot_general3A_782 = arith.constant dense<0.000000e+00> : vector<256x512xf32>
    %dot_general3A_783 = tpu.matmul %add3A_661, %add3A_680, %dot_general3A_782 {dimension_numbers = #tpu.dot_dimension_numbers<[1], [0], [0], [1], [0, 0, 1, 1], [], []>, transpose_lhs_hint = false} : vector<256x512xf32>, vector<512x512xf32>, vector<256x512xf32> -> vector<256x512xf32>
    %dot_general3A_784 = arith.constant dense<0.000000e+00> : vector<256x512xf32>
    %dot_general3A_785 = tpu.matmul %add3A_660, %get3A_669, %dot_general3A_784 {dimension_numbers = #tpu.dot_dimension_numbers<[1], [0], [0], [1], [0, 0, 1, 1], [], []>, transpose_lhs_hint = false} : vector<256x512xf32>, vector<512x512xf32>, vector<256x512xf32> -> vector<256x512xf32>
    %add3A_786 = arith.addf %dot_general3A_783, %dot_general3A_785 : vector<256x512xf32>
    %add3A_787 = vector.broadcast %get3A_664 : vector<1x512xf32> to vector<256x512xf32>
    %add3A_788 = arith.addf %add3A_786, %add3A_787 : vector<256x512xf32>
    %dot_general3A_789 = arith.constant dense<0.000000e+00> : vector<256x512xf32>
    %dot_general3A_790 = tpu.matmul %add3A_661, %add3A_686, %dot_general3A_789 {dimension_numbers = #tpu.dot_dimension_numbers<[1], [0], [0], [1], [0, 0, 1, 1], [], []>, transpose_lhs_hint = false} : vector<256x512xf32>, vector<512x512xf32>, vector<256x512xf32> -> vector<256x512xf32>
    %add3A_791 = vector.broadcast %get3A_664 : vector<1x512xf32> to vector<256x512xf32>
    %add3A_792 = arith.addf %dot_general3A_790, %add3A_791 : vector<256x512xf32>
    %get3A_793 = arith.constant 0 : index
    %get3A_794 = arith.constant 0 : index
    %get3A_795 = vector.load %arg17[%get3A_793, %get3A_794] : memref<1x512xf32, #tpu.memory_space<vmem>>, vector<1x512xf32>
    %get3A_796 = arith.constant 1 : index
    %get3A_797 = arith.constant 0 : index
    %get3A_798 = arith.constant 0 : index
    %get3A_799 = vector.load %arg16[%get3A_796, %get3A_797, %get3A_798] : memref<3x512x512xf32, #tpu.memory_space<vmem>>, vector<1x512x512xf32>
    %get3A_800 = vector.shape_cast %get3A_799 : vector<1x512x512xf32> to vector<512x512xf32>
    %dot_general3A_801 = arith.constant dense<0.000000e+00> : vector<256x512xf32>
    %dot_general3A_802 = tpu.matmul %add3A_690, %get3A_800, %dot_general3A_801 {dimension_numbers = #tpu.dot_dimension_numbers<[1], [0], [0], [1], [0, 0, 1, 1], [], []>, transpose_lhs_hint = false} : vector<256x512xf32>, vector<512x512xf32>, vector<256x512xf32> -> vector<256x512xf32>
    %get3A_803 = arith.constant 2 : index
    %get3A_804 = arith.constant 0 : index
    %get3A_805 = arith.constant 0 : index
    %get3A_806 = vector.load %arg16[%get3A_803, %get3A_804, %get3A_805] : memref<3x512x512xf32, #tpu.memory_space<vmem>>, vector<1x512x512xf32>
    %get3A_807 = vector.shape_cast %get3A_806 : vector<1x512x512xf32> to vector<512x512xf32>
    %dot_general3A_808 = arith.constant dense<0.000000e+00> : vector<256x512xf32>
    %dot_general3A_809 = tpu.matmul %add3A_697, %get3A_807, %dot_general3A_808 {dimension_numbers = #tpu.dot_dimension_numbers<[1], [0], [0], [1], [0, 0, 1, 1], [], []>, transpose_lhs_hint = false} : vector<256x512xf32>, vector<512x512xf32>, vector<256x512xf32> -> vector<256x512xf32>
    %add3A_810 = arith.addf %dot_general3A_802, %dot_general3A_809 : vector<256x512xf32>
    %add3A_811 = vector.broadcast %get3A_795 : vector<1x512xf32> to vector<256x512xf32>
    %add3A_812 = arith.addf %add3A_810, %add3A_811 : vector<256x512xf32>
    %max3A_813 = arith.constant 0.000000e+00 : f32
    %max3A_814 = vector.broadcast %max3A_813 : f32 to vector<256x512xf32>
    %max3A_815 = arith.maximumf %add3A_812, %max3A_814 : vector<256x512xf32>
    %get3A_816 = arith.constant 0 : index
    %get3A_817 = arith.constant 0 : index
    %get3A_818 = arith.constant 0 : index
    %get3A_819 = vector.load %arg16[%get3A_816, %get3A_817, %get3A_818] : memref<3x512x512xf32, #tpu.memory_space<vmem>>, vector<1x512x512xf32>
    %get3A_820 = vector.shape_cast %get3A_819 : vector<1x512x512xf32> to vector<512x512xf32>
    %dot_general3A_821 = arith.constant dense<0.000000e+00> : vector<256x512xf32>
    %dot_general3A_822 = tpu.matmul %add3A_690, %get3A_820, %dot_general3A_821 {dimension_numbers = #tpu.dot_dimension_numbers<[1], [0], [0], [1], [0, 0, 1, 1], [], []>, transpose_lhs_hint = false} : vector<256x512xf32>, vector<512x512xf32>, vector<256x512xf32> -> vector<256x512xf32>
    %get3A_823 = arith.constant 1 : index
    %get3A_824 = arith.constant 0 : index
    %get3A_825 = arith.constant 0 : index
    %get3A_826 = vector.load %arg16[%get3A_823, %get3A_824, %get3A_825] : memref<3x512x512xf32, #tpu.memory_space<vmem>>, vector<1x512x512xf32>
    %get3A_827 = vector.shape_cast %get3A_826 : vector<1x512x512xf32> to vector<512x512xf32>
    %dot_general3A_828 = arith.constant dense<0.000000e+00> : vector<256x512xf32>
    %dot_general3A_829 = tpu.matmul %add3A_697, %get3A_827, %dot_general3A_828 {dimension_numbers = #tpu.dot_dimension_numbers<[1], [0], [0], [1], [0, 0, 1, 1], [], []>, transpose_lhs_hint = false} : vector<256x512xf32>, vector<512x512xf32>, vector<256x512xf32> -> vector<256x512xf32>
    %add3A_830 = arith.addf %dot_general3A_822, %dot_general3A_829 : vector<256x512xf32>
    %get3A_831 = arith.constant 2 : index
    %get3A_832 = arith.constant 0 : index
    %get3A_833 = arith.constant 0 : index
    %get3A_834 = vector.load %arg16[%get3A_831, %get3A_832, %get3A_833] : memref<3x512x512xf32, #tpu.memory_space<vmem>>, vector<1x512x512xf32>
    %get3A_835 = vector.shape_cast %get3A_834 : vector<1x512x512xf32> to vector<512x512xf32>
    %dot_general3A_836 = arith.constant dense<0.000000e+00> : vector<256x512xf32>
    %dot_general3A_837 = tpu.matmul %add3A_704, %get3A_835, %dot_general3A_836 {dimension_numbers = #tpu.dot_dimension_numbers<[1], [0], [0], [1], [0, 0, 1, 1], [], []>, transpose_lhs_hint = false} : vector<256x512xf32>, vector<512x512xf32>, vector<256x512xf32> -> vector<256x512xf32>
    %add3A_838 = arith.addf %add3A_830, %dot_general3A_837 : vector<256x512xf32>
    %add3A_839 = vector.broadcast %get3A_795 : vector<1x512xf32> to vector<256x512xf32>
    %add3A_840 = arith.addf %add3A_838, %add3A_839 : vector<256x512xf32>
    %max3A_841 = arith.constant 0.000000e+00 : f32
    %max3A_842 = vector.broadcast %max3A_841 : f32 to vector<256x512xf32>
    %max3A_843 = arith.maximumf %add3A_840, %max3A_842 : vector<256x512xf32>
    %get3A_844 = arith.constant 0 : index
    %get3A_845 = arith.constant 0 : index
    %get3A_846 = arith.constant 0 : index
    %get3A_847 = vector.load %arg16[%get3A_844, %get3A_845, %get3A_846] : memref<3x512x512xf32, #tpu.memory_space<vmem>>, vector<1x512x512xf32>
    %get3A_848 = vector.shape_cast %get3A_847 : vector<1x512x512xf32> to vector<512x512xf32>
    %dot_general3A_849 = arith.constant dense<0.000000e+00> : vector<256x512xf32>
    %dot_general3A_850 = tpu.matmul %add3A_697, %get3A_848, %dot_general3A_849 {dimension_numbers = #tpu.dot_dimension_numbers<[1], [0], [0], [1], [0, 0, 1, 1], [], []>, transpose_lhs_hint = false} : vector<256x512xf32>, vector<512x512xf32>, vector<256x512xf32> -> vector<256x512xf32>
    %get3A_851 = arith.constant 1 : index
    %get3A_852 = arith.constant 0 : index
    %get3A_853 = arith.constant 0 : index
    %get3A_854 = vector.load %arg16[%get3A_851, %get3A_852, %get3A_853] : memref<3x512x512xf32, #tpu.memory_space<vmem>>, vector<1x512x512xf32>
    %get3A_855 = vector.shape_cast %get3A_854 : vector<1x512x512xf32> to vector<512x512xf32>
    %dot_general3A_856 = arith.constant dense<0.000000e+00> : vector<256x512xf32>
    %dot_general3A_857 = tpu.matmul %add3A_704, %get3A_855, %dot_general3A_856 {dimension_numbers = #tpu.dot_dimension_numbers<[1], [0], [0], [1], [0, 0, 1, 1], [], []>, transpose_lhs_hint = false} : vector<256x512xf32>, vector<512x512xf32>, vector<256x512xf32> -> vector<256x512xf32>
    %add3A_858 = arith.addf %dot_general3A_850, %dot_general3A_857 : vector<256x512xf32>
    %get3A_859 = arith.constant 2 : index
    %get3A_860 = arith.constant 0 : index
    %get3A_861 = arith.constant 0 : index
    %get3A_862 = vector.load %arg16[%get3A_859, %get3A_860, %get3A_861] : memref<3x512x512xf32, #tpu.memory_space<vmem>>, vector<1x512x512xf32>
    %get3A_863 = vector.shape_cast %get3A_862 : vector<1x512x512xf32> to vector<512x512xf32>
    %dot_general3A_864 = arith.constant dense<0.000000e+00> : vector<256x512xf32>
    %dot_general3A_865 = tpu.matmul %add3A_711, %get3A_863, %dot_general3A_864 {dimension_numbers = #tpu.dot_dimension_numbers<[1], [0], [0], [1], [0, 0, 1, 1], [], []>, transpose_lhs_hint = false} : vector<256x512xf32>, vector<512x512xf32>, vector<256x512xf32> -> vector<256x512xf32>
    %add3A_866 = arith.addf %add3A_858, %dot_general3A_865 : vector<256x512xf32>
    %add3A_867 = vector.broadcast %get3A_795 : vector<1x512xf32> to vector<256x512xf32>
    %add3A_868 = arith.addf %add3A_866, %add3A_867 : vector<256x512xf32>
    %max3A_869 = arith.constant 0.000000e+00 : f32
    %max3A_870 = vector.broadcast %max3A_869 : f32 to vector<256x512xf32>
    %max3A_871 = arith.maximumf %add3A_868, %max3A_870 : vector<256x512xf32>
    %get3A_872 = arith.constant 0 : index
    %get3A_873 = arith.constant 0 : index
    %get3A_874 = arith.constant 0 : index
    %get3A_875 = vector.load %arg16[%get3A_872, %get3A_873, %get3A_874] : memref<3x512x512xf32, #tpu.memory_space<vmem>>, vector<1x512x512xf32>
    %get3A_876 = vector.shape_cast %get3A_875 : vector<1x512x512xf32> to vector<512x512xf32>
    %dot_general3A_877 = arith.constant dense<0.000000e+00> : vector<256x512xf32>
    %dot_general3A_878 = tpu.matmul %add3A_704, %get3A_876, %dot_general3A_877 {dimension_numbers = #tpu.dot_dimension_numbers<[1], [0], [0], [1], [0, 0, 1, 1], [], []>, transpose_lhs_hint = false} : vector<256x512xf32>, vector<512x512xf32>, vector<256x512xf32> -> vector<256x512xf32>
    %get3A_879 = arith.constant 1 : index
    %get3A_880 = arith.constant 0 : index
    %get3A_881 = arith.constant 0 : index
    %get3A_882 = vector.load %arg16[%get3A_879, %get3A_880, %get3A_881] : memref<3x512x512xf32, #tpu.memory_space<vmem>>, vector<1x512x512xf32>
    %get3A_883 = vector.shape_cast %get3A_882 : vector<1x512x512xf32> to vector<512x512xf32>
    %dot_general3A_884 = arith.constant dense<0.000000e+00> : vector<256x512xf32>
    %dot_general3A_885 = tpu.matmul %add3A_711, %get3A_883, %dot_general3A_884 {dimension_numbers = #tpu.dot_dimension_numbers<[1], [0], [0], [1], [0, 0, 1, 1], [], []>, transpose_lhs_hint = false} : vector<256x512xf32>, vector<512x512xf32>, vector<256x512xf32> -> vector<256x512xf32>
    %add3A_886 = arith.addf %dot_general3A_878, %dot_general3A_885 : vector<256x512xf32>
    %get3A_887 = arith.constant 2 : index
    %get3A_888 = arith.constant 0 : index
    %get3A_889 = arith.constant 0 : index
    %get3A_890 = vector.load %arg16[%get3A_887, %get3A_888, %get3A_889] : memref<3x512x512xf32, #tpu.memory_space<vmem>>, vector<1x512x512xf32>
    %get3A_891 = vector.shape_cast %get3A_890 : vector<1x512x512xf32> to vector<512x512xf32>
    %dot_general3A_892 = arith.constant dense<0.000000e+00> : vector<256x512xf32>
    %dot_general3A_893 = tpu.matmul %add3A_718, %get3A_891, %dot_general3A_892 {dimension_numbers = #tpu.dot_dimension_numbers<[1], [0], [0], [1], [0, 0, 1, 1], [], []>, transpose_lhs_hint = false} : vector<256x512xf32>, vector<512x512xf32>, vector<256x512xf32> -> vector<256x512xf32>
    %add3A_894 = arith.addf %add3A_886, %dot_general3A_893 : vector<256x512xf32>
    %add3A_895 = vector.broadcast %get3A_795 : vector<1x512xf32> to vector<256x512xf32>
    %add3A_896 = arith.addf %add3A_894, %add3A_895 : vector<256x512xf32>
    %max3A_897 = arith.constant 0.000000e+00 : f32
    %max3A_898 = vector.broadcast %max3A_897 : f32 to vector<256x512xf32>
    %max3A_899 = arith.maximumf %add3A_896, %max3A_898 : vector<256x512xf32>
    %get3A_900 = arith.constant 0 : index
    %get3A_901 = arith.constant 0 : index
    %get3A_902 = arith.constant 0 : index
    %get3A_903 = vector.load %arg16[%get3A_900, %get3A_901, %get3A_902] : memref<3x512x512xf32, #tpu.memory_space<vmem>>, vector<1x512x512xf32>
    %get3A_904 = vector.shape_cast %get3A_903 : vector<1x512x512xf32> to vector<512x512xf32>
    %dot_general3A_905 = arith.constant dense<0.000000e+00> : vector<256x512xf32>
    %dot_general3A_906 = tpu.matmul %add3A_711, %get3A_904, %dot_general3A_905 {dimension_numbers = #tpu.dot_dimension_numbers<[1], [0], [0], [1], [0, 0, 1, 1], [], []>, transpose_lhs_hint = false} : vector<256x512xf32>, vector<512x512xf32>, vector<256x512xf32> -> vector<256x512xf32>
    %get3A_907 = arith.constant 1 : index
    %get3A_908 = arith.constant 0 : index
    %get3A_909 = arith.constant 0 : index
    %get3A_910 = vector.load %arg16[%get3A_907, %get3A_908, %get3A_909] : memref<3x512x512xf32, #tpu.memory_space<vmem>>, vector<1x512x512xf32>
    %get3A_911 = vector.shape_cast %get3A_910 : vector<1x512x512xf32> to vector<512x512xf32>
    %dot_general3A_912 = arith.constant dense<0.000000e+00> : vector<256x512xf32>
    %dot_general3A_913 = tpu.matmul %add3A_718, %get3A_911, %dot_general3A_912 {dimension_numbers = #tpu.dot_dimension_numbers<[1], [0], [0], [1], [0, 0, 1, 1], [], []>, transpose_lhs_hint = false} : vector<256x512xf32>, vector<512x512xf32>, vector<256x512xf32> -> vector<256x512xf32>
    %add3A_914 = arith.addf %dot_general3A_906, %dot_general3A_913 : vector<256x512xf32>
    %get3A_915 = arith.constant 2 : index
    %get3A_916 = arith.constant 0 : index
    %get3A_917 = arith.constant 0 : index
    %get3A_918 = vector.load %arg16[%get3A_915, %get3A_916, %get3A_917] : memref<3x512x512xf32, #tpu.memory_space<vmem>>, vector<1x512x512xf32>
    %get3A_919 = vector.shape_cast %get3A_918 : vector<1x512x512xf32> to vector<512x512xf32>
    %dot_general3A_920 = arith.constant dense<0.000000e+00> : vector<256x512xf32>
    %dot_general3A_921 = tpu.matmul %add3A_725, %get3A_919, %dot_general3A_920 {dimension_numbers = #tpu.dot_dimension_numbers<[1], [0], [0], [1], [0, 0, 1, 1], [], []>, transpose_lhs_hint = false} : vector<256x512xf32>, vector<512x512xf32>, vector<256x512xf32> -> vector<256x512xf32>
    %add3A_922 = arith.addf %add3A_914, %dot_general3A_921 : vector<256x512xf32>
    %add3A_923 = vector.broadcast %get3A_795 : vector<1x512xf32> to vector<256x512xf32>
    %add3A_924 = arith.addf %add3A_922, %add3A_923 : vector<256x512xf32>
    %max3A_925 = arith.constant 0.000000e+00 : f32
    %max3A_926 = vector.broadcast %max3A_925 : f32 to vector<256x512xf32>
    %max3A_927 = arith.maximumf %add3A_924, %max3A_926 : vector<256x512xf32>
    %get3A_928 = arith.constant 0 : index
    %get3A_929 = arith.constant 0 : index
    %get3A_930 = arith.constant 0 : index
    %get3A_931 = vector.load %arg16[%get3A_928, %get3A_929, %get3A_930] : memref<3x512x512xf32, #tpu.memory_space<vmem>>, vector<1x512x512xf32>
    %get3A_932 = vector.shape_cast %get3A_931 : vector<1x512x512xf32> to vector<512x512xf32>
    %dot_general3A_933 = arith.constant dense<0.000000e+00> : vector<256x512xf32>
    %dot_general3A_934 = tpu.matmul %add3A_718, %get3A_932, %dot_general3A_933 {dimension_numbers = #tpu.dot_dimension_numbers<[1], [0], [0], [1], [0, 0, 1, 1], [], []>, transpose_lhs_hint = false} : vector<256x512xf32>, vector<512x512xf32>, vector<256x512xf32> -> vector<256x512xf32>
    %get3A_935 = arith.constant 1 : index
    %get3A_936 = arith.constant 0 : index
    %get3A_937 = arith.constant 0 : index
    %get3A_938 = vector.load %arg16[%get3A_935, %get3A_936, %get3A_937] : memref<3x512x512xf32, #tpu.memory_space<vmem>>, vector<1x512x512xf32>
    %get3A_939 = vector.shape_cast %get3A_938 : vector<1x512x512xf32> to vector<512x512xf32>
    %dot_general3A_940 = arith.constant dense<0.000000e+00> : vector<256x512xf32>
    %dot_general3A_941 = tpu.matmul %add3A_725, %get3A_939, %dot_general3A_940 {dimension_numbers = #tpu.dot_dimension_numbers<[1], [0], [0], [1], [0, 0, 1, 1], [], []>, transpose_lhs_hint = false} : vector<256x512xf32>, vector<512x512xf32>, vector<256x512xf32> -> vector<256x512xf32>
    %add3A_942 = arith.addf %dot_general3A_934, %dot_general3A_941 : vector<256x512xf32>
    %get3A_943 = arith.constant 2 : index
    %get3A_944 = arith.constant 0 : index
    %get3A_945 = arith.constant 0 : index
    %get3A_946 = vector.load %arg16[%get3A_943, %get3A_944, %get3A_945] : memref<3x512x512xf32, #tpu.memory_space<vmem>>, vector<1x512x512xf32>
    %get3A_947 = vector.shape_cast %get3A_946 : vector<1x512x512xf32> to vector<512x512xf32>
    %dot_general3A_948 = arith.constant dense<0.000000e+00> : vector<256x512xf32>
    %dot_general3A_949 = tpu.matmul %add3A_732, %get3A_947, %dot_general3A_948 {dimension_numbers = #tpu.dot_dimension_numbers<[1], [0], [0], [1], [0, 0, 1, 1], [], []>, transpose_lhs_hint = false} : vector<256x512xf32>, vector<512x512xf32>, vector<256x512xf32> -> vector<256x512xf32>
    %add3A_950 = arith.addf %add3A_942, %dot_general3A_949 : vector<256x512xf32>
    %add3A_951 = vector.broadcast %get3A_795 : vector<1x512xf32> to vector<256x512xf32>
    %add3A_952 = arith.addf %add3A_950, %add3A_951 : vector<256x512xf32>
    %max3A_953 = arith.constant 0.000000e+00 : f32
    %max3A_954 = vector.broadcast %max3A_953 : f32 to vector<256x512xf32>
    %max3A_955 = arith.maximumf %add3A_952, %max3A_954 : vector<256x512xf32>
    %get3A_956 = arith.constant 0 : index
    %get3A_957 = arith.constant 0 : index
    %get3A_958 = arith.constant 0 : index
    %get3A_959 = vector.load %arg16[%get3A_956, %get3A_957, %get3A_958] : memref<3x512x512xf32, #tpu.memory_space<vmem>>, vector<1x512x512xf32>
    %get3A_960 = vector.shape_cast %get3A_959 : vector<1x512x512xf32> to vector<512x512xf32>
    %dot_general3A_961 = arith.constant dense<0.000000e+00> : vector<256x512xf32>
    %dot_general3A_962 = tpu.matmul %add3A_725, %get3A_960, %dot_general3A_961 {dimension_numbers = #tpu.dot_dimension_numbers<[1], [0], [0], [1], [0, 0, 1, 1], [], []>, transpose_lhs_hint = false} : vector<256x512xf32>, vector<512x512xf32>, vector<256x512xf32> -> vector<256x512xf32>
    %get3A_963 = arith.constant 1 : index
    %get3A_964 = arith.constant 0 : index
    %get3A_965 = arith.constant 0 : index
    %get3A_966 = vector.load %arg16[%get3A_963, %get3A_964, %get3A_965] : memref<3x512x512xf32, #tpu.memory_space<vmem>>, vector<1x512x512xf32>
    %get3A_967 = vector.shape_cast %get3A_966 : vector<1x512x512xf32> to vector<512x512xf32>
    %dot_general3A_968 = arith.constant dense<0.000000e+00> : vector<256x512xf32>
    %dot_general3A_969 = tpu.matmul %add3A_732, %get3A_967, %dot_general3A_968 {dimension_numbers = #tpu.dot_dimension_numbers<[1], [0], [0], [1], [0, 0, 1, 1], [], []>, transpose_lhs_hint = false} : vector<256x512xf32>, vector<512x512xf32>, vector<256x512xf32> -> vector<256x512xf32>
    %add3A_970 = arith.addf %dot_general3A_962, %dot_general3A_969 : vector<256x512xf32>
    %get3A_971 = arith.constant 2 : index
    %get3A_972 = arith.constant 0 : index
    %get3A_973 = arith.constant 0 : index
    %get3A_974 = vector.load %arg16[%get3A_971, %get3A_972, %get3A_973] : memref<3x512x512xf32, #tpu.memory_space<vmem>>, vector<1x512x512xf32>
    %get3A_975 = vector.shape_cast %get3A_974 : vector<1x512x512xf32> to vector<512x512xf32>
    %dot_general3A_976 = arith.constant dense<0.000000e+00> : vector<256x512xf32>
    %dot_general3A_977 = tpu.matmul %add3A_739, %get3A_975, %dot_general3A_976 {dimension_numbers = #tpu.dot_dimension_numbers<[1], [0], [0], [1], [0, 0, 1, 1], [], []>, transpose_lhs_hint = false} : vector<256x512xf32>, vector<512x512xf32>, vector<256x512xf32> -> vector<256x512xf32>
    %add3A_978 = arith.addf %add3A_970, %dot_general3A_977 : vector<256x512xf32>
    %add3A_979 = vector.broadcast %get3A_795 : vector<1x512xf32> to vector<256x512xf32>
    %add3A_980 = arith.addf %add3A_978, %add3A_979 : vector<256x512xf32>
    %max3A_981 = arith.constant 0.000000e+00 : f32
    %max3A_982 = vector.broadcast %max3A_981 : f32 to vector<256x512xf32>
    %max3A_983 = arith.maximumf %add3A_980, %max3A_982 : vector<256x512xf32>
    %get3A_984 = arith.constant 0 : index
    %get3A_985 = arith.constant 0 : index
    %get3A_986 = arith.constant 0 : index
    %get3A_987 = vector.load %arg16[%get3A_984, %get3A_985, %get3A_986] : memref<3x512x512xf32, #tpu.memory_space<vmem>>, vector<1x512x512xf32>
    %get3A_988 = vector.shape_cast %get3A_987 : vector<1x512x512xf32> to vector<512x512xf32>
    %dot_general3A_989 = arith.constant dense<0.000000e+00> : vector<256x512xf32>
    %dot_general3A_990 = tpu.matmul %add3A_732, %get3A_988, %dot_general3A_989 {dimension_numbers = #tpu.dot_dimension_numbers<[1], [0], [0], [1], [0, 0, 1, 1], [], []>, transpose_lhs_hint = false} : vector<256x512xf32>, vector<512x512xf32>, vector<256x512xf32> -> vector<256x512xf32>
    %get3A_991 = arith.constant 1 : index
    %get3A_992 = arith.constant 0 : index
    %get3A_993 = arith.constant 0 : index
    %get3A_994 = vector.load %arg16[%get3A_991, %get3A_992, %get3A_993] : memref<3x512x512xf32, #tpu.memory_space<vmem>>, vector<1x512x512xf32>
    %get3A_995 = vector.shape_cast %get3A_994 : vector<1x512x512xf32> to vector<512x512xf32>
    %dot_general3A_996 = arith.constant dense<0.000000e+00> : vector<256x512xf32>
    %dot_general3A_997 = tpu.matmul %add3A_739, %get3A_995, %dot_general3A_996 {dimension_numbers = #tpu.dot_dimension_numbers<[1], [0], [0], [1], [0, 0, 1, 1], [], []>, transpose_lhs_hint = false} : vector<256x512xf32>, vector<512x512xf32>, vector<256x512xf32> -> vector<256x512xf32>
    %add3A_998 = arith.addf %dot_general3A_990, %dot_general3A_997 : vector<256x512xf32>
    %get3A_999 = arith.constant 2 : index
    %get3A_1000 = arith.constant 0 : index
    %get3A_1001 = arith.constant 0 : index
    %get3A_1002 = vector.load %arg16[%get3A_999, %get3A_1000, %get3A_1001] : memref<3x512x512xf32, #tpu.memory_space<vmem>>, vector<1x512x512xf32>
    %get3A_1003 = vector.shape_cast %get3A_1002 : vector<1x512x512xf32> to vector<512x512xf32>
    %dot_general3A_1004 = arith.constant dense<0.000000e+00> : vector<256x512xf32>
    %dot_general3A_1005 = tpu.matmul %add3A_746, %get3A_1003, %dot_general3A_1004 {dimension_numbers = #tpu.dot_dimension_numbers<[1], [0], [0], [1], [0, 0, 1, 1], [], []>, transpose_lhs_hint = false} : vector<256x512xf32>, vector<512x512xf32>, vector<256x512xf32> -> vector<256x512xf32>
    %add3A_1006 = arith.addf %add3A_998, %dot_general3A_1005 : vector<256x512xf32>
    %add3A_1007 = vector.broadcast %get3A_795 : vector<1x512xf32> to vector<256x512xf32>
    %add3A_1008 = arith.addf %add3A_1006, %add3A_1007 : vector<256x512xf32>
    %max3A_1009 = arith.constant 0.000000e+00 : f32
    %max3A_1010 = vector.broadcast %max3A_1009 : f32 to vector<256x512xf32>
    %max3A_1011 = arith.maximumf %add3A_1008, %max3A_1010 : vector<256x512xf32>
    %get3A_1012 = arith.constant 0 : index
    %get3A_1013 = arith.constant 0 : index
    %get3A_1014 = arith.constant 0 : index
    %get3A_1015 = vector.load %arg16[%get3A_1012, %get3A_1013, %get3A_1014] : memref<3x512x512xf32, #tpu.memory_space<vmem>>, vector<1x512x512xf32>
    %get3A_1016 = vector.shape_cast %get3A_1015 : vector<1x512x512xf32> to vector<512x512xf32>
    %dot_general3A_1017 = arith.constant dense<0.000000e+00> : vector<256x512xf32>
    %dot_general3A_1018 = tpu.matmul %add3A_739, %get3A_1016, %dot_general3A_1017 {dimension_numbers = #tpu.dot_dimension_numbers<[1], [0], [0], [1], [0, 0, 1, 1], [], []>, transpose_lhs_hint = false} : vector<256x512xf32>, vector<512x512xf32>, vector<256x512xf32> -> vector<256x512xf32>
    %get3A_1019 = arith.constant 1 : index
    %get3A_1020 = arith.constant 0 : index
    %get3A_1021 = arith.constant 0 : index
    %get3A_1022 = vector.load %arg16[%get3A_1019, %get3A_1020, %get3A_1021] : memref<3x512x512xf32, #tpu.memory_space<vmem>>, vector<1x512x512xf32>
    %get3A_1023 = vector.shape_cast %get3A_1022 : vector<1x512x512xf32> to vector<512x512xf32>
    %dot_general3A_1024 = arith.constant dense<0.000000e+00> : vector<256x512xf32>
    %dot_general3A_1025 = tpu.matmul %add3A_746, %get3A_1023, %dot_general3A_1024 {dimension_numbers = #tpu.dot_dimension_numbers<[1], [0], [0], [1], [0, 0, 1, 1], [], []>, transpose_lhs_hint = false} : vector<256x512xf32>, vector<512x512xf32>, vector<256x512xf32> -> vector<256x512xf32>
    %add3A_1026 = arith.addf %dot_general3A_1018, %dot_general3A_1025 : vector<256x512xf32>
    %get3A_1027 = arith.constant 2 : index
    %get3A_1028 = arith.constant 0 : index
    %get3A_1029 = arith.constant 0 : index
    %get3A_1030 = vector.load %arg16[%get3A_1027, %get3A_1028, %get3A_1029] : memref<3x512x512xf32, #tpu.memory_space<vmem>>, vector<1x512x512xf32>
    %get3A_1031 = vector.shape_cast %get3A_1030 : vector<1x512x512xf32> to vector<512x512xf32>
    %dot_general3A_1032 = arith.constant dense<0.000000e+00> : vector<256x512xf32>
    %dot_general3A_1033 = tpu.matmul %add3A_753, %get3A_1031, %dot_general3A_1032 {dimension_numbers = #tpu.dot_dimension_numbers<[1], [0], [0], [1], [0, 0, 1, 1], [], []>, transpose_lhs_hint = false} : vector<256x512xf32>, vector<512x512xf32>, vector<256x512xf32> -> vector<256x512xf32>
    %add3A_1034 = arith.addf %add3A_1026, %dot_general3A_1033 : vector<256x512xf32>
    %add3A_1035 = vector.broadcast %get3A_795 : vector<1x512xf32> to vector<256x512xf32>
    %add3A_1036 = arith.addf %add3A_1034, %add3A_1035 : vector<256x512xf32>
    %max3A_1037 = arith.constant 0.000000e+00 : f32
    %max3A_1038 = vector.broadcast %max3A_1037 : f32 to vector<256x512xf32>
    %max3A_1039 = arith.maximumf %add3A_1036, %max3A_1038 : vector<256x512xf32>
    %get3A_1040 = arith.constant 0 : index
    %get3A_1041 = arith.constant 0 : index
    %get3A_1042 = arith.constant 0 : index
    %get3A_1043 = vector.load %arg16[%get3A_1040, %get3A_1041, %get3A_1042] : memref<3x512x512xf32, #tpu.memory_space<vmem>>, vector<1x512x512xf32>
    %get3A_1044 = vector.shape_cast %get3A_1043 : vector<1x512x512xf32> to vector<512x512xf32>
    %dot_general3A_1045 = arith.constant dense<0.000000e+00> : vector<256x512xf32>
    %dot_general3A_1046 = tpu.matmul %add3A_746, %get3A_1044, %dot_general3A_1045 {dimension_numbers = #tpu.dot_dimension_numbers<[1], [0], [0], [1], [0, 0, 1, 1], [], []>, transpose_lhs_hint = false} : vector<256x512xf32>, vector<512x512xf32>, vector<256x512xf32> -> vector<256x512xf32>
    %get3A_1047 = arith.constant 1 : index
    %get3A_1048 = arith.constant 0 : index
    %get3A_1049 = arith.constant 0 : index
    %get3A_1050 = vector.load %arg16[%get3A_1047, %get3A_1048, %get3A_1049] : memref<3x512x512xf32, #tpu.memory_space<vmem>>, vector<1x512x512xf32>
    %get3A_1051 = vector.shape_cast %get3A_1050 : vector<1x512x512xf32> to vector<512x512xf32>
    %dot_general3A_1052 = arith.constant dense<0.000000e+00> : vector<256x512xf32>
    %dot_general3A_1053 = tpu.matmul %add3A_753, %get3A_1051, %dot_general3A_1052 {dimension_numbers = #tpu.dot_dimension_numbers<[1], [0], [0], [1], [0, 0, 1, 1], [], []>, transpose_lhs_hint = false} : vector<256x512xf32>, vector<512x512xf32>, vector<256x512xf32> -> vector<256x512xf32>
    %add3A_1054 = arith.addf %dot_general3A_1046, %dot_general3A_1053 : vector<256x512xf32>
    %get3A_1055 = arith.constant 2 : index
    %get3A_1056 = arith.constant 0 : index
    %get3A_1057 = arith.constant 0 : index
    %get3A_1058 = vector.load %arg16[%get3A_1055, %get3A_1056, %get3A_1057] : memref<3x512x512xf32, #tpu.memory_space<vmem>>, vector<1x512x512xf32>
    %get3A_1059 = vector.shape_cast %get3A_1058 : vector<1x512x512xf32> to vector<512x512xf32>
    %dot_general3A_1060 = arith.constant dense<0.000000e+00> : vector<256x512xf32>
    %dot_general3A_1061 = tpu.matmul %add3A_760, %get3A_1059, %dot_general3A_1060 {dimension_numbers = #tpu.dot_dimension_numbers<[1], [0], [0], [1], [0, 0, 1, 1], [], []>, transpose_lhs_hint = false} : vector<256x512xf32>, vector<512x512xf32>, vector<256x512xf32> -> vector<256x512xf32>
    %add3A_1062 = arith.addf %add3A_1054, %dot_general3A_1061 : vector<256x512xf32>
    %add3A_1063 = vector.broadcast %get3A_795 : vector<1x512xf32> to vector<256x512xf32>
    %add3A_1064 = arith.addf %add3A_1062, %add3A_1063 : vector<256x512xf32>
    %max3A_1065 = arith.constant 0.000000e+00 : f32
    %max3A_1066 = vector.broadcast %max3A_1065 : f32 to vector<256x512xf32>
    %max3A_1067 = arith.maximumf %add3A_1064, %max3A_1066 : vector<256x512xf32>
    %get3A_1068 = arith.constant 0 : index
    %get3A_1069 = arith.constant 0 : index
    %get3A_1070 = arith.constant 0 : index
    %get3A_1071 = vector.load %arg16[%get3A_1068, %get3A_1069, %get3A_1070] : memref<3x512x512xf32, #tpu.memory_space<vmem>>, vector<1x512x512xf32>
    %get3A_1072 = vector.shape_cast %get3A_1071 : vector<1x512x512xf32> to vector<512x512xf32>
    %dot_general3A_1073 = arith.constant dense<0.000000e+00> : vector<256x512xf32>
    %dot_general3A_1074 = tpu.matmul %add3A_753, %get3A_1072, %dot_general3A_1073 {dimension_numbers = #tpu.dot_dimension_numbers<[1], [0], [0], [1], [0, 0, 1, 1], [], []>, transpose_lhs_hint = false} : vector<256x512xf32>, vector<512x512xf32>, vector<256x512xf32> -> vector<256x512xf32>
    %get3A_1075 = arith.constant 1 : index
    %get3A_1076 = arith.constant 0 : index
    %get3A_1077 = arith.constant 0 : index
    %get3A_1078 = vector.load %arg16[%get3A_1075, %get3A_1076, %get3A_1077] : memref<3x512x512xf32, #tpu.memory_space<vmem>>, vector<1x512x512xf32>
    %get3A_1079 = vector.shape_cast %get3A_1078 : vector<1x512x512xf32> to vector<512x512xf32>
    %dot_general3A_1080 = arith.constant dense<0.000000e+00> : vector<256x512xf32>
    %dot_general3A_1081 = tpu.matmul %add3A_760, %get3A_1079, %dot_general3A_1080 {dimension_numbers = #tpu.dot_dimension_numbers<[1], [0], [0], [1], [0, 0, 1, 1], [], []>, transpose_lhs_hint = false} : vector<256x512xf32>, vector<512x512xf32>, vector<256x512xf32> -> vector<256x512xf32>
    %add3A_1082 = arith.addf %dot_general3A_1074, %dot_general3A_1081 : vector<256x512xf32>
    %get3A_1083 = arith.constant 2 : index
    %get3A_1084 = arith.constant 0 : index
    %get3A_1085 = arith.constant 0 : index
    %get3A_1086 = vector.load %arg16[%get3A_1083, %get3A_1084, %get3A_1085] : memref<3x512x512xf32, #tpu.memory_space<vmem>>, vector<1x512x512xf32>
    %get3A_1087 = vector.shape_cast %get3A_1086 : vector<1x512x512xf32> to vector<512x512xf32>
    %dot_general3A_1088 = arith.constant dense<0.000000e+00> : vector<256x512xf32>
    %dot_general3A_1089 = tpu.matmul %add3A_767, %get3A_1087, %dot_general3A_1088 {dimension_numbers = #tpu.dot_dimension_numbers<[1], [0], [0], [1], [0, 0, 1, 1], [], []>, transpose_lhs_hint = false} : vector<256x512xf32>, vector<512x512xf32>, vector<256x512xf32> -> vector<256x512xf32>
    %add3A_1090 = arith.addf %add3A_1082, %dot_general3A_1089 : vector<256x512xf32>
    %add3A_1091 = vector.broadcast %get3A_795 : vector<1x512xf32> to vector<256x512xf32>
    %add3A_1092 = arith.addf %add3A_1090, %add3A_1091 : vector<256x512xf32>
    %max3A_1093 = arith.constant 0.000000e+00 : f32
    %max3A_1094 = vector.broadcast %max3A_1093 : f32 to vector<256x512xf32>
    %max3A_1095 = arith.maximumf %add3A_1092, %max3A_1094 : vector<256x512xf32>
    %get3A_1096 = arith.constant 0 : index
    %get3A_1097 = arith.constant 0 : index
    %get3A_1098 = arith.constant 0 : index
    %get3A_1099 = vector.load %arg16[%get3A_1096, %get3A_1097, %get3A_1098] : memref<3x512x512xf32, #tpu.memory_space<vmem>>, vector<1x512x512xf32>
    %get3A_1100 = vector.shape_cast %get3A_1099 : vector<1x512x512xf32> to vector<512x512xf32>
    %dot_general3A_1101 = arith.constant dense<0.000000e+00> : vector<256x512xf32>
    %dot_general3A_1102 = tpu.matmul %add3A_760, %get3A_1100, %dot_general3A_1101 {dimension_numbers = #tpu.dot_dimension_numbers<[1], [0], [0], [1], [0, 0, 1, 1], [], []>, transpose_lhs_hint = false} : vector<256x512xf32>, vector<512x512xf32>, vector<256x512xf32> -> vector<256x512xf32>
    %get3A_1103 = arith.constant 1 : index
    %get3A_1104 = arith.constant 0 : index
    %get3A_1105 = arith.constant 0 : index
    %get3A_1106 = vector.load %arg16[%get3A_1103, %get3A_1104, %get3A_1105] : memref<3x512x512xf32, #tpu.memory_space<vmem>>, vector<1x512x512xf32>
    %get3A_1107 = vector.shape_cast %get3A_1106 : vector<1x512x512xf32> to vector<512x512xf32>
    %dot_general3A_1108 = arith.constant dense<0.000000e+00> : vector<256x512xf32>
    %dot_general3A_1109 = tpu.matmul %add3A_767, %get3A_1107, %dot_general3A_1108 {dimension_numbers = #tpu.dot_dimension_numbers<[1], [0], [0], [1], [0, 0, 1, 1], [], []>, transpose_lhs_hint = false} : vector<256x512xf32>, vector<512x512xf32>, vector<256x512xf32> -> vector<256x512xf32>
    %add3A_1110 = arith.addf %dot_general3A_1102, %dot_general3A_1109 : vector<256x512xf32>
    %get3A_1111 = arith.constant 2 : index
    %get3A_1112 = arith.constant 0 : index
    %get3A_1113 = arith.constant 0 : index
    %get3A_1114 = vector.load %arg16[%get3A_1111, %get3A_1112, %get3A_1113] : memref<3x512x512xf32, #tpu.memory_space<vmem>>, vector<1x512x512xf32>
    %get3A_1115 = vector.shape_cast %get3A_1114 : vector<1x512x512xf32> to vector<512x512xf32>
    %dot_general3A_1116 = arith.constant dense<0.000000e+00> : vector<256x512xf32>
    %dot_general3A_1117 = tpu.matmul %add3A_774, %get3A_1115, %dot_general3A_1116 {dimension_numbers = #tpu.dot_dimension_numbers<[1], [0], [0], [1], [0, 0, 1, 1], [], []>, transpose_lhs_hint = false} : vector<256x512xf32>, vector<512x512xf32>, vector<256x512xf32> -> vector<256x512xf32>
    %add3A_1118 = arith.addf %add3A_1110, %dot_general3A_1117 : vector<256x512xf32>
    %add3A_1119 = vector.broadcast %get3A_795 : vector<1x512xf32> to vector<256x512xf32>
    %add3A_1120 = arith.addf %add3A_1118, %add3A_1119 : vector<256x512xf32>
    %max3A_1121 = arith.constant 0.000000e+00 : f32
    %max3A_1122 = vector.broadcast %max3A_1121 : f32 to vector<256x512xf32>
    %max3A_1123 = arith.maximumf %add3A_1120, %max3A_1122 : vector<256x512xf32>
    %get3A_1124 = arith.constant 0 : index
    %get3A_1125 = arith.constant 0 : index
    %get3A_1126 = arith.constant 0 : index
    %get3A_1127 = vector.load %arg16[%get3A_1124, %get3A_1125, %get3A_1126] : memref<3x512x512xf32, #tpu.memory_space<vmem>>, vector<1x512x512xf32>
    %get3A_1128 = vector.shape_cast %get3A_1127 : vector<1x512x512xf32> to vector<512x512xf32>
    %dot_general3A_1129 = arith.constant dense<0.000000e+00> : vector<256x512xf32>
    %dot_general3A_1130 = tpu.matmul %add3A_767, %get3A_1128, %dot_general3A_1129 {dimension_numbers = #tpu.dot_dimension_numbers<[1], [0], [0], [1], [0, 0, 1, 1], [], []>, transpose_lhs_hint = false} : vector<256x512xf32>, vector<512x512xf32>, vector<256x512xf32> -> vector<256x512xf32>
    %get3A_1131 = arith.constant 1 : index
    %get3A_1132 = arith.constant 0 : index
    %get3A_1133 = arith.constant 0 : index
    %get3A_1134 = vector.load %arg16[%get3A_1131, %get3A_1132, %get3A_1133] : memref<3x512x512xf32, #tpu.memory_space<vmem>>, vector<1x512x512xf32>
    %get3A_1135 = vector.shape_cast %get3A_1134 : vector<1x512x512xf32> to vector<512x512xf32>
    %dot_general3A_1136 = arith.constant dense<0.000000e+00> : vector<256x512xf32>
    %dot_general3A_1137 = tpu.matmul %add3A_774, %get3A_1135, %dot_general3A_1136 {dimension_numbers = #tpu.dot_dimension_numbers<[1], [0], [0], [1], [0, 0, 1, 1], [], []>, transpose_lhs_hint = false} : vector<256x512xf32>, vector<512x512xf32>, vector<256x512xf32> -> vector<256x512xf32>
    %add3A_1138 = arith.addf %dot_general3A_1130, %dot_general3A_1137 : vector<256x512xf32>
    %get3A_1139 = arith.constant 2 : index
    %get3A_1140 = arith.constant 0 : index
    %get3A_1141 = arith.constant 0 : index
    %get3A_1142 = vector.load %arg16[%get3A_1139, %get3A_1140, %get3A_1141] : memref<3x512x512xf32, #tpu.memory_space<vmem>>, vector<1x512x512xf32>
    %get3A_1143 = vector.shape_cast %get3A_1142 : vector<1x512x512xf32> to vector<512x512xf32>
    %dot_general3A_1144 = arith.constant dense<0.000000e+00> : vector<256x512xf32>
    %dot_general3A_1145 = tpu.matmul %add3A_781, %get3A_1143, %dot_general3A_1144 {dimension_numbers = #tpu.dot_dimension_numbers<[1], [0], [0], [1], [0, 0, 1, 1], [], []>, transpose_lhs_hint = false} : vector<256x512xf32>, vector<512x512xf32>, vector<256x512xf32> -> vector<256x512xf32>
    %add3A_1146 = arith.addf %add3A_1138, %dot_general3A_1145 : vector<256x512xf32>
    %add3A_1147 = vector.broadcast %get3A_795 : vector<1x512xf32> to vector<256x512xf32>
    %add3A_1148 = arith.addf %add3A_1146, %add3A_1147 : vector<256x512xf32>
    %max3A_1149 = arith.constant 0.000000e+00 : f32
    %max3A_1150 = vector.broadcast %max3A_1149 : f32 to vector<256x512xf32>
    %max3A_1151 = arith.maximumf %add3A_1148, %max3A_1150 : vector<256x512xf32>
    %get3A_1152 = arith.constant 0 : index
    %get3A_1153 = arith.constant 0 : index
    %get3A_1154 = arith.constant 0 : index
    %get3A_1155 = vector.load %arg16[%get3A_1152, %get3A_1153, %get3A_1154] : memref<3x512x512xf32, #tpu.memory_space<vmem>>, vector<1x512x512xf32>
    %get3A_1156 = vector.shape_cast %get3A_1155 : vector<1x512x512xf32> to vector<512x512xf32>
    %dot_general3A_1157 = arith.constant dense<0.000000e+00> : vector<256x512xf32>
    %dot_general3A_1158 = tpu.matmul %add3A_774, %get3A_1156, %dot_general3A_1157 {dimension_numbers = #tpu.dot_dimension_numbers<[1], [0], [0], [1], [0, 0, 1, 1], [], []>, transpose_lhs_hint = false} : vector<256x512xf32>, vector<512x512xf32>, vector<256x512xf32> -> vector<256x512xf32>
    %get3A_1159 = arith.constant 1 : index
    %get3A_1160 = arith.constant 0 : index
    %get3A_1161 = arith.constant 0 : index
    %get3A_1162 = vector.load %arg16[%get3A_1159, %get3A_1160, %get3A_1161] : memref<3x512x512xf32, #tpu.memory_space<vmem>>, vector<1x512x512xf32>
    %get3A_1163 = vector.shape_cast %get3A_1162 : vector<1x512x512xf32> to vector<512x512xf32>
    %dot_general3A_1164 = arith.constant dense<0.000000e+00> : vector<256x512xf32>
    %dot_general3A_1165 = tpu.matmul %add3A_781, %get3A_1163, %dot_general3A_1164 {dimension_numbers = #tpu.dot_dimension_numbers<[1], [0], [0], [1], [0, 0, 1, 1], [], []>, transpose_lhs_hint = false} : vector<256x512xf32>, vector<512x512xf32>, vector<256x512xf32> -> vector<256x512xf32>
    %add3A_1166 = arith.addf %dot_general3A_1158, %dot_general3A_1165 : vector<256x512xf32>
    %get3A_1167 = arith.constant 2 : index
    %get3A_1168 = arith.constant 0 : index
    %get3A_1169 = arith.constant 0 : index
    %get3A_1170 = vector.load %arg16[%get3A_1167, %get3A_1168, %get3A_1169] : memref<3x512x512xf32, #tpu.memory_space<vmem>>, vector<1x512x512xf32>
    %get3A_1171 = vector.shape_cast %get3A_1170 : vector<1x512x512xf32> to vector<512x512xf32>
    %dot_general3A_1172 = arith.constant dense<0.000000e+00> : vector<256x512xf32>
    %dot_general3A_1173 = tpu.matmul %add3A_788, %get3A_1171, %dot_general3A_1172 {dimension_numbers = #tpu.dot_dimension_numbers<[1], [0], [0], [1], [0, 0, 1, 1], [], []>, transpose_lhs_hint = false} : vector<256x512xf32>, vector<512x512xf32>, vector<256x512xf32> -> vector<256x512xf32>
    %add3A_1174 = arith.addf %add3A_1166, %dot_general3A_1173 : vector<256x512xf32>
    %add3A_1175 = vector.broadcast %get3A_795 : vector<1x512xf32> to vector<256x512xf32>
    %add3A_1176 = arith.addf %add3A_1174, %add3A_1175 : vector<256x512xf32>
    %max3A_1177 = arith.constant 0.000000e+00 : f32
    %max3A_1178 = vector.broadcast %max3A_1177 : f32 to vector<256x512xf32>
    %max3A_1179 = arith.maximumf %add3A_1176, %max3A_1178 : vector<256x512xf32>
    %get3A_1180 = arith.constant 0 : index
    %get3A_1181 = arith.constant 0 : index
    %get3A_1182 = arith.constant 0 : index
    %get3A_1183 = vector.load %arg16[%get3A_1180, %get3A_1181, %get3A_1182] : memref<3x512x512xf32, #tpu.memory_space<vmem>>, vector<1x512x512xf32>
    %get3A_1184 = vector.shape_cast %get3A_1183 : vector<1x512x512xf32> to vector<512x512xf32>
    %dot_general3A_1185 = arith.constant dense<0.000000e+00> : vector<256x512xf32>
    %dot_general3A_1186 = tpu.matmul %add3A_781, %get3A_1184, %dot_general3A_1185 {dimension_numbers = #tpu.dot_dimension_numbers<[1], [0], [0], [1], [0, 0, 1, 1], [], []>, transpose_lhs_hint = false} : vector<256x512xf32>, vector<512x512xf32>, vector<256x512xf32> -> vector<256x512xf32>
    %get3A_1187 = arith.constant 1 : index
    %get3A_1188 = arith.constant 0 : index
    %get3A_1189 = arith.constant 0 : index
    %get3A_1190 = vector.load %arg16[%get3A_1187, %get3A_1188, %get3A_1189] : memref<3x512x512xf32, #tpu.memory_space<vmem>>, vector<1x512x512xf32>
    %get3A_1191 = vector.shape_cast %get3A_1190 : vector<1x512x512xf32> to vector<512x512xf32>
    %dot_general3A_1192 = arith.constant dense<0.000000e+00> : vector<256x512xf32>
    %dot_general3A_1193 = tpu.matmul %add3A_788, %get3A_1191, %dot_general3A_1192 {dimension_numbers = #tpu.dot_dimension_numbers<[1], [0], [0], [1], [0, 0, 1, 1], [], []>, transpose_lhs_hint = false} : vector<256x512xf32>, vector<512x512xf32>, vector<256x512xf32> -> vector<256x512xf32>
    %add3A_1194 = arith.addf %dot_general3A_1186, %dot_general3A_1193 : vector<256x512xf32>
    %get3A_1195 = arith.constant 2 : index
    %get3A_1196 = arith.constant 0 : index
    %get3A_1197 = arith.constant 0 : index
    %get3A_1198 = vector.load %arg16[%get3A_1195, %get3A_1196, %get3A_1197] : memref<3x512x512xf32, #tpu.memory_space<vmem>>, vector<1x512x512xf32>
    %get3A_1199 = vector.shape_cast %get3A_1198 : vector<1x512x512xf32> to vector<512x512xf32>
    %dot_general3A_1200 = arith.constant dense<0.000000e+00> : vector<256x512xf32>
    %dot_general3A_1201 = tpu.matmul %add3A_792, %get3A_1199, %dot_general3A_1200 {dimension_numbers = #tpu.dot_dimension_numbers<[1], [0], [0], [1], [0, 0, 1, 1], [], []>, transpose_lhs_hint = false} : vector<256x512xf32>, vector<512x512xf32>, vector<256x512xf32> -> vector<256x512xf32>
    %add3A_1202 = arith.addf %add3A_1194, %dot_general3A_1201 : vector<256x512xf32>
    %add3A_1203 = vector.broadcast %get3A_795 : vector<1x512xf32> to vector<256x512xf32>
    %add3A_1204 = arith.addf %add3A_1202, %add3A_1203 : vector<256x512xf32>
    %max3A_1205 = arith.constant 0.000000e+00 : f32
    %max3A_1206 = vector.broadcast %max3A_1205 : f32 to vector<256x512xf32>
    %max3A_1207 = arith.maximumf %add3A_1204, %max3A_1206 : vector<256x512xf32>
    %get3A_1208 = arith.constant 0 : index
    %get3A_1209 = arith.constant 0 : index
    %get3A_1210 = arith.constant 0 : index
    %get3A_1211 = vector.load %arg16[%get3A_1208, %get3A_1209, %get3A_1210] : memref<3x512x512xf32, #tpu.memory_space<vmem>>, vector<1x512x512xf32>
    %get3A_1212 = vector.shape_cast %get3A_1211 : vector<1x512x512xf32> to vector<512x512xf32>
    %dot_general3A_1213 = arith.constant dense<0.000000e+00> : vector<256x512xf32>
    %dot_general3A_1214 = tpu.matmul %add3A_788, %get3A_1212, %dot_general3A_1213 {dimension_numbers = #tpu.dot_dimension_numbers<[1], [0], [0], [1], [0, 0, 1, 1], [], []>, transpose_lhs_hint = false} : vector<256x512xf32>, vector<512x512xf32>, vector<256x512xf32> -> vector<256x512xf32>
    %get3A_1215 = arith.constant 1 : index
    %get3A_1216 = arith.constant 0 : index
    %get3A_1217 = arith.constant 0 : index
    %get3A_1218 = vector.load %arg16[%get3A_1215, %get3A_1216, %get3A_1217] : memref<3x512x512xf32, #tpu.memory_space<vmem>>, vector<1x512x512xf32>
    %get3A_1219 = vector.shape_cast %get3A_1218 : vector<1x512x512xf32> to vector<512x512xf32>
    %dot_general3A_1220 = arith.constant dense<0.000000e+00> : vector<256x512xf32>
    %dot_general3A_1221 = tpu.matmul %add3A_792, %get3A_1219, %dot_general3A_1220 {dimension_numbers = #tpu.dot_dimension_numbers<[1], [0], [0], [1], [0, 0, 1, 1], [], []>, transpose_lhs_hint = false} : vector<256x512xf32>, vector<512x512xf32>, vector<256x512xf32> -> vector<256x512xf32>
    %add3A_1222 = arith.addf %dot_general3A_1214, %dot_general3A_1221 : vector<256x512xf32>
    %add3A_1223 = vector.broadcast %get3A_795 : vector<1x512xf32> to vector<256x512xf32>
    %add3A_1224 = arith.addf %add3A_1222, %add3A_1223 : vector<256x512xf32>
    %max3A_1225 = arith.constant 0.000000e+00 : f32
    %max3A_1226 = vector.broadcast %max3A_1225 : f32 to vector<256x512xf32>
    %max3A_1227 = arith.maximumf %add3A_1224, %max3A_1226 : vector<256x512xf32>
    %get3A_1228 = arith.constant 0 : index
    %get3A_1229 = arith.constant 0 : index
    %get3A_1230 = vector.load %arg19[%get3A_1228, %get3A_1229] : memref<1x159xf32, #tpu.memory_space<vmem>>, vector<1x159xf32>
    %get3A_1231 = arith.constant 1 : index
    %get3A_1232 = arith.constant 0 : index
    %get3A_1233 = arith.constant 0 : index
    %get3A_1234 = vector.load %arg18[%get3A_1231, %get3A_1232, %get3A_1233] : memref<3x512x159xf32, #tpu.memory_space<vmem>>, vector<1x512x159xf32>
    %get3A_1235 = vector.shape_cast %get3A_1234 : vector<1x512x159xf32> to vector<512x159xf32>
    %dot_general3A_1236 = arith.constant dense<0.000000e+00> : vector<256x159xf32>
    %dot_general3A_1237 = tpu.matmul %max3A_815, %get3A_1235, %dot_general3A_1236 {dimension_numbers = #tpu.dot_dimension_numbers<[1], [0], [0], [1], [0, 0, 1, 1], [], []>, transpose_lhs_hint = false} : vector<256x512xf32>, vector<512x159xf32>, vector<256x159xf32> -> vector<256x159xf32>
    %get3A_1238 = arith.constant 2 : index
    %get3A_1239 = arith.constant 0 : index
    %get3A_1240 = arith.constant 0 : index
    %get3A_1241 = vector.load %arg18[%get3A_1238, %get3A_1239, %get3A_1240] : memref<3x512x159xf32, #tpu.memory_space<vmem>>, vector<1x512x159xf32>
    %get3A_1242 = vector.shape_cast %get3A_1241 : vector<1x512x159xf32> to vector<512x159xf32>
    %dot_general3A_1243 = arith.constant dense<0.000000e+00> : vector<256x159xf32>
    %dot_general3A_1244 = tpu.matmul %max3A_843, %get3A_1242, %dot_general3A_1243 {dimension_numbers = #tpu.dot_dimension_numbers<[1], [0], [0], [1], [0, 0, 1, 1], [], []>, transpose_lhs_hint = false} : vector<256x512xf32>, vector<512x159xf32>, vector<256x159xf32> -> vector<256x159xf32>
    %add3A_1245 = arith.addf %dot_general3A_1237, %dot_general3A_1244 : vector<256x159xf32>
    %add3A_1246 = vector.broadcast %get3A_1230 : vector<1x159xf32> to vector<256x159xf32>
    %add3A_1247 = arith.addf %add3A_1245, %add3A_1246 : vector<256x159xf32>
    %get3A_1248 = arith.constant 0 : index
    %get3A_1249 = arith.constant 0 : index
    %get3A_1250 = arith.constant 0 : index
    %get3A_1251 = vector.load %arg18[%get3A_1248, %get3A_1249, %get3A_1250] : memref<3x512x159xf32, #tpu.memory_space<vmem>>, vector<1x512x159xf32>
    %get3A_1252 = vector.shape_cast %get3A_1251 : vector<1x512x159xf32> to vector<512x159xf32>
    %dot_general3A_1253 = arith.constant dense<0.000000e+00> : vector<256x159xf32>
    %dot_general3A_1254 = tpu.matmul %max3A_815, %get3A_1252, %dot_general3A_1253 {dimension_numbers = #tpu.dot_dimension_numbers<[1], [0], [0], [1], [0, 0, 1, 1], [], []>, transpose_lhs_hint = false} : vector<256x512xf32>, vector<512x159xf32>, vector<256x159xf32> -> vector<256x159xf32>
    %get3A_1255 = arith.constant 1 : index
    %get3A_1256 = arith.constant 0 : index
    %get3A_1257 = arith.constant 0 : index
    %get3A_1258 = vector.load %arg18[%get3A_1255, %get3A_1256, %get3A_1257] : memref<3x512x159xf32, #tpu.memory_space<vmem>>, vector<1x512x159xf32>
    %get3A_1259 = vector.shape_cast %get3A_1258 : vector<1x512x159xf32> to vector<512x159xf32>
    %dot_general3A_1260 = arith.constant dense<0.000000e+00> : vector<256x159xf32>
    %dot_general3A_1261 = tpu.matmul %max3A_843, %get3A_1259, %dot_general3A_1260 {dimension_numbers = #tpu.dot_dimension_numbers<[1], [0], [0], [1], [0, 0, 1, 1], [], []>, transpose_lhs_hint = false} : vector<256x512xf32>, vector<512x159xf32>, vector<256x159xf32> -> vector<256x159xf32>
    %add3A_1262 = arith.addf %dot_general3A_1254, %dot_general3A_1261 : vector<256x159xf32>
    %get3A_1263 = arith.constant 2 : index
    %get3A_1264 = arith.constant 0 : index
    %get3A_1265 = arith.constant 0 : index
    %get3A_1266 = vector.load %arg18[%get3A_1263, %get3A_1264, %get3A_1265] : memref<3x512x159xf32, #tpu.memory_space<vmem>>, vector<1x512x159xf32>
    %get3A_1267 = vector.shape_cast %get3A_1266 : vector<1x512x159xf32> to vector<512x159xf32>
    %dot_general3A_1268 = arith.constant dense<0.000000e+00> : vector<256x159xf32>
    %dot_general3A_1269 = tpu.matmul %max3A_871, %get3A_1267, %dot_general3A_1268 {dimension_numbers = #tpu.dot_dimension_numbers<[1], [0], [0], [1], [0, 0, 1, 1], [], []>, transpose_lhs_hint = false} : vector<256x512xf32>, vector<512x159xf32>, vector<256x159xf32> -> vector<256x159xf32>
    %add3A_1270 = arith.addf %add3A_1262, %dot_general3A_1269 : vector<256x159xf32>
    %add3A_1271 = vector.broadcast %get3A_1230 : vector<1x159xf32> to vector<256x159xf32>
    %add3A_1272 = arith.addf %add3A_1270, %add3A_1271 : vector<256x159xf32>
    %get3A_1273 = arith.constant 0 : index
    %get3A_1274 = arith.constant 0 : index
    %get3A_1275 = arith.constant 0 : index
    %get3A_1276 = vector.load %arg18[%get3A_1273, %get3A_1274, %get3A_1275] : memref<3x512x159xf32, #tpu.memory_space<vmem>>, vector<1x512x159xf32>
    %get3A_1277 = vector.shape_cast %get3A_1276 : vector<1x512x159xf32> to vector<512x159xf32>
    %dot_general3A_1278 = arith.constant dense<0.000000e+00> : vector<256x159xf32>
    %dot_general3A_1279 = tpu.matmul %max3A_843, %get3A_1277, %dot_general3A_1278 {dimension_numbers = #tpu.dot_dimension_numbers<[1], [0], [0], [1], [0, 0, 1, 1], [], []>, transpose_lhs_hint = false} : vector<256x512xf32>, vector<512x159xf32>, vector<256x159xf32> -> vector<256x159xf32>
    %get3A_1280 = arith.constant 1 : index
    %get3A_1281 = arith.constant 0 : index
    %get3A_1282 = arith.constant 0 : index
    %get3A_1283 = vector.load %arg18[%get3A_1280, %get3A_1281, %get3A_1282] : memref<3x512x159xf32, #tpu.memory_space<vmem>>, vector<1x512x159xf32>
    %get3A_1284 = vector.shape_cast %get3A_1283 : vector<1x512x159xf32> to vector<512x159xf32>
    %dot_general3A_1285 = arith.constant dense<0.000000e+00> : vector<256x159xf32>
    %dot_general3A_1286 = tpu.matmul %max3A_871, %get3A_1284, %dot_general3A_1285 {dimension_numbers = #tpu.dot_dimension_numbers<[1], [0], [0], [1], [0, 0, 1, 1], [], []>, transpose_lhs_hint = false} : vector<256x512xf32>, vector<512x159xf32>, vector<256x159xf32> -> vector<256x159xf32>
    %add3A_1287 = arith.addf %dot_general3A_1279, %dot_general3A_1286 : vector<256x159xf32>
    %get3A_1288 = arith.constant 2 : index
    %get3A_1289 = arith.constant 0 : index
    %get3A_1290 = arith.constant 0 : index
    %get3A_1291 = vector.load %arg18[%get3A_1288, %get3A_1289, %get3A_1290] : memref<3x512x159xf32, #tpu.memory_space<vmem>>, vector<1x512x159xf32>
    %get3A_1292 = vector.shape_cast %get3A_1291 : vector<1x512x159xf32> to vector<512x159xf32>
    %dot_general3A_1293 = arith.constant dense<0.000000e+00> : vector<256x159xf32>
    %dot_general3A_1294 = tpu.matmul %max3A_899, %get3A_1292, %dot_general3A_1293 {dimension_numbers = #tpu.dot_dimension_numbers<[1], [0], [0], [1], [0, 0, 1, 1], [], []>, transpose_lhs_hint = false} : vector<256x512xf32>, vector<512x159xf32>, vector<256x159xf32> -> vector<256x159xf32>
    %add3A_1295 = arith.addf %add3A_1287, %dot_general3A_1294 : vector<256x159xf32>
    %add3A_1296 = vector.broadcast %get3A_1230 : vector<1x159xf32> to vector<256x159xf32>
    %add3A_1297 = arith.addf %add3A_1295, %add3A_1296 : vector<256x159xf32>
    %get3A_1298 = arith.constant 0 : index
    %get3A_1299 = arith.constant 0 : index
    %get3A_1300 = arith.constant 0 : index
    %get3A_1301 = vector.load %arg18[%get3A_1298, %get3A_1299, %get3A_1300] : memref<3x512x159xf32, #tpu.memory_space<vmem>>, vector<1x512x159xf32>
    %get3A_1302 = vector.shape_cast %get3A_1301 : vector<1x512x159xf32> to vector<512x159xf32>
    %dot_general3A_1303 = arith.constant dense<0.000000e+00> : vector<256x159xf32>
    %dot_general3A_1304 = tpu.matmul %max3A_871, %get3A_1302, %dot_general3A_1303 {dimension_numbers = #tpu.dot_dimension_numbers<[1], [0], [0], [1], [0, 0, 1, 1], [], []>, transpose_lhs_hint = false} : vector<256x512xf32>, vector<512x159xf32>, vector<256x159xf32> -> vector<256x159xf32>
    %get3A_1305 = arith.constant 1 : index
    %get3A_1306 = arith.constant 0 : index
    %get3A_1307 = arith.constant 0 : index
    %get3A_1308 = vector.load %arg18[%get3A_1305, %get3A_1306, %get3A_1307] : memref<3x512x159xf32, #tpu.memory_space<vmem>>, vector<1x512x159xf32>
    %get3A_1309 = vector.shape_cast %get3A_1308 : vector<1x512x159xf32> to vector<512x159xf32>
    %dot_general3A_1310 = arith.constant dense<0.000000e+00> : vector<256x159xf32>
    %dot_general3A_1311 = tpu.matmul %max3A_899, %get3A_1309, %dot_general3A_1310 {dimension_numbers = #tpu.dot_dimension_numbers<[1], [0], [0], [1], [0, 0, 1, 1], [], []>, transpose_lhs_hint = false} : vector<256x512xf32>, vector<512x159xf32>, vector<256x159xf32> -> vector<256x159xf32>
    %add3A_1312 = arith.addf %dot_general3A_1304, %dot_general3A_1311 : vector<256x159xf32>
    %get3A_1313 = arith.constant 2 : index
    %get3A_1314 = arith.constant 0 : index
    %get3A_1315 = arith.constant 0 : index
    %get3A_1316 = vector.load %arg18[%get3A_1313, %get3A_1314, %get3A_1315] : memref<3x512x159xf32, #tpu.memory_space<vmem>>, vector<1x512x159xf32>
    %get3A_1317 = vector.shape_cast %get3A_1316 : vector<1x512x159xf32> to vector<512x159xf32>
    %dot_general3A_1318 = arith.constant dense<0.000000e+00> : vector<256x159xf32>
    %dot_general3A_1319 = tpu.matmul %max3A_927, %get3A_1317, %dot_general3A_1318 {dimension_numbers = #tpu.dot_dimension_numbers<[1], [0], [0], [1], [0, 0, 1, 1], [], []>, transpose_lhs_hint = false} : vector<256x512xf32>, vector<512x159xf32>, vector<256x159xf32> -> vector<256x159xf32>
    %add3A_1320 = arith.addf %add3A_1312, %dot_general3A_1319 : vector<256x159xf32>
    %add3A_1321 = vector.broadcast %get3A_1230 : vector<1x159xf32> to vector<256x159xf32>
    %add3A_1322 = arith.addf %add3A_1320, %add3A_1321 : vector<256x159xf32>
    %get3A_1323 = arith.constant 0 : index
    %get3A_1324 = arith.constant 0 : index
    %get3A_1325 = arith.constant 0 : index
    %get3A_1326 = vector.load %arg18[%get3A_1323, %get3A_1324, %get3A_1325] : memref<3x512x159xf32, #tpu.memory_space<vmem>>, vector<1x512x159xf32>
    %get3A_1327 = vector.shape_cast %get3A_1326 : vector<1x512x159xf32> to vector<512x159xf32>
    %dot_general3A_1328 = arith.constant dense<0.000000e+00> : vector<256x159xf32>
    %dot_general3A_1329 = tpu.matmul %max3A_899, %get3A_1327, %dot_general3A_1328 {dimension_numbers = #tpu.dot_dimension_numbers<[1], [0], [0], [1], [0, 0, 1, 1], [], []>, transpose_lhs_hint = false} : vector<256x512xf32>, vector<512x159xf32>, vector<256x159xf32> -> vector<256x159xf32>
    %get3A_1330 = arith.constant 1 : index
    %get3A_1331 = arith.constant 0 : index
    %get3A_1332 = arith.constant 0 : index
    %get3A_1333 = vector.load %arg18[%get3A_1330, %get3A_1331, %get3A_1332] : memref<3x512x159xf32, #tpu.memory_space<vmem>>, vector<1x512x159xf32>
    %get3A_1334 = vector.shape_cast %get3A_1333 : vector<1x512x159xf32> to vector<512x159xf32>
    %dot_general3A_1335 = arith.constant dense<0.000000e+00> : vector<256x159xf32>
    %dot_general3A_1336 = tpu.matmul %max3A_927, %get3A_1334, %dot_general3A_1335 {dimension_numbers = #tpu.dot_dimension_numbers<[1], [0], [0], [1], [0, 0, 1, 1], [], []>, transpose_lhs_hint = false} : vector<256x512xf32>, vector<512x159xf32>, vector<256x159xf32> -> vector<256x159xf32>
    %add3A_1337 = arith.addf %dot_general3A_1329, %dot_general3A_1336 : vector<256x159xf32>
    %get3A_1338 = arith.constant 2 : index
    %get3A_1339 = arith.constant 0 : index
    %get3A_1340 = arith.constant 0 : index
    %get3A_1341 = vector.load %arg18[%get3A_1338, %get3A_1339, %get3A_1340] : memref<3x512x159xf32, #tpu.memory_space<vmem>>, vector<1x512x159xf32>
    %get3A_1342 = vector.shape_cast %get3A_1341 : vector<1x512x159xf32> to vector<512x159xf32>
    %dot_general3A_1343 = arith.constant dense<0.000000e+00> : vector<256x159xf32>
    %dot_general3A_1344 = tpu.matmul %max3A_955, %get3A_1342, %dot_general3A_1343 {dimension_numbers = #tpu.dot_dimension_numbers<[1], [0], [0], [1], [0, 0, 1, 1], [], []>, transpose_lhs_hint = false} : vector<256x512xf32>, vector<512x159xf32>, vector<256x159xf32> -> vector<256x159xf32>
    %add3A_1345 = arith.addf %add3A_1337, %dot_general3A_1344 : vector<256x159xf32>
    %add3A_1346 = vector.broadcast %get3A_1230 : vector<1x159xf32> to vector<256x159xf32>
    %add3A_1347 = arith.addf %add3A_1345, %add3A_1346 : vector<256x159xf32>
    %get3A_1348 = arith.constant 0 : index
    %get3A_1349 = arith.constant 0 : index
    %get3A_1350 = arith.constant 0 : index
    %get3A_1351 = vector.load %arg18[%get3A_1348, %get3A_1349, %get3A_1350] : memref<3x512x159xf32, #tpu.memory_space<vmem>>, vector<1x512x159xf32>
    %get3A_1352 = vector.shape_cast %get3A_1351 : vector<1x512x159xf32> to vector<512x159xf32>
    %dot_general3A_1353 = arith.constant dense<0.000000e+00> : vector<256x159xf32>
    %dot_general3A_1354 = tpu.matmul %max3A_927, %get3A_1352, %dot_general3A_1353 {dimension_numbers = #tpu.dot_dimension_numbers<[1], [0], [0], [1], [0, 0, 1, 1], [], []>, transpose_lhs_hint = false} : vector<256x512xf32>, vector<512x159xf32>, vector<256x159xf32> -> vector<256x159xf32>
    %get3A_1355 = arith.constant 1 : index
    %get3A_1356 = arith.constant 0 : index
    %get3A_1357 = arith.constant 0 : index
    %get3A_1358 = vector.load %arg18[%get3A_1355, %get3A_1356, %get3A_1357] : memref<3x512x159xf32, #tpu.memory_space<vmem>>, vector<1x512x159xf32>
    %get3A_1359 = vector.shape_cast %get3A_1358 : vector<1x512x159xf32> to vector<512x159xf32>
    %dot_general3A_1360 = arith.constant dense<0.000000e+00> : vector<256x159xf32>
    %dot_general3A_1361 = tpu.matmul %max3A_955, %get3A_1359, %dot_general3A_1360 {dimension_numbers = #tpu.dot_dimension_numbers<[1], [0], [0], [1], [0, 0, 1, 1], [], []>, transpose_lhs_hint = false} : vector<256x512xf32>, vector<512x159xf32>, vector<256x159xf32> -> vector<256x159xf32>
    %add3A_1362 = arith.addf %dot_general3A_1354, %dot_general3A_1361 : vector<256x159xf32>
    %get3A_1363 = arith.constant 2 : index
    %get3A_1364 = arith.constant 0 : index
    %get3A_1365 = arith.constant 0 : index
    %get3A_1366 = vector.load %arg18[%get3A_1363, %get3A_1364, %get3A_1365] : memref<3x512x159xf32, #tpu.memory_space<vmem>>, vector<1x512x159xf32>
    %get3A_1367 = vector.shape_cast %get3A_1366 : vector<1x512x159xf32> to vector<512x159xf32>
    %dot_general3A_1368 = arith.constant dense<0.000000e+00> : vector<256x159xf32>
    %dot_general3A_1369 = tpu.matmul %max3A_983, %get3A_1367, %dot_general3A_1368 {dimension_numbers = #tpu.dot_dimension_numbers<[1], [0], [0], [1], [0, 0, 1, 1], [], []>, transpose_lhs_hint = false} : vector<256x512xf32>, vector<512x159xf32>, vector<256x159xf32> -> vector<256x159xf32>
    %add3A_1370 = arith.addf %add3A_1362, %dot_general3A_1369 : vector<256x159xf32>
    %add3A_1371 = vector.broadcast %get3A_1230 : vector<1x159xf32> to vector<256x159xf32>
    %add3A_1372 = arith.addf %add3A_1370, %add3A_1371 : vector<256x159xf32>
    %get3A_1373 = arith.constant 0 : index
    %get3A_1374 = arith.constant 0 : index
    %get3A_1375 = arith.constant 0 : index
    %get3A_1376 = vector.load %arg18[%get3A_1373, %get3A_1374, %get3A_1375] : memref<3x512x159xf32, #tpu.memory_space<vmem>>, vector<1x512x159xf32>
    %get3A_1377 = vector.shape_cast %get3A_1376 : vector<1x512x159xf32> to vector<512x159xf32>
    %dot_general3A_1378 = arith.constant dense<0.000000e+00> : vector<256x159xf32>
    %dot_general3A_1379 = tpu.matmul %max3A_955, %get3A_1377, %dot_general3A_1378 {dimension_numbers = #tpu.dot_dimension_numbers<[1], [0], [0], [1], [0, 0, 1, 1], [], []>, transpose_lhs_hint = false} : vector<256x512xf32>, vector<512x159xf32>, vector<256x159xf32> -> vector<256x159xf32>
    %get3A_1380 = arith.constant 1 : index
    %get3A_1381 = arith.constant 0 : index
    %get3A_1382 = arith.constant 0 : index
    %get3A_1383 = vector.load %arg18[%get3A_1380, %get3A_1381, %get3A_1382] : memref<3x512x159xf32, #tpu.memory_space<vmem>>, vector<1x512x159xf32>
    %get3A_1384 = vector.shape_cast %get3A_1383 : vector<1x512x159xf32> to vector<512x159xf32>
    %dot_general3A_1385 = arith.constant dense<0.000000e+00> : vector<256x159xf32>
    %dot_general3A_1386 = tpu.matmul %max3A_983, %get3A_1384, %dot_general3A_1385 {dimension_numbers = #tpu.dot_dimension_numbers<[1], [0], [0], [1], [0, 0, 1, 1], [], []>, transpose_lhs_hint = false} : vector<256x512xf32>, vector<512x159xf32>, vector<256x159xf32> -> vector<256x159xf32>
    %add3A_1387 = arith.addf %dot_general3A_1379, %dot_general3A_1386 : vector<256x159xf32>
    %get3A_1388 = arith.constant 2 : index
    %get3A_1389 = arith.constant 0 : index
    %get3A_1390 = arith.constant 0 : index
    %get3A_1391 = vector.load %arg18[%get3A_1388, %get3A_1389, %get3A_1390] : memref<3x512x159xf32, #tpu.memory_space<vmem>>, vector<1x512x159xf32>
    %get3A_1392 = vector.shape_cast %get3A_1391 : vector<1x512x159xf32> to vector<512x159xf32>
    %dot_general3A_1393 = arith.constant dense<0.000000e+00> : vector<256x159xf32>
    %dot_general3A_1394 = tpu.matmul %max3A_1011, %get3A_1392, %dot_general3A_1393 {dimension_numbers = #tpu.dot_dimension_numbers<[1], [0], [0], [1], [0, 0, 1, 1], [], []>, transpose_lhs_hint = false} : vector<256x512xf32>, vector<512x159xf32>, vector<256x159xf32> -> vector<256x159xf32>
    %add3A_1395 = arith.addf %add3A_1387, %dot_general3A_1394 : vector<256x159xf32>
    %add3A_1396 = vector.broadcast %get3A_1230 : vector<1x159xf32> to vector<256x159xf32>
    %add3A_1397 = arith.addf %add3A_1395, %add3A_1396 : vector<256x159xf32>
    %get3A_1398 = arith.constant 0 : index
    %get3A_1399 = arith.constant 0 : index
    %get3A_1400 = arith.constant 0 : index
    %get3A_1401 = vector.load %arg18[%get3A_1398, %get3A_1399, %get3A_1400] : memref<3x512x159xf32, #tpu.memory_space<vmem>>, vector<1x512x159xf32>
    %get3A_1402 = vector.shape_cast %get3A_1401 : vector<1x512x159xf32> to vector<512x159xf32>
    %dot_general3A_1403 = arith.constant dense<0.000000e+00> : vector<256x159xf32>
    %dot_general3A_1404 = tpu.matmul %max3A_983, %get3A_1402, %dot_general3A_1403 {dimension_numbers = #tpu.dot_dimension_numbers<[1], [0], [0], [1], [0, 0, 1, 1], [], []>, transpose_lhs_hint = false} : vector<256x512xf32>, vector<512x159xf32>, vector<256x159xf32> -> vector<256x159xf32>
    %get3A_1405 = arith.constant 1 : index
    %get3A_1406 = arith.constant 0 : index
    %get3A_1407 = arith.constant 0 : index
    %get3A_1408 = vector.load %arg18[%get3A_1405, %get3A_1406, %get3A_1407] : memref<3x512x159xf32, #tpu.memory_space<vmem>>, vector<1x512x159xf32>
    %get3A_1409 = vector.shape_cast %get3A_1408 : vector<1x512x159xf32> to vector<512x159xf32>
    %dot_general3A_1410 = arith.constant dense<0.000000e+00> : vector<256x159xf32>
    %dot_general3A_1411 = tpu.matmul %max3A_1011, %get3A_1409, %dot_general3A_1410 {dimension_numbers = #tpu.dot_dimension_numbers<[1], [0], [0], [1], [0, 0, 1, 1], [], []>, transpose_lhs_hint = false} : vector<256x512xf32>, vector<512x159xf32>, vector<256x159xf32> -> vector<256x159xf32>
    %add3A_1412 = arith.addf %dot_general3A_1404, %dot_general3A_1411 : vector<256x159xf32>
    %get3A_1413 = arith.constant 2 : index
    %get3A_1414 = arith.constant 0 : index
    %get3A_1415 = arith.constant 0 : index
    %get3A_1416 = vector.load %arg18[%get3A_1413, %get3A_1414, %get3A_1415] : memref<3x512x159xf32, #tpu.memory_space<vmem>>, vector<1x512x159xf32>
    %get3A_1417 = vector.shape_cast %get3A_1416 : vector<1x512x159xf32> to vector<512x159xf32>
    %dot_general3A_1418 = arith.constant dense<0.000000e+00> : vector<256x159xf32>
    %dot_general3A_1419 = tpu.matmul %max3A_1039, %get3A_1417, %dot_general3A_1418 {dimension_numbers = #tpu.dot_dimension_numbers<[1], [0], [0], [1], [0, 0, 1, 1], [], []>, transpose_lhs_hint = false} : vector<256x512xf32>, vector<512x159xf32>, vector<256x159xf32> -> vector<256x159xf32>
    %add3A_1420 = arith.addf %add3A_1412, %dot_general3A_1419 : vector<256x159xf32>
    %add3A_1421 = vector.broadcast %get3A_1230 : vector<1x159xf32> to vector<256x159xf32>
    %add3A_1422 = arith.addf %add3A_1420, %add3A_1421 : vector<256x159xf32>
    %get3A_1423 = arith.constant 0 : index
    %get3A_1424 = arith.constant 0 : index
    %get3A_1425 = arith.constant 0 : index
    %get3A_1426 = vector.load %arg18[%get3A_1423, %get3A_1424, %get3A_1425] : memref<3x512x159xf32, #tpu.memory_space<vmem>>, vector<1x512x159xf32>
    %get3A_1427 = vector.shape_cast %get3A_1426 : vector<1x512x159xf32> to vector<512x159xf32>
    %dot_general3A_1428 = arith.constant dense<0.000000e+00> : vector<256x159xf32>
    %dot_general3A_1429 = tpu.matmul %max3A_1011, %get3A_1427, %dot_general3A_1428 {dimension_numbers = #tpu.dot_dimension_numbers<[1], [0], [0], [1], [0, 0, 1, 1], [], []>, transpose_lhs_hint = false} : vector<256x512xf32>, vector<512x159xf32>, vector<256x159xf32> -> vector<256x159xf32>
    %get3A_1430 = arith.constant 1 : index
    %get3A_1431 = arith.constant 0 : index
    %get3A_1432 = arith.constant 0 : index
    %get3A_1433 = vector.load %arg18[%get3A_1430, %get3A_1431, %get3A_1432] : memref<3x512x159xf32, #tpu.memory_space<vmem>>, vector<1x512x159xf32>
    %get3A_1434 = vector.shape_cast %get3A_1433 : vector<1x512x159xf32> to vector<512x159xf32>
    %dot_general3A_1435 = arith.constant dense<0.000000e+00> : vector<256x159xf32>
    %dot_general3A_1436 = tpu.matmul %max3A_1039, %get3A_1434, %dot_general3A_1435 {dimension_numbers = #tpu.dot_dimension_numbers<[1], [0], [0], [1], [0, 0, 1, 1], [], []>, transpose_lhs_hint = false} : vector<256x512xf32>, vector<512x159xf32>, vector<256x159xf32> -> vector<256x159xf32>
    %add3A_1437 = arith.addf %dot_general3A_1429, %dot_general3A_1436 : vector<256x159xf32>
    %get3A_1438 = arith.constant 2 : index
    %get3A_1439 = arith.constant 0 : index
    %get3A_1440 = arith.constant 0 : index
    %get3A_1441 = vector.load %arg18[%get3A_1438, %get3A_1439, %get3A_1440] : memref<3x512x159xf32, #tpu.memory_space<vmem>>, vector<1x512x159xf32>
    %get3A_1442 = vector.shape_cast %get3A_1441 : vector<1x512x159xf32> to vector<512x159xf32>
    %dot_general3A_1443 = arith.constant dense<0.000000e+00> : vector<256x159xf32>
    %dot_general3A_1444 = tpu.matmul %max3A_1067, %get3A_1442, %dot_general3A_1443 {dimension_numbers = #tpu.dot_dimension_numbers<[1], [0], [0], [1], [0, 0, 1, 1], [], []>, transpose_lhs_hint = false} : vector<256x512xf32>, vector<512x159xf32>, vector<256x159xf32> -> vector<256x159xf32>
    %add3A_1445 = arith.addf %add3A_1437, %dot_general3A_1444 : vector<256x159xf32>
    %add3A_1446 = vector.broadcast %get3A_1230 : vector<1x159xf32> to vector<256x159xf32>
    %add3A_1447 = arith.addf %add3A_1445, %add3A_1446 : vector<256x159xf32>
    %get3A_1448 = arith.constant 0 : index
    %get3A_1449 = arith.constant 0 : index
    %get3A_1450 = arith.constant 0 : index
    %get3A_1451 = vector.load %arg18[%get3A_1448, %get3A_1449, %get3A_1450] : memref<3x512x159xf32, #tpu.memory_space<vmem>>, vector<1x512x159xf32>
    %get3A_1452 = vector.shape_cast %get3A_1451 : vector<1x512x159xf32> to vector<512x159xf32>
    %dot_general3A_1453 = arith.constant dense<0.000000e+00> : vector<256x159xf32>
    %dot_general3A_1454 = tpu.matmul %max3A_1039, %get3A_1452, %dot_general3A_1453 {dimension_numbers = #tpu.dot_dimension_numbers<[1], [0], [0], [1], [0, 0, 1, 1], [], []>, transpose_lhs_hint = false} : vector<256x512xf32>, vector<512x159xf32>, vector<256x159xf32> -> vector<256x159xf32>
    %get3A_1455 = arith.constant 1 : index
    %get3A_1456 = arith.constant 0 : index
    %get3A_1457 = arith.constant 0 : index
    %get3A_1458 = vector.load %arg18[%get3A_1455, %get3A_1456, %get3A_1457] : memref<3x512x159xf32, #tpu.memory_space<vmem>>, vector<1x512x159xf32>
    %get3A_1459 = vector.shape_cast %get3A_1458 : vector<1x512x159xf32> to vector<512x159xf32>
    %dot_general3A_1460 = arith.constant dense<0.000000e+00> : vector<256x159xf32>
    %dot_general3A_1461 = tpu.matmul %max3A_1067, %get3A_1459, %dot_general3A_1460 {dimension_numbers = #tpu.dot_dimension_numbers<[1], [0], [0], [1], [0, 0, 1, 1], [], []>, transpose_lhs_hint = false} : vector<256x512xf32>, vector<512x159xf32>, vector<256x159xf32> -> vector<256x159xf32>
    %add3A_1462 = arith.addf %dot_general3A_1454, %dot_general3A_1461 : vector<256x159xf32>
    %get3A_1463 = arith.constant 2 : index
    %get3A_1464 = arith.constant 0 : index
    %get3A_1465 = arith.constant 0 : index
    %get3A_1466 = vector.load %arg18[%get3A_1463, %get3A_1464, %get3A_1465] : memref<3x512x159xf32, #tpu.memory_space<vmem>>, vector<1x512x159xf32>
    %get3A_1467 = vector.shape_cast %get3A_1466 : vector<1x512x159xf32> to vector<512x159xf32>
    %dot_general3A_1468 = arith.constant dense<0.000000e+00> : vector<256x159xf32>
    %dot_general3A_1469 = tpu.matmul %max3A_1095, %get3A_1467, %dot_general3A_1468 {dimension_numbers = #tpu.dot_dimension_numbers<[1], [0], [0], [1], [0, 0, 1, 1], [], []>, transpose_lhs_hint = false} : vector<256x512xf32>, vector<512x159xf32>, vector<256x159xf32> -> vector<256x159xf32>
    %add3A_1470 = arith.addf %add3A_1462, %dot_general3A_1469 : vector<256x159xf32>
    %add3A_1471 = vector.broadcast %get3A_1230 : vector<1x159xf32> to vector<256x159xf32>
    %add3A_1472 = arith.addf %add3A_1470, %add3A_1471 : vector<256x159xf32>
    %get3A_1473 = arith.constant 0 : index
    %get3A_1474 = arith.constant 0 : index
    %get3A_1475 = arith.constant 0 : index
    %get3A_1476 = vector.load %arg18[%get3A_1473, %get3A_1474, %get3A_1475] : memref<3x512x159xf32, #tpu.memory_space<vmem>>, vector<1x512x159xf32>
    %get3A_1477 = vector.shape_cast %get3A_1476 : vector<1x512x159xf32> to vector<512x159xf32>
    %dot_general3A_1478 = arith.constant dense<0.000000e+00> : vector<256x159xf32>
    %dot_general3A_1479 = tpu.matmul %max3A_1067, %get3A_1477, %dot_general3A_1478 {dimension_numbers = #tpu.dot_dimension_numbers<[1], [0], [0], [1], [0, 0, 1, 1], [], []>, transpose_lhs_hint = false} : vector<256x512xf32>, vector<512x159xf32>, vector<256x159xf32> -> vector<256x159xf32>
    %get3A_1480 = arith.constant 1 : index
    %get3A_1481 = arith.constant 0 : index
    %get3A_1482 = arith.constant 0 : index
    %get3A_1483 = vector.load %arg18[%get3A_1480, %get3A_1481, %get3A_1482] : memref<3x512x159xf32, #tpu.memory_space<vmem>>, vector<1x512x159xf32>
    %get3A_1484 = vector.shape_cast %get3A_1483 : vector<1x512x159xf32> to vector<512x159xf32>
    %dot_general3A_1485 = arith.constant dense<0.000000e+00> : vector<256x159xf32>
    %dot_general3A_1486 = tpu.matmul %max3A_1095, %get3A_1484, %dot_general3A_1485 {dimension_numbers = #tpu.dot_dimension_numbers<[1], [0], [0], [1], [0, 0, 1, 1], [], []>, transpose_lhs_hint = false} : vector<256x512xf32>, vector<512x159xf32>, vector<256x159xf32> -> vector<256x159xf32>
    %add3A_1487 = arith.addf %dot_general3A_1479, %dot_general3A_1486 : vector<256x159xf32>
    %get3A_1488 = arith.constant 2 : index
    %get3A_1489 = arith.constant 0 : index
    %get3A_1490 = arith.constant 0 : index
    %get3A_1491 = vector.load %arg18[%get3A_1488, %get3A_1489, %get3A_1490] : memref<3x512x159xf32, #tpu.memory_space<vmem>>, vector<1x512x159xf32>
    %get3A_1492 = vector.shape_cast %get3A_1491 : vector<1x512x159xf32> to vector<512x159xf32>
    %dot_general3A_1493 = arith.constant dense<0.000000e+00> : vector<256x159xf32>
    %dot_general3A_1494 = tpu.matmul %max3A_1123, %get3A_1492, %dot_general3A_1493 {dimension_numbers = #tpu.dot_dimension_numbers<[1], [0], [0], [1], [0, 0, 1, 1], [], []>, transpose_lhs_hint = false} : vector<256x512xf32>, vector<512x159xf32>, vector<256x159xf32> -> vector<256x159xf32>
    %add3A_1495 = arith.addf %add3A_1487, %dot_general3A_1494 : vector<256x159xf32>
    %add3A_1496 = vector.broadcast %get3A_1230 : vector<1x159xf32> to vector<256x159xf32>
    %add3A_1497 = arith.addf %add3A_1495, %add3A_1496 : vector<256x159xf32>
    %get3A_1498 = arith.constant 0 : index
    %get3A_1499 = arith.constant 0 : index
    %get3A_1500 = arith.constant 0 : index
    %get3A_1501 = vector.load %arg18[%get3A_1498, %get3A_1499, %get3A_1500] : memref<3x512x159xf32, #tpu.memory_space<vmem>>, vector<1x512x159xf32>
    %get3A_1502 = vector.shape_cast %get3A_1501 : vector<1x512x159xf32> to vector<512x159xf32>
    %dot_general3A_1503 = arith.constant dense<0.000000e+00> : vector<256x159xf32>
    %dot_general3A_1504 = tpu.matmul %max3A_1095, %get3A_1502, %dot_general3A_1503 {dimension_numbers = #tpu.dot_dimension_numbers<[1], [0], [0], [1], [0, 0, 1, 1], [], []>, transpose_lhs_hint = false} : vector<256x512xf32>, vector<512x159xf32>, vector<256x159xf32> -> vector<256x159xf32>
    %get3A_1505 = arith.constant 1 : index
    %get3A_1506 = arith.constant 0 : index
    %get3A_1507 = arith.constant 0 : index
    %get3A_1508 = vector.load %arg18[%get3A_1505, %get3A_1506, %get3A_1507] : memref<3x512x159xf32, #tpu.memory_space<vmem>>, vector<1x512x159xf32>
    %get3A_1509 = vector.shape_cast %get3A_1508 : vector<1x512x159xf32> to vector<512x159xf32>
    %dot_general3A_1510 = arith.constant dense<0.000000e+00> : vector<256x159xf32>
    %dot_general3A_1511 = tpu.matmul %max3A_1123, %get3A_1509, %dot_general3A_1510 {dimension_numbers = #tpu.dot_dimension_numbers<[1], [0], [0], [1], [0, 0, 1, 1], [], []>, transpose_lhs_hint = false} : vector<256x512xf32>, vector<512x159xf32>, vector<256x159xf32> -> vector<256x159xf32>
    %add3A_1512 = arith.addf %dot_general3A_1504, %dot_general3A_1511 : vector<256x159xf32>
    %get3A_1513 = arith.constant 2 : index
    %get3A_1514 = arith.constant 0 : index
    %get3A_1515 = arith.constant 0 : index
    %get3A_1516 = vector.load %arg18[%get3A_1513, %get3A_1514, %get3A_1515] : memref<3x512x159xf32, #tpu.memory_space<vmem>>, vector<1x512x159xf32>
    %get3A_1517 = vector.shape_cast %get3A_1516 : vector<1x512x159xf32> to vector<512x159xf32>
    %dot_general3A_1518 = arith.constant dense<0.000000e+00> : vector<256x159xf32>
    %dot_general3A_1519 = tpu.matmul %max3A_1151, %get3A_1517, %dot_general3A_1518 {dimension_numbers = #tpu.dot_dimension_numbers<[1], [0], [0], [1], [0, 0, 1, 1], [], []>, transpose_lhs_hint = false} : vector<256x512xf32>, vector<512x159xf32>, vector<256x159xf32> -> vector<256x159xf32>
    %add3A_1520 = arith.addf %add3A_1512, %dot_general3A_1519 : vector<256x159xf32>
    %add3A_1521 = vector.broadcast %get3A_1230 : vector<1x159xf32> to vector<256x159xf32>
    %add3A_1522 = arith.addf %add3A_1520, %add3A_1521 : vector<256x159xf32>
    %get3A_1523 = arith.constant 0 : index
    %get3A_1524 = arith.constant 0 : index
    %get3A_1525 = arith.constant 0 : index
    %get3A_1526 = vector.load %arg18[%get3A_1523, %get3A_1524, %get3A_1525] : memref<3x512x159xf32, #tpu.memory_space<vmem>>, vector<1x512x159xf32>
    %get3A_1527 = vector.shape_cast %get3A_1526 : vector<1x512x159xf32> to vector<512x159xf32>
    %dot_general3A_1528 = arith.constant dense<0.000000e+00> : vector<256x159xf32>
    %dot_general3A_1529 = tpu.matmul %max3A_1123, %get3A_1527, %dot_general3A_1528 {dimension_numbers = #tpu.dot_dimension_numbers<[1], [0], [0], [1], [0, 0, 1, 1], [], []>, transpose_lhs_hint = false} : vector<256x512xf32>, vector<512x159xf32>, vector<256x159xf32> -> vector<256x159xf32>
    %get3A_1530 = arith.constant 1 : index
    %get3A_1531 = arith.constant 0 : index
    %get3A_1532 = arith.constant 0 : index
    %get3A_1533 = vector.load %arg18[%get3A_1530, %get3A_1531, %get3A_1532] : memref<3x512x159xf32, #tpu.memory_space<vmem>>, vector<1x512x159xf32>
    %get3A_1534 = vector.shape_cast %get3A_1533 : vector<1x512x159xf32> to vector<512x159xf32>
    %dot_general3A_1535 = arith.constant dense<0.000000e+00> : vector<256x159xf32>
    %dot_general3A_1536 = tpu.matmul %max3A_1151, %get3A_1534, %dot_general3A_1535 {dimension_numbers = #tpu.dot_dimension_numbers<[1], [0], [0], [1], [0, 0, 1, 1], [], []>, transpose_lhs_hint = false} : vector<256x512xf32>, vector<512x159xf32>, vector<256x159xf32> -> vector<256x159xf32>
    %add3A_1537 = arith.addf %dot_general3A_1529, %dot_general3A_1536 : vector<256x159xf32>
    %get3A_1538 = arith.constant 2 : index
    %get3A_1539 = arith.constant 0 : index
    %get3A_1540 = arith.constant 0 : index
    %get3A_1541 = vector.load %arg18[%get3A_1538, %get3A_1539, %get3A_1540] : memref<3x512x159xf32, #tpu.memory_space<vmem>>, vector<1x512x159xf32>
    %get3A_1542 = vector.shape_cast %get3A_1541 : vector<1x512x159xf32> to vector<512x159xf32>
    %dot_general3A_1543 = arith.constant dense<0.000000e+00> : vector<256x159xf32>
    %dot_general3A_1544 = tpu.matmul %max3A_1179, %get3A_1542, %dot_general3A_1543 {dimension_numbers = #tpu.dot_dimension_numbers<[1], [0], [0], [1], [0, 0, 1, 1], [], []>, transpose_lhs_hint = false} : vector<256x512xf32>, vector<512x159xf32>, vector<256x159xf32> -> vector<256x159xf32>
    %add3A_1545 = arith.addf %add3A_1537, %dot_general3A_1544 : vector<256x159xf32>
    %add3A_1546 = vector.broadcast %get3A_1230 : vector<1x159xf32> to vector<256x159xf32>
    %add3A_1547 = arith.addf %add3A_1545, %add3A_1546 : vector<256x159xf32>
    %get3A_1548 = arith.constant 0 : index
    %get3A_1549 = arith.constant 0 : index
    %get3A_1550 = arith.constant 0 : index
    %get3A_1551 = vector.load %arg18[%get3A_1548, %get3A_1549, %get3A_1550] : memref<3x512x159xf32, #tpu.memory_space<vmem>>, vector<1x512x159xf32>
    %get3A_1552 = vector.shape_cast %get3A_1551 : vector<1x512x159xf32> to vector<512x159xf32>
    %dot_general3A_1553 = arith.constant dense<0.000000e+00> : vector<256x159xf32>
    %dot_general3A_1554 = tpu.matmul %max3A_1151, %get3A_1552, %dot_general3A_1553 {dimension_numbers = #tpu.dot_dimension_numbers<[1], [0], [0], [1], [0, 0, 1, 1], [], []>, transpose_lhs_hint = false} : vector<256x512xf32>, vector<512x159xf32>, vector<256x159xf32> -> vector<256x159xf32>
    %get3A_1555 = arith.constant 1 : index
    %get3A_1556 = arith.constant 0 : index
    %get3A_1557 = arith.constant 0 : index
    %get3A_1558 = vector.load %arg18[%get3A_1555, %get3A_1556, %get3A_1557] : memref<3x512x159xf32, #tpu.memory_space<vmem>>, vector<1x512x159xf32>
    %get3A_1559 = vector.shape_cast %get3A_1558 : vector<1x512x159xf32> to vector<512x159xf32>
    %dot_general3A_1560 = arith.constant dense<0.000000e+00> : vector<256x159xf32>
    %dot_general3A_1561 = tpu.matmul %max3A_1179, %get3A_1559, %dot_general3A_1560 {dimension_numbers = #tpu.dot_dimension_numbers<[1], [0], [0], [1], [0, 0, 1, 1], [], []>, transpose_lhs_hint = false} : vector<256x512xf32>, vector<512x159xf32>, vector<256x159xf32> -> vector<256x159xf32>
    %add3A_1562 = arith.addf %dot_general3A_1554, %dot_general3A_1561 : vector<256x159xf32>
    %get3A_1563 = arith.constant 2 : index
    %get3A_1564 = arith.constant 0 : index
    %get3A_1565 = arith.constant 0 : index
    %get3A_1566 = vector.load %arg18[%get3A_1563, %get3A_1564, %get3A_1565] : memref<3x512x159xf32, #tpu.memory_space<vmem>>, vector<1x512x159xf32>
    %get3A_1567 = vector.shape_cast %get3A_1566 : vector<1x512x159xf32> to vector<512x159xf32>
    %dot_general3A_1568 = arith.constant dense<0.000000e+00> : vector<256x159xf32>
    %dot_general3A_1569 = tpu.matmul %max3A_1207, %get3A_1567, %dot_general3A_1568 {dimension_numbers = #tpu.dot_dimension_numbers<[1], [0], [0], [1], [0, 0, 1, 1], [], []>, transpose_lhs_hint = false} : vector<256x512xf32>, vector<512x159xf32>, vector<256x159xf32> -> vector<256x159xf32>
    %add3A_1570 = arith.addf %add3A_1562, %dot_general3A_1569 : vector<256x159xf32>
    %add3A_1571 = vector.broadcast %get3A_1230 : vector<1x159xf32> to vector<256x159xf32>
    %add3A_1572 = arith.addf %add3A_1570, %add3A_1571 : vector<256x159xf32>
    %get3A_1573 = arith.constant 0 : index
    %get3A_1574 = arith.constant 0 : index
    %get3A_1575 = arith.constant 0 : index
    %get3A_1576 = vector.load %arg18[%get3A_1573, %get3A_1574, %get3A_1575] : memref<3x512x159xf32, #tpu.memory_space<vmem>>, vector<1x512x159xf32>
    %get3A_1577 = vector.shape_cast %get3A_1576 : vector<1x512x159xf32> to vector<512x159xf32>
    %dot_general3A_1578 = arith.constant dense<0.000000e+00> : vector<256x159xf32>
    %dot_general3A_1579 = tpu.matmul %max3A_1179, %get3A_1577, %dot_general3A_1578 {dimension_numbers = #tpu.dot_dimension_numbers<[1], [0], [0], [1], [0, 0, 1, 1], [], []>, transpose_lhs_hint = false} : vector<256x512xf32>, vector<512x159xf32>, vector<256x159xf32> -> vector<256x159xf32>
    %get3A_1580 = arith.constant 1 : index
    %get3A_1581 = arith.constant 0 : index
    %get3A_1582 = arith.constant 0 : index
    %get3A_1583 = vector.load %arg18[%get3A_1580, %get3A_1581, %get3A_1582] : memref<3x512x159xf32, #tpu.memory_space<vmem>>, vector<1x512x159xf32>
    %get3A_1584 = vector.shape_cast %get3A_1583 : vector<1x512x159xf32> to vector<512x159xf32>
    %dot_general3A_1585 = arith.constant dense<0.000000e+00> : vector<256x159xf32>
    %dot_general3A_1586 = tpu.matmul %max3A_1207, %get3A_1584, %dot_general3A_1585 {dimension_numbers = #tpu.dot_dimension_numbers<[1], [0], [0], [1], [0, 0, 1, 1], [], []>, transpose_lhs_hint = false} : vector<256x512xf32>, vector<512x159xf32>, vector<256x159xf32> -> vector<256x159xf32>
    %add3A_1587 = arith.addf %dot_general3A_1579, %dot_general3A_1586 : vector<256x159xf32>
    %get3A_1588 = arith.constant 2 : index
    %get3A_1589 = arith.constant 0 : index
    %get3A_1590 = arith.constant 0 : index
    %get3A_1591 = vector.load %arg18[%get3A_1588, %get3A_1589, %get3A_1590] : memref<3x512x159xf32, #tpu.memory_space<vmem>>, vector<1x512x159xf32>
    %get3A_1592 = vector.shape_cast %get3A_1591 : vector<1x512x159xf32> to vector<512x159xf32>
    %dot_general3A_1593 = arith.constant dense<0.000000e+00> : vector<256x159xf32>
    %dot_general3A_1594 = tpu.matmul %max3A_1227, %get3A_1592, %dot_general3A_1593 {dimension_numbers = #tpu.dot_dimension_numbers<[1], [0], [0], [1], [0, 0, 1, 1], [], []>, transpose_lhs_hint = false} : vector<256x512xf32>, vector<512x159xf32>, vector<256x159xf32> -> vector<256x159xf32>
    %add3A_1595 = arith.addf %add3A_1587, %dot_general3A_1594 : vector<256x159xf32>
    %add3A_1596 = vector.broadcast %get3A_1230 : vector<1x159xf32> to vector<256x159xf32>
    %add3A_1597 = arith.addf %add3A_1595, %add3A_1596 : vector<256x159xf32>
    %get3A_1598 = arith.constant 0 : index
    %get3A_1599 = arith.constant 0 : index
    %get3A_1600 = arith.constant 0 : index
    %get3A_1601 = vector.load %arg18[%get3A_1598, %get3A_1599, %get3A_1600] : memref<3x512x159xf32, #tpu.memory_space<vmem>>, vector<1x512x159xf32>
    %get3A_1602 = vector.shape_cast %get3A_1601 : vector<1x512x159xf32> to vector<512x159xf32>
    %dot_general3A_1603 = arith.constant dense<0.000000e+00> : vector<256x159xf32>
    %dot_general3A_1604 = tpu.matmul %max3A_1207, %get3A_1602, %dot_general3A_1603 {dimension_numbers = #tpu.dot_dimension_numbers<[1], [0], [0], [1], [0, 0, 1, 1], [], []>, transpose_lhs_hint = false} : vector<256x512xf32>, vector<512x159xf32>, vector<256x159xf32> -> vector<256x159xf32>
    %get3A_1605 = arith.constant 1 : index
    %get3A_1606 = arith.constant 0 : index
    %get3A_1607 = arith.constant 0 : index
    %get3A_1608 = vector.load %arg18[%get3A_1605, %get3A_1606, %get3A_1607] : memref<3x512x159xf32, #tpu.memory_space<vmem>>, vector<1x512x159xf32>
    %get3A_1609 = vector.shape_cast %get3A_1608 : vector<1x512x159xf32> to vector<512x159xf32>
    %dot_general3A_1610 = arith.constant dense<0.000000e+00> : vector<256x159xf32>
    %dot_general3A_1611 = tpu.matmul %max3A_1227, %get3A_1609, %dot_general3A_1610 {dimension_numbers = #tpu.dot_dimension_numbers<[1], [0], [0], [1], [0, 0, 1, 1], [], []>, transpose_lhs_hint = false} : vector<256x512xf32>, vector<512x159xf32>, vector<256x159xf32> -> vector<256x159xf32>
    %add3A_1612 = arith.addf %dot_general3A_1604, %dot_general3A_1611 : vector<256x159xf32>
    %add3A_1613 = vector.broadcast %get3A_1230 : vector<1x159xf32> to vector<256x159xf32>
    %add3A_1614 = arith.addf %add3A_1612, %add3A_1613 : vector<256x159xf32>
    %swap3A = arith.constant 0 : index
    %swap3A_1615 = arith.constant 0 : index
    %swap3A_1616 = arith.constant 0 : index
    %swap3A_1617 = vector.load %arg20[%swap3A, %swap3A_1615, %swap3A_1616] : memref<256x16x159xf32, #tpu.memory_space<vmem>>, vector<256x1x159xf32>
    %swap3A_1618 = vector.shape_cast %swap3A_1617 : vector<256x1x159xf32> to vector<256x159xf32>
    %swap3A_1619 = vector.shape_cast %add3A_1247 : vector<256x159xf32> to vector<256x1x159xf32>
    tpu.vector_store %arg20[%swap3A, %swap3A_1615, %swap3A_1616], %swap3A_1619 {strides = array<i32>} : memref<256x16x159xf32, #tpu.memory_space<vmem>>, vector<256x1x159xf32>,
    %swap3A_1620 = arith.constant 0 : index
    %swap3A_1621 = arith.constant 1 : index
    %swap3A_1622 = arith.constant 0 : index
    %swap3A_1623 = vector.load %arg20[%swap3A_1620, %swap3A_1621, %swap3A_1622] : memref<256x16x159xf32, #tpu.memory_space<vmem>>, vector<256x1x159xf32>
    %swap3A_1624 = vector.shape_cast %swap3A_1623 : vector<256x1x159xf32> to vector<256x159xf32>
    %swap3A_1625 = vector.shape_cast %add3A_1272 : vector<256x159xf32> to vector<256x1x159xf32>
    tpu.vector_store %arg20[%swap3A_1620, %swap3A_1621, %swap3A_1622], %swap3A_1625 {strides = array<i32>} : memref<256x16x159xf32, #tpu.memory_space<vmem>>, vector<256x1x159xf32>,
    %swap3A_1626 = arith.constant 0 : index
    %swap3A_1627 = arith.constant 2 : index
    %swap3A_1628 = arith.constant 0 : index
    %swap3A_1629 = vector.load %arg20[%swap3A_1626, %swap3A_1627, %swap3A_1628] : memref<256x16x159xf32, #tpu.memory_space<vmem>>, vector<256x1x159xf32>
    %swap3A_1630 = vector.shape_cast %swap3A_1629 : vector<256x1x159xf32> to vector<256x159xf32>
    %swap3A_1631 = vector.shape_cast %add3A_1297 : vector<256x159xf32> to vector<256x1x159xf32>
    tpu.vector_store %arg20[%swap3A_1626, %swap3A_1627, %swap3A_1628], %swap3A_1631 {strides = array<i32>} : memref<256x16x159xf32, #tpu.memory_space<vmem>>, vector<256x1x159xf32>,
    %swap3A_1632 = arith.constant 0 : index
    %swap3A_1633 = arith.constant 3 : index
    %swap3A_1634 = arith.constant 0 : index
    %swap3A_1635 = vector.load %arg20[%swap3A_1632, %swap3A_1633, %swap3A_1634] : memref<256x16x159xf32, #tpu.memory_space<vmem>>, vector<256x1x159xf32>
    %swap3A_1636 = vector.shape_cast %swap3A_1635 : vector<256x1x159xf32> to vector<256x159xf32>
    %swap3A_1637 = vector.shape_cast %add3A_1322 : vector<256x159xf32> to vector<256x1x159xf32>
    tpu.vector_store %arg20[%swap3A_1632, %swap3A_1633, %swap3A_1634], %swap3A_1637 {strides = array<i32>} : memref<256x16x159xf32, #tpu.memory_space<vmem>>, vector<256x1x159xf32>,
    %swap3A_1638 = arith.constant 0 : index
    %swap3A_1639 = arith.constant 4 : index
    %swap3A_1640 = arith.constant 0 : index
    %swap3A_1641 = vector.load %arg20[%swap3A_1638, %swap3A_1639, %swap3A_1640] : memref<256x16x159xf32, #tpu.memory_space<vmem>>, vector<256x1x159xf32>
    %swap3A_1642 = vector.shape_cast %swap3A_1641 : vector<256x1x159xf32> to vector<256x159xf32>
    %swap3A_1643 = vector.shape_cast %add3A_1347 : vector<256x159xf32> to vector<256x1x159xf32>
    tpu.vector_store %arg20[%swap3A_1638, %swap3A_1639, %swap3A_1640], %swap3A_1643 {strides = array<i32>} : memref<256x16x159xf32, #tpu.memory_space<vmem>>, vector<256x1x159xf32>,
    %swap3A_1644 = arith.constant 0 : index
    %swap3A_1645 = arith.constant 5 : index
    %swap3A_1646 = arith.constant 0 : index
    %swap3A_1647 = vector.load %arg20[%swap3A_1644, %swap3A_1645, %swap3A_1646] : memref<256x16x159xf32, #tpu.memory_space<vmem>>, vector<256x1x159xf32>
    %swap3A_1648 = vector.shape_cast %swap3A_1647 : vector<256x1x159xf32> to vector<256x159xf32>
    %swap3A_1649 = vector.shape_cast %add3A_1372 : vector<256x159xf32> to vector<256x1x159xf32>
    tpu.vector_store %arg20[%swap3A_1644, %swap3A_1645, %swap3A_1646], %swap3A_1649 {strides = array<i32>} : memref<256x16x159xf32, #tpu.memory_space<vmem>>, vector<256x1x159xf32>,
    %swap3A_1650 = arith.constant 0 : index
    %swap3A_1651 = arith.constant 6 : index
    %swap3A_1652 = arith.constant 0 : index
    %swap3A_1653 = vector.load %arg20[%swap3A_1650, %swap3A_1651, %swap3A_1652] : memref<256x16x159xf32, #tpu.memory_space<vmem>>, vector<256x1x159xf32>
    %swap3A_1654 = vector.shape_cast %swap3A_1653 : vector<256x1x159xf32> to vector<256x159xf32>
    %swap3A_1655 = vector.shape_cast %add3A_1397 : vector<256x159xf32> to vector<256x1x159xf32>
    tpu.vector_store %arg20[%swap3A_1650, %swap3A_1651, %swap3A_1652], %swap3A_1655 {strides = array<i32>} : memref<256x16x159xf32, #tpu.memory_space<vmem>>, vector<256x1x159xf32>,
    %swap3A_1656 = arith.constant 0 : index
    %swap3A_1657 = arith.constant 7 : index
    %swap3A_1658 = arith.constant 0 : index
    %swap3A_1659 = vector.load %arg20[%swap3A_1656, %swap3A_1657, %swap3A_1658] : memref<256x16x159xf32, #tpu.memory_space<vmem>>, vector<256x1x159xf32>
    %swap3A_1660 = vector.shape_cast %swap3A_1659 : vector<256x1x159xf32> to vector<256x159xf32>
    %swap3A_1661 = vector.shape_cast %add3A_1422 : vector<256x159xf32> to vector<256x1x159xf32>
    tpu.vector_store %arg20[%swap3A_1656, %swap3A_1657, %swap3A_1658], %swap3A_1661 {strides = array<i32>} : memref<256x16x159xf32, #tpu.memory_space<vmem>>, vector<256x1x159xf32>,
    %swap3A_1662 = arith.constant 0 : index
    %swap3A_1663 = arith.constant 8 : index
    %swap3A_1664 = arith.constant 0 : index
    %swap3A_1665 = vector.load %arg20[%swap3A_1662, %swap3A_1663, %swap3A_1664] : memref<256x16x159xf32, #tpu.memory_space<vmem>>, vector<256x1x159xf32>
    %swap3A_1666 = vector.shape_cast %swap3A_1665 : vector<256x1x159xf32> to vector<256x159xf32>
    %swap3A_1667 = vector.shape_cast %add3A_1447 : vector<256x159xf32> to vector<256x1x159xf32>
    tpu.vector_store %arg20[%swap3A_1662, %swap3A_1663, %swap3A_1664], %swap3A_1667 {strides = array<i32>} : memref<256x16x159xf32, #tpu.memory_space<vmem>>, vector<256x1x159xf32>,
    %swap3A_1668 = arith.constant 0 : index
    %swap3A_1669 = arith.constant 9 : index
    %swap3A_1670 = arith.constant 0 : index
    %swap3A_1671 = vector.load %arg20[%swap3A_1668, %swap3A_1669, %swap3A_1670] : memref<256x16x159xf32, #tpu.memory_space<vmem>>, vector<256x1x159xf32>
    %swap3A_1672 = vector.shape_cast %swap3A_1671 : vector<256x1x159xf32> to vector<256x159xf32>
    %swap3A_1673 = vector.shape_cast %add3A_1472 : vector<256x159xf32> to vector<256x1x159xf32>
    tpu.vector_store %arg20[%swap3A_1668, %swap3A_1669, %swap3A_1670], %swap3A_1673 {strides = array<i32>} : memref<256x16x159xf32, #tpu.memory_space<vmem>>, vector<256x1x159xf32>,
    %swap3A_1674 = arith.constant 0 : index
    %swap3A_1675 = arith.constant 10 : index
    %swap3A_1676 = arith.constant 0 : index
    %swap3A_1677 = vector.load %arg20[%swap3A_1674, %swap3A_1675, %swap3A_1676] : memref<256x16x159xf32, #tpu.memory_space<vmem>>, vector<256x1x159xf32>
    %swap3A_1678 = vector.shape_cast %swap3A_1677 : vector<256x1x159xf32> to vector<256x159xf32>
    %swap3A_1679 = vector.shape_cast %add3A_1497 : vector<256x159xf32> to vector<256x1x159xf32>
    tpu.vector_store %arg20[%swap3A_1674, %swap3A_1675, %swap3A_1676], %swap3A_1679 {strides = array<i32>} : memref<256x16x159xf32, #tpu.memory_space<vmem>>, vector<256x1x159xf32>,
    %swap3A_1680 = arith.constant 0 : index
    %swap3A_1681 = arith.constant 11 : index
    %swap3A_1682 = arith.constant 0 : index
    %swap3A_1683 = vector.load %arg20[%swap3A_1680, %swap3A_1681, %swap3A_1682] : memref<256x16x159xf32, #tpu.memory_space<vmem>>, vector<256x1x159xf32>
    %swap3A_1684 = vector.shape_cast %swap3A_1683 : vector<256x1x159xf32> to vector<256x159xf32>
    %swap3A_1685 = vector.shape_cast %add3A_1522 : vector<256x159xf32> to vector<256x1x159xf32>
    tpu.vector_store %arg20[%swap3A_1680, %swap3A_1681, %swap3A_1682], %swap3A_1685 {strides = array<i32>} : memref<256x16x159xf32, #tpu.memory_space<vmem>>, vector<256x1x159xf32>,
    %swap3A_1686 = arith.constant 0 : index
    %swap3A_1687 = arith.constant 12 : index
    %swap3A_1688 = arith.constant 0 : index
    %swap3A_1689 = vector.load %arg20[%swap3A_1686, %swap3A_1687, %swap3A_1688] : memref<256x16x159xf32, #tpu.memory_space<vmem>>, vector<256x1x159xf32>
    %swap3A_1690 = vector.shape_cast %swap3A_1689 : vector<256x1x159xf32> to vector<256x159xf32>
    %swap3A_1691 = vector.shape_cast %add3A_1547 : vector<256x159xf32> to vector<256x1x159xf32>
    tpu.vector_store %arg20[%swap3A_1686, %swap3A_1687, %swap3A_1688], %swap3A_1691 {strides = array<i32>} : memref<256x16x159xf32, #tpu.memory_space<vmem>>, vector<256x1x159xf32>,
    %swap3A_1692 = arith.constant 0 : index
    %swap3A_1693 = arith.constant 13 : index
    %swap3A_1694 = arith.constant 0 : index
    %swap3A_1695 = vector.load %arg20[%swap3A_1692, %swap3A_1693, %swap3A_1694] : memref<256x16x159xf32, #tpu.memory_space<vmem>>, vector<256x1x159xf32>
    %swap3A_1696 = vector.shape_cast %swap3A_1695 : vector<256x1x159xf32> to vector<256x159xf32>
    %swap3A_1697 = vector.shape_cast %add3A_1572 : vector<256x159xf32> to vector<256x1x159xf32>
    tpu.vector_store %arg20[%swap3A_1692, %swap3A_1693, %swap3A_1694], %swap3A_1697 {strides = array<i32>} : memref<256x16x159xf32, #tpu.memory_space<vmem>>, vector<256x1x159xf32>,
    %swap3A_1698 = arith.constant 0 : index
    %swap3A_1699 = arith.constant 14 : index
    %swap3A_1700 = arith.constant 0 : index
    %swap3A_1701 = vector.load %arg20[%swap3A_1698, %swap3A_1699, %swap3A_1700] : memref<256x16x159xf32, #tpu.memory_space<vmem>>, vector<256x1x159xf32>
    %swap3A_1702 = vector.shape_cast %swap3A_1701 : vector<256x1x159xf32> to vector<256x159xf32>
    %swap3A_1703 = vector.shape_cast %add3A_1597 : vector<256x159xf32> to vector<256x1x159xf32>
    tpu.vector_store %arg20[%swap3A_1698, %swap3A_1699, %swap3A_1700], %swap3A_1703 {strides = array<i32>} : memref<256x16x159xf32, #tpu.memory_space<vmem>>, vector<256x1x159xf32>,
    %swap3A_1704 = arith.constant 0 : index
    %swap3A_1705 = arith.constant 15 : index
    %swap3A_1706 = arith.constant 0 : index
    %swap3A_1707 = vector.load %arg20[%swap3A_1704, %swap3A_1705, %swap3A_1706] : memref<256x16x159xf32, #tpu.memory_space<vmem>>, vector<256x1x159xf32>
    %swap3A_1708 = vector.shape_cast %swap3A_1707 : vector<256x1x159xf32> to vector<256x159xf32>
    %swap3A_1709 = vector.shape_cast %add3A_1614 : vector<256x159xf32> to vector<256x1x159xf32>
    tpu.vector_store %arg20[%swap3A_1704, %swap3A_1705, %swap3A_1706], %swap3A_1709 {strides = array<i32>} : memref<256x16x159xf32, #tpu.memory_space<vmem>>, vector<256x1x159xf32>,
    return
  }
  func.func @transform_0(%arg0: i32) -> (i32, i32, i32) {
    %c0_i32 = arith.constant 0 : i32
    %c0_i32_0 = arith.constant 0 : i32
    %c0_i32_1 = arith.constant 0 : i32
    return %c0_i32, %arg0, %c0_i32_0 : i32, i32, i32
  }
  func.func @transform_1(%arg0: i32) -> (i32, i32, i32) {
    %c0_i32 = arith.constant 0 : i32
    %c0_i32_0 = arith.constant 0 : i32
    %c0_i32_1 = arith.constant 0 : i32
    %c0_i32_2 = arith.constant 0 : i32
    return %c0_i32, %c0_i32_0, %c0_i32_1 : i32, i32, i32
  }
  func.func @transform_2(%arg0: i32) -> (i32, i32) {
    %c0_i32 = arith.constant 0 : i32
    %c0_i32_0 = arith.constant 0 : i32
    %c0_i32_1 = arith.constant 0 : i32
    return %c0_i32, %c0_i32_0 : i32, i32
  }
  func.func @transform_3(%arg0: i32) -> (i32, i32, i32) {
    %c0_i32 = arith.constant 0 : i32
    %c0_i32_0 = arith.constant 0 : i32
    %c0_i32_1 = arith.constant 0 : i32
    %c0_i32_2 = arith.constant 0 : i32
    return %c0_i32, %c0_i32_0, %c0_i32_1 : i32, i32, i32
  }
  func.func @transform_4(%arg0: i32) -> (i32, i32) {
    %c0_i32 = arith.constant 0 : i32
    %c0_i32_0 = arith.constant 0 : i32
    %c0_i32_1 = arith.constant 0 : i32
    return %c0_i32, %c0_i32_0 : i32, i32
  }
  func.func @transform_5(%arg0: i32) -> (i32, i32, i32) {
    %c0_i32 = arith.constant 0 : i32
    %c0_i32_0 = arith.constant 0 : i32
    %c0_i32_1 = arith.constant 0 : i32
    %c0_i32_2 = arith.constant 0 : i32
    return %c0_i32, %c0_i32_0, %c0_i32_1 : i32, i32, i32
  }
  func.func @transform_6(%arg0: i32) -> (i32, i32) {
    %c0_i32 = arith.constant 0 : i32
    %c0_i32_0 = arith.constant 0 : i32
    %c0_i32_1 = arith.constant 0 : i32
    return %c0_i32, %c0_i32_0 : i32, i32
  }
  func.func @transform_7(%arg0: i32) -> (i32, i32, i32) {
    %c0_i32 = arith.constant 0 : i32
    %c0_i32_0 = arith.constant 0 : i32
    %c0_i32_1 = arith.constant 0 : i32
    %c0_i32_2 = arith.constant 0 : i32
    return %c0_i32, %c0_i32_0, %c0_i32_1 : i32, i32, i32
  }
  func.func @transform_8(%arg0: i32) -> (i32, i32) {
    %c0_i32 = arith.constant 0 : i32
    %c0_i32_0 = arith.constant 0 : i32
    %c0_i32_1 = arith.constant 0 : i32
    return %c0_i32, %c0_i32_0 : i32, i32
  }
  func.func @transform_9(%arg0: i32) -> (i32, i32, i32) {
    %c0_i32 = arith.constant 0 : i32
    %c0_i32_0 = arith.constant 0 : i32
    %c0_i32_1 = arith.constant 0 : i32
    %c0_i32_2 = arith.constant 0 : i32
    return %c0_i32, %c0_i32_0, %c0_i32_1 : i32, i32, i32
  }
  func.func @transform_10(%arg0: i32) -> (i32, i32) {
    %c0_i32 = arith.constant 0 : i32
    %c0_i32_0 = arith.constant 0 : i32
    %c0_i32_1 = arith.constant 0 : i32
    return %c0_i32, %c0_i32_0 : i32, i32
  }
  func.func @transform_11(%arg0: i32) -> (i32, i32, i32) {
    %c0_i32 = arith.constant 0 : i32
    %c0_i32_0 = arith.constant 0 : i32
    %c0_i32_1 = arith.constant 0 : i32
    %c0_i32_2 = arith.constant 0 : i32
    return %c0_i32, %c0_i32_0, %c0_i32_1 : i32, i32, i32
  }
  func.func @transform_12(%arg0: i32) -> (i32, i32) {
    %c0_i32 = arith.constant 0 : i32
    %c0_i32_0 = arith.constant 0 : i32
    %c0_i32_1 = arith.constant 0 : i32
    return %c0_i32, %c0_i32_0 : i32, i32
  }
  func.func @transform_13(%arg0: i32) -> (i32, i32, i32) {
    %c0_i32 = arith.constant 0 : i32
    %c0_i32_0 = arith.constant 0 : i32
    %c0_i32_1 = arith.constant 0 : i32
    %c0_i32_2 = arith.constant 0 : i32
    return %c0_i32, %c0_i32_0, %c0_i32_1 : i32, i32, i32
  }
  func.func @transform_14(%arg0: i32) -> (i32, i32) {
    %c0_i32 = arith.constant 0 : i32
    %c0_i32_0 = arith.constant 0 : i32
    %c0_i32_1 = arith.constant 0 : i32
    return %c0_i32, %c0_i32_0 : i32, i32
  }
  func.func @transform_15(%arg0: i32) -> (i32, i32, i32) {
    %c0_i32 = arith.constant 0 : i32
    %c0_i32_0 = arith.constant 0 : i32
    %c0_i32_1 = arith.constant 0 : i32
    %c0_i32_2 = arith.constant 0 : i32
    return %c0_i32, %c0_i32_0, %c0_i32_1 : i32, i32, i32
  }
  func.func @transform_16(%arg0: i32) -> (i32, i32) {
    %c0_i32 = arith.constant 0 : i32
    %c0_i32_0 = arith.constant 0 : i32
    %c0_i32_1 = arith.constant 0 : i32
    return %c0_i32, %c0_i32_0 : i32, i32
  }
  func.func @transform_17(%arg0: i32) -> (i32, i32, i32) {
    %c0_i32 = arith.constant 0 : i32
    %c0_i32_0 = arith.constant 0 : i32
    %c0_i32_1 = arith.constant 0 : i32
    %c0_i32_2 = arith.constant 0 : i32
    return %c0_i32, %c0_i32_0, %c0_i32_1 : i32, i32, i32
  }
  func.func @transform_18(%arg0: i32) -> (i32, i32) {
    %c0_i32 = arith.constant 0 : i32
    %c0_i32_0 = arith.constant 0 : i32
    %c0_i32_1 = arith.constant 0 : i32
    return %c0_i32, %c0_i32_0 : i32, i32
  }
  func.func @transform_19(%arg0: i32) -> (i32, i32, i32) {
    %c0_i32 = arith.constant 0 : i32
    %c0_i32_0 = arith.constant 0 : i32
    %c0_i32_1 = arith.constant 0 : i32
    return %arg0, %c0_i32, %c0_i32_0 : i32, i32, i32
  }
}

module attributes {stable_mosaic.version = 14 : i64} {
  func.func @_stats_body(%arg0: memref<4096x512xf32, #tpu.memory_space<vmem>>, %arg1: memref<4096x512xf32, #tpu.memory_space<vmem>>, %arg2: memref<4096x1xi32, #tpu.memory_space<vmem>>, %arg3: memref<1x1xf32, #tpu.memory_space<vmem>>, %arg4: memref<1x1xf32, #tpu.memory_space<vmem>>) attributes {dimension_semantics = [], scalar_prefetch = 0 : i64, scratch_operands = 0 : i64, tpu.core_type = #tpu.core_type<tc>} {
    %get3A = arith.constant 0 : index
    %get3A_0 = arith.constant 0 : index
    %get3A_1 = vector.load %arg0[%get3A, %get3A_0] : memref<4096x512xf32, #tpu.memory_space<vmem>>, vector<4096x512xf32>
    %get3A_2 = arith.constant 0 : index
    %get3A_3 = arith.constant 0 : index
    %get3A_4 = vector.load %arg1[%get3A_2, %get3A_3] : memref<4096x512xf32, #tpu.memory_space<vmem>>, vector<4096x512xf32>
    %sub3A = arith.subf %get3A_1, %get3A_4 : vector<4096x512xf32>
    %mul3A = arith.mulf %sub3A, %sub3A : vector<4096x512xf32>
    %reduce_sum3A = vector.shape_cast %mul3A : vector<4096x512xf32> to vector<1x4096x512xf32>
    %reduce_sum3A_5 = arith.constant dense<0.000000e+00> : vector<1xf32>
    %reduce_sum3A_6 = vector.multi_reduction <add>, %reduce_sum3A, %reduce_sum3A_5 [1, 2] : vector<1x4096x512xf32> to vector<1xf32>
    %reduce_sum3A_7 = vector.shape_cast %reduce_sum3A_6 : vector<1xf32> to vector<1x1x1xf32>
    %reduce_sum3A_8 = vector.extract %reduce_sum3A_7[0, 0, 0] : f32 from vector<1x1x1xf32>
    %div3A = arith.constant 0x4A000000 : f32
    %div3A_9 = arith.divf %reduce_sum3A_8, %div3A : f32
    %reshape3A = vector.broadcast %div3A_9 : f32 to vector<1x1xf32>
    %swap3A = arith.constant 0 : index
    %swap3A_10 = arith.constant 0 : index
    %swap3A_11 = vector.load %arg3[%swap3A, %swap3A_10] : memref<1x1xf32, #tpu.memory_space<vmem>>, vector<1x1xf32>
    tpu.vector_store %arg3[%swap3A, %swap3A_10], %reshape3A {strides = array<i32>} : memref<1x1xf32, #tpu.memory_space<vmem>>, vector<1x1xf32>,
    %get3A_12 = arith.constant 0 : index
    %get3A_13 = arith.constant 0 : index
    %get3A_14 = vector.load %arg2[%get3A_12, %get3A_13] : memref<4096x1xi32, #tpu.memory_space<vmem>>, vector<4096x1xi32>
    %iota3A = tpu.iota {dimensions = array<i32: 1>} : vector<4096x1024xi32>
    %add3A = arith.constant 0 : i32
    %add3A_15 = vector.broadcast %add3A : i32 to vector<4096x1024xi32>
    %add3A_16 = arith.addi %iota3A, %add3A_15 : vector<4096x1024xi32>
    %eq3A = vector.broadcast %get3A_14 : vector<4096x1xi32> to vector<4096x1024xi32>
    %eq3A_17 = arith.cmpi eq, %eq3A, %add3A_16 : vector<4096x1024xi32>
    %convert_element_type3A = arith.extui %eq3A_17 : vector<4096x1024xi1> to vector<4096x1024xi32>
    %convert_element_type3A_18 = arith.sitofp %convert_element_type3A : vector<4096x1024xi32> to vector<4096x1024xf32>
    %reduce_sum3A_19 = arith.constant dense<0.000000e+00> : vector<1024xf32>
    %reduce_sum3A_20 = vector.multi_reduction <add>, %convert_element_type3A_18, %reduce_sum3A_19 [0] : vector<4096x1024xf32> to vector<1024xf32>
    %mul3A_21 = arith.constant 2.44140625E-4 : f32
    %mul3A_22 = vector.broadcast %mul3A_21 : f32 to vector<1024xf32>
    %mul3A_23 = arith.mulf %reduce_sum3A_20, %mul3A_22 : vector<1024xf32>
    %add3A_24 = arith.constant 1.000000e-10 : f32
    %add3A_25 = vector.broadcast %add3A_24 : f32 to vector<1024xf32>
    %add3A_26 = arith.addf %mul3A_23, %add3A_25 : vector<1024xf32>
    %log3A = math.log %add3A_26 : vector<1024xf32>
    %mul3A_27 = arith.mulf %mul3A_23, %log3A : vector<1024xf32>
    %reduce_sum3A_28 = vector.shape_cast %mul3A_27 : vector<1024xf32> to vector<1x1024xf32>
    %reduce_sum3A_29 = arith.constant dense<0.000000e+00> : vector<1xf32>
    %reduce_sum3A_30 = vector.multi_reduction <add>, %reduce_sum3A_28, %reduce_sum3A_29 [1] : vector<1x1024xf32> to vector<1xf32>
    %reduce_sum3A_31 = vector.shape_cast %reduce_sum3A_30 : vector<1xf32> to vector<1x1xf32>
    %reduce_sum3A_32 = vector.extract %reduce_sum3A_31[0, 0] : f32 from vector<1x1xf32>
    %add3A_33 = arith.constant 0.000000e+00 : f32
    %add3A_34 = arith.addf %add3A_33, %reduce_sum3A_32 : f32
    %add3A_35 = arith.constant 1024 : i32
    %add3A_36 = vector.broadcast %add3A_35 : i32 to vector<4096x1024xi32>
    %add3A_37 = arith.addi %iota3A, %add3A_36 : vector<4096x1024xi32>
    %eq3A_38 = vector.broadcast %get3A_14 : vector<4096x1xi32> to vector<4096x1024xi32>
    %eq3A_39 = arith.cmpi eq, %eq3A_38, %add3A_37 : vector<4096x1024xi32>
    %convert_element_type3A_40 = arith.extui %eq3A_39 : vector<4096x1024xi1> to vector<4096x1024xi32>
    %convert_element_type3A_41 = arith.sitofp %convert_element_type3A_40 : vector<4096x1024xi32> to vector<4096x1024xf32>
    %reduce_sum3A_42 = arith.constant dense<0.000000e+00> : vector<1024xf32>
    %reduce_sum3A_43 = vector.multi_reduction <add>, %convert_element_type3A_41, %reduce_sum3A_42 [0] : vector<4096x1024xf32> to vector<1024xf32>
    %mul3A_44 = arith.constant 2.44140625E-4 : f32
    %mul3A_45 = vector.broadcast %mul3A_44 : f32 to vector<1024xf32>
    %mul3A_46 = arith.mulf %reduce_sum3A_43, %mul3A_45 : vector<1024xf32>
    %add3A_47 = arith.constant 1.000000e-10 : f32
    %add3A_48 = vector.broadcast %add3A_47 : f32 to vector<1024xf32>
    %add3A_49 = arith.addf %mul3A_46, %add3A_48 : vector<1024xf32>
    %log3A_50 = math.log %add3A_49 : vector<1024xf32>
    %mul3A_51 = arith.mulf %mul3A_46, %log3A_50 : vector<1024xf32>
    %reduce_sum3A_52 = vector.shape_cast %mul3A_51 : vector<1024xf32> to vector<1x1024xf32>
    %reduce_sum3A_53 = arith.constant dense<0.000000e+00> : vector<1xf32>
    %reduce_sum3A_54 = vector.multi_reduction <add>, %reduce_sum3A_52, %reduce_sum3A_53 [1] : vector<1x1024xf32> to vector<1xf32>
    %reduce_sum3A_55 = vector.shape_cast %reduce_sum3A_54 : vector<1xf32> to vector<1x1xf32>
    %reduce_sum3A_56 = vector.extract %reduce_sum3A_55[0, 0] : f32 from vector<1x1xf32>
    %add3A_57 = arith.addf %add3A_34, %reduce_sum3A_56 : f32
    %add3A_58 = arith.constant 2048 : i32
    %add3A_59 = vector.broadcast %add3A_58 : i32 to vector<4096x1024xi32>
    %add3A_60 = arith.addi %iota3A, %add3A_59 : vector<4096x1024xi32>
    %eq3A_61 = vector.broadcast %get3A_14 : vector<4096x1xi32> to vector<4096x1024xi32>
    %eq3A_62 = arith.cmpi eq, %eq3A_61, %add3A_60 : vector<4096x1024xi32>
    %convert_element_type3A_63 = arith.extui %eq3A_62 : vector<4096x1024xi1> to vector<4096x1024xi32>
    %convert_element_type3A_64 = arith.sitofp %convert_element_type3A_63 : vector<4096x1024xi32> to vector<4096x1024xf32>
    %reduce_sum3A_65 = arith.constant dense<0.000000e+00> : vector<1024xf32>
    %reduce_sum3A_66 = vector.multi_reduction <add>, %convert_element_type3A_64, %reduce_sum3A_65 [0] : vector<4096x1024xf32> to vector<1024xf32>
    %mul3A_67 = arith.constant 2.44140625E-4 : f32
    %mul3A_68 = vector.broadcast %mul3A_67 : f32 to vector<1024xf32>
    %mul3A_69 = arith.mulf %reduce_sum3A_66, %mul3A_68 : vector<1024xf32>
    %add3A_70 = arith.constant 1.000000e-10 : f32
    %add3A_71 = vector.broadcast %add3A_70 : f32 to vector<1024xf32>
    %add3A_72 = arith.addf %mul3A_69, %add3A_71 : vector<1024xf32>
    %log3A_73 = math.log %add3A_72 : vector<1024xf32>
    %mul3A_74 = arith.mulf %mul3A_69, %log3A_73 : vector<1024xf32>
    %reduce_sum3A_75 = vector.shape_cast %mul3A_74 : vector<1024xf32> to vector<1x1024xf32>
    %reduce_sum3A_76 = arith.constant dense<0.000000e+00> : vector<1xf32>
    %reduce_sum3A_77 = vector.multi_reduction <add>, %reduce_sum3A_75, %reduce_sum3A_76 [1] : vector<1x1024xf32> to vector<1xf32>
    %reduce_sum3A_78 = vector.shape_cast %reduce_sum3A_77 : vector<1xf32> to vector<1x1xf32>
    %reduce_sum3A_79 = vector.extract %reduce_sum3A_78[0, 0] : f32 from vector<1x1xf32>
    %add3A_80 = arith.addf %add3A_57, %reduce_sum3A_79 : f32
    %add3A_81 = arith.constant 3072 : i32
    %add3A_82 = vector.broadcast %add3A_81 : i32 to vector<4096x1024xi32>
    %add3A_83 = arith.addi %iota3A, %add3A_82 : vector<4096x1024xi32>
    %eq3A_84 = vector.broadcast %get3A_14 : vector<4096x1xi32> to vector<4096x1024xi32>
    %eq3A_85 = arith.cmpi eq, %eq3A_84, %add3A_83 : vector<4096x1024xi32>
    %convert_element_type3A_86 = arith.extui %eq3A_85 : vector<4096x1024xi1> to vector<4096x1024xi32>
    %convert_element_type3A_87 = arith.sitofp %convert_element_type3A_86 : vector<4096x1024xi32> to vector<4096x1024xf32>
    %reduce_sum3A_88 = arith.constant dense<0.000000e+00> : vector<1024xf32>
    %reduce_sum3A_89 = vector.multi_reduction <add>, %convert_element_type3A_87, %reduce_sum3A_88 [0] : vector<4096x1024xf32> to vector<1024xf32>
    %mul3A_90 = arith.constant 2.44140625E-4 : f32
    %mul3A_91 = vector.broadcast %mul3A_90 : f32 to vector<1024xf32>
    %mul3A_92 = arith.mulf %reduce_sum3A_89, %mul3A_91 : vector<1024xf32>
    %add3A_93 = arith.constant 1.000000e-10 : f32
    %add3A_94 = vector.broadcast %add3A_93 : f32 to vector<1024xf32>
    %add3A_95 = arith.addf %mul3A_92, %add3A_94 : vector<1024xf32>
    %log3A_96 = math.log %add3A_95 : vector<1024xf32>
    %mul3A_97 = arith.mulf %mul3A_92, %log3A_96 : vector<1024xf32>
    %reduce_sum3A_98 = vector.shape_cast %mul3A_97 : vector<1024xf32> to vector<1x1024xf32>
    %reduce_sum3A_99 = arith.constant dense<0.000000e+00> : vector<1xf32>
    %reduce_sum3A_100 = vector.multi_reduction <add>, %reduce_sum3A_98, %reduce_sum3A_99 [1] : vector<1x1024xf32> to vector<1xf32>
    %reduce_sum3A_101 = vector.shape_cast %reduce_sum3A_100 : vector<1xf32> to vector<1x1xf32>
    %reduce_sum3A_102 = vector.extract %reduce_sum3A_101[0, 0] : f32 from vector<1x1xf32>
    %add3A_103 = arith.addf %add3A_80, %reduce_sum3A_102 : f32
    %add3A_104 = arith.constant 4096 : i32
    %add3A_105 = vector.broadcast %add3A_104 : i32 to vector<4096x1024xi32>
    %add3A_106 = arith.addi %iota3A, %add3A_105 : vector<4096x1024xi32>
    %eq3A_107 = vector.broadcast %get3A_14 : vector<4096x1xi32> to vector<4096x1024xi32>
    %eq3A_108 = arith.cmpi eq, %eq3A_107, %add3A_106 : vector<4096x1024xi32>
    %convert_element_type3A_109 = arith.extui %eq3A_108 : vector<4096x1024xi1> to vector<4096x1024xi32>
    %convert_element_type3A_110 = arith.sitofp %convert_element_type3A_109 : vector<4096x1024xi32> to vector<4096x1024xf32>
    %reduce_sum3A_111 = arith.constant dense<0.000000e+00> : vector<1024xf32>
    %reduce_sum3A_112 = vector.multi_reduction <add>, %convert_element_type3A_110, %reduce_sum3A_111 [0] : vector<4096x1024xf32> to vector<1024xf32>
    %mul3A_113 = arith.constant 2.44140625E-4 : f32
    %mul3A_114 = vector.broadcast %mul3A_113 : f32 to vector<1024xf32>
    %mul3A_115 = arith.mulf %reduce_sum3A_112, %mul3A_114 : vector<1024xf32>
    %add3A_116 = arith.constant 1.000000e-10 : f32
    %add3A_117 = vector.broadcast %add3A_116 : f32 to vector<1024xf32>
    %add3A_118 = arith.addf %mul3A_115, %add3A_117 : vector<1024xf32>
    %log3A_119 = math.log %add3A_118 : vector<1024xf32>
    %mul3A_120 = arith.mulf %mul3A_115, %log3A_119 : vector<1024xf32>
    %reduce_sum3A_121 = vector.shape_cast %mul3A_120 : vector<1024xf32> to vector<1x1024xf32>
    %reduce_sum3A_122 = arith.constant dense<0.000000e+00> : vector<1xf32>
    %reduce_sum3A_123 = vector.multi_reduction <add>, %reduce_sum3A_121, %reduce_sum3A_122 [1] : vector<1x1024xf32> to vector<1xf32>
    %reduce_sum3A_124 = vector.shape_cast %reduce_sum3A_123 : vector<1xf32> to vector<1x1xf32>
    %reduce_sum3A_125 = vector.extract %reduce_sum3A_124[0, 0] : f32 from vector<1x1xf32>
    %add3A_126 = arith.addf %add3A_103, %reduce_sum3A_125 : f32
    %add3A_127 = arith.constant 5120 : i32
    %add3A_128 = vector.broadcast %add3A_127 : i32 to vector<4096x1024xi32>
    %add3A_129 = arith.addi %iota3A, %add3A_128 : vector<4096x1024xi32>
    %eq3A_130 = vector.broadcast %get3A_14 : vector<4096x1xi32> to vector<4096x1024xi32>
    %eq3A_131 = arith.cmpi eq, %eq3A_130, %add3A_129 : vector<4096x1024xi32>
    %convert_element_type3A_132 = arith.extui %eq3A_131 : vector<4096x1024xi1> to vector<4096x1024xi32>
    %convert_element_type3A_133 = arith.sitofp %convert_element_type3A_132 : vector<4096x1024xi32> to vector<4096x1024xf32>
    %reduce_sum3A_134 = arith.constant dense<0.000000e+00> : vector<1024xf32>
    %reduce_sum3A_135 = vector.multi_reduction <add>, %convert_element_type3A_133, %reduce_sum3A_134 [0] : vector<4096x1024xf32> to vector<1024xf32>
    %mul3A_136 = arith.constant 2.44140625E-4 : f32
    %mul3A_137 = vector.broadcast %mul3A_136 : f32 to vector<1024xf32>
    %mul3A_138 = arith.mulf %reduce_sum3A_135, %mul3A_137 : vector<1024xf32>
    %add3A_139 = arith.constant 1.000000e-10 : f32
    %add3A_140 = vector.broadcast %add3A_139 : f32 to vector<1024xf32>
    %add3A_141 = arith.addf %mul3A_138, %add3A_140 : vector<1024xf32>
    %log3A_142 = math.log %add3A_141 : vector<1024xf32>
    %mul3A_143 = arith.mulf %mul3A_138, %log3A_142 : vector<1024xf32>
    %reduce_sum3A_144 = vector.shape_cast %mul3A_143 : vector<1024xf32> to vector<1x1024xf32>
    %reduce_sum3A_145 = arith.constant dense<0.000000e+00> : vector<1xf32>
    %reduce_sum3A_146 = vector.multi_reduction <add>, %reduce_sum3A_144, %reduce_sum3A_145 [1] : vector<1x1024xf32> to vector<1xf32>
    %reduce_sum3A_147 = vector.shape_cast %reduce_sum3A_146 : vector<1xf32> to vector<1x1xf32>
    %reduce_sum3A_148 = vector.extract %reduce_sum3A_147[0, 0] : f32 from vector<1x1xf32>
    %add3A_149 = arith.addf %add3A_126, %reduce_sum3A_148 : f32
    %add3A_150 = arith.constant 6144 : i32
    %add3A_151 = vector.broadcast %add3A_150 : i32 to vector<4096x1024xi32>
    %add3A_152 = arith.addi %iota3A, %add3A_151 : vector<4096x1024xi32>
    %eq3A_153 = vector.broadcast %get3A_14 : vector<4096x1xi32> to vector<4096x1024xi32>
    %eq3A_154 = arith.cmpi eq, %eq3A_153, %add3A_152 : vector<4096x1024xi32>
    %convert_element_type3A_155 = arith.extui %eq3A_154 : vector<4096x1024xi1> to vector<4096x1024xi32>
    %convert_element_type3A_156 = arith.sitofp %convert_element_type3A_155 : vector<4096x1024xi32> to vector<4096x1024xf32>
    %reduce_sum3A_157 = arith.constant dense<0.000000e+00> : vector<1024xf32>
    %reduce_sum3A_158 = vector.multi_reduction <add>, %convert_element_type3A_156, %reduce_sum3A_157 [0] : vector<4096x1024xf32> to vector<1024xf32>
    %mul3A_159 = arith.constant 2.44140625E-4 : f32
    %mul3A_160 = vector.broadcast %mul3A_159 : f32 to vector<1024xf32>
    %mul3A_161 = arith.mulf %reduce_sum3A_158, %mul3A_160 : vector<1024xf32>
    %add3A_162 = arith.constant 1.000000e-10 : f32
    %add3A_163 = vector.broadcast %add3A_162 : f32 to vector<1024xf32>
    %add3A_164 = arith.addf %mul3A_161, %add3A_163 : vector<1024xf32>
    %log3A_165 = math.log %add3A_164 : vector<1024xf32>
    %mul3A_166 = arith.mulf %mul3A_161, %log3A_165 : vector<1024xf32>
    %reduce_sum3A_167 = vector.shape_cast %mul3A_166 : vector<1024xf32> to vector<1x1024xf32>
    %reduce_sum3A_168 = arith.constant dense<0.000000e+00> : vector<1xf32>
    %reduce_sum3A_169 = vector.multi_reduction <add>, %reduce_sum3A_167, %reduce_sum3A_168 [1] : vector<1x1024xf32> to vector<1xf32>
    %reduce_sum3A_170 = vector.shape_cast %reduce_sum3A_169 : vector<1xf32> to vector<1x1xf32>
    %reduce_sum3A_171 = vector.extract %reduce_sum3A_170[0, 0] : f32 from vector<1x1xf32>
    %add3A_172 = arith.addf %add3A_149, %reduce_sum3A_171 : f32
    %add3A_173 = arith.constant 7168 : i32
    %add3A_174 = vector.broadcast %add3A_173 : i32 to vector<4096x1024xi32>
    %add3A_175 = arith.addi %iota3A, %add3A_174 : vector<4096x1024xi32>
    %eq3A_176 = vector.broadcast %get3A_14 : vector<4096x1xi32> to vector<4096x1024xi32>
    %eq3A_177 = arith.cmpi eq, %eq3A_176, %add3A_175 : vector<4096x1024xi32>
    %convert_element_type3A_178 = arith.extui %eq3A_177 : vector<4096x1024xi1> to vector<4096x1024xi32>
    %convert_element_type3A_179 = arith.sitofp %convert_element_type3A_178 : vector<4096x1024xi32> to vector<4096x1024xf32>
    %reduce_sum3A_180 = arith.constant dense<0.000000e+00> : vector<1024xf32>
    %reduce_sum3A_181 = vector.multi_reduction <add>, %convert_element_type3A_179, %reduce_sum3A_180 [0] : vector<4096x1024xf32> to vector<1024xf32>
    %mul3A_182 = arith.constant 2.44140625E-4 : f32
    %mul3A_183 = vector.broadcast %mul3A_182 : f32 to vector<1024xf32>
    %mul3A_184 = arith.mulf %reduce_sum3A_181, %mul3A_183 : vector<1024xf32>
    %add3A_185 = arith.constant 1.000000e-10 : f32
    %add3A_186 = vector.broadcast %add3A_185 : f32 to vector<1024xf32>
    %add3A_187 = arith.addf %mul3A_184, %add3A_186 : vector<1024xf32>
    %log3A_188 = math.log %add3A_187 : vector<1024xf32>
    %mul3A_189 = arith.mulf %mul3A_184, %log3A_188 : vector<1024xf32>
    %reduce_sum3A_190 = vector.shape_cast %mul3A_189 : vector<1024xf32> to vector<1x1024xf32>
    %reduce_sum3A_191 = arith.constant dense<0.000000e+00> : vector<1xf32>
    %reduce_sum3A_192 = vector.multi_reduction <add>, %reduce_sum3A_190, %reduce_sum3A_191 [1] : vector<1x1024xf32> to vector<1xf32>
    %reduce_sum3A_193 = vector.shape_cast %reduce_sum3A_192 : vector<1xf32> to vector<1x1xf32>
    %reduce_sum3A_194 = vector.extract %reduce_sum3A_193[0, 0] : f32 from vector<1x1xf32>
    %add3A_195 = arith.addf %add3A_172, %reduce_sum3A_194 : f32
    %neg3A = arith.constant 0.000000e+00 : f32
    %neg3A_196 = arith.subf %neg3A, %add3A_195 : f32
    %exp3A = math.exp %neg3A_196 : f32
    %reshape3A_197 = vector.broadcast %exp3A : f32 to vector<1x1xf32>
    %swap3A_198 = arith.constant 0 : index
    %swap3A_199 = arith.constant 0 : index
    %swap3A_200 = vector.load %arg4[%swap3A_198, %swap3A_199] : memref<1x1xf32, #tpu.memory_space<vmem>>, vector<1x1xf32>
    tpu.vector_store %arg4[%swap3A_198, %swap3A_199], %reshape3A_197 {strides = array<i32>} : memref<1x1xf32, #tpu.memory_space<vmem>>, vector<1x1xf32>,
    return
  }
}

</mosaic_0001>

<sc_bundles>
// kernel: kernel.8.cloned.1.call-start
scs
__scs_entry_jumppad:
0x0: {  	(pc) =	sbr.rel $0x88, $3  }
0x1: {  	(tag) =	ssettag $0x0;
	lr =	simm.s32 $0x1  }
0x2: {  	[smem:$0x3F78] =	sst lr;
	_ =	strace $0xD0000000  }
0x3: {  	_ = 	snop  }
0x4: {  	_ = 	snop  }
0x5: {  	_ = 	snop  }
0x6: {  	_ = 	snop  }
0x7: {  	_ = 	snop  }
__scs_overlays_trampoline_lowered:
0x8: {  	[smem:$0x3F87] =	sst s0  }
0x9: {  	[smem:$0x3F88] =	sst s1  }
0xa: {  	[smem:$0x3F89] =	sst s2  }
0xb: {  	[smem:$0x3F8A] =	sst s3  }
0xc: {  	[smem:$0x3F8B] =	sst s4  }
0xd: {  	[smem:$0x3F8C] =	sst s5  }
0xe: {  	[smem:$0x3F8D] =	sst s6  }
0xf: {  	[smem:$0x3F8E] =	sst s7  }
0x10: {  	[smem:$0x3F8F] =	sst s8  }
0x11: {  	[smem:$0x3F90] =	sst s9;
	s0 =	simm.s32 @!p0 $0x0  }
0x12: {  	s1 =	sld [smem:$0x3F76];
	s0 =	simm.s32 @p0 $0x1  }
0x13: {  	[smem:$0x3F91] =	sst s0;
	s0 =	simm.s32 @!p1 $0x0  }
0x14: {  	s2 =	sld [smem:$0x3F75];
	s0 =	simm.s32 @p1 $0x1  }
0x15: {  	[smem:$0x3F92] =	sst s0;
	s0 =	simm.s32 @!p2 $0x0  }
0x16: {  	s3 =	sld [smem:$0x3FDB];
	s0 =	simm.s32 @p2 $0x1  }
0x17: {  	s4 =	simm.s32 $0x1BF5;
	[smem:$0x3F94] =	sst s0  }
0x18: {  	s0 =	sld [smem:$0x3F77];
	_ =	swait.ge [sflag:s4], $0x0  }
0x19: {  	s7 =	sld [smem:$0x3F78]  }
0x1a: {  	s8 =	sadd.s32 $0xFFFFE003, lr  }
0x1b: {  	s9 =	sadd.s32 $0xFFFFFEF7, lr;
	s5 =	simm.s32 $0xFFFFFFFF;
	p2 =	slt.u32 s8, $0xFFFFF086  }
0x1c: {  	p1 =	slt.u32 s9, $0xF7A;
	s5 =	simm.s32 @!p2 $0x0  }
0x1d: {  	s5 =	simm.s32 @p1 $0x1;
	p0 =	seq.s32 s7, s2  }
0x1e: {  	s7 =	smul.u32 @!p0 $0xF7A, s2;
	p2 =	seq.s32 @!p0 s5, $0x0  }
0x1f: {  	s9 =	smul.u32 $0xF7A, s1;
	s8 =	simm.s32 @!p0 $0x1BF5;
	p2 =	por !p2, p0  }
0x20: {  	[sflag:s8] =	ssyncset.s32 @!p0 $0xFFFFF086;
	s6 =	sadd.s32 @!p0 s3, s7;
	s7 =	simm.s32 @!p0 $0x108  }
0x21: {  	s3 =	sadd.s32 s3, s9;
	s6 =	sadd.s32 @!p0 $0x88, s6;
	s7 =	simm.s32 @p2 $0x1082  }
0x22: {  	[simem:s7], [sflag:s8] =	dma.local @!p0 [hbm:s6], $0xF7A  }
0x23: {  	s9 =	sor.u32 $0xD0000000, s2;
	s6 =	simm.s32 $0x108;
	_ =	swait.ge @!p0 [sflag:s8], $0x0  }
0x24: {  	s3 =	sadd.s32 $0x88, s3;
	s6 =	simm.s32 @!p1 $0x1082;
	[sflag:s4] =	ssyncset.s32 $0xFFFFF086  }
0x25: {  	[simem:s6], [sflag:s4] =	dma.local [hbm:s3], $0xF7A  }
0x26: {  	[smem:$0x3F78] =	sst s1;
	(tag) =	ssettag s2;
	_ =	strace s9  }
0x27: {  	s1 =	sld [smem:$0x3F88]  }
0x28: {  	s2 =	sld [smem:$0x3F89]  }
0x29: {  	s4 =	sld [smem:$0x3F8B]  }
0x2a: {  	p0 =	seq.s32 s5, $0x0;
	s5 =	sld [smem:$0x3F8C]  }
0x2b: {  	s6 =	sld [smem:$0x3F8D]  }
0x2c: {  	s7 =	sld [smem:$0x3F8E]  }
0x2d: {  	s3 =	simm.s32 $0x108;
	s8 =	sld [smem:$0x3F8F]  }
0x2e: {  	s3 =	simm.s32 @!p0 $0x1082;
	s9 =	sld [smem:$0x3F90]  }
0x2f: {  	lr =	sadd.s32 s0, s3;
	s0 =	sld [smem:$0x3F87]  }
0x30: {  	s3 =	sld [smem:$0x3F8A]  }
0x31: {  	[smem:$0x3F93] =	sst s10  }
0x32: {  	s10 =	sld [smem:$0x3F91];
	_ =	sdelay $0x3  }
0x33: {  	p0 =	seq.s32 s10, $0x1;
	s10 =	sld [smem:$0x3F93];
	_ =	sdelay $0x3  }
0x34: {  	[smem:$0x3F93] =	sst s10  }
0x35: {  	s10 =	sld [smem:$0x3F92];
	_ =	sdelay $0x3  }
0x36: {  	p1 =	seq.s32 s10, $0x1;
	s10 =	sld [smem:$0x3F93];
	_ =	sdelay $0x3  }
0x37: {  	[smem:$0x3F93] =	sst s10  }
0x38: {  	s10 =	sld [smem:$0x3F94]  }
0x39: {  	_ = 	snop;
	(pc) =	sbr.ind lr, $3  }
0x3a: {  	_ = 	snop  }
0x3b: {  	_ = 	snop  }
0x3c: {  	p2 =	seq.s32 s10, $0x1;
	s10 =	sld [smem:$0x3F93]  }
0x3d: {  	_ =	shalt  }
0x3e: {  	_ =	shalt  }
0x3f: {  	_ =	shalt  }
0x40: {  	_ =	shalt  }
0x41: {  	_ =	shalt  }
0x42: {  	_ =	shalt  }
0x43: {  	_ =	shalt  }
0x44: {  	_ =	shalt  }
0x45: {  	_ =	shalt  }
0x46: {  	_ =	shalt  }
0x47: {  	_ =	shalt  }
0x48: {  	_ =	shalt  }
0x49: {  	_ =	shalt  }
0x4a: {  	_ =	shalt  }
0x4b: {  	_ =	shalt  }
0x4c: {  	_ =	shalt  }
0x4d: {  	_ =	shalt  }
0x4e: {  	_ =	shalt  }
0x4f: {  	_ =	shalt  }
0x50: {  	_ =	shalt  }
0x51: {  	_ =	shalt  }
0x52: {  	_ =	shalt  }
0x53: {  	_ =	shalt  }
0x54: {  	_ =	shalt  }
0x55: {  	_ =	shalt  }
0x56: {  	_ =	shalt  }
0x57: {  	_ =	shalt  }
0x58: {  	_ =	shalt  }
0x59: {  	_ =	shalt  }
0x5a: {  	_ =	shalt  }
0x5b: {  	_ =	shalt  }
0x5c: {  	_ =	shalt  }
0x5d: {  	_ =	shalt  }
0x5e: {  	_ =	shalt  }
0x5f: {  	_ =	shalt  }
0x60: {  	_ =	shalt  }
0x61: {  	_ =	shalt  }
0x62: {  	_ =	shalt  }
0x63: {  	_ =	shalt  }
0x64: {  	_ =	shalt  }
0x65: {  	_ =	shalt  }
0x66: {  	_ =	shalt  }
0x67: {  	_ =	shalt  }
0x68: {  	_ =	shalt  }
0x69: {  	_ =	shalt  }
0x6a: {  	_ =	shalt  }
0x6b: {  	_ =	shalt  }
0x6c: {  	_ =	shalt  }
0x6d: {  	_ =	shalt  }
0x6e: {  	_ =	shalt  }
0x6f: {  	_ =	shalt  }
0x70: {  	_ =	shalt  }
0x71: {  	_ =	shalt  }
0x72: {  	_ =	shalt  }
0x73: {  	_ =	shalt  }
0x74: {  	_ =	shalt  }
0x75: {  	_ =	shalt  }
0x76: {  	_ =	shalt  }
0x77: {  	_ =	shalt  }
0x78: {  	_ =	shalt  }
0x79: {  	_ =	shalt  }
0x7a: {  	_ =	shalt  }
0x7b: {  	_ =	shalt  }
0x7c: {  	_ =	shalt  }
0x7d: {  	_ =	shalt  }
0x7e: {  	_ =	shalt  }
0x7f: {  	_ =	shalt  }
0x80: {  	_ =	shalt  }
0x81: {  	_ =	shalt  }
0x82: {  	_ =	shalt  }
0x83: {  	_ =	shalt  }
0x84: {  	_ =	shalt  }
0x85: {  	_ =	shalt  }
0x86: {  	_ =	shalt  }
0x87: {  	_ =	shalt  }
.Lfunc_end0:
.L_simem_size_0:
called_computation_lowered:
.L_overlay_start_0:
0x88: {  	s2 =	sld [smem:$0x3FD9]  }
0x89: {  	s3 =	sld [smem:$0x3FFE];
	_ =	sdelay $0x1  }
0x8a: {  	s1 =	srdreg.scid  }
0x8b: {  	s0 =	sand.u32 $0x1, s1  }
0x8c: {  	s17 =	sshll.u32 s0, $0xA;
	s2 =	sadd.s32 s3, s2  }
0x8d: {  	s2 =	sadd.s32 s2, s17  }
0x8e: {  	[smem:$0x3F9F] =	sst s2  }
0x8f: {  	_ = 	snop  }
0x90: {  	s2 =	sld [smem:$0x3FC5];
	(tm) =	ssettm $0x1  }
0x91: {  	s18 =	sld [smem:$0x3FFB];
	_ =	sdelay $0x3  }
0x92: {  	_ =	strace s18  }
0x93: {  	s3 =	sld [smem:$0x3FFC];
	_ =	sdelay $0x3  }
0x94: {  	_ =	strace s3  }
0x95: {  	s3 =	sld [smem:$0x3FFD];
	_ =	sdelay $0x3  }
0x96: {  	_ =	strace s3  }
0x97: {  	_ =	strace $0x8FFFFFFF  }
0x98: {  	s19 =	sld [smem:$0x3FDB];
	_ =	sdelay $0x1  }
0x99: {  	s4 =	simm.s32 $_scs_section_size  }
0x9a: {  	s5 =	simm.s32 $_size__tile_overlayer_lowered;
	s6 =	simm.s32 $_tile_overlayer_lowered  }
0x9b: {  	s22 =	simm.s32 $0x1BFF;
	s21 =	sshll.u32 s6, $0x1;
	s3 =	sadd.s32 s4, s19  }
0x9c: {  	s7 =	simm.s32 $0x0;
	s20 =	sshll.u32 s5, $0x1;
	s5 =	sadd.s32 s21, s3  }
0x9d: {  	[timem:s7], [sflag:s22] =	dma.local [hbm:s5], s20  }
0x9e: {  	_ =	swait.ge [sflag:s22], s20  }
0x9f: {  	s4 =	ssub.s32 $0x0, s20;
	[sflag:s22] =	ssyncset.done $0x0  }
0xa0: {  	[sflag:s22] =	ssyncadd.s32 s4;
	_ =	sdelay $0x1  }
0xa1: {  	s23 =	simm.s32 $0x1B8B  }
0xa2: {  	_ =	swait.ge [sflag:s23], $0x1  }
0xa3: {  	[sflag:s23] =	ssyncset.done $0x0  }
0xa4: {  	s25 =	simm.s32 $0x1B8E;
	s24 =	sld [smem:$0x3FFE];
	[sflag:s23] =	ssyncadd.s32 $0xFFFFFFFF  }
0xa5: {  	s26 =	simm.s32 $execute0_lowered;
	[smem:$0x3FD2] =	sst s25  }
0xa6: {  	s5 =	sshll.u32 s26, $0x1;
	_ =	strace $0x80000046;
	[dreg:$0x1] =	wrdreg $0xFFFFFFFF  }
0xa7: {  	s28 =	simm.s32 $_size_execute0_lowered;
	s3 =	sadd.s32 s3, s5;
	[dreg:$0x0] =	wrdreg $0x0  }
0xa8: {  	s5 =	sshll.u32 s28, $0x1;
	[dreg:$0x2] =	wrdreg s3  }
0xa9: {  	[dreg:$0x3] =	wrdreg s5  }
0xaa: {  	[dreg:$0x4] =	wrdreg $0xC0  }
0xab: {  	_ =	task [dreg:s7], $0x5FFFF  }
0xac: {  	[dreg:$0x1] =	wrdreg $0xFFFFFFFF  }
0xad: {  	[dreg:$0x0] =	wrdreg $0x60  }
0xae: {  	[dreg:$0x2] =	wrdreg s2  }
0xaf: {  	[dreg:$0x3] =	wrdreg s24  }
0xb0: {  	[dreg:$0x4] =	wrdreg $0x9  }
0xb1: {  	_ =	task.clear_ibuf [dreg:s7], $0x5FFFF;
	_ =	strace $0x90000046  }
0xb2: {  	s29 =	simm.s32 $0x9;
	_ =	strace $0x80000048  }
0xb3: {  	_ =	swait.ge [sflag:s29], $0x1  }
0xb4: {  	[sflag:s29] =	ssyncadd.s32 $0xFFFFFFFF  }
0xb5: {  	_ =	strace $0x90000048  }
0xb6: {  	_ =	sfence  }
0xb7: {  	s30 =	sld [smem:$0x0];
	_ =	sdelay $0x2  }
0xb8: {  	s31 =	sshll.u32 s1, $0xD;
	s1 =	sshrl.u32 s1, $0x2  }
0xb9: {  	s3 =	sand.u32 $0x4000, s31;
	s1 =	sadd.s32 s1, s30  }
0xba: {  	s0 =	sor.u32 s3, s0;
	s1 =	sshll.u32 s1, $0x11  }
0xbb: {  	s0 =	sor.u32 s1, s0  }
0xbc: {  	s0 =	sadd.s32 $0x8F2B, s0  }
0xbd: {  	[sflag:s0] =	ssyncadd.remote.s32 $0x1  }
0xbe: {  	_ =	sfence.sel $0xFFFF  }
0xbf: {  	[dreg:$0x0] =	wrdreg $0xFFFFFFFF;
	(pc) =	sbr.abs _section_cstart, $3  }
0xc0: {  	[dreg:$0x1] =	wrdreg $0xFFFFFFFF  }
0xc1: {  	_ =	task.clear_ibuf [dreg:s7], $0x2FFFF;
	_ =	strace $0x9FFFFFFF  }
0xc2: {  	(tm) =	ssettm $0x7FFFFFFF  }
0xc3: {  	_ =	shalt  }
tec
execute0_lowered:
.L_overlay_start_1:
0x0: {  	(tag) =	ssettag $0x1  }
0x1: {  	s1 =	srdreg.scid;
	s2 =	rddreg [dreg:$0x0]  }
0x2: {  	s0 =	stileid.u32;
	s5 =	rddreg [dreg:$0x1];
	s18 =	simm.s32 $0x880  }
0x3: {  	s19 =	simm.s32 $0x1080;
	s20 =	simm.s32 $0x1880;
	s21 =	simm.s32 $0x2080  }
0x4: {  	s23 =	simm.s32 $0x2880;
	s24 =	simm.s32 $0x3080;
	s25 =	simm.s32 $0x3880  }
0x5: {  	s26 =	simm.s32 $0x4080;
	s7 =	simm.s32 $0x80;
	s9 =	simm.s32 $0x5080  }
0x6: {  	s10 =	simm.s32 $0x5880;
	s11 =	simm.s32 $0x6080;
	s1 =	sand.u32 $0x1, s1  }
0x7: {  	s12 =	simm.s32 $0x6880;
	s3 =	sshll.u32 s0, $0x8;
	s4 =	sshll.u32 s1, $0x7  }
0x8: {  	s13 =	simm.s32 $0x7080;
	s4 =	sor.u32 s4, s3;
	s3 =	simm.s32 $0x0  }
0x9: {  	s14 =	simm.s32 $0x7880;
	s15 =	simm.s32 $0x8080;
	[smem:$0x7FF] =	sst s3  }
0xa: {  	s16 =	simm.s32 $0x8880;
	_ =	strace $0x80000047;
	[dreg:$0x5] =	wrdreg s18  }
0xb: {  	s28 =	simm.s32 $0xE080;
	s29 =	simm.s32 $0xE880;
	[dreg:$0x6] =	wrdreg s19  }
0xc: {  	s30 =	simm.s32 $0xF080;
	s1 =	ssub.s32 $0x2, s1;
	[dreg:$0x7] =	wrdreg s20  }
0xd: {  	s31 =	simm.s32 $0xF880;
	s22 =	sshrl.u32 s1, $0x1;
	[dreg:$0x8] =	wrdreg s21  }
0xe: {  	s6 =	sshrl.u32 s4, $0x3;
	s4 =	sshll.u32 s4, $0x6;
	[dreg:$0x9] =	wrdreg s23  }
0xf: {  	s1 =	ssub.s32 s1, s22;
	s22 =	simm.s32 $0xB880;
	[dreg:$0xa] =	wrdreg s24  }
0x10: {  	s6 =	sadd.s32 s6, s5;
	s4 =	sadd.s32 s4, s5;
	[dreg:$0xb] =	wrdreg s25  }
0x11: {  	s5 =	smax.u32 s1, $0x1;
	[dreg:$0xc] =	wrdreg s26;
	s18 =	simm.s32 $0x9880  }
0x12: {  	s19 =	simm.s32 $0xA080;
	s20 =	simm.s32 $0xA880;
	s21 =	simm.s32 $0xB080  }
0x13: {  	s23 =	simm.s32 $0xC080;
	s24 =	simm.s32 $0xC880;
	s25 =	simm.s32 $0xD080  }
0x14: {  	v2 =	vlaneseq.u32;
	s26 =	simm.s32 $0xD880;
	s1 =	simm.s32 $0x1;
	s17 =	sadd.s32 $0x6C00, s6  }
0x15: {  	vm0 =	vmmov $0xffff;
	v1 =	vshrl.u32 v2, $0x3;
	s4 =	sadd.s32 $0x6E00, s4;
	s6 =	simm.s32 $0x2;
	[dreg:$0x3] =	wrdreg s17  }
0x16: {  	v0 =	vand.u32 $0x7, v2;
	v2 =	vor.u32 $0x8, v2;
	v1 =	vmul.u32 $0x8, v1;
	[dreg:$0x4] =	wrdreg s4;
	s4 =	sadd.s32 $0x100, s2;
	s17 =	simm.s32 $0x9080  }
.LBB2_1:
0x17: {  	s0 =	rddreg [dreg:$0x3]  }
0x18: {  	[tilespmem:s3], [sflag:$0x2] =	stream.linear.gather [hbm4b:s0+s3], $0x80, $0x38;
	[tilespmem:$0x10080] =	vst v63  }
0x19: {  	_ =	swait.ge [sflag:s6], $0x80  }
0x1a: {  	[sflag:s6] =	ssyncset.done $0x0  }
0x1b: {  	[sflag:s6] =	ssyncadd.s32 $0xFFFFFF80  }
0x1c: {  	v3 =	vld [tilespmem:$0x0];
	_ =	sdelay $0x4  }
0x1d: {  	v4 =	vshll.u32 v3, $0x2  }
0x1e: {  	v3 =	vand.u32 $0x7, v3;
	v4 =	vand.u32 $0xFFFFFFE0, v4  }
0x1f: {  	v3 =	vor.u32 v3, v4  }
0x20: {  	v4 =	vperm.xlane v3, v0;
	_ =	sdelay $0x1  }
0x21: {  	v4 =	vadd.s32 v1, v4;
	_ =	sdelay $0x1  }
0x22: {  	v3 =	vperm.xlane v3, v2;
	_ =	sdelay $0x1  }
0x23: {  	v3 =	vadd.s32 v1, v3  }
0x24: {  	[tilespmem:s7], [sflag:$0x1] =	stream.indirect_vreg.gather [hbm4b:s2+s3], $0x80, v4, vm0, $0xb8;
	[tilespmem:$0x10080] =	vst v63  }
0x25: {  	s0 =	rddreg [dreg:$0x5]  }
0x26: {  	[tilespmem:s0], [sflag:$0x1] =	stream.indirect_vreg.gather [hbm4b:s4+s3], $0x80, v4, vm0, $0xb8;
	[tilespmem:$0x10080] =	vst v63  }
0x27: {  	s8 =	rddreg [dreg:$0x6]  }
0x28: {  	[tilespmem:s8], [sflag:$0x1] =	stream.indirect_vreg.gather [hbm4b:s2+s3], $0x80, v3, vm0, $0xb8;
	[tilespmem:$0x10080] =	vst v63  }
0x29: {  	s0 =	rddreg [dreg:$0x7]  }
0x2a: {  	[tilespmem:s0], [sflag:$0x1] =	stream.indirect_vreg.gather [hbm4b:s4+s3], $0x80, v3, vm0, $0xb8;
	[tilespmem:$0x10080] =	vst v63  }
0x2b: {  	v3 =	vld [tilespmem:$0x10];
	_ =	sdelay $0x4  }
0x2c: {  	v57 =	vshll.u32 v3, $0x2  }
0x2d: {  	v3 =	vand.u32 $0x7, v3;
	v4 =	vand.u32 $0xFFFFFFE0, v57  }
0x2e: {  	v3 =	vor.u32 v3, v4  }
0x2f: {  	v4 =	vperm.xlane v3, v0;
	_ =	sdelay $0x1  }
0x30: {  	v4 =	vadd.s32 v1, v4;
	_ =	sdelay $0x1  }
0x31: {  	v3 =	vperm.xlane v3, v2;
	_ =	sdelay $0x1  }
0x32: {  	s0 =	rddreg [dreg:$0x8];
	v3 =	vadd.s32 v1, v3  }
0x33: {  	[tilespmem:s0], [sflag:$0x1] =	stream.indirect_vreg.gather [hbm4b:s2+s3], $0x80, v4, vm0, $0xb8;
	[tilespmem:$0x10080] =	vst v63  }
0x34: {  	s8 =	rddreg [dreg:$0x9]  }
0x35: {  	[tilespmem:s8], [sflag:$0x1] =	stream.indirect_vreg.gather [hbm4b:s4+s3], $0x80, v4, vm0, $0xb8;
	[tilespmem:$0x10080] =	vst v63  }
0x36: {  	s0 =	rddreg [dreg:$0xa]  }
0x37: {  	[tilespmem:s0], [sflag:$0x1] =	stream.indirect_vreg.gather [hbm4b:s2+s3], $0x80, v3, vm0, $0xb8;
	[tilespmem:$0x10080] =	vst v63  }
0x38: {  	s8 =	rddreg [dreg:$0xb]  }
0x39: {  	[tilespmem:s8], [sflag:$0x1] =	stream.indirect_vreg.gather [hbm4b:s4+s3], $0x80, v3, vm0, $0xb8;
	[tilespmem:$0x10080] =	vst v63  }
0x3a: {  	v3 =	vld [tilespmem:$0x20];
	_ =	sdelay $0x4  }
0x3b: {  	v58 =	vshll.u32 v3, $0x2  }
0x3c: {  	v3 =	vand.u32 $0x7, v3;
	v4 =	vand.u32 $0xFFFFFFE0, v58  }
0x3d: {  	v3 =	vor.u32 v3, v4  }
0x3e: {  	v4 =	vperm.xlane v3, v0;
	_ =	sdelay $0x1  }
0x3f: {  	v4 =	vadd.s32 v1, v4;
	_ =	sdelay $0x1  }
0x40: {  	v3 =	vperm.xlane v3, v2;
	_ =	sdelay $0x1  }
0x41: {  	s8 =	rddreg [dreg:$0xc];
	v3 =	vadd.s32 v1, v3  }
0x42: {  	[tilespmem:s8], [sflag:$0x1] =	stream.indirect_vreg.gather [hbm4b:s2+s3], $0x80, v4, vm0, $0xb8;
	[tilespmem:$0x10080] =	vst v63  }
0x43: {  	s8 =	simm.s32 $0x4880  }
0x44: {  	[tilespmem:s8], [sflag:$0x1] =	stream.indirect_vreg.gather [hbm4b:s4+s3], $0x80, v4, vm0, $0xb8;
	[tilespmem:$0x10080] =	vst v63  }
0x45: {  	_ = 	snop  }
0x46: {  	[tilespmem:s9], [sflag:$0x1] =	stream.indirect_vreg.gather [hbm4b:s2+s3], $0x80, v3, vm0, $0xb8;
	[tilespmem:$0x10080] =	vst v63  }
0x47: {  	_ = 	snop  }
0x48: {  	[tilespmem:s10], [sflag:$0x1] =	stream.indirect_vreg.gather [hbm4b:s4+s3], $0x80, v3, vm0, $0xb8;
	[tilespmem:$0x10080] =	vst v63  }
0x49: {  	v3 =	vld [tilespmem:$0x30];
	_ =	sdelay $0x4  }
0x4a: {  	v59 =	vshll.u32 v3, $0x2  }
0x4b: {  	v3 =	vand.u32 $0x7, v3;
	v4 =	vand.u32 $0xFFFFFFE0, v59  }
0x4c: {  	v3 =	vor.u32 v3, v4  }
0x4d: {  	v4 =	vperm.xlane v3, v0;
	_ =	sdelay $0x1  }
0x4e: {  	v4 =	vadd.s32 v1, v4;
	_ =	sdelay $0x1  }
0x4f: {  	v3 =	vperm.xlane v3, v2;
	_ =	sdelay $0x1  }
0x50: {  	v3 =	vadd.s32 v1, v3  }
0x51: {  	[tilespmem:s11], [sflag:$0x1] =	stream.indirect_vreg.gather [hbm4b:s2+s3], $0x80, v4, vm0, $0xb8;
	[tilespmem:$0x10080] =	vst v63  }
0x52: {  	_ = 	snop  }
0x53: {  	[tilespmem:s12], [sflag:$0x1] =	stream.indirect_vreg.gather [hbm4b:s4+s3], $0x80, v4, vm0, $0xb8;
	[tilespmem:$0x10080] =	vst v63  }
0x54: {  	_ = 	snop  }
0x55: {  	[tilespmem:s13], [sflag:$0x1] =	stream.indirect_vreg.gather [hbm4b:s2+s3], $0x80, v3, vm0, $0xb8;
	[tilespmem:$0x10080] =	vst v63  }
0x56: {  	_ = 	snop  }
0x57: {  	[tilespmem:s14], [sflag:$0x1] =	stream.indirect_vreg.gather [hbm4b:s4+s3], $0x80, v3, vm0, $0xb8;
	[tilespmem:$0x10080] =	vst v63  }
0x58: {  	v3 =	vld [tilespmem:$0x40];
	_ =	sdelay $0x4  }
0x59: {  	v60 =	vshll.u32 v3, $0x2  }
0x5a: {  	v3 =	vand.u32 $0x7, v3;
	v4 =	vand.u32 $0xFFFFFFE0, v60  }
0x5b: {  	v3 =	vor.u32 v3, v4  }
0x5c: {  	v4 =	vperm.xlane v3, v0;
	_ =	sdelay $0x1  }
0x5d: {  	v4 =	vadd.s32 v1, v4;
	_ =	sdelay $0x1  }
0x5e: {  	v3 =	vperm.xlane v3, v2;
	_ =	sdelay $0x1  }
0x5f: {  	v3 =	vadd.s32 v1, v3  }
0x60: {  	[tilespmem:s15], [sflag:$0x1] =	stream.indirect_vreg.gather [hbm4b:s2+s3], $0x80, v4, vm0, $0xb8;
	[tilespmem:$0x10080] =	vst v63  }
0x61: {  	_ = 	snop  }
0x62: {  	[tilespmem:s16], [sflag:$0x1] =	stream.indirect_vreg.gather [hbm4b:s4+s3], $0x80, v4, vm0, $0xb8;
	[tilespmem:$0x10080] =	vst v63  }
0x63: {  	_ = 	snop  }
0x64: {  	[tilespmem:s17], [sflag:$0x1] =	stream.indirect_vreg.gather [hbm4b:s2+s3], $0x80, v3, vm0, $0xb8;
	[tilespmem:$0x10080] =	vst v63  }
0x65: {  	_ = 	snop  }
0x66: {  	[tilespmem:s18], [sflag:$0x1] =	stream.indirect_vreg.gather [hbm4b:s4+s3], $0x80, v3, vm0, $0xb8;
	[tilespmem:$0x10080] =	vst v63  }
0x67: {  	v3 =	vld [tilespmem:$0x50];
	_ =	sdelay $0x4  }
0x68: {  	v61 =	vshll.u32 v3, $0x2  }
0x69: {  	v3 =	vand.u32 $0x7, v3;
	v4 =	vand.u32 $0xFFFFFFE0, v61  }
0x6a: {  	v3 =	vor.u32 v3, v4  }
0x6b: {  	v4 =	vperm.xlane v3, v0;
	_ =	sdelay $0x1  }
0x6c: {  	v4 =	vadd.s32 v1, v4;
	_ =	sdelay $0x1  }
0x6d: {  	v3 =	vperm.xlane v3, v2;
	_ =	sdelay $0x1  }
0x6e: {  	v3 =	vadd.s32 v1, v3  }
0x6f: {  	[tilespmem:s19], [sflag:$0x1] =	stream.indirect_vreg.gather [hbm4b:s2+s3], $0x80, v4, vm0, $0xb8;
	[tilespmem:$0x10080] =	vst v63  }
0x70: {  	_ = 	snop  }
0x71: {  	[tilespmem:s20], [sflag:$0x1] =	stream.indirect_vreg.gather [hbm4b:s4+s3], $0x80, v4, vm0, $0xb8;
	[tilespmem:$0x10080] =	vst v63  }
0x72: {  	_ = 	snop  }
0x73: {  	[tilespmem:s21], [sflag:$0x1] =	stream.indirect_vreg.gather [hbm4b:s2+s3], $0x80, v3, vm0, $0xb8;
	[tilespmem:$0x10080] =	vst v63  }
0x74: {  	_ = 	snop  }
0x75: {  	[tilespmem:s22], [sflag:$0x1] =	stream.indirect_vreg.gather [hbm4b:s4+s3], $0x80, v3, vm0, $0xb8;
	[tilespmem:$0x10080] =	vst v63  }
0x76: {  	v3 =	vld [tilespmem:$0x60];
	_ =	sdelay $0x4  }
0x77: {  	v62 =	vshll.u32 v3, $0x2  }
0x78: {  	v3 =	vand.u32 $0x7, v3;
	v4 =	vand.u32 $0xFFFFFFE0, v62  }
0x79: {  	v3 =	vor.u32 v3, v4  }
0x7a: {  	v4 =	vperm.xlane v3, v0;
	_ =	sdelay $0x1  }
0x7b: {  	v4 =	vadd.s32 v1, v4;
	_ =	sdelay $0x1  }
0x7c: {  	v3 =	vperm.xlane v3, v2;
	_ =	sdelay $0x1  }
0x7d: {  	v3 =	vadd.s32 v1, v3  }
0x7e: {  	[tilespmem:s23], [sflag:$0x1] =	stream.indirect_vreg.gather [hbm4b:s2+s3], $0x80, v4, vm0, $0xb8;
	[tilespmem:$0x10080] =	vst v63  }
0x7f: {  	_ = 	snop  }
0x80: {  	[tilespmem:s24], [sflag:$0x1] =	stream.indirect_vreg.gather [hbm4b:s4+s3], $0x80, v4, vm0, $0xb8;
	[tilespmem:$0x10080] =	vst v63  }
0x81: {  	_ = 	snop  }
0x82: {  	[tilespmem:s25], [sflag:$0x1] =	stream.indirect_vreg.gather [hbm4b:s2+s3], $0x80, v3, vm0, $0xb8;
	[tilespmem:$0x10080] =	vst v63  }
0x83: {  	_ = 	snop  }
0x84: {  	[tilespmem:s26], [sflag:$0x1] =	stream.indirect_vreg.gather [hbm4b:s4+s3], $0x80, v3, vm0, $0xb8;
	[tilespmem:$0x10080] =	vst v63  }
0x85: {  	v3 =	vld [tilespmem:$0x70];
	_ =	sdelay $0x4  }
0x86: {  	v63 =	vshll.u32 v3, $0x2  }
0x87: {  	v3 =	vand.u32 $0x7, v3;
	v4 =	vand.u32 $0xFFFFFFE0, v63  }
0x88: {  	v3 =	vor.u32 v3, v4  }
0x89: {  	v4 =	vperm.xlane v3, v0;
	_ =	sdelay $0x1  }
0x8a: {  	v4 =	vadd.s32 v1, v4;
	_ =	sdelay $0x1  }
0x8b: {  	v3 =	vperm.xlane v3, v2;
	_ =	sdelay $0x1  }
0x8c: {  	v3 =	vadd.s32 v1, v3  }
0x8d: {  	[tilespmem:s28], [sflag:$0x1] =	stream.indirect_vreg.gather [hbm4b:s2+s3], $0x80, v4, vm0, $0xb8;
	[tilespmem:$0x10080] =	vst v63  }
0x8e: {  	_ = 	snop  }
0x8f: {  	[tilespmem:s29], [sflag:$0x1] =	stream.indirect_vreg.gather [hbm4b:s4+s3], $0x80, v4, vm0, $0xb8;
	[tilespmem:$0x10080] =	vst v63  }
0x90: {  	_ = 	snop  }
0x91: {  	[tilespmem:s30], [sflag:$0x1] =	stream.indirect_vreg.gather [hbm4b:s2+s3], $0x80, v3, vm0, $0xb8;
	[tilespmem:$0x10080] =	vst v63  }
0x92: {  	_ = 	snop  }
0x93: {  	[tilespmem:s31], [sflag:$0x1] =	stream.indirect_vreg.gather [hbm4b:s4+s3], $0x80, v3, vm0, $0xb8;
	[tilespmem:$0x10080] =	vst v63  }
0x94: {  	_ =	swait.ge [sflag:s1], $0x10000  }
0x95: {  	p0 =	sne.s32 s5, $0x1;
	[sflag:s1] =	ssyncset.done $0x0  }
.Ltmp0:
0x96: {  	s8 =	rddreg [dreg:$0x4];
	[sflag:s1] =	ssyncadd.s32 $0xFFFF0000;
	(pc) =	sbr.rel @p0 .LBB2_1-.Ltmp0, $4  }
0x97: {  	[hbm4b:s8+s3] =	stream.linear.scatter [tilespmem:s7], [sflag:$0x2], $0x10000, $0x38;
	[tilespmem:$0x10080] =	vst v63  }
0x98: {  	_ =	swait.ge [sflag:s6], $0x10000  }
0x99: {  	[sflag:s6] =	ssyncset.done $0x0  }
0x9a: {  	s5 =	sadd.s32 $0xFFFFFFFF, s5;
	[sflag:s6] =	ssyncadd.s32 $0xFFFF0000  }
0x9b: {  	_ =	sfence.sel $0x180000  }
0x9c: {  	[bflag:$0x0] =	sbarrier.arrive $0xFFFF  }
0x9d: {  	_ =	strace $0x90000047  }
0x9e: {  	s0 =	stileid.u32;
	[bflag:$0x2] =	sbarrier.arrive $0xFFFF  }
0x9f: {  	p0 =	sne.s32 s0, $0x0;
	s0 =	rddreg [dreg:$0x2]  }
0xa0: {  	s0 =	sadd.s32 @!p0 $0x100000, s0  }
0xa1: {  	[sflag:s0] =	ssyncadd.tile.s32 @!p0 $0x1;
	_ =	shalt  }
.Lfunc_end2:
_tile_overlayer_lowered:
.L_overlay_start_2:
0xa2: {  	(tag) =	ssettag $0x2  }
0xa3: {  	s0 =	rddreg [dreg:$0x0];
	s2 =	stileid.u32  }
0xa4: {  	s1 =	rddreg [dreg:$0x1];
	p0 =	sne.s32 s2, $0x0  }
0xa5: {  	s3 =	rddreg [dreg:$0x2];
	[bflag:$0x3] =	sbarrier.arrive $0xFFFF;
	s2 =	simm.s32 @!p0 $0x1C02  }
0xa6: {  	[timem:s3], [sflag:s2] =	dma.local @!p0 [hbm:s0], s1  }
0xa7: {  	s0 =	simm.s32 @!p0 $0x2  }
0xa8: {  	_ =	swait.ge @!p0 [sflag:s0], s1  }
0xa9: {  	s1 =	ssub.s32 @!p0 $0x0, s1;
	[sflag:s0] =	ssyncset.done @!p0 $0x0  }
0xaa: {  	[sflag:s0] =	ssyncadd.s32 @!p0 s1  }
0xab: {  	[bflag:$0x3] =	sbarrier.arrive $0xFFFF  }
0xac: {  	_ =	shalt  }

</sc_bundles>
